<compile_context>
chip_gen: v7x
topology: tpu7x:2x2x1
jax: 0.10.2.dev20260603
libtpu: 0.0.44.dev20260713+nightly
codegen_flags: <defaults>
</compile_context>

<pallas_src>
import jax
import jax.numpy as jnp
from jax import lax
from jax.experimental import pallas as pl
from jax.experimental.pallas import tpu as pltpu
from jax.experimental.pallas import tpu_sc as plsc

_TOPK = 20
_BETA = 1.0
_L = 16
_CH = 16
_NB = 4
_NQ1 = 4
_CAND_CAP = 3056
_FCAP = 496
_IMIN = -(2 ** 31)
_IBIG = 2 ** 30


def _sc_body(V, T, D, NC, NS):
    nvec = V // _L
    nw = D // _L
    nchunk = T // _CH
    nquad = nchunk // _NB
    nq_h = (nquad - _NQ1) // 2
    q_hist0, q_coll0 = _NQ1, _NQ1 + nq_h
    sl_h = -(-nvec // nq_h)
    sl_c = -(-nvec // (nquad - q_coll0))

    def body(ids_hbm, scores_hbm, emb_hbm, w_hbm, out_hbm,
             ids_v, scores_v, rows0_v, rows1_v, rows2_v, rows3_v,
             cand_rows_v, hist_v, cand_key_v, cand_idx_v, fkey_v, fidx_v,
             topk_idx_v, values_v, w_v,
             sem_s, sem_g0, sem_g1, sem_g2, sem_g3):
        b = lax.axis_index("s") * NC + lax.axis_index("c")
        lane = lax.iota(jnp.int32, _L)
        ones_i = jnp.ones((_L,), jnp.int32)
        lane0 = lane == 0

        ids_cp = pltpu.async_copy(ids_hbm.at[b], ids_v, sem_g0)
        sc_cp = pltpu.async_copy(scores_hbm.at[b], scores_v, sem_s)
        pltpu.sync_copy(w_hbm, w_v)
        ids_cp.wait()

        def gcopy(c, buf, sem):
            return pltpu.async_copy(
                emb_hbm.at[ids_v.at[pl.ds(c * _CH, _CH)]], buf, sem)

        def acc_rows(buf, a):
            def row_body(r, a):
                a = tuple(a[j] + buf[2 * r, pl.ds(j * _L, _L)]
                          for j in range(nw))
                return tuple(a[j] + buf[2 * r + 1, pl.ds(j * _L, _L)]
                             for j in range(nw))
            return plsc.parallel_loop(0, _CH // 2, 1, unroll=2,
                                      carry=a)(row_body)

        bufs = (rows0_v, rows1_v, rows2_v, rows3_v)
        sems = (sem_g0, sem_g1, sem_g2, sem_g3)
        for q in range(_NB):
            gcopy(q, bufs[q], sems[q])

        def quad_step(p, a):
            for q in range(_NB):
                c = p * _NB + q
                pltpu.make_async_copy(
                    emb_hbm.at[ids_v.at[pl.ds(c * _CH, _CH)]], bufs[q],
                    sems[q]).wait()
                a = acc_rows(bufs[q], a)

                @pl.when(c + _NB < nchunk)
                def _():
                    gcopy(c + _NB, bufs[q], sems[q])
            return a

        def keybits(i):
            v = scores_v[pl.ds(i * _L, _L)]
            s = lax.bitcast_convert_type(v, jnp.int32)
            m = jnp.right_shift(s, 31)
            u = jnp.bitwise_xor(s, jnp.bitwise_or(m, jnp.int32(_IMIN)))
            return plsc.bitcast(u, jnp.uint32)

        def zero_hist(i):
            hist_v[pl.ds(i * _L, _L)] = jnp.zeros((_L,), jnp.int32)

        def h1(i):
            uu = keybits(i)
            bin1 = (uu >> 24).astype(jnp.int32)
            plsc.addupdate_scatter(hist_v, [bin1 * _L + lane], ones_i)

        def scan_hist(target):
            def sbody(i, carry):
                cum, tbin, c_above, found = carry
                bn = 255 - i
                tt = jnp.sum(hist_v[pl.ds(bn * _L, _L)])
                hit = jnp.logical_and(jnp.logical_not(found),
                                      cum + tt >= target)
                tbin = jnp.where(hit, bn, tbin)
                c_above = jnp.where(hit, cum, c_above)
                return cum + tt, tbin, c_above, jnp.logical_or(found, hit)
            _c, tbin, c_above, _f = plsc.parallel_loop(
                0, 256, 1, unroll=4,
                carry=(jnp.int32(0), jnp.int32(0), jnp.int32(0),
                       jnp.bool_(False)))(sbody)
            return tbin, c_above

        acc0 = tuple(jnp.zeros((_L,), jnp.float32) for _ in range(nw))
        acc = lax.fori_loop(0, _NQ1, quad_step, acc0)

        sc_cp.wait()
        plsc.parallel_loop(0, 256, 1, unroll=8)(zero_hist)

        def quad_hist(p, a):
            a = quad_step(p, a)
            lo = (p - q_hist0) * sl_h
            plsc.parallel_loop(lo, jnp.minimum(lo + sl_h, nvec), 1,
                               unroll=_NB)(h1)
            return a
        acc = lax.fori_loop(q_hist0, q_coll0, quad_hist, acc)

        t1, ca1 = scan_hist(jnp.int32(_TOPK))

        def coll(i, off):
            uu = keybits(i)
            skey = plsc.bitcast(uu, jnp.int32) ^ jnp.int32(_IMIN)
            bin1 = (uu >> 24).astype(jnp.int32)
            keep = bin1 >= t1
            plsc.store_compressed(cand_key_v.at[pl.ds(off, _L)], skey,
                                  mask=keep)
            plsc.store_compressed(cand_idx_v.at[pl.ds(off, _L)],
                                  lane + i * _L, mask=keep)
            cnt = plsc.all_reduce_population_count(keep)[0]
            return jnp.minimum(off + cnt, _CAND_CAP)

        def quad_coll(p, carry):
            a, off = carry
            a = quad_step(p, a)
            lo = (p - q_coll0) * sl_c
            off = plsc.parallel_loop(lo, jnp.minimum(lo + sl_c, nvec), 1,
                                     unroll=4, carry=off)(coll)
            return a, off
        acc, C = lax.fori_loop(q_coll0, nquad, quad_coll,
                               (acc, jnp.int32(0)))
        ctx = [a * (1.0 / T) for a in acc]

        cand_key_v[pl.ds(C, _L)] = jnp.full((_L,), _IMIN, jnp.int32)
        cand_idx_v[pl.ds(C, _L)] = jnp.full((_L,), _IBIG, jnp.int32)
        ncv = (C + _L - 1) // _L

        plsc.parallel_loop(0, 256, 1, unroll=8)(zero_hist)

        def lh(i):
            skey = cand_key_v[pl.ds(i * _L, _L)]
            uu = plsc.bitcast(skey ^ jnp.int32(_IMIN), jnp.uint32)
            bin1 = (uu >> 24).astype(jnp.int32)
            bin2 = ((uu >> 16).astype(jnp.int32)) & 255
            plsc.addupdate_scatter(hist_v, [bin2 * _L + lane], ones_i,
                                   mask=bin1 == t1)
        plsc.parallel_loop(0, ncv, 1, unroll=4)(lh)

        t2, _ca2 = scan_hist(jnp.int32(_TOPK) - ca1)
        thresh16 = t1 * 256 + t2

        def fc(i, off):
            skey = cand_key_v[pl.ds(i * _L, _L)]
            idx = cand_idx_v[pl.ds(i * _L, _L)]
            uu = plsc.bitcast(skey ^ jnp.int32(_IMIN), jnp.uint32)
            key16 = (uu >> 16).astype(jnp.int32)
            keep = key16 >= thresh16
            plsc.store_compressed(fkey_v.at[pl.ds(off, _L)], skey, mask=keep)
            plsc.store_compressed(fidx_v.at[pl.ds(off, _L)], idx, mask=keep)
            cnt = plsc.all_reduce_population_count(keep)[0]
            return jnp.minimum(off + cnt, _FCAP)
        C2 = plsc.parallel_loop(0, ncv, 1, unroll=4,
                                carry=jnp.int32(0))(fc)

        fkey_v[pl.ds(C2, _L)] = jnp.full((_L,), _IMIN, jnp.int32)
        fidx_v[pl.ds(C2, _L)] = jnp.full((_L,), _IBIG, jnp.int32)
        nv2 = (C2 + _L - 1) // _L

        p0 = lane * 32 + b
        topk_idx_v[pl.ds(0, _L)] = p0
        topk_idx_v[pl.ds(_L, _L)] = p0 + 512

        def pick(k, _):
            def scan_c(i, carry):
                bk, bi, bpos = carry
                v = fkey_v[pl.ds(i * _L, _L)]
                ix = fidx_v[pl.ds(i * _L, _L)]
                m = jnp.max(v)
                im = jnp.min(jnp.where(v == m, ix, jnp.int32(_IBIG)))
                pos = jnp.min(jnp.where(
                    jnp.logical_and(v == m, ix == im), lane + i * _L,
                    jnp.int32(_IBIG)))
                better = jnp.logical_or(
                    m > bk, jnp.logical_and(m == bk, im < bi))
                return (jnp.where(better, m, bk),
                        jnp.where(better, im, bi),
                        jnp.where(better, pos, bpos))
            bk, bi, bpos = plsc.parallel_loop(
                0, nv2, 1, unroll=2,
                carry=(jnp.int32(_IMIN), jnp.int32(_IBIG),
                       jnp.int32(_IBIG)))(scan_c)
            plsc.store_scatter(topk_idx_v, [jnp.broadcast_to(k, (_L,))],
                               jnp.broadcast_to(bi, (_L,)), mask=lane0)
            plsc.store_scatter(fkey_v, [jnp.broadcast_to(bpos, (_L,))],
                               jnp.full((_L,), _IMIN, jnp.int32), mask=lane0)
            return 0
        lax.fori_loop(0, _TOPK, pick, 0)

        pltpu.async_copy(emb_hbm.at[topk_idx_v], cand_rows_v, sem_g0).wait()
        wj = [w_v[pl.ds(j * _L, _L)] for j in range(nw)]

        def val_body(k, _):
            accv = jnp.zeros((_L,), jnp.float32)
            for j in range(nw):
                x = cand_rows_v[k, pl.ds(j * _L, _L)] + ctx[j]
                e = jnp.exp(x + x)
                th = 1.0 - 2.0 / (e + 1.0)
                accv = accv + th * wj[j]
            vk = jnp.sum(accv)
            plsc.store_scatter(values_v, [jnp.broadcast_to(k, (_L,))],
                               jnp.broadcast_to(vk, (_L,)), mask=lane0)
            return 0
        lax.fori_loop(0, _TOPK, val_body, 0)

        v0 = values_v[pl.ds(0, _L)]
        v1 = values_v[pl.ds(_L, _L)]
        mask4 = lane < (_TOPK - _L)
        tot = jnp.sum(v0) + jnp.sum(jnp.where(mask4, v1, 0.0))
        mean = tot * (1.0 / _TOPK)
        i0 = topk_idx_v[pl.ds(0, _L)]
        i1 = topk_idx_v[pl.ds(_L, _L)]
        plsc.addupdate_scatter(scores_v, [i0], (v0 - mean) * _BETA)
        plsc.addupdate_scatter(scores_v, [i1], (v1 - mean) * _BETA,
                               mask=mask4)

        pltpu.sync_copy(scores_v, out_hbm.at[b])

    return body


def kernel(input_ids, scores, emb, w):
    B, V = scores.shape
    T = input_ids.shape[1]
    D = emb.shape[1]
    NC, NS = 2, 16
    assert B == NC * NS
    mesh = plsc.VectorSubcoreMesh(core_axis_name="c", subcore_axis_name="s",
                                  num_cores=NC, num_subcores=NS)
    scratch = [
        pltpu.VMEM((T,), jnp.int32),
        pltpu.VMEM((V,), jnp.float32),
        pltpu.VMEM((_CH, D), jnp.float32),
        pltpu.VMEM((_CH, D), jnp.float32),
        pltpu.VMEM((_CH, D), jnp.float32),
        pltpu.VMEM((_CH, D), jnp.float32),
        pltpu.VMEM((2 * _L, D), jnp.float32),
        pltpu.VMEM((256 * _L,), jnp.int32),
        pltpu.VMEM((_CAND_CAP + _L,), jnp.int32),
        pltpu.VMEM((_CAND_CAP + _L,), jnp.int32),
        pltpu.VMEM((_FCAP + _L,), jnp.int32),
        pltpu.VMEM((_FCAP + _L,), jnp.int32),
        pltpu.VMEM((2 * _L,), jnp.int32),
        pltpu.VMEM((2 * _L,), jnp.float32),
        pltpu.VMEM((D,), jnp.float32),
        pltpu.SemaphoreType.DMA,
        pltpu.SemaphoreType.DMA,
        pltpu.SemaphoreType.DMA,
        pltpu.SemaphoreType.DMA,
        pltpu.SemaphoreType.DMA,
    ]
    run = pl.kernel(_sc_body(V, T, D, NC, NS),
                    out_type=jax.ShapeDtypeStruct((B, V), jnp.float32),
                    mesh=mesh, scratch_types=scratch,
                    compiler_params=pltpu.CompilerParams(
                        needs_layout_passes=False))
    return run(input_ids.astype(jnp.int32), scores, emb, w)

# --- scband reference (transcript-rebuilt; emitter-appended) ---
"""Pipeline reference for scband-vaslogits-processor-27058293965282 (READ-ONLY COPY).

The authoritative reference and input builder live on the scoring server;
editing this copy changes nothing except your own understanding.
"""

import jax, jax.numpy as jnp
import numpy as np

BETA = 1.0
TOPK = 20
VOCAB = 100000
D = 128

def setup_inputs(seed: int = 0) -> dict:
    key = jax.random.key(seed)
    k1, k2, k3, k4 = jax.random.split(key, 4)
    input_ids = jax.random.randint(k1, (32, 2048), 0, VOCAB, dtype=jnp.int64)
    scores = jax.random.normal(k2, (32, VOCAB), dtype=jnp.float32)
    # learned parameters of the (surrogate) value model: token embedding + value head
    emb = jax.random.normal(k3, (VOCAB, D), dtype=jnp.float32) * 0.02
    w = jax.random.normal(k4, (D,), dtype=jnp.float32) * 0.1
    return {"input_ids": input_ids, "scores": scores, "emb": emb, "w": w}

def reference(input_ids, scores, emb, w):
    B = scores.shape[0]
    augmented = scores
    # top-k candidate token ids per batch row
    _, topk_ids = jax.lax.top_k(scores, TOPK)  # [B, K]
    # value model: context summary of the prefix (stands in for transformer value head)
    ctx = jnp.take(emb, input_ids, axis=0).mean(axis=1)  # [B, D]
    cand = jnp.take(emb, topk_ids, axis=0)  # [B, K, D]
    value = jnp.tanh(cand + ctx[:, None, :]) @ w  # [B, K]
    # scatter candidate values into full-vocab tensor
    rows = jnp.arange(B)[:, None]
    values = jnp.zeros_like(scores).at[rows, topk_ids].set(value)
    # center values over the top-k set (gather -> subtract mean -> scatter overwrite)
    g = jnp.take_along_axis(values, topk_ids, axis=1)  # [B, K]
    centered = g - g.mean(axis=-1, keepdims=True)
    values = values.at[rows, topk_ids].set(centered)
    return augmented + BETA * values

if __name__ == "__main__":
    import jax
    _d = setup_inputs()
    print(jax.jit(kernel)(*tuple(_d.values())))

</pallas_src>

<mosaic_0001>
#map = affine_map<(d0, d1) -> (0, 0)>
#map1 = affine_map<(d0, d1) -> (0)>
module attributes {stable_mosaic.version = 14 : i64} {
  func.func @body(%arg0: i32, %arg1: i32, %arg2: memref<32x2048xi32, #tpu.memory_space<hbm>>, %arg3: memref<32x100000xf32, #tpu.memory_space<hbm>>, %arg4: memref<100000x128xf32, #tpu.memory_space<hbm>>, %arg5: memref<128xf32, #tpu.memory_space<hbm>>, %arg6: memref<32x100000xf32, #tpu.memory_space<hbm>>, %arg7: memref<2048xi32, #tpu.memory_space<vmem>>, %arg8: memref<100000xf32, #tpu.memory_space<vmem>>, %arg9: memref<16x128xf32, #tpu.memory_space<vmem>>, %arg10: memref<16x128xf32, #tpu.memory_space<vmem>>, %arg11: memref<16x128xf32, #tpu.memory_space<vmem>>, %arg12: memref<16x128xf32, #tpu.memory_space<vmem>>, %arg13: memref<32x128xf32, #tpu.memory_space<vmem>>, %arg14: memref<4096xi32, #tpu.memory_space<vmem>>, %arg15: memref<3072xi32, #tpu.memory_space<vmem>>, %arg16: memref<3072xi32, #tpu.memory_space<vmem>>, %arg17: memref<512xi32, #tpu.memory_space<vmem>>, %arg18: memref<512xi32, #tpu.memory_space<vmem>>, %arg19: memref<32xi32, #tpu.memory_space<vmem>>, %arg20: memref<32xf32, #tpu.memory_space<vmem>>, %arg21: memref<128xf32, #tpu.memory_space<vmem>>, %arg22: memref<!tpu.dma_semaphore, #tpu.memory_space<semaphore_mem>>, %arg23: memref<!tpu.dma_semaphore, #tpu.memory_space<semaphore_mem>>, %arg24: memref<!tpu.dma_semaphore, #tpu.memory_space<semaphore_mem>>, %arg25: memref<!tpu.dma_semaphore, #tpu.memory_space<semaphore_mem>>, %arg26: memref<!tpu.dma_semaphore, #tpu.memory_space<semaphore_mem>>) attributes {dimension_semantics = [#tpu.dimension_semantics<core_parallel>, #tpu.dimension_semantics<subcore_parallel>], iteration_bounds = array<i64: 2, 16>, scalar_prefetch = 0 : i64, scratch_operands = 20 : i64, tpu.core_type = #tpu.core_type<sc_vector_subcore>, window_params = [{transform_indices = #map}, {transform_indices = #map}, {transform_indices = #map}, {transform_indices = #map1}, {transform_indices = #map}]} {
    %mul3A = arith.constant 2 : i32
    %mul3A_0 = arith.muli %arg1, %mul3A : i32
    %add3A = arith.addi %mul3A_0, %arg0 : i32
    %iota3A = tpu.iota {dimensions = array<i32: 0>} : vector<16xi32>
    %broadcast_in_dim3A = arith.constant 1 : i32
    %broadcast_in_dim3A_1 = vector.broadcast %broadcast_in_dim3A : i32 to vector<16xi32>
    %eq3A = arith.constant 0 : i32
    %eq3A_2 = vector.broadcast %eq3A : i32 to vector<16xi32>
    %eq3A_3 = arith.cmpi eq, %iota3A, %eq3A_2 : vector<16xi32>
    %dma_start3A = arith.constant 0 : i32
    %dma_start3A_4 = tpu.memref_slice %arg2[%add3A, %dma_start3A] : memref<32x2048xi32, #tpu.memory_space<hbm>> -> memref<1x2048xi32, #tpu.memory_space<hbm>>
    %dma_start3A_5 = tpu.memref_squeeze %dma_start3A_4 : memref<1x2048xi32, #tpu.memory_space<hbm>> -> memref<2048xi32, #tpu.memory_space<hbm>>
    %dma_start3A_6 = arith.constant 0 : i32
    %dma_start3A_7 = tpu.memref_slice %arg2[%add3A, %dma_start3A_6] : memref<32x2048xi32, #tpu.memory_space<hbm>> -> memref<1x2048xi32, #tpu.memory_space<hbm>>
    %dma_start3A_8 = tpu.memref_squeeze %dma_start3A_7 : memref<1x2048xi32, #tpu.memory_space<hbm>> -> memref<2048xi32, #tpu.memory_space<hbm>>
    tpu.enqueue_dma source(%dma_start3A_8 : memref<2048xi32, #tpu.memory_space<hbm>>) target(%arg7 : memref<2048xi32, #tpu.memory_space<vmem>>) target_semaphore(%arg23 : memref<!tpu.dma_semaphore, #tpu.memory_space<semaphore_mem>>)
    %dma_start3A_9 = arith.constant 0 : i32
    %dma_start3A_10 = tpu.memref_slice %arg3[%add3A, %dma_start3A_9] : memref<32x100000xf32, #tpu.memory_space<hbm>> -> memref<1x100000xf32, #tpu.memory_space<hbm>>
    %dma_start3A_11 = tpu.memref_squeeze %dma_start3A_10 : memref<1x100000xf32, #tpu.memory_space<hbm>> -> memref<100000xf32, #tpu.memory_space<hbm>>
    %dma_start3A_12 = arith.constant 0 : i32
    %dma_start3A_13 = tpu.memref_slice %arg3[%add3A, %dma_start3A_12] : memref<32x100000xf32, #tpu.memory_space<hbm>> -> memref<1x100000xf32, #tpu.memory_space<hbm>>
    %dma_start3A_14 = tpu.memref_squeeze %dma_start3A_13 : memref<1x100000xf32, #tpu.memory_space<hbm>> -> memref<100000xf32, #tpu.memory_space<hbm>>
    tpu.enqueue_dma source(%dma_start3A_14 : memref<100000xf32, #tpu.memory_space<hbm>>) target(%arg8 : memref<100000xf32, #tpu.memory_space<vmem>>) target_semaphore(%arg22 : memref<!tpu.dma_semaphore, #tpu.memory_space<semaphore_mem>>)
    "tpu.region"() ({
      %run_scoped3A = tpu.sem_alloc : memref<!tpu.dma_semaphore, #tpu.memory_space<semaphore_mem>>
      tpu.enqueue_dma source(%arg5 : memref<128xf32, #tpu.memory_space<hbm>>) target(%arg21 : memref<128xf32, #tpu.memory_space<vmem>>) target_semaphore(%run_scoped3A : memref<!tpu.dma_semaphore, #tpu.memory_space<semaphore_mem>>)
      tpu.wait_dma2 semaphore(%run_scoped3A : memref<!tpu.dma_semaphore, #tpu.memory_space<semaphore_mem>>) src(%arg5 : memref<128xf32, #tpu.memory_space<hbm>>) dst(%arg21 : memref<128xf32, #tpu.memory_space<vmem>>)
      tpu.yield
    }) : () -> ()
    %dma_wait3A = arith.constant 0 : i32
    %dma_wait3A_15 = tpu.memref_slice %arg2[%add3A, %dma_wait3A] : memref<32x2048xi32, #tpu.memory_space<hbm>> -> memref<1x2048xi32, #tpu.memory_space<hbm>>
    %dma_wait3A_16 = tpu.memref_squeeze %dma_wait3A_15 : memref<1x2048xi32, #tpu.memory_space<hbm>> -> memref<2048xi32, #tpu.memory_space<hbm>>
    %dma_wait3A_17 = arith.constant 0 : i32
    %dma_wait3A_18 = tpu.memref_slice %arg2[%add3A, %dma_wait3A_17] : memref<32x2048xi32, #tpu.memory_space<hbm>> -> memref<1x2048xi32, #tpu.memory_space<hbm>>
    %dma_wait3A_19 = tpu.memref_squeeze %dma_wait3A_18 : memref<1x2048xi32, #tpu.memory_space<hbm>> -> memref<2048xi32, #tpu.memory_space<hbm>>
    tpu.wait_dma2 semaphore(%arg23 : memref<!tpu.dma_semaphore, #tpu.memory_space<semaphore_mem>>) src(%dma_wait3A_19 : memref<2048xi32, #tpu.memory_space<hbm>>) dst(%arg7 : memref<2048xi32, #tpu.memory_space<vmem>>)
    %dma_start3A_20 = arith.constant 0 : i32
    %dma_start3A_21 = tpu.memref_slice %arg7[%dma_start3A_20] : memref<2048xi32, #tpu.memory_space<vmem>> -> memref<16xi32, #tpu.memory_space<vmem>>
    %dma_start3A_22 = arith.constant 0 : i32
    %dma_start3A_23 = arith.constant 0 : i32
    %dma_start3A_24 = tpu.memref_slice %arg4[%dma_start3A_22, %dma_start3A_23] : memref<100000x128xf32, #tpu.memory_space<hbm>> -> memref<100000x128xf32, #tpu.memory_space<hbm>>
    tpu.enqueue_indirect_dma source(%dma_start3A_24 : memref<100000x128xf32, #tpu.memory_space<hbm>>) target(%arg9 : memref<16x128xf32, #tpu.memory_space<vmem>>) offsets(%dma_start3A_21 : memref<16xi32, #tpu.memory_space<vmem>>) semaphore(%arg23 : memref<!tpu.dma_semaphore, #tpu.memory_space<semaphore_mem>>)
    %dma_start3A_25 = arith.constant 16 : i32
    %dma_start3A_26 = tpu.memref_slice %arg7[%dma_start3A_25] : memref<2048xi32, #tpu.memory_space<vmem>> -> memref<16xi32, #tpu.memory_space<vmem>>
    %dma_start3A_27 = arith.constant 0 : i32
    %dma_start3A_28 = arith.constant 0 : i32
    %dma_start3A_29 = tpu.memref_slice %arg4[%dma_start3A_27, %dma_start3A_28] : memref<100000x128xf32, #tpu.memory_space<hbm>> -> memref<100000x128xf32, #tpu.memory_space<hbm>>
    tpu.enqueue_indirect_dma source(%dma_start3A_29 : memref<100000x128xf32, #tpu.memory_space<hbm>>) target(%arg10 : memref<16x128xf32, #tpu.memory_space<vmem>>) offsets(%dma_start3A_26 : memref<16xi32, #tpu.memory_space<vmem>>) semaphore(%arg24 : memref<!tpu.dma_semaphore, #tpu.memory_space<semaphore_mem>>)
    %dma_start3A_30 = arith.constant 32 : i32
    %dma_start3A_31 = tpu.memref_slice %arg7[%dma_start3A_30] : memref<2048xi32, #tpu.memory_space<vmem>> -> memref<16xi32, #tpu.memory_space<vmem>>
    %dma_start3A_32 = arith.constant 0 : i32
    %dma_start3A_33 = arith.constant 0 : i32
    %dma_start3A_34 = tpu.memref_slice %arg4[%dma_start3A_32, %dma_start3A_33] : memref<100000x128xf32, #tpu.memory_space<hbm>> -> memref<100000x128xf32, #tpu.memory_space<hbm>>
    tpu.enqueue_indirect_dma source(%dma_start3A_34 : memref<100000x128xf32, #tpu.memory_space<hbm>>) target(%arg11 : memref<16x128xf32, #tpu.memory_space<vmem>>) offsets(%dma_start3A_31 : memref<16xi32, #tpu.memory_space<vmem>>) semaphore(%arg25 : memref<!tpu.dma_semaphore, #tpu.memory_space<semaphore_mem>>)
    %dma_start3A_35 = arith.constant 48 : i32
    %dma_start3A_36 = tpu.memref_slice %arg7[%dma_start3A_35] : memref<2048xi32, #tpu.memory_space<vmem>> -> memref<16xi32, #tpu.memory_space<vmem>>
    %dma_start3A_37 = arith.constant 0 : i32
    %dma_start3A_38 = arith.constant 0 : i32
    %dma_start3A_39 = tpu.memref_slice %arg4[%dma_start3A_37, %dma_start3A_38] : memref<100000x128xf32, #tpu.memory_space<hbm>> -> memref<100000x128xf32, #tpu.memory_space<hbm>>
    tpu.enqueue_indirect_dma source(%dma_start3A_39 : memref<100000x128xf32, #tpu.memory_space<hbm>>) target(%arg12 : memref<16x128xf32, #tpu.memory_space<vmem>>) offsets(%dma_start3A_36 : memref<16xi32, #tpu.memory_space<vmem>>) semaphore(%arg26 : memref<!tpu.dma_semaphore, #tpu.memory_space<semaphore_mem>>)
    %broadcast_in_dim3A_40 = arith.constant 0.000000e+00 : f32
    %broadcast_in_dim3A_41 = vector.broadcast %broadcast_in_dim3A_40 : f32 to vector<16xf32>
    %broadcast_in_dim3A_42 = arith.constant 0.000000e+00 : f32
    %broadcast_in_dim3A_43 = vector.broadcast %broadcast_in_dim3A_42 : f32 to vector<16xf32>
    %broadcast_in_dim3A_44 = arith.constant 0.000000e+00 : f32
    %broadcast_in_dim3A_45 = vector.broadcast %broadcast_in_dim3A_44 : f32 to vector<16xf32>
    %broadcast_in_dim3A_46 = arith.constant 0.000000e+00 : f32
    %broadcast_in_dim3A_47 = vector.broadcast %broadcast_in_dim3A_46 : f32 to vector<16xf32>
    %broadcast_in_dim3A_48 = arith.constant 0.000000e+00 : f32
    %broadcast_in_dim3A_49 = vector.broadcast %broadcast_in_dim3A_48 : f32 to vector<16xf32>
    %broadcast_in_dim3A_50 = arith.constant 0.000000e+00 : f32
    %broadcast_in_dim3A_51 = vector.broadcast %broadcast_in_dim3A_50 : f32 to vector<16xf32>
    %broadcast_in_dim3A_52 = arith.constant 0.000000e+00 : f32
    %broadcast_in_dim3A_53 = vector.broadcast %broadcast_in_dim3A_52 : f32 to vector<16xf32>
    %broadcast_in_dim3A_54 = arith.constant 0.000000e+00 : f32
    %broadcast_in_dim3A_55 = vector.broadcast %broadcast_in_dim3A_54 : f32 to vector<16xf32>
    %scan3A = arith.constant 0 : i32
    %scan3A_56 = arith.constant 4 : i32
    %scan3A_57 = arith.addi %scan3A, %scan3A_56 : i32
    %scan3A_58 = arith.constant 1 : i32
    %scan3A_59:8 = scf.for %scan3A_280 = %scan3A to %scan3A_57 step %scan3A_58 iter_args(%scan3A_281 = %broadcast_in_dim3A_41, %scan3A_282 = %broadcast_in_dim3A_43, %scan3A_283 = %broadcast_in_dim3A_45, %scan3A_284 = %broadcast_in_dim3A_47, %scan3A_285 = %broadcast_in_dim3A_49, %scan3A_286 = %broadcast_in_dim3A_51, %scan3A_287 = %broadcast_in_dim3A_53, %scan3A_288 = %broadcast_in_dim3A_55) -> (vector<16xf32>, vector<16xf32>, vector<16xf32>, vector<16xf32>, vector<16xf32>, vector<16xf32>, vector<16xf32>, vector<16xf32>)  : i32 {
      %mul3A_289 = arith.constant 4 : i32
      %mul3A_290 = arith.muli %scan3A_280, %mul3A_289 : i32
      %add3A_291 = arith.constant 0 : i32
      %add3A_292 = arith.addi %mul3A_290, %add3A_291 : i32
      %mul3A_293 = arith.constant 16 : i32
      %mul3A_294 = arith.muli %add3A_292, %mul3A_293 : i32
      %dma_wait3A_295 = tpu.memref_slice %arg7[%mul3A_294] : memref<2048xi32, #tpu.memory_space<vmem>> -> memref<16xi32, #tpu.memory_space<vmem>>
      %dma_wait3A_296 = arith.constant 0 : i32
      %dma_wait3A_297 = arith.constant 0 : i32
      %dma_wait3A_298 = tpu.memref_slice %arg4[%dma_wait3A_296, %dma_wait3A_297] : memref<100000x128xf32, #tpu.memory_space<hbm>> -> memref<100000x128xf32, #tpu.memory_space<hbm>>
      tpu.wait_indirect_dma semaphore(%arg23 : memref<!tpu.dma_semaphore, #tpu.memory_space<semaphore_mem>>) src(%dma_wait3A_298 : memref<100000x128xf32, #tpu.memory_space<hbm>>) dst(%arg9 : memref<16x128xf32, #tpu.memory_space<vmem>>)
      %parallel_loop3A_299 = arith.constant 0 : i32
      %parallel_loop3A_300 = arith.constant 8 : i32
      %parallel_loop3A_301 = arith.constant 1 : i32
      %parallel_loop3A_302:8 = scf.for %parallel_loop3A_371 = %parallel_loop3A_299 to %parallel_loop3A_300 step %parallel_loop3A_301 iter_args(%parallel_loop3A_372 = %scan3A_281, %parallel_loop3A_373 = %scan3A_282, %parallel_loop3A_374 = %scan3A_283, %parallel_loop3A_375 = %scan3A_284, %parallel_loop3A_376 = %scan3A_285, %parallel_loop3A_377 = %scan3A_286, %parallel_loop3A_378 = %scan3A_287, %parallel_loop3A_379 = %scan3A_288) -> (vector<16xf32>, vector<16xf32>, vector<16xf32>, vector<16xf32>, vector<16xf32>, vector<16xf32>, vector<16xf32>, vector<16xf32>)  : i32 {
        %parallel_loop3A_380 = arith.constant 2 : i32
        %parallel_loop3A_381 = arith.muli %parallel_loop3A_380, %parallel_loop3A_371 : i32
        %parallel_loop3A_382 = arith.index_cast %parallel_loop3A_381 : i32 to index
        %parallel_loop3A_383 = arith.constant 0 : index
        %parallel_loop3A_384 = tpu.vector_load %arg9[%parallel_loop3A_382, %parallel_loop3A_383] {strides = array<i32>} : memref<16x128xf32, #tpu.memory_space<vmem>>, vector<16xf32>,
        %parallel_loop3A_385 = arith.addf %parallel_loop3A_372, %parallel_loop3A_384 : vector<16xf32>
        %parallel_loop3A_386 = arith.constant 2 : i32
        %parallel_loop3A_387 = arith.muli %parallel_loop3A_386, %parallel_loop3A_371 : i32
        %parallel_loop3A_388 = arith.index_cast %parallel_loop3A_387 : i32 to index
        %parallel_loop3A_389 = arith.constant 16 : index
        %parallel_loop3A_390 = tpu.vector_load %arg9[%parallel_loop3A_388, %parallel_loop3A_389] {strides = array<i32>} : memref<16x128xf32, #tpu.memory_space<vmem>>, vector<16xf32>,
        %parallel_loop3A_391 = arith.addf %parallel_loop3A_373, %parallel_loop3A_390 : vector<16xf32>
        %parallel_loop3A_392 = arith.constant 2 : i32
        %parallel_loop3A_393 = arith.muli %parallel_loop3A_392, %parallel_loop3A_371 : i32
        %parallel_loop3A_394 = arith.index_cast %parallel_loop3A_393 : i32 to index
        %parallel_loop3A_395 = arith.constant 32 : index
        %parallel_loop3A_396 = tpu.vector_load %arg9[%parallel_loop3A_394, %parallel_loop3A_395] {strides = array<i32>} : memref<16x128xf32, #tpu.memory_space<vmem>>, vector<16xf32>,
        %parallel_loop3A_397 = arith.addf %parallel_loop3A_374, %parallel_loop3A_396 : vector<16xf32>
        %parallel_loop3A_398 = arith.constant 2 : i32
        %parallel_loop3A_399 = arith.muli %parallel_loop3A_398, %parallel_loop3A_371 : i32
        %parallel_loop3A_400 = arith.index_cast %parallel_loop3A_399 : i32 to index
        %parallel_loop3A_401 = arith.constant 48 : index
        %parallel_loop3A_402 = tpu.vector_load %arg9[%parallel_loop3A_400, %parallel_loop3A_401] {strides = array<i32>} : memref<16x128xf32, #tpu.memory_space<vmem>>, vector<16xf32>,
        %parallel_loop3A_403 = arith.addf %parallel_loop3A_375, %parallel_loop3A_402 : vector<16xf32>
        %parallel_loop3A_404 = arith.constant 2 : i32
        %parallel_loop3A_405 = arith.muli %parallel_loop3A_404, %parallel_loop3A_371 : i32
        %parallel_loop3A_406 = arith.index_cast %parallel_loop3A_405 : i32 to index
        %parallel_loop3A_407 = arith.constant 64 : index
        %parallel_loop3A_408 = tpu.vector_load %arg9[%parallel_loop3A_406, %parallel_loop3A_407] {strides = array<i32>} : memref<16x128xf32, #tpu.memory_space<vmem>>, vector<16xf32>,
        %parallel_loop3A_409 = arith.addf %parallel_loop3A_376, %parallel_loop3A_408 : vector<16xf32>
        %parallel_loop3A_410 = arith.constant 2 : i32
        %parallel_loop3A_411 = arith.muli %parallel_loop3A_410, %parallel_loop3A_371 : i32
        %parallel_loop3A_412 = arith.index_cast %parallel_loop3A_411 : i32 to index
        %parallel_loop3A_413 = arith.constant 80 : index
        %parallel_loop3A_414 = tpu.vector_load %arg9[%parallel_loop3A_412, %parallel_loop3A_413] {strides = array<i32>} : memref<16x128xf32, #tpu.memory_space<vmem>>, vector<16xf32>,
        %parallel_loop3A_415 = arith.addf %parallel_loop3A_377, %parallel_loop3A_414 : vector<16xf32>
        %parallel_loop3A_416 = arith.constant 2 : i32
        %parallel_loop3A_417 = arith.muli %parallel_loop3A_416, %parallel_loop3A_371 : i32
        %parallel_loop3A_418 = arith.index_cast %parallel_loop3A_417 : i32 to index
        %parallel_loop3A_419 = arith.constant 96 : index
        %parallel_loop3A_420 = tpu.vector_load %arg9[%parallel_loop3A_418, %parallel_loop3A_419] {strides = array<i32>} : memref<16x128xf32, #tpu.memory_space<vmem>>, vector<16xf32>,
        %parallel_loop3A_421 = arith.addf %parallel_loop3A_378, %parallel_loop3A_420 : vector<16xf32>
        %parallel_loop3A_422 = arith.constant 2 : i32
        %parallel_loop3A_423 = arith.muli %parallel_loop3A_422, %parallel_loop3A_371 : i32
        %parallel_loop3A_424 = arith.index_cast %parallel_loop3A_423 : i32 to index
        %parallel_loop3A_425 = arith.constant 112 : index
        %parallel_loop3A_426 = tpu.vector_load %arg9[%parallel_loop3A_424, %parallel_loop3A_425] {strides = array<i32>} : memref<16x128xf32, #tpu.memory_space<vmem>>, vector<16xf32>,
        %parallel_loop3A_427 = arith.addf %parallel_loop3A_379, %parallel_loop3A_426 : vector<16xf32>
        %parallel_loop3A_428 = arith.constant 2 : i32
        %parallel_loop3A_429 = arith.muli %parallel_loop3A_428, %parallel_loop3A_371 : i32
        %parallel_loop3A_430 = arith.constant 1 : i32
        %parallel_loop3A_431 = arith.addi %parallel_loop3A_429, %parallel_loop3A_430 : i32
        %parallel_loop3A_432 = arith.index_cast %parallel_loop3A_431 : i32 to index
        %parallel_loop3A_433 = arith.constant 0 : index
        %parallel_loop3A_434 = tpu.vector_load %arg9[%parallel_loop3A_432, %parallel_loop3A_433] {strides = array<i32>} : memref<16x128xf32, #tpu.memory_space<vmem>>, vector<16xf32>,
        %parallel_loop3A_435 = arith.addf %parallel_loop3A_385, %parallel_loop3A_434 : vector<16xf32>
        %parallel_loop3A_436 = arith.constant 2 : i32
        %parallel_loop3A_437 = arith.muli %parallel_loop3A_436, %parallel_loop3A_371 : i32
        %parallel_loop3A_438 = arith.constant 1 : i32
        %parallel_loop3A_439 = arith.addi %parallel_loop3A_437, %parallel_loop3A_438 : i32
        %parallel_loop3A_440 = arith.index_cast %parallel_loop3A_439 : i32 to index
        %parallel_loop3A_441 = arith.constant 16 : index
        %parallel_loop3A_442 = tpu.vector_load %arg9[%parallel_loop3A_440, %parallel_loop3A_441] {strides = array<i32>} : memref<16x128xf32, #tpu.memory_space<vmem>>, vector<16xf32>,
        %parallel_loop3A_443 = arith.addf %parallel_loop3A_391, %parallel_loop3A_442 : vector<16xf32>
        %parallel_loop3A_444 = arith.constant 2 : i32
        %parallel_loop3A_445 = arith.muli %parallel_loop3A_444, %parallel_loop3A_371 : i32
        %parallel_loop3A_446 = arith.constant 1 : i32
        %parallel_loop3A_447 = arith.addi %parallel_loop3A_445, %parallel_loop3A_446 : i32
        %parallel_loop3A_448 = arith.index_cast %parallel_loop3A_447 : i32 to index
        %parallel_loop3A_449 = arith.constant 32 : index
        %parallel_loop3A_450 = tpu.vector_load %arg9[%parallel_loop3A_448, %parallel_loop3A_449] {strides = array<i32>} : memref<16x128xf32, #tpu.memory_space<vmem>>, vector<16xf32>,
        %parallel_loop3A_451 = arith.addf %parallel_loop3A_397, %parallel_loop3A_450 : vector<16xf32>
        %parallel_loop3A_452 = arith.constant 2 : i32
        %parallel_loop3A_453 = arith.muli %parallel_loop3A_452, %parallel_loop3A_371 : i32
        %parallel_loop3A_454 = arith.constant 1 : i32
        %parallel_loop3A_455 = arith.addi %parallel_loop3A_453, %parallel_loop3A_454 : i32
        %parallel_loop3A_456 = arith.index_cast %parallel_loop3A_455 : i32 to index
        %parallel_loop3A_457 = arith.constant 48 : index
        %parallel_loop3A_458 = tpu.vector_load %arg9[%parallel_loop3A_456, %parallel_loop3A_457] {strides = array<i32>} : memref<16x128xf32, #tpu.memory_space<vmem>>, vector<16xf32>,
        %parallel_loop3A_459 = arith.addf %parallel_loop3A_403, %parallel_loop3A_458 : vector<16xf32>
        %parallel_loop3A_460 = arith.constant 2 : i32
        %parallel_loop3A_461 = arith.muli %parallel_loop3A_460, %parallel_loop3A_371 : i32
        %parallel_loop3A_462 = arith.constant 1 : i32
        %parallel_loop3A_463 = arith.addi %parallel_loop3A_461, %parallel_loop3A_462 : i32
        %parallel_loop3A_464 = arith.index_cast %parallel_loop3A_463 : i32 to index
        %parallel_loop3A_465 = arith.constant 64 : index
        %parallel_loop3A_466 = tpu.vector_load %arg9[%parallel_loop3A_464, %parallel_loop3A_465] {strides = array<i32>} : memref<16x128xf32, #tpu.memory_space<vmem>>, vector<16xf32>,
        %parallel_loop3A_467 = arith.addf %parallel_loop3A_409, %parallel_loop3A_466 : vector<16xf32>
        %parallel_loop3A_468 = arith.constant 2 : i32
        %parallel_loop3A_469 = arith.muli %parallel_loop3A_468, %parallel_loop3A_371 : i32
        %parallel_loop3A_470 = arith.constant 1 : i32
        %parallel_loop3A_471 = arith.addi %parallel_loop3A_469, %parallel_loop3A_470 : i32
        %parallel_loop3A_472 = arith.index_cast %parallel_loop3A_471 : i32 to index
        %parallel_loop3A_473 = arith.constant 80 : index
        %parallel_loop3A_474 = tpu.vector_load %arg9[%parallel_loop3A_472, %parallel_loop3A_473] {strides = array<i32>} : memref<16x128xf32, #tpu.memory_space<vmem>>, vector<16xf32>,
        %parallel_loop3A_475 = arith.addf %parallel_loop3A_415, %parallel_loop3A_474 : vector<16xf32>
        %parallel_loop3A_476 = arith.constant 2 : i32
        %parallel_loop3A_477 = arith.muli %parallel_loop3A_476, %parallel_loop3A_371 : i32
        %parallel_loop3A_478 = arith.constant 1 : i32
        %parallel_loop3A_479 = arith.addi %parallel_loop3A_477, %parallel_loop3A_478 : i32
        %parallel_loop3A_480 = arith.index_cast %parallel_loop3A_479 : i32 to index
        %parallel_loop3A_481 = arith.constant 96 : index
        %parallel_loop3A_482 = tpu.vector_load %arg9[%parallel_loop3A_480, %parallel_loop3A_481] {strides = array<i32>} : memref<16x128xf32, #tpu.memory_space<vmem>>, vector<16xf32>,
        %parallel_loop3A_483 = arith.addf %parallel_loop3A_421, %parallel_loop3A_482 : vector<16xf32>
        %parallel_loop3A_484 = arith.constant 2 : i32
        %parallel_loop3A_485 = arith.muli %parallel_loop3A_484, %parallel_loop3A_371 : i32
        %parallel_loop3A_486 = arith.constant 1 : i32
        %parallel_loop3A_487 = arith.addi %parallel_loop3A_485, %parallel_loop3A_486 : i32
        %parallel_loop3A_488 = arith.index_cast %parallel_loop3A_487 : i32 to index
        %parallel_loop3A_489 = arith.constant 112 : index
        %parallel_loop3A_490 = tpu.vector_load %arg9[%parallel_loop3A_488, %parallel_loop3A_489] {strides = array<i32>} : memref<16x128xf32, #tpu.memory_space<vmem>>, vector<16xf32>,
        %parallel_loop3A_491 = arith.addf %parallel_loop3A_427, %parallel_loop3A_490 : vector<16xf32>
        scf.yield %parallel_loop3A_435, %parallel_loop3A_443, %parallel_loop3A_451, %parallel_loop3A_459, %parallel_loop3A_467, %parallel_loop3A_475, %parallel_loop3A_483, %parallel_loop3A_491 : vector<16xf32>, vector<16xf32>, vector<16xf32>, vector<16xf32>, vector<16xf32>, vector<16xf32>, vector<16xf32>, vector<16xf32>
      } {sc.loop_unroll_factor = 2 : i64, sc.parallel_access}
      %add3A_303 = arith.constant 4 : i32
      %add3A_304 = arith.addi %add3A_292, %add3A_303 : i32
      %lt3A_305 = arith.constant 128 : i32
      %lt3A_306 = arith.cmpi slt, %add3A_304, %lt3A_305 : i32
      %convert_element_type3A = arith.extui %lt3A_306 : i1 to i32
      %cond3A = arith.constant 0 : i32
      %cond3A_307 = arith.cmpi ne, %convert_element_type3A, %cond3A : i32
      scf.if %cond3A_307 {
        %add3A_371 = arith.constant 4 : i32
        %add3A_372 = arith.addi %add3A_292, %add3A_371 : i32
        %mul3A_373 = arith.constant 16 : i32
        %mul3A_374 = arith.muli %add3A_372, %mul3A_373 : i32
        %dma_start3A_375 = tpu.memref_slice %arg7[%mul3A_374] : memref<2048xi32, #tpu.memory_space<vmem>> -> memref<16xi32, #tpu.memory_space<vmem>>
        %dma_start3A_376 = arith.constant 0 : i32
        %dma_start3A_377 = arith.constant 0 : i32
        %dma_start3A_378 = tpu.memref_slice %arg4[%dma_start3A_376, %dma_start3A_377] : memref<100000x128xf32, #tpu.memory_space<hbm>> -> memref<100000x128xf32, #tpu.memory_space<hbm>>
        tpu.enqueue_indirect_dma source(%dma_start3A_378 : memref<100000x128xf32, #tpu.memory_space<hbm>>) target(%arg9 : memref<16x128xf32, #tpu.memory_space<vmem>>) offsets(%dma_start3A_375 : memref<16xi32, #tpu.memory_space<vmem>>) semaphore(%arg23 : memref<!tpu.dma_semaphore, #tpu.memory_space<semaphore_mem>>)
      } else {
      }
      %mul3A_308 = arith.constant 4 : i32
      %mul3A_309 = arith.muli %scan3A_280, %mul3A_308 : i32
      %add3A_310 = arith.constant 1 : i32
      %add3A_311 = arith.addi %mul3A_309, %add3A_310 : i32
      %mul3A_312 = arith.constant 16 : i32
      %mul3A_313 = arith.muli %add3A_311, %mul3A_312 : i32
      %dma_wait3A_314 = tpu.memref_slice %arg7[%mul3A_313] : memref<2048xi32, #tpu.memory_space<vmem>> -> memref<16xi32, #tpu.memory_space<vmem>>
      %dma_wait3A_315 = arith.constant 0 : i32
      %dma_wait3A_316 = arith.constant 0 : i32
      %dma_wait3A_317 = tpu.memref_slice %arg4[%dma_wait3A_315, %dma_wait3A_316] : memref<100000x128xf32, #tpu.memory_space<hbm>> -> memref<100000x128xf32, #tpu.memory_space<hbm>>
      tpu.wait_indirect_dma semaphore(%arg24 : memref<!tpu.dma_semaphore, #tpu.memory_space<semaphore_mem>>) src(%dma_wait3A_317 : memref<100000x128xf32, #tpu.memory_space<hbm>>) dst(%arg10 : memref<16x128xf32, #tpu.memory_space<vmem>>)
      %parallel_loop3A_318 = arith.constant 0 : i32
      %parallel_loop3A_319 = arith.constant 8 : i32
      %parallel_loop3A_320 = arith.constant 1 : i32
      %parallel_loop3A_321:8 = scf.for %parallel_loop3A_371 = %parallel_loop3A_318 to %parallel_loop3A_319 step %parallel_loop3A_320 iter_args(%parallel_loop3A_372 = %parallel_loop3A_302#0, %parallel_loop3A_373 = %parallel_loop3A_302#1, %parallel_loop3A_374 = %parallel_loop3A_302#2, %parallel_loop3A_375 = %parallel_loop3A_302#3, %parallel_loop3A_376 = %parallel_loop3A_302#4, %parallel_loop3A_377 = %parallel_loop3A_302#5, %parallel_loop3A_378 = %parallel_loop3A_302#6, %parallel_loop3A_379 = %parallel_loop3A_302#7) -> (vector<16xf32>, vector<16xf32>, vector<16xf32>, vector<16xf32>, vector<16xf32>, vector<16xf32>, vector<16xf32>, vector<16xf32>)  : i32 {
        %parallel_loop3A_380 = arith.constant 2 : i32
        %parallel_loop3A_381 = arith.muli %parallel_loop3A_380, %parallel_loop3A_371 : i32
        %parallel_loop3A_382 = arith.index_cast %parallel_loop3A_381 : i32 to index
        %parallel_loop3A_383 = arith.constant 0 : index
        %parallel_loop3A_384 = tpu.vector_load %arg10[%parallel_loop3A_382, %parallel_loop3A_383] {strides = array<i32>} : memref<16x128xf32, #tpu.memory_space<vmem>>, vector<16xf32>,
        %parallel_loop3A_385 = arith.addf %parallel_loop3A_372, %parallel_loop3A_384 : vector<16xf32>
        %parallel_loop3A_386 = arith.constant 2 : i32
        %parallel_loop3A_387 = arith.muli %parallel_loop3A_386, %parallel_loop3A_371 : i32
        %parallel_loop3A_388 = arith.index_cast %parallel_loop3A_387 : i32 to index
        %parallel_loop3A_389 = arith.constant 16 : index
        %parallel_loop3A_390 = tpu.vector_load %arg10[%parallel_loop3A_388, %parallel_loop3A_389] {strides = array<i32>} : memref<16x128xf32, #tpu.memory_space<vmem>>, vector<16xf32>,
        %parallel_loop3A_391 = arith.addf %parallel_loop3A_373, %parallel_loop3A_390 : vector<16xf32>
        %parallel_loop3A_392 = arith.constant 2 : i32
        %parallel_loop3A_393 = arith.muli %parallel_loop3A_392, %parallel_loop3A_371 : i32
        %parallel_loop3A_394 = arith.index_cast %parallel_loop3A_393 : i32 to index
        %parallel_loop3A_395 = arith.constant 32 : index
        %parallel_loop3A_396 = tpu.vector_load %arg10[%parallel_loop3A_394, %parallel_loop3A_395] {strides = array<i32>} : memref<16x128xf32, #tpu.memory_space<vmem>>, vector<16xf32>,
        %parallel_loop3A_397 = arith.addf %parallel_loop3A_374, %parallel_loop3A_396 : vector<16xf32>
        %parallel_loop3A_398 = arith.constant 2 : i32
        %parallel_loop3A_399 = arith.muli %parallel_loop3A_398, %parallel_loop3A_371 : i32
        %parallel_loop3A_400 = arith.index_cast %parallel_loop3A_399 : i32 to index
        %parallel_loop3A_401 = arith.constant 48 : index
        %parallel_loop3A_402 = tpu.vector_load %arg10[%parallel_loop3A_400, %parallel_loop3A_401] {strides = array<i32>} : memref<16x128xf32, #tpu.memory_space<vmem>>, vector<16xf32>,
        %parallel_loop3A_403 = arith.addf %parallel_loop3A_375, %parallel_loop3A_402 : vector<16xf32>
        %parallel_loop3A_404 = arith.constant 2 : i32
        %parallel_loop3A_405 = arith.muli %parallel_loop3A_404, %parallel_loop3A_371 : i32
        %parallel_loop3A_406 = arith.index_cast %parallel_loop3A_405 : i32 to index
        %parallel_loop3A_407 = arith.constant 64 : index
        %parallel_loop3A_408 = tpu.vector_load %arg10[%parallel_loop3A_406, %parallel_loop3A_407] {strides = array<i32>} : memref<16x128xf32, #tpu.memory_space<vmem>>, vector<16xf32>,
        %parallel_loop3A_409 = arith.addf %parallel_loop3A_376, %parallel_loop3A_408 : vector<16xf32>
        %parallel_loop3A_410 = arith.constant 2 : i32
        %parallel_loop3A_411 = arith.muli %parallel_loop3A_410, %parallel_loop3A_371 : i32
        %parallel_loop3A_412 = arith.index_cast %parallel_loop3A_411 : i32 to index
        %parallel_loop3A_413 = arith.constant 80 : index
        %parallel_loop3A_414 = tpu.vector_load %arg10[%parallel_loop3A_412, %parallel_loop3A_413] {strides = array<i32>} : memref<16x128xf32, #tpu.memory_space<vmem>>, vector<16xf32>,
        %parallel_loop3A_415 = arith.addf %parallel_loop3A_377, %parallel_loop3A_414 : vector<16xf32>
        %parallel_loop3A_416 = arith.constant 2 : i32
        %parallel_loop3A_417 = arith.muli %parallel_loop3A_416, %parallel_loop3A_371 : i32
        %parallel_loop3A_418 = arith.index_cast %parallel_loop3A_417 : i32 to index
        %parallel_loop3A_419 = arith.constant 96 : index
        %parallel_loop3A_420 = tpu.vector_load %arg10[%parallel_loop3A_418, %parallel_loop3A_419] {strides = array<i32>} : memref<16x128xf32, #tpu.memory_space<vmem>>, vector<16xf32>,
        %parallel_loop3A_421 = arith.addf %parallel_loop3A_378, %parallel_loop3A_420 : vector<16xf32>
        %parallel_loop3A_422 = arith.constant 2 : i32
        %parallel_loop3A_423 = arith.muli %parallel_loop3A_422, %parallel_loop3A_371 : i32
        %parallel_loop3A_424 = arith.index_cast %parallel_loop3A_423 : i32 to index
        %parallel_loop3A_425 = arith.constant 112 : index
        %parallel_loop3A_426 = tpu.vector_load %arg10[%parallel_loop3A_424, %parallel_loop3A_425] {strides = array<i32>} : memref<16x128xf32, #tpu.memory_space<vmem>>, vector<16xf32>,
        %parallel_loop3A_427 = arith.addf %parallel_loop3A_379, %parallel_loop3A_426 : vector<16xf32>
        %parallel_loop3A_428 = arith.constant 2 : i32
        %parallel_loop3A_429 = arith.muli %parallel_loop3A_428, %parallel_loop3A_371 : i32
        %parallel_loop3A_430 = arith.constant 1 : i32
        %parallel_loop3A_431 = arith.addi %parallel_loop3A_429, %parallel_loop3A_430 : i32
        %parallel_loop3A_432 = arith.index_cast %parallel_loop3A_431 : i32 to index
        %parallel_loop3A_433 = arith.constant 0 : index
        %parallel_loop3A_434 = tpu.vector_load %arg10[%parallel_loop3A_432, %parallel_loop3A_433] {strides = array<i32>} : memref<16x128xf32, #tpu.memory_space<vmem>>, vector<16xf32>,
        %parallel_loop3A_435 = arith.addf %parallel_loop3A_385, %parallel_loop3A_434 : vector<16xf32>
        %parallel_loop3A_436 = arith.constant 2 : i32
        %parallel_loop3A_437 = arith.muli %parallel_loop3A_436, %parallel_loop3A_371 : i32
        %parallel_loop3A_438 = arith.constant 1 : i32
        %parallel_loop3A_439 = arith.addi %parallel_loop3A_437, %parallel_loop3A_438 : i32
        %parallel_loop3A_440 = arith.index_cast %parallel_loop3A_439 : i32 to index
        %parallel_loop3A_441 = arith.constant 16 : index
        %parallel_loop3A_442 = tpu.vector_load %arg10[%parallel_loop3A_440, %parallel_loop3A_441] {strides = array<i32>} : memref<16x128xf32, #tpu.memory_space<vmem>>, vector<16xf32>,
        %parallel_loop3A_443 = arith.addf %parallel_loop3A_391, %parallel_loop3A_442 : vector<16xf32>
        %parallel_loop3A_444 = arith.constant 2 : i32
        %parallel_loop3A_445 = arith.muli %parallel_loop3A_444, %parallel_loop3A_371 : i32
        %parallel_loop3A_446 = arith.constant 1 : i32
        %parallel_loop3A_447 = arith.addi %parallel_loop3A_445, %parallel_loop3A_446 : i32
        %parallel_loop3A_448 = arith.index_cast %parallel_loop3A_447 : i32 to index
        %parallel_loop3A_449 = arith.constant 32 : index
        %parallel_loop3A_450 = tpu.vector_load %arg10[%parallel_loop3A_448, %parallel_loop3A_449] {strides = array<i32>} : memref<16x128xf32, #tpu.memory_space<vmem>>, vector<16xf32>,
        %parallel_loop3A_451 = arith.addf %parallel_loop3A_397, %parallel_loop3A_450 : vector<16xf32>
        %parallel_loop3A_452 = arith.constant 2 : i32
        %parallel_loop3A_453 = arith.muli %parallel_loop3A_452, %parallel_loop3A_371 : i32
        %parallel_loop3A_454 = arith.constant 1 : i32
        %parallel_loop3A_455 = arith.addi %parallel_loop3A_453, %parallel_loop3A_454 : i32
        %parallel_loop3A_456 = arith.index_cast %parallel_loop3A_455 : i32 to index
        %parallel_loop3A_457 = arith.constant 48 : index
        %parallel_loop3A_458 = tpu.vector_load %arg10[%parallel_loop3A_456, %parallel_loop3A_457] {strides = array<i32>} : memref<16x128xf32, #tpu.memory_space<vmem>>, vector<16xf32>,
        %parallel_loop3A_459 = arith.addf %parallel_loop3A_403, %parallel_loop3A_458 : vector<16xf32>
        %parallel_loop3A_460 = arith.constant 2 : i32
        %parallel_loop3A_461 = arith.muli %parallel_loop3A_460, %parallel_loop3A_371 : i32
        %parallel_loop3A_462 = arith.constant 1 : i32
        %parallel_loop3A_463 = arith.addi %parallel_loop3A_461, %parallel_loop3A_462 : i32
        %parallel_loop3A_464 = arith.index_cast %parallel_loop3A_463 : i32 to index
        %parallel_loop3A_465 = arith.constant 64 : index
        %parallel_loop3A_466 = tpu.vector_load %arg10[%parallel_loop3A_464, %parallel_loop3A_465] {strides = array<i32>} : memref<16x128xf32, #tpu.memory_space<vmem>>, vector<16xf32>,
        %parallel_loop3A_467 = arith.addf %parallel_loop3A_409, %parallel_loop3A_466 : vector<16xf32>
        %parallel_loop3A_468 = arith.constant 2 : i32
        %parallel_loop3A_469 = arith.muli %parallel_loop3A_468, %parallel_loop3A_371 : i32
        %parallel_loop3A_470 = arith.constant 1 : i32
        %parallel_loop3A_471 = arith.addi %parallel_loop3A_469, %parallel_loop3A_470 : i32
        %parallel_loop3A_472 = arith.index_cast %parallel_loop3A_471 : i32 to index
        %parallel_loop3A_473 = arith.constant 80 : index
        %parallel_loop3A_474 = tpu.vector_load %arg10[%parallel_loop3A_472, %parallel_loop3A_473] {strides = array<i32>} : memref<16x128xf32, #tpu.memory_space<vmem>>, vector<16xf32>,
        %parallel_loop3A_475 = arith.addf %parallel_loop3A_415, %parallel_loop3A_474 : vector<16xf32>
        %parallel_loop3A_476 = arith.constant 2 : i32
        %parallel_loop3A_477 = arith.muli %parallel_loop3A_476, %parallel_loop3A_371 : i32
        %parallel_loop3A_478 = arith.constant 1 : i32
        %parallel_loop3A_479 = arith.addi %parallel_loop3A_477, %parallel_loop3A_478 : i32
        %parallel_loop3A_480 = arith.index_cast %parallel_loop3A_479 : i32 to index
        %parallel_loop3A_481 = arith.constant 96 : index
        %parallel_loop3A_482 = tpu.vector_load %arg10[%parallel_loop3A_480, %parallel_loop3A_481] {strides = array<i32>} : memref<16x128xf32, #tpu.memory_space<vmem>>, vector<16xf32>,
        %parallel_loop3A_483 = arith.addf %parallel_loop3A_421, %parallel_loop3A_482 : vector<16xf32>
        %parallel_loop3A_484 = arith.constant 2 : i32
        %parallel_loop3A_485 = arith.muli %parallel_loop3A_484, %parallel_loop3A_371 : i32
        %parallel_loop3A_486 = arith.constant 1 : i32
        %parallel_loop3A_487 = arith.addi %parallel_loop3A_485, %parallel_loop3A_486 : i32
        %parallel_loop3A_488 = arith.index_cast %parallel_loop3A_487 : i32 to index
        %parallel_loop3A_489 = arith.constant 112 : index
        %parallel_loop3A_490 = tpu.vector_load %arg10[%parallel_loop3A_488, %parallel_loop3A_489] {strides = array<i32>} : memref<16x128xf32, #tpu.memory_space<vmem>>, vector<16xf32>,
        %parallel_loop3A_491 = arith.addf %parallel_loop3A_427, %parallel_loop3A_490 : vector<16xf32>
        scf.yield %parallel_loop3A_435, %parallel_loop3A_443, %parallel_loop3A_451, %parallel_loop3A_459, %parallel_loop3A_467, %parallel_loop3A_475, %parallel_loop3A_483, %parallel_loop3A_491 : vector<16xf32>, vector<16xf32>, vector<16xf32>, vector<16xf32>, vector<16xf32>, vector<16xf32>, vector<16xf32>, vector<16xf32>
      } {sc.loop_unroll_factor = 2 : i64, sc.parallel_access}
      %add3A_322 = arith.constant 4 : i32
      %add3A_323 = arith.addi %add3A_311, %add3A_322 : i32
      %lt3A_324 = arith.constant 128 : i32
      %lt3A_325 = arith.cmpi slt, %add3A_323, %lt3A_324 : i32
      %convert_element_type3A_326 = arith.extui %lt3A_325 : i1 to i32
      %cond3A_327 = arith.constant 0 : i32
      %cond3A_328 = arith.cmpi ne, %convert_element_type3A_326, %cond3A_327 : i32
      scf.if %cond3A_328 {
        %add3A_371 = arith.constant 4 : i32
        %add3A_372 = arith.addi %add3A_311, %add3A_371 : i32
        %mul3A_373 = arith.constant 16 : i32
        %mul3A_374 = arith.muli %add3A_372, %mul3A_373 : i32
        %dma_start3A_375 = tpu.memref_slice %arg7[%mul3A_374] : memref<2048xi32, #tpu.memory_space<vmem>> -> memref<16xi32, #tpu.memory_space<vmem>>
        %dma_start3A_376 = arith.constant 0 : i32
        %dma_start3A_377 = arith.constant 0 : i32
        %dma_start3A_378 = tpu.memref_slice %arg4[%dma_start3A_376, %dma_start3A_377] : memref<100000x128xf32, #tpu.memory_space<hbm>> -> memref<100000x128xf32, #tpu.memory_space<hbm>>
        tpu.enqueue_indirect_dma source(%dma_start3A_378 : memref<100000x128xf32, #tpu.memory_space<hbm>>) target(%arg10 : memref<16x128xf32, #tpu.memory_space<vmem>>) offsets(%dma_start3A_375 : memref<16xi32, #tpu.memory_space<vmem>>) semaphore(%arg24 : memref<!tpu.dma_semaphore, #tpu.memory_space<semaphore_mem>>)
      } else {
      }
      %mul3A_329 = arith.constant 4 : i32
      %mul3A_330 = arith.muli %scan3A_280, %mul3A_329 : i32
      %add3A_331 = arith.constant 2 : i32
      %add3A_332 = arith.addi %mul3A_330, %add3A_331 : i32
      %mul3A_333 = arith.constant 16 : i32
      %mul3A_334 = arith.muli %add3A_332, %mul3A_333 : i32
      %dma_wait3A_335 = tpu.memref_slice %arg7[%mul3A_334] : memref<2048xi32, #tpu.memory_space<vmem>> -> memref<16xi32, #tpu.memory_space<vmem>>
      %dma_wait3A_336 = arith.constant 0 : i32
      %dma_wait3A_337 = arith.constant 0 : i32
      %dma_wait3A_338 = tpu.memref_slice %arg4[%dma_wait3A_336, %dma_wait3A_337] : memref<100000x128xf32, #tpu.memory_space<hbm>> -> memref<100000x128xf32, #tpu.memory_space<hbm>>
      tpu.wait_indirect_dma semaphore(%arg25 : memref<!tpu.dma_semaphore, #tpu.memory_space<semaphore_mem>>) src(%dma_wait3A_338 : memref<100000x128xf32, #tpu.memory_space<hbm>>) dst(%arg11 : memref<16x128xf32, #tpu.memory_space<vmem>>)
      %parallel_loop3A_339 = arith.constant 0 : i32
      %parallel_loop3A_340 = arith.constant 8 : i32
      %parallel_loop3A_341 = arith.constant 1 : i32
      %parallel_loop3A_342:8 = scf.for %parallel_loop3A_371 = %parallel_loop3A_339 to %parallel_loop3A_340 step %parallel_loop3A_341 iter_args(%parallel_loop3A_372 = %parallel_loop3A_321#0, %parallel_loop3A_373 = %parallel_loop3A_321#1, %parallel_loop3A_374 = %parallel_loop3A_321#2, %parallel_loop3A_375 = %parallel_loop3A_321#3, %parallel_loop3A_376 = %parallel_loop3A_321#4, %parallel_loop3A_377 = %parallel_loop3A_321#5, %parallel_loop3A_378 = %parallel_loop3A_321#6, %parallel_loop3A_379 = %parallel_loop3A_321#7) -> (vector<16xf32>, vector<16xf32>, vector<16xf32>, vector<16xf32>, vector<16xf32>, vector<16xf32>, vector<16xf32>, vector<16xf32>)  : i32 {
        %parallel_loop3A_380 = arith.constant 2 : i32
        %parallel_loop3A_381 = arith.muli %parallel_loop3A_380, %parallel_loop3A_371 : i32
        %parallel_loop3A_382 = arith.index_cast %parallel_loop3A_381 : i32 to index
        %parallel_loop3A_383 = arith.constant 0 : index
        %parallel_loop3A_384 = tpu.vector_load %arg11[%parallel_loop3A_382, %parallel_loop3A_383] {strides = array<i32>} : memref<16x128xf32, #tpu.memory_space<vmem>>, vector<16xf32>,
        %parallel_loop3A_385 = arith.addf %parallel_loop3A_372, %parallel_loop3A_384 : vector<16xf32>
        %parallel_loop3A_386 = arith.constant 2 : i32
        %parallel_loop3A_387 = arith.muli %parallel_loop3A_386, %parallel_loop3A_371 : i32
        %parallel_loop3A_388 = arith.index_cast %parallel_loop3A_387 : i32 to index
        %parallel_loop3A_389 = arith.constant 16 : index
        %parallel_loop3A_390 = tpu.vector_load %arg11[%parallel_loop3A_388, %parallel_loop3A_389] {strides = array<i32>} : memref<16x128xf32, #tpu.memory_space<vmem>>, vector<16xf32>,
        %parallel_loop3A_391 = arith.addf %parallel_loop3A_373, %parallel_loop3A_390 : vector<16xf32>
        %parallel_loop3A_392 = arith.constant 2 : i32
        %parallel_loop3A_393 = arith.muli %parallel_loop3A_392, %parallel_loop3A_371 : i32
        %parallel_loop3A_394 = arith.index_cast %parallel_loop3A_393 : i32 to index
        %parallel_loop3A_395 = arith.constant 32 : index
        %parallel_loop3A_396 = tpu.vector_load %arg11[%parallel_loop3A_394, %parallel_loop3A_395] {strides = array<i32>} : memref<16x128xf32, #tpu.memory_space<vmem>>, vector<16xf32>,
        %parallel_loop3A_397 = arith.addf %parallel_loop3A_374, %parallel_loop3A_396 : vector<16xf32>
        %parallel_loop3A_398 = arith.constant 2 : i32
        %parallel_loop3A_399 = arith.muli %parallel_loop3A_398, %parallel_loop3A_371 : i32
        %parallel_loop3A_400 = arith.index_cast %parallel_loop3A_399 : i32 to index
        %parallel_loop3A_401 = arith.constant 48 : index
        %parallel_loop3A_402 = tpu.vector_load %arg11[%parallel_loop3A_400, %parallel_loop3A_401] {strides = array<i32>} : memref<16x128xf32, #tpu.memory_space<vmem>>, vector<16xf32>,
        %parallel_loop3A_403 = arith.addf %parallel_loop3A_375, %parallel_loop3A_402 : vector<16xf32>
        %parallel_loop3A_404 = arith.constant 2 : i32
        %parallel_loop3A_405 = arith.muli %parallel_loop3A_404, %parallel_loop3A_371 : i32
        %parallel_loop3A_406 = arith.index_cast %parallel_loop3A_405 : i32 to index
        %parallel_loop3A_407 = arith.constant 64 : index
        %parallel_loop3A_408 = tpu.vector_load %arg11[%parallel_loop3A_406, %parallel_loop3A_407] {strides = array<i32>} : memref<16x128xf32, #tpu.memory_space<vmem>>, vector<16xf32>,
        %parallel_loop3A_409 = arith.addf %parallel_loop3A_376, %parallel_loop3A_408 : vector<16xf32>
        %parallel_loop3A_410 = arith.constant 2 : i32
        %parallel_loop3A_411 = arith.muli %parallel_loop3A_410, %parallel_loop3A_371 : i32
        %parallel_loop3A_412 = arith.index_cast %parallel_loop3A_411 : i32 to index
        %parallel_loop3A_413 = arith.constant 80 : index
        %parallel_loop3A_414 = tpu.vector_load %arg11[%parallel_loop3A_412, %parallel_loop3A_413] {strides = array<i32>} : memref<16x128xf32, #tpu.memory_space<vmem>>, vector<16xf32>,
        %parallel_loop3A_415 = arith.addf %parallel_loop3A_377, %parallel_loop3A_414 : vector<16xf32>
        %parallel_loop3A_416 = arith.constant 2 : i32
        %parallel_loop3A_417 = arith.muli %parallel_loop3A_416, %parallel_loop3A_371 : i32
        %parallel_loop3A_418 = arith.index_cast %parallel_loop3A_417 : i32 to index
        %parallel_loop3A_419 = arith.constant 96 : index
        %parallel_loop3A_420 = tpu.vector_load %arg11[%parallel_loop3A_418, %parallel_loop3A_419] {strides = array<i32>} : memref<16x128xf32, #tpu.memory_space<vmem>>, vector<16xf32>,
        %parallel_loop3A_421 = arith.addf %parallel_loop3A_378, %parallel_loop3A_420 : vector<16xf32>
        %parallel_loop3A_422 = arith.constant 2 : i32
        %parallel_loop3A_423 = arith.muli %parallel_loop3A_422, %parallel_loop3A_371 : i32
        %parallel_loop3A_424 = arith.index_cast %parallel_loop3A_423 : i32 to index
        %parallel_loop3A_425 = arith.constant 112 : index
        %parallel_loop3A_426 = tpu.vector_load %arg11[%parallel_loop3A_424, %parallel_loop3A_425] {strides = array<i32>} : memref<16x128xf32, #tpu.memory_space<vmem>>, vector<16xf32>,
        %parallel_loop3A_427 = arith.addf %parallel_loop3A_379, %parallel_loop3A_426 : vector<16xf32>
        %parallel_loop3A_428 = arith.constant 2 : i32
        %parallel_loop3A_429 = arith.muli %parallel_loop3A_428, %parallel_loop3A_371 : i32
        %parallel_loop3A_430 = arith.constant 1 : i32
        %parallel_loop3A_431 = arith.addi %parallel_loop3A_429, %parallel_loop3A_430 : i32
        %parallel_loop3A_432 = arith.index_cast %parallel_loop3A_431 : i32 to index
        %parallel_loop3A_433 = arith.constant 0 : index
        %parallel_loop3A_434 = tpu.vector_load %arg11[%parallel_loop3A_432, %parallel_loop3A_433] {strides = array<i32>} : memref<16x128xf32, #tpu.memory_space<vmem>>, vector<16xf32>,
        %parallel_loop3A_435 = arith.addf %parallel_loop3A_385, %parallel_loop3A_434 : vector<16xf32>
        %parallel_loop3A_436 = arith.constant 2 : i32
        %parallel_loop3A_437 = arith.muli %parallel_loop3A_436, %parallel_loop3A_371 : i32
        %parallel_loop3A_438 = arith.constant 1 : i32
        %parallel_loop3A_439 = arith.addi %parallel_loop3A_437, %parallel_loop3A_438 : i32
        %parallel_loop3A_440 = arith.index_cast %parallel_loop3A_439 : i32 to index
        %parallel_loop3A_441 = arith.constant 16 : index
        %parallel_loop3A_442 = tpu.vector_load %arg11[%parallel_loop3A_440, %parallel_loop3A_441] {strides = array<i32>} : memref<16x128xf32, #tpu.memory_space<vmem>>, vector<16xf32>,
        %parallel_loop3A_443 = arith.addf %parallel_loop3A_391, %parallel_loop3A_442 : vector<16xf32>
        %parallel_loop3A_444 = arith.constant 2 : i32
        %parallel_loop3A_445 = arith.muli %parallel_loop3A_444, %parallel_loop3A_371 : i32
        %parallel_loop3A_446 = arith.constant 1 : i32
        %parallel_loop3A_447 = arith.addi %parallel_loop3A_445, %parallel_loop3A_446 : i32
        %parallel_loop3A_448 = arith.index_cast %parallel_loop3A_447 : i32 to index
        %parallel_loop3A_449 = arith.constant 32 : index
        %parallel_loop3A_450 = tpu.vector_load %arg11[%parallel_loop3A_448, %parallel_loop3A_449] {strides = array<i32>} : memref<16x128xf32, #tpu.memory_space<vmem>>, vector<16xf32>,
        %parallel_loop3A_451 = arith.addf %parallel_loop3A_397, %parallel_loop3A_450 : vector<16xf32>
        %parallel_loop3A_452 = arith.constant 2 : i32
        %parallel_loop3A_453 = arith.muli %parallel_loop3A_452, %parallel_loop3A_371 : i32
        %parallel_loop3A_454 = arith.constant 1 : i32
        %parallel_loop3A_455 = arith.addi %parallel_loop3A_453, %parallel_loop3A_454 : i32
        %parallel_loop3A_456 = arith.index_cast %parallel_loop3A_455 : i32 to index
        %parallel_loop3A_457 = arith.constant 48 : index
        %parallel_loop3A_458 = tpu.vector_load %arg11[%parallel_loop3A_456, %parallel_loop3A_457] {strides = array<i32>} : memref<16x128xf32, #tpu.memory_space<vmem>>, vector<16xf32>,
        %parallel_loop3A_459 = arith.addf %parallel_loop3A_403, %parallel_loop3A_458 : vector<16xf32>
        %parallel_loop3A_460 = arith.constant 2 : i32
        %parallel_loop3A_461 = arith.muli %parallel_loop3A_460, %parallel_loop3A_371 : i32
        %parallel_loop3A_462 = arith.constant 1 : i32
        %parallel_loop3A_463 = arith.addi %parallel_loop3A_461, %parallel_loop3A_462 : i32
        %parallel_loop3A_464 = arith.index_cast %parallel_loop3A_463 : i32 to index
        %parallel_loop3A_465 = arith.constant 64 : index
        %parallel_loop3A_466 = tpu.vector_load %arg11[%parallel_loop3A_464, %parallel_loop3A_465] {strides = array<i32>} : memref<16x128xf32, #tpu.memory_space<vmem>>, vector<16xf32>,
        %parallel_loop3A_467 = arith.addf %parallel_loop3A_409, %parallel_loop3A_466 : vector<16xf32>
        %parallel_loop3A_468 = arith.constant 2 : i32
        %parallel_loop3A_469 = arith.muli %parallel_loop3A_468, %parallel_loop3A_371 : i32
        %parallel_loop3A_470 = arith.constant 1 : i32
        %parallel_loop3A_471 = arith.addi %parallel_loop3A_469, %parallel_loop3A_470 : i32
        %parallel_loop3A_472 = arith.index_cast %parallel_loop3A_471 : i32 to index
        %parallel_loop3A_473 = arith.constant 80 : index
        %parallel_loop3A_474 = tpu.vector_load %arg11[%parallel_loop3A_472, %parallel_loop3A_473] {strides = array<i32>} : memref<16x128xf32, #tpu.memory_space<vmem>>, vector<16xf32>,
        %parallel_loop3A_475 = arith.addf %parallel_loop3A_415, %parallel_loop3A_474 : vector<16xf32>
        %parallel_loop3A_476 = arith.constant 2 : i32
        %parallel_loop3A_477 = arith.muli %parallel_loop3A_476, %parallel_loop3A_371 : i32
        %parallel_loop3A_478 = arith.constant 1 : i32
        %parallel_loop3A_479 = arith.addi %parallel_loop3A_477, %parallel_loop3A_478 : i32
        %parallel_loop3A_480 = arith.index_cast %parallel_loop3A_479 : i32 to index
        %parallel_loop3A_481 = arith.constant 96 : index
        %parallel_loop3A_482 = tpu.vector_load %arg11[%parallel_loop3A_480, %parallel_loop3A_481] {strides = array<i32>} : memref<16x128xf32, #tpu.memory_space<vmem>>, vector<16xf32>,
        %parallel_loop3A_483 = arith.addf %parallel_loop3A_421, %parallel_loop3A_482 : vector<16xf32>
        %parallel_loop3A_484 = arith.constant 2 : i32
        %parallel_loop3A_485 = arith.muli %parallel_loop3A_484, %parallel_loop3A_371 : i32
        %parallel_loop3A_486 = arith.constant 1 : i32
        %parallel_loop3A_487 = arith.addi %parallel_loop3A_485, %parallel_loop3A_486 : i32
        %parallel_loop3A_488 = arith.index_cast %parallel_loop3A_487 : i32 to index
        %parallel_loop3A_489 = arith.constant 112 : index
        %parallel_loop3A_490 = tpu.vector_load %arg11[%parallel_loop3A_488, %parallel_loop3A_489] {strides = array<i32>} : memref<16x128xf32, #tpu.memory_space<vmem>>, vector<16xf32>,
        %parallel_loop3A_491 = arith.addf %parallel_loop3A_427, %parallel_loop3A_490 : vector<16xf32>
        scf.yield %parallel_loop3A_435, %parallel_loop3A_443, %parallel_loop3A_451, %parallel_loop3A_459, %parallel_loop3A_467, %parallel_loop3A_475, %parallel_loop3A_483, %parallel_loop3A_491 : vector<16xf32>, vector<16xf32>, vector<16xf32>, vector<16xf32>, vector<16xf32>, vector<16xf32>, vector<16xf32>, vector<16xf32>
      } {sc.loop_unroll_factor = 2 : i64, sc.parallel_access}
      %add3A_343 = arith.constant 4 : i32
      %add3A_344 = arith.addi %add3A_332, %add3A_343 : i32
      %lt3A_345 = arith.constant 128 : i32
      %lt3A_346 = arith.cmpi slt, %add3A_344, %lt3A_345 : i32
      %convert_element_type3A_347 = arith.extui %lt3A_346 : i1 to i32
      %cond3A_348 = arith.constant 0 : i32
      %cond3A_349 = arith.cmpi ne, %convert_element_type3A_347, %cond3A_348 : i32
      scf.if %cond3A_349 {
        %add3A_371 = arith.constant 4 : i32
        %add3A_372 = arith.addi %add3A_332, %add3A_371 : i32
        %mul3A_373 = arith.constant 16 : i32
        %mul3A_374 = arith.muli %add3A_372, %mul3A_373 : i32
        %dma_start3A_375 = tpu.memref_slice %arg7[%mul3A_374] : memref<2048xi32, #tpu.memory_space<vmem>> -> memref<16xi32, #tpu.memory_space<vmem>>
        %dma_start3A_376 = arith.constant 0 : i32
        %dma_start3A_377 = arith.constant 0 : i32
        %dma_start3A_378 = tpu.memref_slice %arg4[%dma_start3A_376, %dma_start3A_377] : memref<100000x128xf32, #tpu.memory_space<hbm>> -> memref<100000x128xf32, #tpu.memory_space<hbm>>
        tpu.enqueue_indirect_dma source(%dma_start3A_378 : memref<100000x128xf32, #tpu.memory_space<hbm>>) target(%arg11 : memref<16x128xf32, #tpu.memory_space<vmem>>) offsets(%dma_start3A_375 : memref<16xi32, #tpu.memory_space<vmem>>) semaphore(%arg25 : memref<!tpu.dma_semaphore, #tpu.memory_space<semaphore_mem>>)
      } else {
      }
      %mul3A_350 = arith.constant 4 : i32
      %mul3A_351 = arith.muli %scan3A_280, %mul3A_350 : i32
      %add3A_352 = arith.constant 3 : i32
      %add3A_353 = arith.addi %mul3A_351, %add3A_352 : i32
      %mul3A_354 = arith.constant 16 : i32
      %mul3A_355 = arith.muli %add3A_353, %mul3A_354 : i32
      %dma_wait3A_356 = tpu.memref_slice %arg7[%mul3A_355] : memref<2048xi32, #tpu.memory_space<vmem>> -> memref<16xi32, #tpu.memory_space<vmem>>
      %dma_wait3A_357 = arith.constant 0 : i32
      %dma_wait3A_358 = arith.constant 0 : i32
      %dma_wait3A_359 = tpu.memref_slice %arg4[%dma_wait3A_357, %dma_wait3A_358] : memref<100000x128xf32, #tpu.memory_space<hbm>> -> memref<100000x128xf32, #tpu.memory_space<hbm>>
      tpu.wait_indirect_dma semaphore(%arg26 : memref<!tpu.dma_semaphore, #tpu.memory_space<semaphore_mem>>) src(%dma_wait3A_359 : memref<100000x128xf32, #tpu.memory_space<hbm>>) dst(%arg12 : memref<16x128xf32, #tpu.memory_space<vmem>>)
      %parallel_loop3A_360 = arith.constant 0 : i32
      %parallel_loop3A_361 = arith.constant 8 : i32
      %parallel_loop3A_362 = arith.constant 1 : i32
      %parallel_loop3A_363:8 = scf.for %parallel_loop3A_371 = %parallel_loop3A_360 to %parallel_loop3A_361 step %parallel_loop3A_362 iter_args(%parallel_loop3A_372 = %parallel_loop3A_342#0, %parallel_loop3A_373 = %parallel_loop3A_342#1, %parallel_loop3A_374 = %parallel_loop3A_342#2, %parallel_loop3A_375 = %parallel_loop3A_342#3, %parallel_loop3A_376 = %parallel_loop3A_342#4, %parallel_loop3A_377 = %parallel_loop3A_342#5, %parallel_loop3A_378 = %parallel_loop3A_342#6, %parallel_loop3A_379 = %parallel_loop3A_342#7) -> (vector<16xf32>, vector<16xf32>, vector<16xf32>, vector<16xf32>, vector<16xf32>, vector<16xf32>, vector<16xf32>, vector<16xf32>)  : i32 {
        %parallel_loop3A_380 = arith.constant 2 : i32
        %parallel_loop3A_381 = arith.muli %parallel_loop3A_380, %parallel_loop3A_371 : i32
        %parallel_loop3A_382 = arith.index_cast %parallel_loop3A_381 : i32 to index
        %parallel_loop3A_383 = arith.constant 0 : index
        %parallel_loop3A_384 = tpu.vector_load %arg12[%parallel_loop3A_382, %parallel_loop3A_383] {strides = array<i32>} : memref<16x128xf32, #tpu.memory_space<vmem>>, vector<16xf32>,
        %parallel_loop3A_385 = arith.addf %parallel_loop3A_372, %parallel_loop3A_384 : vector<16xf32>
        %parallel_loop3A_386 = arith.constant 2 : i32
        %parallel_loop3A_387 = arith.muli %parallel_loop3A_386, %parallel_loop3A_371 : i32
        %parallel_loop3A_388 = arith.index_cast %parallel_loop3A_387 : i32 to index
        %parallel_loop3A_389 = arith.constant 16 : index
        %parallel_loop3A_390 = tpu.vector_load %arg12[%parallel_loop3A_388, %parallel_loop3A_389] {strides = array<i32>} : memref<16x128xf32, #tpu.memory_space<vmem>>, vector<16xf32>,
        %parallel_loop3A_391 = arith.addf %parallel_loop3A_373, %parallel_loop3A_390 : vector<16xf32>
        %parallel_loop3A_392 = arith.constant 2 : i32
        %parallel_loop3A_393 = arith.muli %parallel_loop3A_392, %parallel_loop3A_371 : i32
        %parallel_loop3A_394 = arith.index_cast %parallel_loop3A_393 : i32 to index
        %parallel_loop3A_395 = arith.constant 32 : index
        %parallel_loop3A_396 = tpu.vector_load %arg12[%parallel_loop3A_394, %parallel_loop3A_395] {strides = array<i32>} : memref<16x128xf32, #tpu.memory_space<vmem>>, vector<16xf32>,
        %parallel_loop3A_397 = arith.addf %parallel_loop3A_374, %parallel_loop3A_396 : vector<16xf32>
        %parallel_loop3A_398 = arith.constant 2 : i32
        %parallel_loop3A_399 = arith.muli %parallel_loop3A_398, %parallel_loop3A_371 : i32
        %parallel_loop3A_400 = arith.index_cast %parallel_loop3A_399 : i32 to index
        %parallel_loop3A_401 = arith.constant 48 : index
        %parallel_loop3A_402 = tpu.vector_load %arg12[%parallel_loop3A_400, %parallel_loop3A_401] {strides = array<i32>} : memref<16x128xf32, #tpu.memory_space<vmem>>, vector<16xf32>,
        %parallel_loop3A_403 = arith.addf %parallel_loop3A_375, %parallel_loop3A_402 : vector<16xf32>
        %parallel_loop3A_404 = arith.constant 2 : i32
        %parallel_loop3A_405 = arith.muli %parallel_loop3A_404, %parallel_loop3A_371 : i32
        %parallel_loop3A_406 = arith.index_cast %parallel_loop3A_405 : i32 to index
        %parallel_loop3A_407 = arith.constant 64 : index
        %parallel_loop3A_408 = tpu.vector_load %arg12[%parallel_loop3A_406, %parallel_loop3A_407] {strides = array<i32>} : memref<16x128xf32, #tpu.memory_space<vmem>>, vector<16xf32>,
        %parallel_loop3A_409 = arith.addf %parallel_loop3A_376, %parallel_loop3A_408 : vector<16xf32>
        %parallel_loop3A_410 = arith.constant 2 : i32
        %parallel_loop3A_411 = arith.muli %parallel_loop3A_410, %parallel_loop3A_371 : i32
        %parallel_loop3A_412 = arith.index_cast %parallel_loop3A_411 : i32 to index
        %parallel_loop3A_413 = arith.constant 80 : index
        %parallel_loop3A_414 = tpu.vector_load %arg12[%parallel_loop3A_412, %parallel_loop3A_413] {strides = array<i32>} : memref<16x128xf32, #tpu.memory_space<vmem>>, vector<16xf32>,
        %parallel_loop3A_415 = arith.addf %parallel_loop3A_377, %parallel_loop3A_414 : vector<16xf32>
        %parallel_loop3A_416 = arith.constant 2 : i32
        %parallel_loop3A_417 = arith.muli %parallel_loop3A_416, %parallel_loop3A_371 : i32
        %parallel_loop3A_418 = arith.index_cast %parallel_loop3A_417 : i32 to index
        %parallel_loop3A_419 = arith.constant 96 : index
        %parallel_loop3A_420 = tpu.vector_load %arg12[%parallel_loop3A_418, %parallel_loop3A_419] {strides = array<i32>} : memref<16x128xf32, #tpu.memory_space<vmem>>, vector<16xf32>,
        %parallel_loop3A_421 = arith.addf %parallel_loop3A_378, %parallel_loop3A_420 : vector<16xf32>
        %parallel_loop3A_422 = arith.constant 2 : i32
        %parallel_loop3A_423 = arith.muli %parallel_loop3A_422, %parallel_loop3A_371 : i32
        %parallel_loop3A_424 = arith.index_cast %parallel_loop3A_423 : i32 to index
        %parallel_loop3A_425 = arith.constant 112 : index
        %parallel_loop3A_426 = tpu.vector_load %arg12[%parallel_loop3A_424, %parallel_loop3A_425] {strides = array<i32>} : memref<16x128xf32, #tpu.memory_space<vmem>>, vector<16xf32>,
        %parallel_loop3A_427 = arith.addf %parallel_loop3A_379, %parallel_loop3A_426 : vector<16xf32>
        %parallel_loop3A_428 = arith.constant 2 : i32
        %parallel_loop3A_429 = arith.muli %parallel_loop3A_428, %parallel_loop3A_371 : i32
        %parallel_loop3A_430 = arith.constant 1 : i32
        %parallel_loop3A_431 = arith.addi %parallel_loop3A_429, %parallel_loop3A_430 : i32
        %parallel_loop3A_432 = arith.index_cast %parallel_loop3A_431 : i32 to index
        %parallel_loop3A_433 = arith.constant 0 : index
        %parallel_loop3A_434 = tpu.vector_load %arg12[%parallel_loop3A_432, %parallel_loop3A_433] {strides = array<i32>} : memref<16x128xf32, #tpu.memory_space<vmem>>, vector<16xf32>,
        %parallel_loop3A_435 = arith.addf %parallel_loop3A_385, %parallel_loop3A_434 : vector<16xf32>
        %parallel_loop3A_436 = arith.constant 2 : i32
        %parallel_loop3A_437 = arith.muli %parallel_loop3A_436, %parallel_loop3A_371 : i32
        %parallel_loop3A_438 = arith.constant 1 : i32
        %parallel_loop3A_439 = arith.addi %parallel_loop3A_437, %parallel_loop3A_438 : i32
        %parallel_loop3A_440 = arith.index_cast %parallel_loop3A_439 : i32 to index
        %parallel_loop3A_441 = arith.constant 16 : index
        %parallel_loop3A_442 = tpu.vector_load %arg12[%parallel_loop3A_440, %parallel_loop3A_441] {strides = array<i32>} : memref<16x128xf32, #tpu.memory_space<vmem>>, vector<16xf32>,
        %parallel_loop3A_443 = arith.addf %parallel_loop3A_391, %parallel_loop3A_442 : vector<16xf32>
        %parallel_loop3A_444 = arith.constant 2 : i32
        %parallel_loop3A_445 = arith.muli %parallel_loop3A_444, %parallel_loop3A_371 : i32
        %parallel_loop3A_446 = arith.constant 1 : i32
        %parallel_loop3A_447 = arith.addi %parallel_loop3A_445, %parallel_loop3A_446 : i32
        %parallel_loop3A_448 = arith.index_cast %parallel_loop3A_447 : i32 to index
        %parallel_loop3A_449 = arith.constant 32 : index
        %parallel_loop3A_450 = tpu.vector_load %arg12[%parallel_loop3A_448, %parallel_loop3A_449] {strides = array<i32>} : memref<16x128xf32, #tpu.memory_space<vmem>>, vector<16xf32>,
        %parallel_loop3A_451 = arith.addf %parallel_loop3A_397, %parallel_loop3A_450 : vector<16xf32>
        %parallel_loop3A_452 = arith.constant 2 : i32
        %parallel_loop3A_453 = arith.muli %parallel_loop3A_452, %parallel_loop3A_371 : i32
        %parallel_loop3A_454 = arith.constant 1 : i32
        %parallel_loop3A_455 = arith.addi %parallel_loop3A_453, %parallel_loop3A_454 : i32
        %parallel_loop3A_456 = arith.index_cast %parallel_loop3A_455 : i32 to index
        %parallel_loop3A_457 = arith.constant 48 : index
        %parallel_loop3A_458 = tpu.vector_load %arg12[%parallel_loop3A_456, %parallel_loop3A_457] {strides = array<i32>} : memref<16x128xf32, #tpu.memory_space<vmem>>, vector<16xf32>,
        %parallel_loop3A_459 = arith.addf %parallel_loop3A_403, %parallel_loop3A_458 : vector<16xf32>
        %parallel_loop3A_460 = arith.constant 2 : i32
        %parallel_loop3A_461 = arith.muli %parallel_loop3A_460, %parallel_loop3A_371 : i32
        %parallel_loop3A_462 = arith.constant 1 : i32
        %parallel_loop3A_463 = arith.addi %parallel_loop3A_461, %parallel_loop3A_462 : i32
        %parallel_loop3A_464 = arith.index_cast %parallel_loop3A_463 : i32 to index
        %parallel_loop3A_465 = arith.constant 64 : index
        %parallel_loop3A_466 = tpu.vector_load %arg12[%parallel_loop3A_464, %parallel_loop3A_465] {strides = array<i32>} : memref<16x128xf32, #tpu.memory_space<vmem>>, vector<16xf32>,
        %parallel_loop3A_467 = arith.addf %parallel_loop3A_409, %parallel_loop3A_466 : vector<16xf32>
        %parallel_loop3A_468 = arith.constant 2 : i32
        %parallel_loop3A_469 = arith.muli %parallel_loop3A_468, %parallel_loop3A_371 : i32
        %parallel_loop3A_470 = arith.constant 1 : i32
        %parallel_loop3A_471 = arith.addi %parallel_loop3A_469, %parallel_loop3A_470 : i32
        %parallel_loop3A_472 = arith.index_cast %parallel_loop3A_471 : i32 to index
        %parallel_loop3A_473 = arith.constant 80 : index
        %parallel_loop3A_474 = tpu.vector_load %arg12[%parallel_loop3A_472, %parallel_loop3A_473] {strides = array<i32>} : memref<16x128xf32, #tpu.memory_space<vmem>>, vector<16xf32>,
        %parallel_loop3A_475 = arith.addf %parallel_loop3A_415, %parallel_loop3A_474 : vector<16xf32>
        %parallel_loop3A_476 = arith.constant 2 : i32
        %parallel_loop3A_477 = arith.muli %parallel_loop3A_476, %parallel_loop3A_371 : i32
        %parallel_loop3A_478 = arith.constant 1 : i32
        %parallel_loop3A_479 = arith.addi %parallel_loop3A_477, %parallel_loop3A_478 : i32
        %parallel_loop3A_480 = arith.index_cast %parallel_loop3A_479 : i32 to index
        %parallel_loop3A_481 = arith.constant 96 : index
        %parallel_loop3A_482 = tpu.vector_load %arg12[%parallel_loop3A_480, %parallel_loop3A_481] {strides = array<i32>} : memref<16x128xf32, #tpu.memory_space<vmem>>, vector<16xf32>,
        %parallel_loop3A_483 = arith.addf %parallel_loop3A_421, %parallel_loop3A_482 : vector<16xf32>
        %parallel_loop3A_484 = arith.constant 2 : i32
        %parallel_loop3A_485 = arith.muli %parallel_loop3A_484, %parallel_loop3A_371 : i32
        %parallel_loop3A_486 = arith.constant 1 : i32
        %parallel_loop3A_487 = arith.addi %parallel_loop3A_485, %parallel_loop3A_486 : i32
        %parallel_loop3A_488 = arith.index_cast %parallel_loop3A_487 : i32 to index
        %parallel_loop3A_489 = arith.constant 112 : index
        %parallel_loop3A_490 = tpu.vector_load %arg12[%parallel_loop3A_488, %parallel_loop3A_489] {strides = array<i32>} : memref<16x128xf32, #tpu.memory_space<vmem>>, vector<16xf32>,
        %parallel_loop3A_491 = arith.addf %parallel_loop3A_427, %parallel_loop3A_490 : vector<16xf32>
        scf.yield %parallel_loop3A_435, %parallel_loop3A_443, %parallel_loop3A_451, %parallel_loop3A_459, %parallel_loop3A_467, %parallel_loop3A_475, %parallel_loop3A_483, %parallel_loop3A_491 : vector<16xf32>, vector<16xf32>, vector<16xf32>, vector<16xf32>, vector<16xf32>, vector<16xf32>, vector<16xf32>, vector<16xf32>
      } {sc.loop_unroll_factor = 2 : i64, sc.parallel_access}
      %add3A_364 = arith.constant 4 : i32
      %add3A_365 = arith.addi %add3A_353, %add3A_364 : i32
      %lt3A_366 = arith.constant 128 : i32
      %lt3A_367 = arith.cmpi slt, %add3A_365, %lt3A_366 : i32
      %convert_element_type3A_368 = arith.extui %lt3A_367 : i1 to i32
      %cond3A_369 = arith.constant 0 : i32
      %cond3A_370 = arith.cmpi ne, %convert_element_type3A_368, %cond3A_369 : i32
      scf.if %cond3A_370 {
        %add3A_371 = arith.constant 4 : i32
        %add3A_372 = arith.addi %add3A_353, %add3A_371 : i32
        %mul3A_373 = arith.constant 16 : i32
        %mul3A_374 = arith.muli %add3A_372, %mul3A_373 : i32
        %dma_start3A_375 = tpu.memref_slice %arg7[%mul3A_374] : memref<2048xi32, #tpu.memory_space<vmem>> -> memref<16xi32, #tpu.memory_space<vmem>>
        %dma_start3A_376 = arith.constant 0 : i32
        %dma_start3A_377 = arith.constant 0 : i32
        %dma_start3A_378 = tpu.memref_slice %arg4[%dma_start3A_376, %dma_start3A_377] : memref<100000x128xf32, #tpu.memory_space<hbm>> -> memref<100000x128xf32, #tpu.memory_space<hbm>>
        tpu.enqueue_indirect_dma source(%dma_start3A_378 : memref<100000x128xf32, #tpu.memory_space<hbm>>) target(%arg12 : memref<16x128xf32, #tpu.memory_space<vmem>>) offsets(%dma_start3A_375 : memref<16xi32, #tpu.memory_space<vmem>>) semaphore(%arg26 : memref<!tpu.dma_semaphore, #tpu.memory_space<semaphore_mem>>)
      } else {
      }
      scf.yield %parallel_loop3A_363#0, %parallel_loop3A_363#1, %parallel_loop3A_363#2, %parallel_loop3A_363#3, %parallel_loop3A_363#4, %parallel_loop3A_363#5, %parallel_loop3A_363#6, %parallel_loop3A_363#7 : vector<16xf32>, vector<16xf32>, vector<16xf32>, vector<16xf32>, vector<16xf32>, vector<16xf32>, vector<16xf32>, vector<16xf32>
    }
    %scan3A_60 = arith.constant 4 : i32
    %dma_wait3A_61 = arith.constant 0 : i32
    %dma_wait3A_62 = tpu.memref_slice %arg3[%add3A, %dma_wait3A_61] : memref<32x100000xf32, #tpu.memory_space<hbm>> -> memref<1x100000xf32, #tpu.memory_space<hbm>>
    %dma_wait3A_63 = tpu.memref_squeeze %dma_wait3A_62 : memref<1x100000xf32, #tpu.memory_space<hbm>> -> memref<100000xf32, #tpu.memory_space<hbm>>
    %dma_wait3A_64 = arith.constant 0 : i32
    %dma_wait3A_65 = tpu.memref_slice %arg3[%add3A, %dma_wait3A_64] : memref<32x100000xf32, #tpu.memory_space<hbm>> -> memref<1x100000xf32, #tpu.memory_space<hbm>>
    %dma_wait3A_66 = tpu.memref_squeeze %dma_wait3A_65 : memref<1x100000xf32, #tpu.memory_space<hbm>> -> memref<100000xf32, #tpu.memory_space<hbm>>
    tpu.wait_dma2 semaphore(%arg22 : memref<!tpu.dma_semaphore, #tpu.memory_space<semaphore_mem>>) src(%dma_wait3A_66 : memref<100000xf32, #tpu.memory_space<hbm>>) dst(%arg8 : memref<100000xf32, #tpu.memory_space<vmem>>)
    %parallel_loop3A = arith.constant 0 : i32
    %parallel_loop3A_67 = arith.constant 256 : i32
    %parallel_loop3A_68 = arith.constant 1 : i32
    scf.for %parallel_loop3A_280 = %parallel_loop3A to %parallel_loop3A_67 step %parallel_loop3A_68  : i32 {
      %parallel_loop3A_281 = arith.constant 0 : i32
      %parallel_loop3A_282 = vector.broadcast %parallel_loop3A_281 : i32 to vector<16xi32>
      %parallel_loop3A_283 = arith.constant 16 : i32
      %parallel_loop3A_284 = arith.muli %parallel_loop3A_280, %parallel_loop3A_283 : i32
      %parallel_loop3A_285 = arith.index_cast %parallel_loop3A_284 : i32 to index
      %parallel_loop3A_286 = tpu.vector_load %arg14[%parallel_loop3A_285] {strides = array<i32>} : memref<4096xi32, #tpu.memory_space<vmem>>, vector<16xi32>,
      tpu.vector_store %arg14[%parallel_loop3A_285], %parallel_loop3A_282 {strides = array<i32>} : memref<4096xi32, #tpu.memory_space<vmem>>, vector<16xi32>,
    } {sc.loop_unroll_factor = 8 : i64, sc.parallel_access}
    %scan3A_69 = arith.constant 4 : i32
    %scan3A_70 = arith.constant 14 : i32
    %scan3A_71 = arith.addi %scan3A_69, %scan3A_70 : i32
    %scan3A_72 = arith.constant 1 : i32
    %scan3A_73:8 = scf.for %scan3A_280 = %scan3A_69 to %scan3A_71 step %scan3A_72 iter_args(%scan3A_281 = %scan3A_59#0, %scan3A_282 = %scan3A_59#1, %scan3A_283 = %scan3A_59#2, %scan3A_284 = %scan3A_59#3, %scan3A_285 = %scan3A_59#4, %scan3A_286 = %scan3A_59#5, %scan3A_287 = %scan3A_59#6, %scan3A_288 = %scan3A_59#7) -> (vector<16xf32>, vector<16xf32>, vector<16xf32>, vector<16xf32>, vector<16xf32>, vector<16xf32>, vector<16xf32>, vector<16xf32>)  : i32 {
      %mul3A_289 = arith.constant 4 : i32
      %mul3A_290 = arith.muli %scan3A_280, %mul3A_289 : i32
      %add3A_291 = arith.constant 0 : i32
      %add3A_292 = arith.addi %mul3A_290, %add3A_291 : i32
      %mul3A_293 = arith.constant 16 : i32
      %mul3A_294 = arith.muli %add3A_292, %mul3A_293 : i32
      %dma_wait3A_295 = tpu.memref_slice %arg7[%mul3A_294] : memref<2048xi32, #tpu.memory_space<vmem>> -> memref<16xi32, #tpu.memory_space<vmem>>
      %dma_wait3A_296 = arith.constant 0 : i32
      %dma_wait3A_297 = arith.constant 0 : i32
      %dma_wait3A_298 = tpu.memref_slice %arg4[%dma_wait3A_296, %dma_wait3A_297] : memref<100000x128xf32, #tpu.memory_space<hbm>> -> memref<100000x128xf32, #tpu.memory_space<hbm>>
      tpu.wait_indirect_dma semaphore(%arg23 : memref<!tpu.dma_semaphore, #tpu.memory_space<semaphore_mem>>) src(%dma_wait3A_298 : memref<100000x128xf32, #tpu.memory_space<hbm>>) dst(%arg9 : memref<16x128xf32, #tpu.memory_space<vmem>>)
      %parallel_loop3A_299 = arith.constant 0 : i32
      %parallel_loop3A_300 = arith.constant 8 : i32
      %parallel_loop3A_301 = arith.constant 1 : i32
      %parallel_loop3A_302:8 = scf.for %parallel_loop3A_379 = %parallel_loop3A_299 to %parallel_loop3A_300 step %parallel_loop3A_301 iter_args(%parallel_loop3A_380 = %scan3A_281, %parallel_loop3A_381 = %scan3A_282, %parallel_loop3A_382 = %scan3A_283, %parallel_loop3A_383 = %scan3A_284, %parallel_loop3A_384 = %scan3A_285, %parallel_loop3A_385 = %scan3A_286, %parallel_loop3A_386 = %scan3A_287, %parallel_loop3A_387 = %scan3A_288) -> (vector<16xf32>, vector<16xf32>, vector<16xf32>, vector<16xf32>, vector<16xf32>, vector<16xf32>, vector<16xf32>, vector<16xf32>)  : i32 {
        %parallel_loop3A_388 = arith.constant 2 : i32
        %parallel_loop3A_389 = arith.muli %parallel_loop3A_388, %parallel_loop3A_379 : i32
        %parallel_loop3A_390 = arith.index_cast %parallel_loop3A_389 : i32 to index
        %parallel_loop3A_391 = arith.constant 0 : index
        %parallel_loop3A_392 = tpu.vector_load %arg9[%parallel_loop3A_390, %parallel_loop3A_391] {strides = array<i32>} : memref<16x128xf32, #tpu.memory_space<vmem>>, vector<16xf32>,
        %parallel_loop3A_393 = arith.addf %parallel_loop3A_380, %parallel_loop3A_392 : vector<16xf32>
        %parallel_loop3A_394 = arith.constant 2 : i32
        %parallel_loop3A_395 = arith.muli %parallel_loop3A_394, %parallel_loop3A_379 : i32
        %parallel_loop3A_396 = arith.index_cast %parallel_loop3A_395 : i32 to index
        %parallel_loop3A_397 = arith.constant 16 : index
        %parallel_loop3A_398 = tpu.vector_load %arg9[%parallel_loop3A_396, %parallel_loop3A_397] {strides = array<i32>} : memref<16x128xf32, #tpu.memory_space<vmem>>, vector<16xf32>,
        %parallel_loop3A_399 = arith.addf %parallel_loop3A_381, %parallel_loop3A_398 : vector<16xf32>
        %parallel_loop3A_400 = arith.constant 2 : i32
        %parallel_loop3A_401 = arith.muli %parallel_loop3A_400, %parallel_loop3A_379 : i32
        %parallel_loop3A_402 = arith.index_cast %parallel_loop3A_401 : i32 to index
        %parallel_loop3A_403 = arith.constant 32 : index
        %parallel_loop3A_404 = tpu.vector_load %arg9[%parallel_loop3A_402, %parallel_loop3A_403] {strides = array<i32>} : memref<16x128xf32, #tpu.memory_space<vmem>>, vector<16xf32>,
        %parallel_loop3A_405 = arith.addf %parallel_loop3A_382, %parallel_loop3A_404 : vector<16xf32>
        %parallel_loop3A_406 = arith.constant 2 : i32
        %parallel_loop3A_407 = arith.muli %parallel_loop3A_406, %parallel_loop3A_379 : i32
        %parallel_loop3A_408 = arith.index_cast %parallel_loop3A_407 : i32 to index
        %parallel_loop3A_409 = arith.constant 48 : index
        %parallel_loop3A_410 = tpu.vector_load %arg9[%parallel_loop3A_408, %parallel_loop3A_409] {strides = array<i32>} : memref<16x128xf32, #tpu.memory_space<vmem>>, vector<16xf32>,
        %parallel_loop3A_411 = arith.addf %parallel_loop3A_383, %parallel_loop3A_410 : vector<16xf32>
        %parallel_loop3A_412 = arith.constant 2 : i32
        %parallel_loop3A_413 = arith.muli %parallel_loop3A_412, %parallel_loop3A_379 : i32
        %parallel_loop3A_414 = arith.index_cast %parallel_loop3A_413 : i32 to index
        %parallel_loop3A_415 = arith.constant 64 : index
        %parallel_loop3A_416 = tpu.vector_load %arg9[%parallel_loop3A_414, %parallel_loop3A_415] {strides = array<i32>} : memref<16x128xf32, #tpu.memory_space<vmem>>, vector<16xf32>,
        %parallel_loop3A_417 = arith.addf %parallel_loop3A_384, %parallel_loop3A_416 : vector<16xf32>
        %parallel_loop3A_418 = arith.constant 2 : i32
        %parallel_loop3A_419 = arith.muli %parallel_loop3A_418, %parallel_loop3A_379 : i32
        %parallel_loop3A_420 = arith.index_cast %parallel_loop3A_419 : i32 to index
        %parallel_loop3A_421 = arith.constant 80 : index
        %parallel_loop3A_422 = tpu.vector_load %arg9[%parallel_loop3A_420, %parallel_loop3A_421] {strides = array<i32>} : memref<16x128xf32, #tpu.memory_space<vmem>>, vector<16xf32>,
        %parallel_loop3A_423 = arith.addf %parallel_loop3A_385, %parallel_loop3A_422 : vector<16xf32>
        %parallel_loop3A_424 = arith.constant 2 : i32
        %parallel_loop3A_425 = arith.muli %parallel_loop3A_424, %parallel_loop3A_379 : i32
        %parallel_loop3A_426 = arith.index_cast %parallel_loop3A_425 : i32 to index
        %parallel_loop3A_427 = arith.constant 96 : index
        %parallel_loop3A_428 = tpu.vector_load %arg9[%parallel_loop3A_426, %parallel_loop3A_427] {strides = array<i32>} : memref<16x128xf32, #tpu.memory_space<vmem>>, vector<16xf32>,
        %parallel_loop3A_429 = arith.addf %parallel_loop3A_386, %parallel_loop3A_428 : vector<16xf32>
        %parallel_loop3A_430 = arith.constant 2 : i32
        %parallel_loop3A_431 = arith.muli %parallel_loop3A_430, %parallel_loop3A_379 : i32
        %parallel_loop3A_432 = arith.index_cast %parallel_loop3A_431 : i32 to index
        %parallel_loop3A_433 = arith.constant 112 : index
        %parallel_loop3A_434 = tpu.vector_load %arg9[%parallel_loop3A_432, %parallel_loop3A_433] {strides = array<i32>} : memref<16x128xf32, #tpu.memory_space<vmem>>, vector<16xf32>,
        %parallel_loop3A_435 = arith.addf %parallel_loop3A_387, %parallel_loop3A_434 : vector<16xf32>
        %parallel_loop3A_436 = arith.constant 2 : i32
        %parallel_loop3A_437 = arith.muli %parallel_loop3A_436, %parallel_loop3A_379 : i32
        %parallel_loop3A_438 = arith.constant 1 : i32
        %parallel_loop3A_439 = arith.addi %parallel_loop3A_437, %parallel_loop3A_438 : i32
        %parallel_loop3A_440 = arith.index_cast %parallel_loop3A_439 : i32 to index
        %parallel_loop3A_441 = arith.constant 0 : index
        %parallel_loop3A_442 = tpu.vector_load %arg9[%parallel_loop3A_440, %parallel_loop3A_441] {strides = array<i32>} : memref<16x128xf32, #tpu.memory_space<vmem>>, vector<16xf32>,
        %parallel_loop3A_443 = arith.addf %parallel_loop3A_393, %parallel_loop3A_442 : vector<16xf32>
        %parallel_loop3A_444 = arith.constant 2 : i32
        %parallel_loop3A_445 = arith.muli %parallel_loop3A_444, %parallel_loop3A_379 : i32
        %parallel_loop3A_446 = arith.constant 1 : i32
        %parallel_loop3A_447 = arith.addi %parallel_loop3A_445, %parallel_loop3A_446 : i32
        %parallel_loop3A_448 = arith.index_cast %parallel_loop3A_447 : i32 to index
        %parallel_loop3A_449 = arith.constant 16 : index
        %parallel_loop3A_450 = tpu.vector_load %arg9[%parallel_loop3A_448, %parallel_loop3A_449] {strides = array<i32>} : memref<16x128xf32, #tpu.memory_space<vmem>>, vector<16xf32>,
        %parallel_loop3A_451 = arith.addf %parallel_loop3A_399, %parallel_loop3A_450 : vector<16xf32>
        %parallel_loop3A_452 = arith.constant 2 : i32
        %parallel_loop3A_453 = arith.muli %parallel_loop3A_452, %parallel_loop3A_379 : i32
        %parallel_loop3A_454 = arith.constant 1 : i32
        %parallel_loop3A_455 = arith.addi %parallel_loop3A_453, %parallel_loop3A_454 : i32
        %parallel_loop3A_456 = arith.index_cast %parallel_loop3A_455 : i32 to index
        %parallel_loop3A_457 = arith.constant 32 : index
        %parallel_loop3A_458 = tpu.vector_load %arg9[%parallel_loop3A_456, %parallel_loop3A_457] {strides = array<i32>} : memref<16x128xf32, #tpu.memory_space<vmem>>, vector<16xf32>,
        %parallel_loop3A_459 = arith.addf %parallel_loop3A_405, %parallel_loop3A_458 : vector<16xf32>
        %parallel_loop3A_460 = arith.constant 2 : i32
        %parallel_loop3A_461 = arith.muli %parallel_loop3A_460, %parallel_loop3A_379 : i32
        %parallel_loop3A_462 = arith.constant 1 : i32
        %parallel_loop3A_463 = arith.addi %parallel_loop3A_461, %parallel_loop3A_462 : i32
        %parallel_loop3A_464 = arith.index_cast %parallel_loop3A_463 : i32 to index
        %parallel_loop3A_465 = arith.constant 48 : index
        %parallel_loop3A_466 = tpu.vector_load %arg9[%parallel_loop3A_464, %parallel_loop3A_465] {strides = array<i32>} : memref<16x128xf32, #tpu.memory_space<vmem>>, vector<16xf32>,
        %parallel_loop3A_467 = arith.addf %parallel_loop3A_411, %parallel_loop3A_466 : vector<16xf32>
        %parallel_loop3A_468 = arith.constant 2 : i32
        %parallel_loop3A_469 = arith.muli %parallel_loop3A_468, %parallel_loop3A_379 : i32
        %parallel_loop3A_470 = arith.constant 1 : i32
        %parallel_loop3A_471 = arith.addi %parallel_loop3A_469, %parallel_loop3A_470 : i32
        %parallel_loop3A_472 = arith.index_cast %parallel_loop3A_471 : i32 to index
        %parallel_loop3A_473 = arith.constant 64 : index
        %parallel_loop3A_474 = tpu.vector_load %arg9[%parallel_loop3A_472, %parallel_loop3A_473] {strides = array<i32>} : memref<16x128xf32, #tpu.memory_space<vmem>>, vector<16xf32>,
        %parallel_loop3A_475 = arith.addf %parallel_loop3A_417, %parallel_loop3A_474 : vector<16xf32>
        %parallel_loop3A_476 = arith.constant 2 : i32
        %parallel_loop3A_477 = arith.muli %parallel_loop3A_476, %parallel_loop3A_379 : i32
        %parallel_loop3A_478 = arith.constant 1 : i32
        %parallel_loop3A_479 = arith.addi %parallel_loop3A_477, %parallel_loop3A_478 : i32
        %parallel_loop3A_480 = arith.index_cast %parallel_loop3A_479 : i32 to index
        %parallel_loop3A_481 = arith.constant 80 : index
        %parallel_loop3A_482 = tpu.vector_load %arg9[%parallel_loop3A_480, %parallel_loop3A_481] {strides = array<i32>} : memref<16x128xf32, #tpu.memory_space<vmem>>, vector<16xf32>,
        %parallel_loop3A_483 = arith.addf %parallel_loop3A_423, %parallel_loop3A_482 : vector<16xf32>
        %parallel_loop3A_484 = arith.constant 2 : i32
        %parallel_loop3A_485 = arith.muli %parallel_loop3A_484, %parallel_loop3A_379 : i32
        %parallel_loop3A_486 = arith.constant 1 : i32
        %parallel_loop3A_487 = arith.addi %parallel_loop3A_485, %parallel_loop3A_486 : i32
        %parallel_loop3A_488 = arith.index_cast %parallel_loop3A_487 : i32 to index
        %parallel_loop3A_489 = arith.constant 96 : index
        %parallel_loop3A_490 = tpu.vector_load %arg9[%parallel_loop3A_488, %parallel_loop3A_489] {strides = array<i32>} : memref<16x128xf32, #tpu.memory_space<vmem>>, vector<16xf32>,
        %parallel_loop3A_491 = arith.addf %parallel_loop3A_429, %parallel_loop3A_490 : vector<16xf32>
        %parallel_loop3A_492 = arith.constant 2 : i32
        %parallel_loop3A_493 = arith.muli %parallel_loop3A_492, %parallel_loop3A_379 : i32
        %parallel_loop3A_494 = arith.constant 1 : i32
        %parallel_loop3A_495 = arith.addi %parallel_loop3A_493, %parallel_loop3A_494 : i32
        %parallel_loop3A_496 = arith.index_cast %parallel_loop3A_495 : i32 to index
        %parallel_loop3A_497 = arith.constant 112 : index
        %parallel_loop3A_498 = tpu.vector_load %arg9[%parallel_loop3A_496, %parallel_loop3A_497] {strides = array<i32>} : memref<16x128xf32, #tpu.memory_space<vmem>>, vector<16xf32>,
        %parallel_loop3A_499 = arith.addf %parallel_loop3A_435, %parallel_loop3A_498 : vector<16xf32>
        scf.yield %parallel_loop3A_443, %parallel_loop3A_451, %parallel_loop3A_459, %parallel_loop3A_467, %parallel_loop3A_475, %parallel_loop3A_483, %parallel_loop3A_491, %parallel_loop3A_499 : vector<16xf32>, vector<16xf32>, vector<16xf32>, vector<16xf32>, vector<16xf32>, vector<16xf32>, vector<16xf32>, vector<16xf32>
      } {sc.loop_unroll_factor = 2 : i64, sc.parallel_access}
      %add3A_303 = arith.constant 4 : i32
      %add3A_304 = arith.addi %add3A_292, %add3A_303 : i32
      %lt3A_305 = arith.constant 128 : i32
      %lt3A_306 = arith.cmpi slt, %add3A_304, %lt3A_305 : i32
      %convert_element_type3A = arith.extui %lt3A_306 : i1 to i32
      %cond3A = arith.constant 0 : i32
      %cond3A_307 = arith.cmpi ne, %convert_element_type3A, %cond3A : i32
      scf.if %cond3A_307 {
        %add3A_379 = arith.constant 4 : i32
        %add3A_380 = arith.addi %add3A_292, %add3A_379 : i32
        %mul3A_381 = arith.constant 16 : i32
        %mul3A_382 = arith.muli %add3A_380, %mul3A_381 : i32
        %dma_start3A_383 = tpu.memref_slice %arg7[%mul3A_382] : memref<2048xi32, #tpu.memory_space<vmem>> -> memref<16xi32, #tpu.memory_space<vmem>>
        %dma_start3A_384 = arith.constant 0 : i32
        %dma_start3A_385 = arith.constant 0 : i32
        %dma_start3A_386 = tpu.memref_slice %arg4[%dma_start3A_384, %dma_start3A_385] : memref<100000x128xf32, #tpu.memory_space<hbm>> -> memref<100000x128xf32, #tpu.memory_space<hbm>>
        tpu.enqueue_indirect_dma source(%dma_start3A_386 : memref<100000x128xf32, #tpu.memory_space<hbm>>) target(%arg9 : memref<16x128xf32, #tpu.memory_space<vmem>>) offsets(%dma_start3A_383 : memref<16xi32, #tpu.memory_space<vmem>>) semaphore(%arg23 : memref<!tpu.dma_semaphore, #tpu.memory_space<semaphore_mem>>)
      } else {
      }
      %mul3A_308 = arith.constant 4 : i32
      %mul3A_309 = arith.muli %scan3A_280, %mul3A_308 : i32
      %add3A_310 = arith.constant 1 : i32
      %add3A_311 = arith.addi %mul3A_309, %add3A_310 : i32
      %mul3A_312 = arith.constant 16 : i32
      %mul3A_313 = arith.muli %add3A_311, %mul3A_312 : i32
      %dma_wait3A_314 = tpu.memref_slice %arg7[%mul3A_313] : memref<2048xi32, #tpu.memory_space<vmem>> -> memref<16xi32, #tpu.memory_space<vmem>>
      %dma_wait3A_315 = arith.constant 0 : i32
      %dma_wait3A_316 = arith.constant 0 : i32
      %dma_wait3A_317 = tpu.memref_slice %arg4[%dma_wait3A_315, %dma_wait3A_316] : memref<100000x128xf32, #tpu.memory_space<hbm>> -> memref<100000x128xf32, #tpu.memory_space<hbm>>
      tpu.wait_indirect_dma semaphore(%arg24 : memref<!tpu.dma_semaphore, #tpu.memory_space<semaphore_mem>>) src(%dma_wait3A_317 : memref<100000x128xf32, #tpu.memory_space<hbm>>) dst(%arg10 : memref<16x128xf32, #tpu.memory_space<vmem>>)
      %parallel_loop3A_318 = arith.constant 0 : i32
      %parallel_loop3A_319 = arith.constant 8 : i32
      %parallel_loop3A_320 = arith.constant 1 : i32
      %parallel_loop3A_321:8 = scf.for %parallel_loop3A_379 = %parallel_loop3A_318 to %parallel_loop3A_319 step %parallel_loop3A_320 iter_args(%parallel_loop3A_380 = %parallel_loop3A_302#0, %parallel_loop3A_381 = %parallel_loop3A_302#1, %parallel_loop3A_382 = %parallel_loop3A_302#2, %parallel_loop3A_383 = %parallel_loop3A_302#3, %parallel_loop3A_384 = %parallel_loop3A_302#4, %parallel_loop3A_385 = %parallel_loop3A_302#5, %parallel_loop3A_386 = %parallel_loop3A_302#6, %parallel_loop3A_387 = %parallel_loop3A_302#7) -> (vector<16xf32>, vector<16xf32>, vector<16xf32>, vector<16xf32>, vector<16xf32>, vector<16xf32>, vector<16xf32>, vector<16xf32>)  : i32 {
        %parallel_loop3A_388 = arith.constant 2 : i32
        %parallel_loop3A_389 = arith.muli %parallel_loop3A_388, %parallel_loop3A_379 : i32
        %parallel_loop3A_390 = arith.index_cast %parallel_loop3A_389 : i32 to index
        %parallel_loop3A_391 = arith.constant 0 : index
        %parallel_loop3A_392 = tpu.vector_load %arg10[%parallel_loop3A_390, %parallel_loop3A_391] {strides = array<i32>} : memref<16x128xf32, #tpu.memory_space<vmem>>, vector<16xf32>,
        %parallel_loop3A_393 = arith.addf %parallel_loop3A_380, %parallel_loop3A_392 : vector<16xf32>
        %parallel_loop3A_394 = arith.constant 2 : i32
        %parallel_loop3A_395 = arith.muli %parallel_loop3A_394, %parallel_loop3A_379 : i32
        %parallel_loop3A_396 = arith.index_cast %parallel_loop3A_395 : i32 to index
        %parallel_loop3A_397 = arith.constant 16 : index
        %parallel_loop3A_398 = tpu.vector_load %arg10[%parallel_loop3A_396, %parallel_loop3A_397] {strides = array<i32>} : memref<16x128xf32, #tpu.memory_space<vmem>>, vector<16xf32>,
        %parallel_loop3A_399 = arith.addf %parallel_loop3A_381, %parallel_loop3A_398 : vector<16xf32>
        %parallel_loop3A_400 = arith.constant 2 : i32
        %parallel_loop3A_401 = arith.muli %parallel_loop3A_400, %parallel_loop3A_379 : i32
        %parallel_loop3A_402 = arith.index_cast %parallel_loop3A_401 : i32 to index
        %parallel_loop3A_403 = arith.constant 32 : index
        %parallel_loop3A_404 = tpu.vector_load %arg10[%parallel_loop3A_402, %parallel_loop3A_403] {strides = array<i32>} : memref<16x128xf32, #tpu.memory_space<vmem>>, vector<16xf32>,
        %parallel_loop3A_405 = arith.addf %parallel_loop3A_382, %parallel_loop3A_404 : vector<16xf32>
        %parallel_loop3A_406 = arith.constant 2 : i32
        %parallel_loop3A_407 = arith.muli %parallel_loop3A_406, %parallel_loop3A_379 : i32
        %parallel_loop3A_408 = arith.index_cast %parallel_loop3A_407 : i32 to index
        %parallel_loop3A_409 = arith.constant 48 : index
        %parallel_loop3A_410 = tpu.vector_load %arg10[%parallel_loop3A_408, %parallel_loop3A_409] {strides = array<i32>} : memref<16x128xf32, #tpu.memory_space<vmem>>, vector<16xf32>,
        %parallel_loop3A_411 = arith.addf %parallel_loop3A_383, %parallel_loop3A_410 : vector<16xf32>
        %parallel_loop3A_412 = arith.constant 2 : i32
        %parallel_loop3A_413 = arith.muli %parallel_loop3A_412, %parallel_loop3A_379 : i32
        %parallel_loop3A_414 = arith.index_cast %parallel_loop3A_413 : i32 to index
        %parallel_loop3A_415 = arith.constant 64 : index
        %parallel_loop3A_416 = tpu.vector_load %arg10[%parallel_loop3A_414, %parallel_loop3A_415] {strides = array<i32>} : memref<16x128xf32, #tpu.memory_space<vmem>>, vector<16xf32>,
        %parallel_loop3A_417 = arith.addf %parallel_loop3A_384, %parallel_loop3A_416 : vector<16xf32>
        %parallel_loop3A_418 = arith.constant 2 : i32
        %parallel_loop3A_419 = arith.muli %parallel_loop3A_418, %parallel_loop3A_379 : i32
        %parallel_loop3A_420 = arith.index_cast %parallel_loop3A_419 : i32 to index
        %parallel_loop3A_421 = arith.constant 80 : index
        %parallel_loop3A_422 = tpu.vector_load %arg10[%parallel_loop3A_420, %parallel_loop3A_421] {strides = array<i32>} : memref<16x128xf32, #tpu.memory_space<vmem>>, vector<16xf32>,
        %parallel_loop3A_423 = arith.addf %parallel_loop3A_385, %parallel_loop3A_422 : vector<16xf32>
        %parallel_loop3A_424 = arith.constant 2 : i32
        %parallel_loop3A_425 = arith.muli %parallel_loop3A_424, %parallel_loop3A_379 : i32
        %parallel_loop3A_426 = arith.index_cast %parallel_loop3A_425 : i32 to index
        %parallel_loop3A_427 = arith.constant 96 : index
        %parallel_loop3A_428 = tpu.vector_load %arg10[%parallel_loop3A_426, %parallel_loop3A_427] {strides = array<i32>} : memref<16x128xf32, #tpu.memory_space<vmem>>, vector<16xf32>,
        %parallel_loop3A_429 = arith.addf %parallel_loop3A_386, %parallel_loop3A_428 : vector<16xf32>
        %parallel_loop3A_430 = arith.constant 2 : i32
        %parallel_loop3A_431 = arith.muli %parallel_loop3A_430, %parallel_loop3A_379 : i32
        %parallel_loop3A_432 = arith.index_cast %parallel_loop3A_431 : i32 to index
        %parallel_loop3A_433 = arith.constant 112 : index
        %parallel_loop3A_434 = tpu.vector_load %arg10[%parallel_loop3A_432, %parallel_loop3A_433] {strides = array<i32>} : memref<16x128xf32, #tpu.memory_space<vmem>>, vector<16xf32>,
        %parallel_loop3A_435 = arith.addf %parallel_loop3A_387, %parallel_loop3A_434 : vector<16xf32>
        %parallel_loop3A_436 = arith.constant 2 : i32
        %parallel_loop3A_437 = arith.muli %parallel_loop3A_436, %parallel_loop3A_379 : i32
        %parallel_loop3A_438 = arith.constant 1 : i32
        %parallel_loop3A_439 = arith.addi %parallel_loop3A_437, %parallel_loop3A_438 : i32
        %parallel_loop3A_440 = arith.index_cast %parallel_loop3A_439 : i32 to index
        %parallel_loop3A_441 = arith.constant 0 : index
        %parallel_loop3A_442 = tpu.vector_load %arg10[%parallel_loop3A_440, %parallel_loop3A_441] {strides = array<i32>} : memref<16x128xf32, #tpu.memory_space<vmem>>, vector<16xf32>,
        %parallel_loop3A_443 = arith.addf %parallel_loop3A_393, %parallel_loop3A_442 : vector<16xf32>
        %parallel_loop3A_444 = arith.constant 2 : i32
        %parallel_loop3A_445 = arith.muli %parallel_loop3A_444, %parallel_loop3A_379 : i32
        %parallel_loop3A_446 = arith.constant 1 : i32
        %parallel_loop3A_447 = arith.addi %parallel_loop3A_445, %parallel_loop3A_446 : i32
        %parallel_loop3A_448 = arith.index_cast %parallel_loop3A_447 : i32 to index
        %parallel_loop3A_449 = arith.constant 16 : index
        %parallel_loop3A_450 = tpu.vector_load %arg10[%parallel_loop3A_448, %parallel_loop3A_449] {strides = array<i32>} : memref<16x128xf32, #tpu.memory_space<vmem>>, vector<16xf32>,
        %parallel_loop3A_451 = arith.addf %parallel_loop3A_399, %parallel_loop3A_450 : vector<16xf32>
        %parallel_loop3A_452 = arith.constant 2 : i32
        %parallel_loop3A_453 = arith.muli %parallel_loop3A_452, %parallel_loop3A_379 : i32
        %parallel_loop3A_454 = arith.constant 1 : i32
        %parallel_loop3A_455 = arith.addi %parallel_loop3A_453, %parallel_loop3A_454 : i32
        %parallel_loop3A_456 = arith.index_cast %parallel_loop3A_455 : i32 to index
        %parallel_loop3A_457 = arith.constant 32 : index
        %parallel_loop3A_458 = tpu.vector_load %arg10[%parallel_loop3A_456, %parallel_loop3A_457] {strides = array<i32>} : memref<16x128xf32, #tpu.memory_space<vmem>>, vector<16xf32>,
        %parallel_loop3A_459 = arith.addf %parallel_loop3A_405, %parallel_loop3A_458 : vector<16xf32>
        %parallel_loop3A_460 = arith.constant 2 : i32
        %parallel_loop3A_461 = arith.muli %parallel_loop3A_460, %parallel_loop3A_379 : i32
        %parallel_loop3A_462 = arith.constant 1 : i32
        %parallel_loop3A_463 = arith.addi %parallel_loop3A_461, %parallel_loop3A_462 : i32
        %parallel_loop3A_464 = arith.index_cast %parallel_loop3A_463 : i32 to index
        %parallel_loop3A_465 = arith.constant 48 : index
        %parallel_loop3A_466 = tpu.vector_load %arg10[%parallel_loop3A_464, %parallel_loop3A_465] {strides = array<i32>} : memref<16x128xf32, #tpu.memory_space<vmem>>, vector<16xf32>,
        %parallel_loop3A_467 = arith.addf %parallel_loop3A_411, %parallel_loop3A_466 : vector<16xf32>
        %parallel_loop3A_468 = arith.constant 2 : i32
        %parallel_loop3A_469 = arith.muli %parallel_loop3A_468, %parallel_loop3A_379 : i32
        %parallel_loop3A_470 = arith.constant 1 : i32
        %parallel_loop3A_471 = arith.addi %parallel_loop3A_469, %parallel_loop3A_470 : i32
        %parallel_loop3A_472 = arith.index_cast %parallel_loop3A_471 : i32 to index
        %parallel_loop3A_473 = arith.constant 64 : index
        %parallel_loop3A_474 = tpu.vector_load %arg10[%parallel_loop3A_472, %parallel_loop3A_473] {strides = array<i32>} : memref<16x128xf32, #tpu.memory_space<vmem>>, vector<16xf32>,
        %parallel_loop3A_475 = arith.addf %parallel_loop3A_417, %parallel_loop3A_474 : vector<16xf32>
        %parallel_loop3A_476 = arith.constant 2 : i32
        %parallel_loop3A_477 = arith.muli %parallel_loop3A_476, %parallel_loop3A_379 : i32
        %parallel_loop3A_478 = arith.constant 1 : i32
        %parallel_loop3A_479 = arith.addi %parallel_loop3A_477, %parallel_loop3A_478 : i32
        %parallel_loop3A_480 = arith.index_cast %parallel_loop3A_479 : i32 to index
        %parallel_loop3A_481 = arith.constant 80 : index
        %parallel_loop3A_482 = tpu.vector_load %arg10[%parallel_loop3A_480, %parallel_loop3A_481] {strides = array<i32>} : memref<16x128xf32, #tpu.memory_space<vmem>>, vector<16xf32>,
        %parallel_loop3A_483 = arith.addf %parallel_loop3A_423, %parallel_loop3A_482 : vector<16xf32>
        %parallel_loop3A_484 = arith.constant 2 : i32
        %parallel_loop3A_485 = arith.muli %parallel_loop3A_484, %parallel_loop3A_379 : i32
        %parallel_loop3A_486 = arith.constant 1 : i32
        %parallel_loop3A_487 = arith.addi %parallel_loop3A_485, %parallel_loop3A_486 : i32
        %parallel_loop3A_488 = arith.index_cast %parallel_loop3A_487 : i32 to index
        %parallel_loop3A_489 = arith.constant 96 : index
        %parallel_loop3A_490 = tpu.vector_load %arg10[%parallel_loop3A_488, %parallel_loop3A_489] {strides = array<i32>} : memref<16x128xf32, #tpu.memory_space<vmem>>, vector<16xf32>,
        %parallel_loop3A_491 = arith.addf %parallel_loop3A_429, %parallel_loop3A_490 : vector<16xf32>
        %parallel_loop3A_492 = arith.constant 2 : i32
        %parallel_loop3A_493 = arith.muli %parallel_loop3A_492, %parallel_loop3A_379 : i32
        %parallel_loop3A_494 = arith.constant 1 : i32
        %parallel_loop3A_495 = arith.addi %parallel_loop3A_493, %parallel_loop3A_494 : i32
        %parallel_loop3A_496 = arith.index_cast %parallel_loop3A_495 : i32 to index
        %parallel_loop3A_497 = arith.constant 112 : index
        %parallel_loop3A_498 = tpu.vector_load %arg10[%parallel_loop3A_496, %parallel_loop3A_497] {strides = array<i32>} : memref<16x128xf32, #tpu.memory_space<vmem>>, vector<16xf32>,
        %parallel_loop3A_499 = arith.addf %parallel_loop3A_435, %parallel_loop3A_498 : vector<16xf32>
        scf.yield %parallel_loop3A_443, %parallel_loop3A_451, %parallel_loop3A_459, %parallel_loop3A_467, %parallel_loop3A_475, %parallel_loop3A_483, %parallel_loop3A_491, %parallel_loop3A_499 : vector<16xf32>, vector<16xf32>, vector<16xf32>, vector<16xf32>, vector<16xf32>, vector<16xf32>, vector<16xf32>, vector<16xf32>
      } {sc.loop_unroll_factor = 2 : i64, sc.parallel_access}
      %add3A_322 = arith.constant 4 : i32
      %add3A_323 = arith.addi %add3A_311, %add3A_322 : i32
      %lt3A_324 = arith.constant 128 : i32
      %lt3A_325 = arith.cmpi slt, %add3A_323, %lt3A_324 : i32
      %convert_element_type3A_326 = arith.extui %lt3A_325 : i1 to i32
      %cond3A_327 = arith.constant 0 : i32
      %cond3A_328 = arith.cmpi ne, %convert_element_type3A_326, %cond3A_327 : i32
      scf.if %cond3A_328 {
        %add3A_379 = arith.constant 4 : i32
        %add3A_380 = arith.addi %add3A_311, %add3A_379 : i32
        %mul3A_381 = arith.constant 16 : i32
        %mul3A_382 = arith.muli %add3A_380, %mul3A_381 : i32
        %dma_start3A_383 = tpu.memref_slice %arg7[%mul3A_382] : memref<2048xi32, #tpu.memory_space<vmem>> -> memref<16xi32, #tpu.memory_space<vmem>>
        %dma_start3A_384 = arith.constant 0 : i32
        %dma_start3A_385 = arith.constant 0 : i32
        %dma_start3A_386 = tpu.memref_slice %arg4[%dma_start3A_384, %dma_start3A_385] : memref<100000x128xf32, #tpu.memory_space<hbm>> -> memref<100000x128xf32, #tpu.memory_space<hbm>>
        tpu.enqueue_indirect_dma source(%dma_start3A_386 : memref<100000x128xf32, #tpu.memory_space<hbm>>) target(%arg10 : memref<16x128xf32, #tpu.memory_space<vmem>>) offsets(%dma_start3A_383 : memref<16xi32, #tpu.memory_space<vmem>>) semaphore(%arg24 : memref<!tpu.dma_semaphore, #tpu.memory_space<semaphore_mem>>)
      } else {
      }
      %mul3A_329 = arith.constant 4 : i32
      %mul3A_330 = arith.muli %scan3A_280, %mul3A_329 : i32
      %add3A_331 = arith.constant 2 : i32
      %add3A_332 = arith.addi %mul3A_330, %add3A_331 : i32
      %mul3A_333 = arith.constant 16 : i32
      %mul3A_334 = arith.muli %add3A_332, %mul3A_333 : i32
      %dma_wait3A_335 = tpu.memref_slice %arg7[%mul3A_334] : memref<2048xi32, #tpu.memory_space<vmem>> -> memref<16xi32, #tpu.memory_space<vmem>>
      %dma_wait3A_336 = arith.constant 0 : i32
      %dma_wait3A_337 = arith.constant 0 : i32
      %dma_wait3A_338 = tpu.memref_slice %arg4[%dma_wait3A_336, %dma_wait3A_337] : memref<100000x128xf32, #tpu.memory_space<hbm>> -> memref<100000x128xf32, #tpu.memory_space<hbm>>
      tpu.wait_indirect_dma semaphore(%arg25 : memref<!tpu.dma_semaphore, #tpu.memory_space<semaphore_mem>>) src(%dma_wait3A_338 : memref<100000x128xf32, #tpu.memory_space<hbm>>) dst(%arg11 : memref<16x128xf32, #tpu.memory_space<vmem>>)
      %parallel_loop3A_339 = arith.constant 0 : i32
      %parallel_loop3A_340 = arith.constant 8 : i32
      %parallel_loop3A_341 = arith.constant 1 : i32
      %parallel_loop3A_342:8 = scf.for %parallel_loop3A_379 = %parallel_loop3A_339 to %parallel_loop3A_340 step %parallel_loop3A_341 iter_args(%parallel_loop3A_380 = %parallel_loop3A_321#0, %parallel_loop3A_381 = %parallel_loop3A_321#1, %parallel_loop3A_382 = %parallel_loop3A_321#2, %parallel_loop3A_383 = %parallel_loop3A_321#3, %parallel_loop3A_384 = %parallel_loop3A_321#4, %parallel_loop3A_385 = %parallel_loop3A_321#5, %parallel_loop3A_386 = %parallel_loop3A_321#6, %parallel_loop3A_387 = %parallel_loop3A_321#7) -> (vector<16xf32>, vector<16xf32>, vector<16xf32>, vector<16xf32>, vector<16xf32>, vector<16xf32>, vector<16xf32>, vector<16xf32>)  : i32 {
        %parallel_loop3A_388 = arith.constant 2 : i32
        %parallel_loop3A_389 = arith.muli %parallel_loop3A_388, %parallel_loop3A_379 : i32
        %parallel_loop3A_390 = arith.index_cast %parallel_loop3A_389 : i32 to index
        %parallel_loop3A_391 = arith.constant 0 : index
        %parallel_loop3A_392 = tpu.vector_load %arg11[%parallel_loop3A_390, %parallel_loop3A_391] {strides = array<i32>} : memref<16x128xf32, #tpu.memory_space<vmem>>, vector<16xf32>,
        %parallel_loop3A_393 = arith.addf %parallel_loop3A_380, %parallel_loop3A_392 : vector<16xf32>
        %parallel_loop3A_394 = arith.constant 2 : i32
        %parallel_loop3A_395 = arith.muli %parallel_loop3A_394, %parallel_loop3A_379 : i32
        %parallel_loop3A_396 = arith.index_cast %parallel_loop3A_395 : i32 to index
        %parallel_loop3A_397 = arith.constant 16 : index
        %parallel_loop3A_398 = tpu.vector_load %arg11[%parallel_loop3A_396, %parallel_loop3A_397] {strides = array<i32>} : memref<16x128xf32, #tpu.memory_space<vmem>>, vector<16xf32>,
        %parallel_loop3A_399 = arith.addf %parallel_loop3A_381, %parallel_loop3A_398 : vector<16xf32>
        %parallel_loop3A_400 = arith.constant 2 : i32
        %parallel_loop3A_401 = arith.muli %parallel_loop3A_400, %parallel_loop3A_379 : i32
        %parallel_loop3A_402 = arith.index_cast %parallel_loop3A_401 : i32 to index
        %parallel_loop3A_403 = arith.constant 32 : index
        %parallel_loop3A_404 = tpu.vector_load %arg11[%parallel_loop3A_402, %parallel_loop3A_403] {strides = array<i32>} : memref<16x128xf32, #tpu.memory_space<vmem>>, vector<16xf32>,
        %parallel_loop3A_405 = arith.addf %parallel_loop3A_382, %parallel_loop3A_404 : vector<16xf32>
        %parallel_loop3A_406 = arith.constant 2 : i32
        %parallel_loop3A_407 = arith.muli %parallel_loop3A_406, %parallel_loop3A_379 : i32
        %parallel_loop3A_408 = arith.index_cast %parallel_loop3A_407 : i32 to index
        %parallel_loop3A_409 = arith.constant 48 : index
        %parallel_loop3A_410 = tpu.vector_load %arg11[%parallel_loop3A_408, %parallel_loop3A_409] {strides = array<i32>} : memref<16x128xf32, #tpu.memory_space<vmem>>, vector<16xf32>,
        %parallel_loop3A_411 = arith.addf %parallel_loop3A_383, %parallel_loop3A_410 : vector<16xf32>
        %parallel_loop3A_412 = arith.constant 2 : i32
        %parallel_loop3A_413 = arith.muli %parallel_loop3A_412, %parallel_loop3A_379 : i32
        %parallel_loop3A_414 = arith.index_cast %parallel_loop3A_413 : i32 to index
        %parallel_loop3A_415 = arith.constant 64 : index
        %parallel_loop3A_416 = tpu.vector_load %arg11[%parallel_loop3A_414, %parallel_loop3A_415] {strides = array<i32>} : memref<16x128xf32, #tpu.memory_space<vmem>>, vector<16xf32>,
        %parallel_loop3A_417 = arith.addf %parallel_loop3A_384, %parallel_loop3A_416 : vector<16xf32>
        %parallel_loop3A_418 = arith.constant 2 : i32
        %parallel_loop3A_419 = arith.muli %parallel_loop3A_418, %parallel_loop3A_379 : i32
        %parallel_loop3A_420 = arith.index_cast %parallel_loop3A_419 : i32 to index
        %parallel_loop3A_421 = arith.constant 80 : index
        %parallel_loop3A_422 = tpu.vector_load %arg11[%parallel_loop3A_420, %parallel_loop3A_421] {strides = array<i32>} : memref<16x128xf32, #tpu.memory_space<vmem>>, vector<16xf32>,
        %parallel_loop3A_423 = arith.addf %parallel_loop3A_385, %parallel_loop3A_422 : vector<16xf32>
        %parallel_loop3A_424 = arith.constant 2 : i32
        %parallel_loop3A_425 = arith.muli %parallel_loop3A_424, %parallel_loop3A_379 : i32
        %parallel_loop3A_426 = arith.index_cast %parallel_loop3A_425 : i32 to index
        %parallel_loop3A_427 = arith.constant 96 : index
        %parallel_loop3A_428 = tpu.vector_load %arg11[%parallel_loop3A_426, %parallel_loop3A_427] {strides = array<i32>} : memref<16x128xf32, #tpu.memory_space<vmem>>, vector<16xf32>,
        %parallel_loop3A_429 = arith.addf %parallel_loop3A_386, %parallel_loop3A_428 : vector<16xf32>
        %parallel_loop3A_430 = arith.constant 2 : i32
        %parallel_loop3A_431 = arith.muli %parallel_loop3A_430, %parallel_loop3A_379 : i32
        %parallel_loop3A_432 = arith.index_cast %parallel_loop3A_431 : i32 to index
        %parallel_loop3A_433 = arith.constant 112 : index
        %parallel_loop3A_434 = tpu.vector_load %arg11[%parallel_loop3A_432, %parallel_loop3A_433] {strides = array<i32>} : memref<16x128xf32, #tpu.memory_space<vmem>>, vector<16xf32>,
        %parallel_loop3A_435 = arith.addf %parallel_loop3A_387, %parallel_loop3A_434 : vector<16xf32>
        %parallel_loop3A_436 = arith.constant 2 : i32
        %parallel_loop3A_437 = arith.muli %parallel_loop3A_436, %parallel_loop3A_379 : i32
        %parallel_loop3A_438 = arith.constant 1 : i32
        %parallel_loop3A_439 = arith.addi %parallel_loop3A_437, %parallel_loop3A_438 : i32
        %parallel_loop3A_440 = arith.index_cast %parallel_loop3A_439 : i32 to index
        %parallel_loop3A_441 = arith.constant 0 : index
        %parallel_loop3A_442 = tpu.vector_load %arg11[%parallel_loop3A_440, %parallel_loop3A_441] {strides = array<i32>} : memref<16x128xf32, #tpu.memory_space<vmem>>, vector<16xf32>,
        %parallel_loop3A_443 = arith.addf %parallel_loop3A_393, %parallel_loop3A_442 : vector<16xf32>
        %parallel_loop3A_444 = arith.constant 2 : i32
        %parallel_loop3A_445 = arith.muli %parallel_loop3A_444, %parallel_loop3A_379 : i32
        %parallel_loop3A_446 = arith.constant 1 : i32
        %parallel_loop3A_447 = arith.addi %parallel_loop3A_445, %parallel_loop3A_446 : i32
        %parallel_loop3A_448 = arith.index_cast %parallel_loop3A_447 : i32 to index
        %parallel_loop3A_449 = arith.constant 16 : index
        %parallel_loop3A_450 = tpu.vector_load %arg11[%parallel_loop3A_448, %parallel_loop3A_449] {strides = array<i32>} : memref<16x128xf32, #tpu.memory_space<vmem>>, vector<16xf32>,
        %parallel_loop3A_451 = arith.addf %parallel_loop3A_399, %parallel_loop3A_450 : vector<16xf32>
        %parallel_loop3A_452 = arith.constant 2 : i32
        %parallel_loop3A_453 = arith.muli %parallel_loop3A_452, %parallel_loop3A_379 : i32
        %parallel_loop3A_454 = arith.constant 1 : i32
        %parallel_loop3A_455 = arith.addi %parallel_loop3A_453, %parallel_loop3A_454 : i32
        %parallel_loop3A_456 = arith.index_cast %parallel_loop3A_455 : i32 to index
        %parallel_loop3A_457 = arith.constant 32 : index
        %parallel_loop3A_458 = tpu.vector_load %arg11[%parallel_loop3A_456, %parallel_loop3A_457] {strides = array<i32>} : memref<16x128xf32, #tpu.memory_space<vmem>>, vector<16xf32>,
        %parallel_loop3A_459 = arith.addf %parallel_loop3A_405, %parallel_loop3A_458 : vector<16xf32>
        %parallel_loop3A_460 = arith.constant 2 : i32
        %parallel_loop3A_461 = arith.muli %parallel_loop3A_460, %parallel_loop3A_379 : i32
        %parallel_loop3A_462 = arith.constant 1 : i32
        %parallel_loop3A_463 = arith.addi %parallel_loop3A_461, %parallel_loop3A_462 : i32
        %parallel_loop3A_464 = arith.index_cast %parallel_loop3A_463 : i32 to index
        %parallel_loop3A_465 = arith.constant 48 : index
        %parallel_loop3A_466 = tpu.vector_load %arg11[%parallel_loop3A_464, %parallel_loop3A_465] {strides = array<i32>} : memref<16x128xf32, #tpu.memory_space<vmem>>, vector<16xf32>,
        %parallel_loop3A_467 = arith.addf %parallel_loop3A_411, %parallel_loop3A_466 : vector<16xf32>
        %parallel_loop3A_468 = arith.constant 2 : i32
        %parallel_loop3A_469 = arith.muli %parallel_loop3A_468, %parallel_loop3A_379 : i32
        %parallel_loop3A_470 = arith.constant 1 : i32
        %parallel_loop3A_471 = arith.addi %parallel_loop3A_469, %parallel_loop3A_470 : i32
        %parallel_loop3A_472 = arith.index_cast %parallel_loop3A_471 : i32 to index
        %parallel_loop3A_473 = arith.constant 64 : index
        %parallel_loop3A_474 = tpu.vector_load %arg11[%parallel_loop3A_472, %parallel_loop3A_473] {strides = array<i32>} : memref<16x128xf32, #tpu.memory_space<vmem>>, vector<16xf32>,
        %parallel_loop3A_475 = arith.addf %parallel_loop3A_417, %parallel_loop3A_474 : vector<16xf32>
        %parallel_loop3A_476 = arith.constant 2 : i32
        %parallel_loop3A_477 = arith.muli %parallel_loop3A_476, %parallel_loop3A_379 : i32
        %parallel_loop3A_478 = arith.constant 1 : i32
        %parallel_loop3A_479 = arith.addi %parallel_loop3A_477, %parallel_loop3A_478 : i32
        %parallel_loop3A_480 = arith.index_cast %parallel_loop3A_479 : i32 to index
        %parallel_loop3A_481 = arith.constant 80 : index
        %parallel_loop3A_482 = tpu.vector_load %arg11[%parallel_loop3A_480, %parallel_loop3A_481] {strides = array<i32>} : memref<16x128xf32, #tpu.memory_space<vmem>>, vector<16xf32>,
        %parallel_loop3A_483 = arith.addf %parallel_loop3A_423, %parallel_loop3A_482 : vector<16xf32>
        %parallel_loop3A_484 = arith.constant 2 : i32
        %parallel_loop3A_485 = arith.muli %parallel_loop3A_484, %parallel_loop3A_379 : i32
        %parallel_loop3A_486 = arith.constant 1 : i32
        %parallel_loop3A_487 = arith.addi %parallel_loop3A_485, %parallel_loop3A_486 : i32
        %parallel_loop3A_488 = arith.index_cast %parallel_loop3A_487 : i32 to index
        %parallel_loop3A_489 = arith.constant 96 : index
        %parallel_loop3A_490 = tpu.vector_load %arg11[%parallel_loop3A_488, %parallel_loop3A_489] {strides = array<i32>} : memref<16x128xf32, #tpu.memory_space<vmem>>, vector<16xf32>,
        %parallel_loop3A_491 = arith.addf %parallel_loop3A_429, %parallel_loop3A_490 : vector<16xf32>
        %parallel_loop3A_492 = arith.constant 2 : i32
        %parallel_loop3A_493 = arith.muli %parallel_loop3A_492, %parallel_loop3A_379 : i32
        %parallel_loop3A_494 = arith.constant 1 : i32
        %parallel_loop3A_495 = arith.addi %parallel_loop3A_493, %parallel_loop3A_494 : i32
        %parallel_loop3A_496 = arith.index_cast %parallel_loop3A_495 : i32 to index
        %parallel_loop3A_497 = arith.constant 112 : index
        %parallel_loop3A_498 = tpu.vector_load %arg11[%parallel_loop3A_496, %parallel_loop3A_497] {strides = array<i32>} : memref<16x128xf32, #tpu.memory_space<vmem>>, vector<16xf32>,
        %parallel_loop3A_499 = arith.addf %parallel_loop3A_435, %parallel_loop3A_498 : vector<16xf32>
        scf.yield %parallel_loop3A_443, %parallel_loop3A_451, %parallel_loop3A_459, %parallel_loop3A_467, %parallel_loop3A_475, %parallel_loop3A_483, %parallel_loop3A_491, %parallel_loop3A_499 : vector<16xf32>, vector<16xf32>, vector<16xf32>, vector<16xf32>, vector<16xf32>, vector<16xf32>, vector<16xf32>, vector<16xf32>
      } {sc.loop_unroll_factor = 2 : i64, sc.parallel_access}
      %add3A_343 = arith.constant 4 : i32
      %add3A_344 = arith.addi %add3A_332, %add3A_343 : i32
      %lt3A_345 = arith.constant 128 : i32
      %lt3A_346 = arith.cmpi slt, %add3A_344, %lt3A_345 : i32
      %convert_element_type3A_347 = arith.extui %lt3A_346 : i1 to i32
      %cond3A_348 = arith.constant 0 : i32
      %cond3A_349 = arith.cmpi ne, %convert_element_type3A_347, %cond3A_348 : i32
      scf.if %cond3A_349 {
        %add3A_379 = arith.constant 4 : i32
        %add3A_380 = arith.addi %add3A_332, %add3A_379 : i32
        %mul3A_381 = arith.constant 16 : i32
        %mul3A_382 = arith.muli %add3A_380, %mul3A_381 : i32
        %dma_start3A_383 = tpu.memref_slice %arg7[%mul3A_382] : memref<2048xi32, #tpu.memory_space<vmem>> -> memref<16xi32, #tpu.memory_space<vmem>>
        %dma_start3A_384 = arith.constant 0 : i32
        %dma_start3A_385 = arith.constant 0 : i32
        %dma_start3A_386 = tpu.memref_slice %arg4[%dma_start3A_384, %dma_start3A_385] : memref<100000x128xf32, #tpu.memory_space<hbm>> -> memref<100000x128xf32, #tpu.memory_space<hbm>>
        tpu.enqueue_indirect_dma source(%dma_start3A_386 : memref<100000x128xf32, #tpu.memory_space<hbm>>) target(%arg11 : memref<16x128xf32, #tpu.memory_space<vmem>>) offsets(%dma_start3A_383 : memref<16xi32, #tpu.memory_space<vmem>>) semaphore(%arg25 : memref<!tpu.dma_semaphore, #tpu.memory_space<semaphore_mem>>)
      } else {
      }
      %mul3A_350 = arith.constant 4 : i32
      %mul3A_351 = arith.muli %scan3A_280, %mul3A_350 : i32
      %add3A_352 = arith.constant 3 : i32
      %add3A_353 = arith.addi %mul3A_351, %add3A_352 : i32
      %mul3A_354 = arith.constant 16 : i32
      %mul3A_355 = arith.muli %add3A_353, %mul3A_354 : i32
      %dma_wait3A_356 = tpu.memref_slice %arg7[%mul3A_355] : memref<2048xi32, #tpu.memory_space<vmem>> -> memref<16xi32, #tpu.memory_space<vmem>>
      %dma_wait3A_357 = arith.constant 0 : i32
      %dma_wait3A_358 = arith.constant 0 : i32
      %dma_wait3A_359 = tpu.memref_slice %arg4[%dma_wait3A_357, %dma_wait3A_358] : memref<100000x128xf32, #tpu.memory_space<hbm>> -> memref<100000x128xf32, #tpu.memory_space<hbm>>
      tpu.wait_indirect_dma semaphore(%arg26 : memref<!tpu.dma_semaphore, #tpu.memory_space<semaphore_mem>>) src(%dma_wait3A_359 : memref<100000x128xf32, #tpu.memory_space<hbm>>) dst(%arg12 : memref<16x128xf32, #tpu.memory_space<vmem>>)
      %parallel_loop3A_360 = arith.constant 0 : i32
      %parallel_loop3A_361 = arith.constant 8 : i32
      %parallel_loop3A_362 = arith.constant 1 : i32
      %parallel_loop3A_363:8 = scf.for %parallel_loop3A_379 = %parallel_loop3A_360 to %parallel_loop3A_361 step %parallel_loop3A_362 iter_args(%parallel_loop3A_380 = %parallel_loop3A_342#0, %parallel_loop3A_381 = %parallel_loop3A_342#1, %parallel_loop3A_382 = %parallel_loop3A_342#2, %parallel_loop3A_383 = %parallel_loop3A_342#3, %parallel_loop3A_384 = %parallel_loop3A_342#4, %parallel_loop3A_385 = %parallel_loop3A_342#5, %parallel_loop3A_386 = %parallel_loop3A_342#6, %parallel_loop3A_387 = %parallel_loop3A_342#7) -> (vector<16xf32>, vector<16xf32>, vector<16xf32>, vector<16xf32>, vector<16xf32>, vector<16xf32>, vector<16xf32>, vector<16xf32>)  : i32 {
        %parallel_loop3A_388 = arith.constant 2 : i32
        %parallel_loop3A_389 = arith.muli %parallel_loop3A_388, %parallel_loop3A_379 : i32
        %parallel_loop3A_390 = arith.index_cast %parallel_loop3A_389 : i32 to index
        %parallel_loop3A_391 = arith.constant 0 : index
        %parallel_loop3A_392 = tpu.vector_load %arg12[%parallel_loop3A_390, %parallel_loop3A_391] {strides = array<i32>} : memref<16x128xf32, #tpu.memory_space<vmem>>, vector<16xf32>,
        %parallel_loop3A_393 = arith.addf %parallel_loop3A_380, %parallel_loop3A_392 : vector<16xf32>
        %parallel_loop3A_394 = arith.constant 2 : i32
        %parallel_loop3A_395 = arith.muli %parallel_loop3A_394, %parallel_loop3A_379 : i32
        %parallel_loop3A_396 = arith.index_cast %parallel_loop3A_395 : i32 to index
        %parallel_loop3A_397 = arith.constant 16 : index
        %parallel_loop3A_398 = tpu.vector_load %arg12[%parallel_loop3A_396, %parallel_loop3A_397] {strides = array<i32>} : memref<16x128xf32, #tpu.memory_space<vmem>>, vector<16xf32>,
        %parallel_loop3A_399 = arith.addf %parallel_loop3A_381, %parallel_loop3A_398 : vector<16xf32>
        %parallel_loop3A_400 = arith.constant 2 : i32
        %parallel_loop3A_401 = arith.muli %parallel_loop3A_400, %parallel_loop3A_379 : i32
        %parallel_loop3A_402 = arith.index_cast %parallel_loop3A_401 : i32 to index
        %parallel_loop3A_403 = arith.constant 32 : index
        %parallel_loop3A_404 = tpu.vector_load %arg12[%parallel_loop3A_402, %parallel_loop3A_403] {strides = array<i32>} : memref<16x128xf32, #tpu.memory_space<vmem>>, vector<16xf32>,
        %parallel_loop3A_405 = arith.addf %parallel_loop3A_382, %parallel_loop3A_404 : vector<16xf32>
        %parallel_loop3A_406 = arith.constant 2 : i32
        %parallel_loop3A_407 = arith.muli %parallel_loop3A_406, %parallel_loop3A_379 : i32
        %parallel_loop3A_408 = arith.index_cast %parallel_loop3A_407 : i32 to index
        %parallel_loop3A_409 = arith.constant 48 : index
        %parallel_loop3A_410 = tpu.vector_load %arg12[%parallel_loop3A_408, %parallel_loop3A_409] {strides = array<i32>} : memref<16x128xf32, #tpu.memory_space<vmem>>, vector<16xf32>,
        %parallel_loop3A_411 = arith.addf %parallel_loop3A_383, %parallel_loop3A_410 : vector<16xf32>
        %parallel_loop3A_412 = arith.constant 2 : i32
        %parallel_loop3A_413 = arith.muli %parallel_loop3A_412, %parallel_loop3A_379 : i32
        %parallel_loop3A_414 = arith.index_cast %parallel_loop3A_413 : i32 to index
        %parallel_loop3A_415 = arith.constant 64 : index
        %parallel_loop3A_416 = tpu.vector_load %arg12[%parallel_loop3A_414, %parallel_loop3A_415] {strides = array<i32>} : memref<16x128xf32, #tpu.memory_space<vmem>>, vector<16xf32>,
        %parallel_loop3A_417 = arith.addf %parallel_loop3A_384, %parallel_loop3A_416 : vector<16xf32>
        %parallel_loop3A_418 = arith.constant 2 : i32
        %parallel_loop3A_419 = arith.muli %parallel_loop3A_418, %parallel_loop3A_379 : i32
        %parallel_loop3A_420 = arith.index_cast %parallel_loop3A_419 : i32 to index
        %parallel_loop3A_421 = arith.constant 80 : index
        %parallel_loop3A_422 = tpu.vector_load %arg12[%parallel_loop3A_420, %parallel_loop3A_421] {strides = array<i32>} : memref<16x128xf32, #tpu.memory_space<vmem>>, vector<16xf32>,
        %parallel_loop3A_423 = arith.addf %parallel_loop3A_385, %parallel_loop3A_422 : vector<16xf32>
        %parallel_loop3A_424 = arith.constant 2 : i32
        %parallel_loop3A_425 = arith.muli %parallel_loop3A_424, %parallel_loop3A_379 : i32
        %parallel_loop3A_426 = arith.index_cast %parallel_loop3A_425 : i32 to index
        %parallel_loop3A_427 = arith.constant 96 : index
        %parallel_loop3A_428 = tpu.vector_load %arg12[%parallel_loop3A_426, %parallel_loop3A_427] {strides = array<i32>} : memref<16x128xf32, #tpu.memory_space<vmem>>, vector<16xf32>,
        %parallel_loop3A_429 = arith.addf %parallel_loop3A_386, %parallel_loop3A_428 : vector<16xf32>
        %parallel_loop3A_430 = arith.constant 2 : i32
        %parallel_loop3A_431 = arith.muli %parallel_loop3A_430, %parallel_loop3A_379 : i32
        %parallel_loop3A_432 = arith.index_cast %parallel_loop3A_431 : i32 to index
        %parallel_loop3A_433 = arith.constant 112 : index
        %parallel_loop3A_434 = tpu.vector_load %arg12[%parallel_loop3A_432, %parallel_loop3A_433] {strides = array<i32>} : memref<16x128xf32, #tpu.memory_space<vmem>>, vector<16xf32>,
        %parallel_loop3A_435 = arith.addf %parallel_loop3A_387, %parallel_loop3A_434 : vector<16xf32>
        %parallel_loop3A_436 = arith.constant 2 : i32
        %parallel_loop3A_437 = arith.muli %parallel_loop3A_436, %parallel_loop3A_379 : i32
        %parallel_loop3A_438 = arith.constant 1 : i32
        %parallel_loop3A_439 = arith.addi %parallel_loop3A_437, %parallel_loop3A_438 : i32
        %parallel_loop3A_440 = arith.index_cast %parallel_loop3A_439 : i32 to index
        %parallel_loop3A_441 = arith.constant 0 : index
        %parallel_loop3A_442 = tpu.vector_load %arg12[%parallel_loop3A_440, %parallel_loop3A_441] {strides = array<i32>} : memref<16x128xf32, #tpu.memory_space<vmem>>, vector<16xf32>,
        %parallel_loop3A_443 = arith.addf %parallel_loop3A_393, %parallel_loop3A_442 : vector<16xf32>
        %parallel_loop3A_444 = arith.constant 2 : i32
        %parallel_loop3A_445 = arith.muli %parallel_loop3A_444, %parallel_loop3A_379 : i32
        %parallel_loop3A_446 = arith.constant 1 : i32
        %parallel_loop3A_447 = arith.addi %parallel_loop3A_445, %parallel_loop3A_446 : i32
        %parallel_loop3A_448 = arith.index_cast %parallel_loop3A_447 : i32 to index
        %parallel_loop3A_449 = arith.constant 16 : index
        %parallel_loop3A_450 = tpu.vector_load %arg12[%parallel_loop3A_448, %parallel_loop3A_449] {strides = array<i32>} : memref<16x128xf32, #tpu.memory_space<vmem>>, vector<16xf32>,
        %parallel_loop3A_451 = arith.addf %parallel_loop3A_399, %parallel_loop3A_450 : vector<16xf32>
        %parallel_loop3A_452 = arith.constant 2 : i32
        %parallel_loop3A_453 = arith.muli %parallel_loop3A_452, %parallel_loop3A_379 : i32
        %parallel_loop3A_454 = arith.constant 1 : i32
        %parallel_loop3A_455 = arith.addi %parallel_loop3A_453, %parallel_loop3A_454 : i32
        %parallel_loop3A_456 = arith.index_cast %parallel_loop3A_455 : i32 to index
        %parallel_loop3A_457 = arith.constant 32 : index
        %parallel_loop3A_458 = tpu.vector_load %arg12[%parallel_loop3A_456, %parallel_loop3A_457] {strides = array<i32>} : memref<16x128xf32, #tpu.memory_space<vmem>>, vector<16xf32>,
        %parallel_loop3A_459 = arith.addf %parallel_loop3A_405, %parallel_loop3A_458 : vector<16xf32>
        %parallel_loop3A_460 = arith.constant 2 : i32
        %parallel_loop3A_461 = arith.muli %parallel_loop3A_460, %parallel_loop3A_379 : i32
        %parallel_loop3A_462 = arith.constant 1 : i32
        %parallel_loop3A_463 = arith.addi %parallel_loop3A_461, %parallel_loop3A_462 : i32
        %parallel_loop3A_464 = arith.index_cast %parallel_loop3A_463 : i32 to index
        %parallel_loop3A_465 = arith.constant 48 : index
        %parallel_loop3A_466 = tpu.vector_load %arg12[%parallel_loop3A_464, %parallel_loop3A_465] {strides = array<i32>} : memref<16x128xf32, #tpu.memory_space<vmem>>, vector<16xf32>,
        %parallel_loop3A_467 = arith.addf %parallel_loop3A_411, %parallel_loop3A_466 : vector<16xf32>
        %parallel_loop3A_468 = arith.constant 2 : i32
        %parallel_loop3A_469 = arith.muli %parallel_loop3A_468, %parallel_loop3A_379 : i32
        %parallel_loop3A_470 = arith.constant 1 : i32
        %parallel_loop3A_471 = arith.addi %parallel_loop3A_469, %parallel_loop3A_470 : i32
        %parallel_loop3A_472 = arith.index_cast %parallel_loop3A_471 : i32 to index
        %parallel_loop3A_473 = arith.constant 64 : index
        %parallel_loop3A_474 = tpu.vector_load %arg12[%parallel_loop3A_472, %parallel_loop3A_473] {strides = array<i32>} : memref<16x128xf32, #tpu.memory_space<vmem>>, vector<16xf32>,
        %parallel_loop3A_475 = arith.addf %parallel_loop3A_417, %parallel_loop3A_474 : vector<16xf32>
        %parallel_loop3A_476 = arith.constant 2 : i32
        %parallel_loop3A_477 = arith.muli %parallel_loop3A_476, %parallel_loop3A_379 : i32
        %parallel_loop3A_478 = arith.constant 1 : i32
        %parallel_loop3A_479 = arith.addi %parallel_loop3A_477, %parallel_loop3A_478 : i32
        %parallel_loop3A_480 = arith.index_cast %parallel_loop3A_479 : i32 to index
        %parallel_loop3A_481 = arith.constant 80 : index
        %parallel_loop3A_482 = tpu.vector_load %arg12[%parallel_loop3A_480, %parallel_loop3A_481] {strides = array<i32>} : memref<16x128xf32, #tpu.memory_space<vmem>>, vector<16xf32>,
        %parallel_loop3A_483 = arith.addf %parallel_loop3A_423, %parallel_loop3A_482 : vector<16xf32>
        %parallel_loop3A_484 = arith.constant 2 : i32
        %parallel_loop3A_485 = arith.muli %parallel_loop3A_484, %parallel_loop3A_379 : i32
        %parallel_loop3A_486 = arith.constant 1 : i32
        %parallel_loop3A_487 = arith.addi %parallel_loop3A_485, %parallel_loop3A_486 : i32
        %parallel_loop3A_488 = arith.index_cast %parallel_loop3A_487 : i32 to index
        %parallel_loop3A_489 = arith.constant 96 : index
        %parallel_loop3A_490 = tpu.vector_load %arg12[%parallel_loop3A_488, %parallel_loop3A_489] {strides = array<i32>} : memref<16x128xf32, #tpu.memory_space<vmem>>, vector<16xf32>,
        %parallel_loop3A_491 = arith.addf %parallel_loop3A_429, %parallel_loop3A_490 : vector<16xf32>
        %parallel_loop3A_492 = arith.constant 2 : i32
        %parallel_loop3A_493 = arith.muli %parallel_loop3A_492, %parallel_loop3A_379 : i32
        %parallel_loop3A_494 = arith.constant 1 : i32
        %parallel_loop3A_495 = arith.addi %parallel_loop3A_493, %parallel_loop3A_494 : i32
        %parallel_loop3A_496 = arith.index_cast %parallel_loop3A_495 : i32 to index
        %parallel_loop3A_497 = arith.constant 112 : index
        %parallel_loop3A_498 = tpu.vector_load %arg12[%parallel_loop3A_496, %parallel_loop3A_497] {strides = array<i32>} : memref<16x128xf32, #tpu.memory_space<vmem>>, vector<16xf32>,
        %parallel_loop3A_499 = arith.addf %parallel_loop3A_435, %parallel_loop3A_498 : vector<16xf32>
        scf.yield %parallel_loop3A_443, %parallel_loop3A_451, %parallel_loop3A_459, %parallel_loop3A_467, %parallel_loop3A_475, %parallel_loop3A_483, %parallel_loop3A_491, %parallel_loop3A_499 : vector<16xf32>, vector<16xf32>, vector<16xf32>, vector<16xf32>, vector<16xf32>, vector<16xf32>, vector<16xf32>, vector<16xf32>
      } {sc.loop_unroll_factor = 2 : i64, sc.parallel_access}
      %add3A_364 = arith.constant 4 : i32
      %add3A_365 = arith.addi %add3A_353, %add3A_364 : i32
      %lt3A_366 = arith.constant 128 : i32
      %lt3A_367 = arith.cmpi slt, %add3A_365, %lt3A_366 : i32
      %convert_element_type3A_368 = arith.extui %lt3A_367 : i1 to i32
      %cond3A_369 = arith.constant 0 : i32
      %cond3A_370 = arith.cmpi ne, %convert_element_type3A_368, %cond3A_369 : i32
      scf.if %cond3A_370 {
        %add3A_379 = arith.constant 4 : i32
        %add3A_380 = arith.addi %add3A_353, %add3A_379 : i32
        %mul3A_381 = arith.constant 16 : i32
        %mul3A_382 = arith.muli %add3A_380, %mul3A_381 : i32
        %dma_start3A_383 = tpu.memref_slice %arg7[%mul3A_382] : memref<2048xi32, #tpu.memory_space<vmem>> -> memref<16xi32, #tpu.memory_space<vmem>>
        %dma_start3A_384 = arith.constant 0 : i32
        %dma_start3A_385 = arith.constant 0 : i32
        %dma_start3A_386 = tpu.memref_slice %arg4[%dma_start3A_384, %dma_start3A_385] : memref<100000x128xf32, #tpu.memory_space<hbm>> -> memref<100000x128xf32, #tpu.memory_space<hbm>>
        tpu.enqueue_indirect_dma source(%dma_start3A_386 : memref<100000x128xf32, #tpu.memory_space<hbm>>) target(%arg12 : memref<16x128xf32, #tpu.memory_space<vmem>>) offsets(%dma_start3A_383 : memref<16xi32, #tpu.memory_space<vmem>>) semaphore(%arg26 : memref<!tpu.dma_semaphore, #tpu.memory_space<semaphore_mem>>)
      } else {
      }
      %sub3A_371 = arith.constant 4 : i32
      %sub3A_372 = arith.subi %scan3A_280, %sub3A_371 : i32
      %mul3A_373 = arith.constant 447 : i32
      %mul3A_374 = arith.muli %sub3A_372, %mul3A_373 : i32
      %add3A_375 = arith.constant 447 : i32
      %add3A_376 = arith.addi %mul3A_374, %add3A_375 : i32
      %min3A = arith.constant 6250 : i32
      %min3A_377 = arith.minsi %add3A_376, %min3A : i32
      %parallel_loop3A_378 = arith.constant 1 : i32
      scf.for %parallel_loop3A_379 = %mul3A_374 to %min3A_377 step %parallel_loop3A_378  : i32 {
        %parallel_loop3A_380 = arith.constant 16 : i32
        %parallel_loop3A_381 = arith.muli %parallel_loop3A_379, %parallel_loop3A_380 : i32
        %parallel_loop3A_382 = arith.index_cast %parallel_loop3A_381 : i32 to index
        %parallel_loop3A_383 = tpu.vector_load %arg8[%parallel_loop3A_382] {strides = array<i32>} : memref<100000xf32, #tpu.memory_space<vmem>>, vector<16xf32>,
        %parallel_loop3A_384 = tpu.bitcast %parallel_loop3A_383 : vector<16xf32> -> vector<16xi32>
        %parallel_loop3A_385 = arith.constant 31 : i32
        %parallel_loop3A_386 = vector.broadcast %parallel_loop3A_385 : i32 to vector<16xi32>
        %parallel_loop3A_387 = arith.shrsi %parallel_loop3A_384, %parallel_loop3A_386 : vector<16xi32>
        %parallel_loop3A_388 = arith.constant -2147483648 : i32
        %parallel_loop3A_389 = vector.broadcast %parallel_loop3A_388 : i32 to vector<16xi32>
        %parallel_loop3A_390 = arith.ori %parallel_loop3A_387, %parallel_loop3A_389 : vector<16xi32>
        %parallel_loop3A_391 = arith.xori %parallel_loop3A_384, %parallel_loop3A_390 : vector<16xi32>
        %parallel_loop3A_392 = vector.bitcast %parallel_loop3A_391 : vector<16xi32> to vector<16xi32>
        %parallel_loop3A_393 = arith.constant 24 : i32
        %parallel_loop3A_394 = vector.broadcast %parallel_loop3A_393 : i32 to vector<16xi32>
        %parallel_loop3A_395 = arith.shrui %parallel_loop3A_392, %parallel_loop3A_394 : vector<16xi32>
        %parallel_loop3A_396 = arith.constant 16 : i32
        %parallel_loop3A_397 = vector.broadcast %parallel_loop3A_396 : i32 to vector<16xi32>
        %parallel_loop3A_398 = arith.muli %parallel_loop3A_395, %parallel_loop3A_397 : vector<16xi32>
        %parallel_loop3A_399 = arith.addi %parallel_loop3A_398, %iota3A : vector<16xi32>
        tpu.vector_store_idx %arg14[%parallel_loop3A_399], %broadcast_in_dim3A_1 {add = true} : memref<4096xi32, #tpu.memory_space<vmem>>[vector<16xi32>], vector<16xi32>,
      } {sc.loop_unroll_factor = 4 : i64, sc.parallel_access}
      scf.yield %parallel_loop3A_363#0, %parallel_loop3A_363#1, %parallel_loop3A_363#2, %parallel_loop3A_363#3, %parallel_loop3A_363#4, %parallel_loop3A_363#5, %parallel_loop3A_363#6, %parallel_loop3A_363#7 : vector<16xf32>, vector<16xf32>, vector<16xf32>, vector<16xf32>, vector<16xf32>, vector<16xf32>, vector<16xf32>, vector<16xf32>
    }
    %scan3A_74 = arith.constant 14 : i32
    %parallel_loop3A_75 = arith.constant 0 : i32
    %parallel_loop3A_76 = arith.constant 256 : i32
    %parallel_loop3A_77 = arith.constant 1 : i32
    %parallel_loop3A_78 = arith.constant 20 : i32
    %parallel_loop3A_79 = arith.constant 0 : i32
    %parallel_loop3A_80 = arith.constant 0 : i32
    %parallel_loop3A_81 = arith.constant 0 : i32
    %parallel_loop3A_82 = arith.constant false
    %parallel_loop3A_83:4 = scf.for %parallel_loop3A_280 = %parallel_loop3A_75 to %parallel_loop3A_76 step %parallel_loop3A_77 iter_args(%parallel_loop3A_281 = %parallel_loop3A_79, %parallel_loop3A_282 = %parallel_loop3A_80, %parallel_loop3A_283 = %parallel_loop3A_81, %parallel_loop3A_284 = %parallel_loop3A_82) -> (i32, i32, i32, i1)  : i32 {
      %parallel_loop3A_285 = arith.constant 255 : i32
      %parallel_loop3A_286 = arith.subi %parallel_loop3A_285, %parallel_loop3A_280 : i32
      %parallel_loop3A_287 = arith.constant 16 : i32
      %parallel_loop3A_288 = arith.muli %parallel_loop3A_286, %parallel_loop3A_287 : i32
      %parallel_loop3A_289 = arith.index_cast %parallel_loop3A_288 : i32 to index
      %parallel_loop3A_290 = tpu.vector_load %arg14[%parallel_loop3A_289] {strides = array<i32>} : memref<4096xi32, #tpu.memory_space<vmem>>, vector<16xi32>,
      %parallel_loop3A_291 = arith.constant true
      %parallel_loop3A_292 = vector.broadcast %parallel_loop3A_291 : i1 to vector<16xi1>
      %parallel_loop3A_293 = tpu.scan <sum>, %parallel_loop3A_290 masked %parallel_loop3A_292 : vector<16xi32>, vector<16xi1> -> vector<16xi32>
      %parallel_loop3A_294 = vector.extract %parallel_loop3A_293[15] : i32 from vector<16xi32>
      %parallel_loop3A_295 = arith.constant true
      %parallel_loop3A_296 = arith.xori %parallel_loop3A_284, %parallel_loop3A_295 : i1
      %parallel_loop3A_297 = arith.addi %parallel_loop3A_281, %parallel_loop3A_294 : i32
      %parallel_loop3A_298 = arith.cmpi sge, %parallel_loop3A_297, %parallel_loop3A_78 : i32
      %parallel_loop3A_299 = arith.andi %parallel_loop3A_296, %parallel_loop3A_298 : i1
      %parallel_loop3A_300 = arith.select %parallel_loop3A_299, %parallel_loop3A_286, %parallel_loop3A_282 : i32
      %parallel_loop3A_301 = arith.select %parallel_loop3A_299, %parallel_loop3A_281, %parallel_loop3A_283 : i32
      %parallel_loop3A_302 = arith.addi %parallel_loop3A_281, %parallel_loop3A_294 : i32
      %parallel_loop3A_303 = arith.ori %parallel_loop3A_284, %parallel_loop3A_299 : i1
      scf.yield %parallel_loop3A_302, %parallel_loop3A_300, %parallel_loop3A_301, %parallel_loop3A_303 : i32, i32, i32, i1
    } {sc.loop_unroll_factor = 4 : i64, sc.parallel_access}
    %scan3A_84 = arith.constant 0 : i32
    %scan3A_85 = arith.constant 18 : i32
    %scan3A_86 = arith.constant 14 : i32
    %scan3A_87 = arith.addi %scan3A_85, %scan3A_86 : i32
    %scan3A_88 = arith.constant 1 : i32
    %scan3A_89:9 = scf.for %scan3A_280 = %scan3A_85 to %scan3A_87 step %scan3A_88 iter_args(%scan3A_281 = %scan3A_73#0, %scan3A_282 = %scan3A_73#1, %scan3A_283 = %scan3A_73#2, %scan3A_284 = %scan3A_73#3, %scan3A_285 = %scan3A_73#4, %scan3A_286 = %scan3A_73#5, %scan3A_287 = %scan3A_73#6, %scan3A_288 = %scan3A_73#7, %scan3A_289 = %scan3A_84) -> (vector<16xf32>, vector<16xf32>, vector<16xf32>, vector<16xf32>, vector<16xf32>, vector<16xf32>, vector<16xf32>, vector<16xf32>, i32)  : i32 {
      %mul3A_290 = arith.constant 4 : i32
      %mul3A_291 = arith.muli %scan3A_280, %mul3A_290 : i32
      %add3A_292 = arith.constant 0 : i32
      %add3A_293 = arith.addi %mul3A_291, %add3A_292 : i32
      %mul3A_294 = arith.constant 16 : i32
      %mul3A_295 = arith.muli %add3A_293, %mul3A_294 : i32
      %dma_wait3A_296 = tpu.memref_slice %arg7[%mul3A_295] : memref<2048xi32, #tpu.memory_space<vmem>> -> memref<16xi32, #tpu.memory_space<vmem>>
      %dma_wait3A_297 = arith.constant 0 : i32
      %dma_wait3A_298 = arith.constant 0 : i32
      %dma_wait3A_299 = tpu.memref_slice %arg4[%dma_wait3A_297, %dma_wait3A_298] : memref<100000x128xf32, #tpu.memory_space<hbm>> -> memref<100000x128xf32, #tpu.memory_space<hbm>>
      tpu.wait_indirect_dma semaphore(%arg23 : memref<!tpu.dma_semaphore, #tpu.memory_space<semaphore_mem>>) src(%dma_wait3A_299 : memref<100000x128xf32, #tpu.memory_space<hbm>>) dst(%arg9 : memref<16x128xf32, #tpu.memory_space<vmem>>)
      %parallel_loop3A_300 = arith.constant 0 : i32
      %parallel_loop3A_301 = arith.constant 8 : i32
      %parallel_loop3A_302 = arith.constant 1 : i32
      %parallel_loop3A_303:8 = scf.for %parallel_loop3A_381 = %parallel_loop3A_300 to %parallel_loop3A_301 step %parallel_loop3A_302 iter_args(%parallel_loop3A_382 = %scan3A_281, %parallel_loop3A_383 = %scan3A_282, %parallel_loop3A_384 = %scan3A_283, %parallel_loop3A_385 = %scan3A_284, %parallel_loop3A_386 = %scan3A_285, %parallel_loop3A_387 = %scan3A_286, %parallel_loop3A_388 = %scan3A_287, %parallel_loop3A_389 = %scan3A_288) -> (vector<16xf32>, vector<16xf32>, vector<16xf32>, vector<16xf32>, vector<16xf32>, vector<16xf32>, vector<16xf32>, vector<16xf32>)  : i32 {
        %parallel_loop3A_390 = arith.constant 2 : i32
        %parallel_loop3A_391 = arith.muli %parallel_loop3A_390, %parallel_loop3A_381 : i32
        %parallel_loop3A_392 = arith.index_cast %parallel_loop3A_391 : i32 to index
        %parallel_loop3A_393 = arith.constant 0 : index
        %parallel_loop3A_394 = tpu.vector_load %arg9[%parallel_loop3A_392, %parallel_loop3A_393] {strides = array<i32>} : memref<16x128xf32, #tpu.memory_space<vmem>>, vector<16xf32>,
        %parallel_loop3A_395 = arith.addf %parallel_loop3A_382, %parallel_loop3A_394 : vector<16xf32>
        %parallel_loop3A_396 = arith.constant 2 : i32
        %parallel_loop3A_397 = arith.muli %parallel_loop3A_396, %parallel_loop3A_381 : i32
        %parallel_loop3A_398 = arith.index_cast %parallel_loop3A_397 : i32 to index
        %parallel_loop3A_399 = arith.constant 16 : index
        %parallel_loop3A_400 = tpu.vector_load %arg9[%parallel_loop3A_398, %parallel_loop3A_399] {strides = array<i32>} : memref<16x128xf32, #tpu.memory_space<vmem>>, vector<16xf32>,
        %parallel_loop3A_401 = arith.addf %parallel_loop3A_383, %parallel_loop3A_400 : vector<16xf32>
        %parallel_loop3A_402 = arith.constant 2 : i32
        %parallel_loop3A_403 = arith.muli %parallel_loop3A_402, %parallel_loop3A_381 : i32
        %parallel_loop3A_404 = arith.index_cast %parallel_loop3A_403 : i32 to index
        %parallel_loop3A_405 = arith.constant 32 : index
        %parallel_loop3A_406 = tpu.vector_load %arg9[%parallel_loop3A_404, %parallel_loop3A_405] {strides = array<i32>} : memref<16x128xf32, #tpu.memory_space<vmem>>, vector<16xf32>,
        %parallel_loop3A_407 = arith.addf %parallel_loop3A_384, %parallel_loop3A_406 : vector<16xf32>
        %parallel_loop3A_408 = arith.constant 2 : i32
        %parallel_loop3A_409 = arith.muli %parallel_loop3A_408, %parallel_loop3A_381 : i32
        %parallel_loop3A_410 = arith.index_cast %parallel_loop3A_409 : i32 to index
        %parallel_loop3A_411 = arith.constant 48 : index
        %parallel_loop3A_412 = tpu.vector_load %arg9[%parallel_loop3A_410, %parallel_loop3A_411] {strides = array<i32>} : memref<16x128xf32, #tpu.memory_space<vmem>>, vector<16xf32>,
        %parallel_loop3A_413 = arith.addf %parallel_loop3A_385, %parallel_loop3A_412 : vector<16xf32>
        %parallel_loop3A_414 = arith.constant 2 : i32
        %parallel_loop3A_415 = arith.muli %parallel_loop3A_414, %parallel_loop3A_381 : i32
        %parallel_loop3A_416 = arith.index_cast %parallel_loop3A_415 : i32 to index
        %parallel_loop3A_417 = arith.constant 64 : index
        %parallel_loop3A_418 = tpu.vector_load %arg9[%parallel_loop3A_416, %parallel_loop3A_417] {strides = array<i32>} : memref<16x128xf32, #tpu.memory_space<vmem>>, vector<16xf32>,
        %parallel_loop3A_419 = arith.addf %parallel_loop3A_386, %parallel_loop3A_418 : vector<16xf32>
        %parallel_loop3A_420 = arith.constant 2 : i32
        %parallel_loop3A_421 = arith.muli %parallel_loop3A_420, %parallel_loop3A_381 : i32
        %parallel_loop3A_422 = arith.index_cast %parallel_loop3A_421 : i32 to index
        %parallel_loop3A_423 = arith.constant 80 : index
        %parallel_loop3A_424 = tpu.vector_load %arg9[%parallel_loop3A_422, %parallel_loop3A_423] {strides = array<i32>} : memref<16x128xf32, #tpu.memory_space<vmem>>, vector<16xf32>,
        %parallel_loop3A_425 = arith.addf %parallel_loop3A_387, %parallel_loop3A_424 : vector<16xf32>
        %parallel_loop3A_426 = arith.constant 2 : i32
        %parallel_loop3A_427 = arith.muli %parallel_loop3A_426, %parallel_loop3A_381 : i32
        %parallel_loop3A_428 = arith.index_cast %parallel_loop3A_427 : i32 to index
        %parallel_loop3A_429 = arith.constant 96 : index
        %parallel_loop3A_430 = tpu.vector_load %arg9[%parallel_loop3A_428, %parallel_loop3A_429] {strides = array<i32>} : memref<16x128xf32, #tpu.memory_space<vmem>>, vector<16xf32>,
        %parallel_loop3A_431 = arith.addf %parallel_loop3A_388, %parallel_loop3A_430 : vector<16xf32>
        %parallel_loop3A_432 = arith.constant 2 : i32
        %parallel_loop3A_433 = arith.muli %parallel_loop3A_432, %parallel_loop3A_381 : i32
        %parallel_loop3A_434 = arith.index_cast %parallel_loop3A_433 : i32 to index
        %parallel_loop3A_435 = arith.constant 112 : index
        %parallel_loop3A_436 = tpu.vector_load %arg9[%parallel_loop3A_434, %parallel_loop3A_435] {strides = array<i32>} : memref<16x128xf32, #tpu.memory_space<vmem>>, vector<16xf32>,
        %parallel_loop3A_437 = arith.addf %parallel_loop3A_389, %parallel_loop3A_436 : vector<16xf32>
        %parallel_loop3A_438 = arith.constant 2 : i32
        %parallel_loop3A_439 = arith.muli %parallel_loop3A_438, %parallel_loop3A_381 : i32
        %parallel_loop3A_440 = arith.constant 1 : i32
        %parallel_loop3A_441 = arith.addi %parallel_loop3A_439, %parallel_loop3A_440 : i32
        %parallel_loop3A_442 = arith.index_cast %parallel_loop3A_441 : i32 to index
        %parallel_loop3A_443 = arith.constant 0 : index
        %parallel_loop3A_444 = tpu.vector_load %arg9[%parallel_loop3A_442, %parallel_loop3A_443] {strides = array<i32>} : memref<16x128xf32, #tpu.memory_space<vmem>>, vector<16xf32>,
        %parallel_loop3A_445 = arith.addf %parallel_loop3A_395, %parallel_loop3A_444 : vector<16xf32>
        %parallel_loop3A_446 = arith.constant 2 : i32
        %parallel_loop3A_447 = arith.muli %parallel_loop3A_446, %parallel_loop3A_381 : i32
        %parallel_loop3A_448 = arith.constant 1 : i32
        %parallel_loop3A_449 = arith.addi %parallel_loop3A_447, %parallel_loop3A_448 : i32
        %parallel_loop3A_450 = arith.index_cast %parallel_loop3A_449 : i32 to index
        %parallel_loop3A_451 = arith.constant 16 : index
        %parallel_loop3A_452 = tpu.vector_load %arg9[%parallel_loop3A_450, %parallel_loop3A_451] {strides = array<i32>} : memref<16x128xf32, #tpu.memory_space<vmem>>, vector<16xf32>,
        %parallel_loop3A_453 = arith.addf %parallel_loop3A_401, %parallel_loop3A_452 : vector<16xf32>
        %parallel_loop3A_454 = arith.constant 2 : i32
        %parallel_loop3A_455 = arith.muli %parallel_loop3A_454, %parallel_loop3A_381 : i32
        %parallel_loop3A_456 = arith.constant 1 : i32
        %parallel_loop3A_457 = arith.addi %parallel_loop3A_455, %parallel_loop3A_456 : i32
        %parallel_loop3A_458 = arith.index_cast %parallel_loop3A_457 : i32 to index
        %parallel_loop3A_459 = arith.constant 32 : index
        %parallel_loop3A_460 = tpu.vector_load %arg9[%parallel_loop3A_458, %parallel_loop3A_459] {strides = array<i32>} : memref<16x128xf32, #tpu.memory_space<vmem>>, vector<16xf32>,
        %parallel_loop3A_461 = arith.addf %parallel_loop3A_407, %parallel_loop3A_460 : vector<16xf32>
        %parallel_loop3A_462 = arith.constant 2 : i32
        %parallel_loop3A_463 = arith.muli %parallel_loop3A_462, %parallel_loop3A_381 : i32
        %parallel_loop3A_464 = arith.constant 1 : i32
        %parallel_loop3A_465 = arith.addi %parallel_loop3A_463, %parallel_loop3A_464 : i32
        %parallel_loop3A_466 = arith.index_cast %parallel_loop3A_465 : i32 to index
        %parallel_loop3A_467 = arith.constant 48 : index
        %parallel_loop3A_468 = tpu.vector_load %arg9[%parallel_loop3A_466, %parallel_loop3A_467] {strides = array<i32>} : memref<16x128xf32, #tpu.memory_space<vmem>>, vector<16xf32>,
        %parallel_loop3A_469 = arith.addf %parallel_loop3A_413, %parallel_loop3A_468 : vector<16xf32>
        %parallel_loop3A_470 = arith.constant 2 : i32
        %parallel_loop3A_471 = arith.muli %parallel_loop3A_470, %parallel_loop3A_381 : i32
        %parallel_loop3A_472 = arith.constant 1 : i32
        %parallel_loop3A_473 = arith.addi %parallel_loop3A_471, %parallel_loop3A_472 : i32
        %parallel_loop3A_474 = arith.index_cast %parallel_loop3A_473 : i32 to index
        %parallel_loop3A_475 = arith.constant 64 : index
        %parallel_loop3A_476 = tpu.vector_load %arg9[%parallel_loop3A_474, %parallel_loop3A_475] {strides = array<i32>} : memref<16x128xf32, #tpu.memory_space<vmem>>, vector<16xf32>,
        %parallel_loop3A_477 = arith.addf %parallel_loop3A_419, %parallel_loop3A_476 : vector<16xf32>
        %parallel_loop3A_478 = arith.constant 2 : i32
        %parallel_loop3A_479 = arith.muli %parallel_loop3A_478, %parallel_loop3A_381 : i32
        %parallel_loop3A_480 = arith.constant 1 : i32
        %parallel_loop3A_481 = arith.addi %parallel_loop3A_479, %parallel_loop3A_480 : i32
        %parallel_loop3A_482 = arith.index_cast %parallel_loop3A_481 : i32 to index
        %parallel_loop3A_483 = arith.constant 80 : index
        %parallel_loop3A_484 = tpu.vector_load %arg9[%parallel_loop3A_482, %parallel_loop3A_483] {strides = array<i32>} : memref<16x128xf32, #tpu.memory_space<vmem>>, vector<16xf32>,
        %parallel_loop3A_485 = arith.addf %parallel_loop3A_425, %parallel_loop3A_484 : vector<16xf32>
        %parallel_loop3A_486 = arith.constant 2 : i32
        %parallel_loop3A_487 = arith.muli %parallel_loop3A_486, %parallel_loop3A_381 : i32
        %parallel_loop3A_488 = arith.constant 1 : i32
        %parallel_loop3A_489 = arith.addi %parallel_loop3A_487, %parallel_loop3A_488 : i32
        %parallel_loop3A_490 = arith.index_cast %parallel_loop3A_489 : i32 to index
        %parallel_loop3A_491 = arith.constant 96 : index
        %parallel_loop3A_492 = tpu.vector_load %arg9[%parallel_loop3A_490, %parallel_loop3A_491] {strides = array<i32>} : memref<16x128xf32, #tpu.memory_space<vmem>>, vector<16xf32>,
        %parallel_loop3A_493 = arith.addf %parallel_loop3A_431, %parallel_loop3A_492 : vector<16xf32>
        %parallel_loop3A_494 = arith.constant 2 : i32
        %parallel_loop3A_495 = arith.muli %parallel_loop3A_494, %parallel_loop3A_381 : i32
        %parallel_loop3A_496 = arith.constant 1 : i32
        %parallel_loop3A_497 = arith.addi %parallel_loop3A_495, %parallel_loop3A_496 : i32
        %parallel_loop3A_498 = arith.index_cast %parallel_loop3A_497 : i32 to index
        %parallel_loop3A_499 = arith.constant 112 : index
        %parallel_loop3A_500 = tpu.vector_load %arg9[%parallel_loop3A_498, %parallel_loop3A_499] {strides = array<i32>} : memref<16x128xf32, #tpu.memory_space<vmem>>, vector<16xf32>,
        %parallel_loop3A_501 = arith.addf %parallel_loop3A_437, %parallel_loop3A_500 : vector<16xf32>
        scf.yield %parallel_loop3A_445, %parallel_loop3A_453, %parallel_loop3A_461, %parallel_loop3A_469, %parallel_loop3A_477, %parallel_loop3A_485, %parallel_loop3A_493, %parallel_loop3A_501 : vector<16xf32>, vector<16xf32>, vector<16xf32>, vector<16xf32>, vector<16xf32>, vector<16xf32>, vector<16xf32>, vector<16xf32>
      } {sc.loop_unroll_factor = 2 : i64, sc.parallel_access}
      %add3A_304 = arith.constant 4 : i32
      %add3A_305 = arith.addi %add3A_293, %add3A_304 : i32
      %lt3A_306 = arith.constant 128 : i32
      %lt3A_307 = arith.cmpi slt, %add3A_305, %lt3A_306 : i32
      %convert_element_type3A = arith.extui %lt3A_307 : i1 to i32
      %cond3A = arith.constant 0 : i32
      %cond3A_308 = arith.cmpi ne, %convert_element_type3A, %cond3A : i32
      scf.if %cond3A_308 {
        %add3A_381 = arith.constant 4 : i32
        %add3A_382 = arith.addi %add3A_293, %add3A_381 : i32
        %mul3A_383 = arith.constant 16 : i32
        %mul3A_384 = arith.muli %add3A_382, %mul3A_383 : i32
        %dma_start3A_385 = tpu.memref_slice %arg7[%mul3A_384] : memref<2048xi32, #tpu.memory_space<vmem>> -> memref<16xi32, #tpu.memory_space<vmem>>
        %dma_start3A_386 = arith.constant 0 : i32
        %dma_start3A_387 = arith.constant 0 : i32
        %dma_start3A_388 = tpu.memref_slice %arg4[%dma_start3A_386, %dma_start3A_387] : memref<100000x128xf32, #tpu.memory_space<hbm>> -> memref<100000x128xf32, #tpu.memory_space<hbm>>
        tpu.enqueue_indirect_dma source(%dma_start3A_388 : memref<100000x128xf32, #tpu.memory_space<hbm>>) target(%arg9 : memref<16x128xf32, #tpu.memory_space<vmem>>) offsets(%dma_start3A_385 : memref<16xi32, #tpu.memory_space<vmem>>) semaphore(%arg23 : memref<!tpu.dma_semaphore, #tpu.memory_space<semaphore_mem>>)
      } else {
      }
      %mul3A_309 = arith.constant 4 : i32
      %mul3A_310 = arith.muli %scan3A_280, %mul3A_309 : i32
      %add3A_311 = arith.constant 1 : i32
      %add3A_312 = arith.addi %mul3A_310, %add3A_311 : i32
      %mul3A_313 = arith.constant 16 : i32
      %mul3A_314 = arith.muli %add3A_312, %mul3A_313 : i32
      %dma_wait3A_315 = tpu.memref_slice %arg7[%mul3A_314] : memref<2048xi32, #tpu.memory_space<vmem>> -> memref<16xi32, #tpu.memory_space<vmem>>
      %dma_wait3A_316 = arith.constant 0 : i32
      %dma_wait3A_317 = arith.constant 0 : i32
      %dma_wait3A_318 = tpu.memref_slice %arg4[%dma_wait3A_316, %dma_wait3A_317] : memref<100000x128xf32, #tpu.memory_space<hbm>> -> memref<100000x128xf32, #tpu.memory_space<hbm>>
      tpu.wait_indirect_dma semaphore(%arg24 : memref<!tpu.dma_semaphore, #tpu.memory_space<semaphore_mem>>) src(%dma_wait3A_318 : memref<100000x128xf32, #tpu.memory_space<hbm>>) dst(%arg10 : memref<16x128xf32, #tpu.memory_space<vmem>>)
      %parallel_loop3A_319 = arith.constant 0 : i32
      %parallel_loop3A_320 = arith.constant 8 : i32
      %parallel_loop3A_321 = arith.constant 1 : i32
      %parallel_loop3A_322:8 = scf.for %parallel_loop3A_381 = %parallel_loop3A_319 to %parallel_loop3A_320 step %parallel_loop3A_321 iter_args(%parallel_loop3A_382 = %parallel_loop3A_303#0, %parallel_loop3A_383 = %parallel_loop3A_303#1, %parallel_loop3A_384 = %parallel_loop3A_303#2, %parallel_loop3A_385 = %parallel_loop3A_303#3, %parallel_loop3A_386 = %parallel_loop3A_303#4, %parallel_loop3A_387 = %parallel_loop3A_303#5, %parallel_loop3A_388 = %parallel_loop3A_303#6, %parallel_loop3A_389 = %parallel_loop3A_303#7) -> (vector<16xf32>, vector<16xf32>, vector<16xf32>, vector<16xf32>, vector<16xf32>, vector<16xf32>, vector<16xf32>, vector<16xf32>)  : i32 {
        %parallel_loop3A_390 = arith.constant 2 : i32
        %parallel_loop3A_391 = arith.muli %parallel_loop3A_390, %parallel_loop3A_381 : i32
        %parallel_loop3A_392 = arith.index_cast %parallel_loop3A_391 : i32 to index
        %parallel_loop3A_393 = arith.constant 0 : index
        %parallel_loop3A_394 = tpu.vector_load %arg10[%parallel_loop3A_392, %parallel_loop3A_393] {strides = array<i32>} : memref<16x128xf32, #tpu.memory_space<vmem>>, vector<16xf32>,
        %parallel_loop3A_395 = arith.addf %parallel_loop3A_382, %parallel_loop3A_394 : vector<16xf32>
        %parallel_loop3A_396 = arith.constant 2 : i32
        %parallel_loop3A_397 = arith.muli %parallel_loop3A_396, %parallel_loop3A_381 : i32
        %parallel_loop3A_398 = arith.index_cast %parallel_loop3A_397 : i32 to index
        %parallel_loop3A_399 = arith.constant 16 : index
        %parallel_loop3A_400 = tpu.vector_load %arg10[%parallel_loop3A_398, %parallel_loop3A_399] {strides = array<i32>} : memref<16x128xf32, #tpu.memory_space<vmem>>, vector<16xf32>,
        %parallel_loop3A_401 = arith.addf %parallel_loop3A_383, %parallel_loop3A_400 : vector<16xf32>
        %parallel_loop3A_402 = arith.constant 2 : i32
        %parallel_loop3A_403 = arith.muli %parallel_loop3A_402, %parallel_loop3A_381 : i32
        %parallel_loop3A_404 = arith.index_cast %parallel_loop3A_403 : i32 to index
        %parallel_loop3A_405 = arith.constant 32 : index
        %parallel_loop3A_406 = tpu.vector_load %arg10[%parallel_loop3A_404, %parallel_loop3A_405] {strides = array<i32>} : memref<16x128xf32, #tpu.memory_space<vmem>>, vector<16xf32>,
        %parallel_loop3A_407 = arith.addf %parallel_loop3A_384, %parallel_loop3A_406 : vector<16xf32>
        %parallel_loop3A_408 = arith.constant 2 : i32
        %parallel_loop3A_409 = arith.muli %parallel_loop3A_408, %parallel_loop3A_381 : i32
        %parallel_loop3A_410 = arith.index_cast %parallel_loop3A_409 : i32 to index
        %parallel_loop3A_411 = arith.constant 48 : index
        %parallel_loop3A_412 = tpu.vector_load %arg10[%parallel_loop3A_410, %parallel_loop3A_411] {strides = array<i32>} : memref<16x128xf32, #tpu.memory_space<vmem>>, vector<16xf32>,
        %parallel_loop3A_413 = arith.addf %parallel_loop3A_385, %parallel_loop3A_412 : vector<16xf32>
        %parallel_loop3A_414 = arith.constant 2 : i32
        %parallel_loop3A_415 = arith.muli %parallel_loop3A_414, %parallel_loop3A_381 : i32
        %parallel_loop3A_416 = arith.index_cast %parallel_loop3A_415 : i32 to index
        %parallel_loop3A_417 = arith.constant 64 : index
        %parallel_loop3A_418 = tpu.vector_load %arg10[%parallel_loop3A_416, %parallel_loop3A_417] {strides = array<i32>} : memref<16x128xf32, #tpu.memory_space<vmem>>, vector<16xf32>,
        %parallel_loop3A_419 = arith.addf %parallel_loop3A_386, %parallel_loop3A_418 : vector<16xf32>
        %parallel_loop3A_420 = arith.constant 2 : i32
        %parallel_loop3A_421 = arith.muli %parallel_loop3A_420, %parallel_loop3A_381 : i32
        %parallel_loop3A_422 = arith.index_cast %parallel_loop3A_421 : i32 to index
        %parallel_loop3A_423 = arith.constant 80 : index
        %parallel_loop3A_424 = tpu.vector_load %arg10[%parallel_loop3A_422, %parallel_loop3A_423] {strides = array<i32>} : memref<16x128xf32, #tpu.memory_space<vmem>>, vector<16xf32>,
        %parallel_loop3A_425 = arith.addf %parallel_loop3A_387, %parallel_loop3A_424 : vector<16xf32>
        %parallel_loop3A_426 = arith.constant 2 : i32
        %parallel_loop3A_427 = arith.muli %parallel_loop3A_426, %parallel_loop3A_381 : i32
        %parallel_loop3A_428 = arith.index_cast %parallel_loop3A_427 : i32 to index
        %parallel_loop3A_429 = arith.constant 96 : index
        %parallel_loop3A_430 = tpu.vector_load %arg10[%parallel_loop3A_428, %parallel_loop3A_429] {strides = array<i32>} : memref<16x128xf32, #tpu.memory_space<vmem>>, vector<16xf32>,
        %parallel_loop3A_431 = arith.addf %parallel_loop3A_388, %parallel_loop3A_430 : vector<16xf32>
        %parallel_loop3A_432 = arith.constant 2 : i32
        %parallel_loop3A_433 = arith.muli %parallel_loop3A_432, %parallel_loop3A_381 : i32
        %parallel_loop3A_434 = arith.index_cast %parallel_loop3A_433 : i32 to index
        %parallel_loop3A_435 = arith.constant 112 : index
        %parallel_loop3A_436 = tpu.vector_load %arg10[%parallel_loop3A_434, %parallel_loop3A_435] {strides = array<i32>} : memref<16x128xf32, #tpu.memory_space<vmem>>, vector<16xf32>,
        %parallel_loop3A_437 = arith.addf %parallel_loop3A_389, %parallel_loop3A_436 : vector<16xf32>
        %parallel_loop3A_438 = arith.constant 2 : i32
        %parallel_loop3A_439 = arith.muli %parallel_loop3A_438, %parallel_loop3A_381 : i32
        %parallel_loop3A_440 = arith.constant 1 : i32
        %parallel_loop3A_441 = arith.addi %parallel_loop3A_439, %parallel_loop3A_440 : i32
        %parallel_loop3A_442 = arith.index_cast %parallel_loop3A_441 : i32 to index
        %parallel_loop3A_443 = arith.constant 0 : index
        %parallel_loop3A_444 = tpu.vector_load %arg10[%parallel_loop3A_442, %parallel_loop3A_443] {strides = array<i32>} : memref<16x128xf32, #tpu.memory_space<vmem>>, vector<16xf32>,
        %parallel_loop3A_445 = arith.addf %parallel_loop3A_395, %parallel_loop3A_444 : vector<16xf32>
        %parallel_loop3A_446 = arith.constant 2 : i32
        %parallel_loop3A_447 = arith.muli %parallel_loop3A_446, %parallel_loop3A_381 : i32
        %parallel_loop3A_448 = arith.constant 1 : i32
        %parallel_loop3A_449 = arith.addi %parallel_loop3A_447, %parallel_loop3A_448 : i32
        %parallel_loop3A_450 = arith.index_cast %parallel_loop3A_449 : i32 to index
        %parallel_loop3A_451 = arith.constant 16 : index
        %parallel_loop3A_452 = tpu.vector_load %arg10[%parallel_loop3A_450, %parallel_loop3A_451] {strides = array<i32>} : memref<16x128xf32, #tpu.memory_space<vmem>>, vector<16xf32>,
        %parallel_loop3A_453 = arith.addf %parallel_loop3A_401, %parallel_loop3A_452 : vector<16xf32>
        %parallel_loop3A_454 = arith.constant 2 : i32
        %parallel_loop3A_455 = arith.muli %parallel_loop3A_454, %parallel_loop3A_381 : i32
        %parallel_loop3A_456 = arith.constant 1 : i32
        %parallel_loop3A_457 = arith.addi %parallel_loop3A_455, %parallel_loop3A_456 : i32
        %parallel_loop3A_458 = arith.index_cast %parallel_loop3A_457 : i32 to index
        %parallel_loop3A_459 = arith.constant 32 : index
        %parallel_loop3A_460 = tpu.vector_load %arg10[%parallel_loop3A_458, %parallel_loop3A_459] {strides = array<i32>} : memref<16x128xf32, #tpu.memory_space<vmem>>, vector<16xf32>,
        %parallel_loop3A_461 = arith.addf %parallel_loop3A_407, %parallel_loop3A_460 : vector<16xf32>
        %parallel_loop3A_462 = arith.constant 2 : i32
        %parallel_loop3A_463 = arith.muli %parallel_loop3A_462, %parallel_loop3A_381 : i32
        %parallel_loop3A_464 = arith.constant 1 : i32
        %parallel_loop3A_465 = arith.addi %parallel_loop3A_463, %parallel_loop3A_464 : i32
        %parallel_loop3A_466 = arith.index_cast %parallel_loop3A_465 : i32 to index
        %parallel_loop3A_467 = arith.constant 48 : index
        %parallel_loop3A_468 = tpu.vector_load %arg10[%parallel_loop3A_466, %parallel_loop3A_467] {strides = array<i32>} : memref<16x128xf32, #tpu.memory_space<vmem>>, vector<16xf32>,
        %parallel_loop3A_469 = arith.addf %parallel_loop3A_413, %parallel_loop3A_468 : vector<16xf32>
        %parallel_loop3A_470 = arith.constant 2 : i32
        %parallel_loop3A_471 = arith.muli %parallel_loop3A_470, %parallel_loop3A_381 : i32
        %parallel_loop3A_472 = arith.constant 1 : i32
        %parallel_loop3A_473 = arith.addi %parallel_loop3A_471, %parallel_loop3A_472 : i32
        %parallel_loop3A_474 = arith.index_cast %parallel_loop3A_473 : i32 to index
        %parallel_loop3A_475 = arith.constant 64 : index
        %parallel_loop3A_476 = tpu.vector_load %arg10[%parallel_loop3A_474, %parallel_loop3A_475] {strides = array<i32>} : memref<16x128xf32, #tpu.memory_space<vmem>>, vector<16xf32>,
        %parallel_loop3A_477 = arith.addf %parallel_loop3A_419, %parallel_loop3A_476 : vector<16xf32>
        %parallel_loop3A_478 = arith.constant 2 : i32
        %parallel_loop3A_479 = arith.muli %parallel_loop3A_478, %parallel_loop3A_381 : i32
        %parallel_loop3A_480 = arith.constant 1 : i32
        %parallel_loop3A_481 = arith.addi %parallel_loop3A_479, %parallel_loop3A_480 : i32
        %parallel_loop3A_482 = arith.index_cast %parallel_loop3A_481 : i32 to index
        %parallel_loop3A_483 = arith.constant 80 : index
        %parallel_loop3A_484 = tpu.vector_load %arg10[%parallel_loop3A_482, %parallel_loop3A_483] {strides = array<i32>} : memref<16x128xf32, #tpu.memory_space<vmem>>, vector<16xf32>,
        %parallel_loop3A_485 = arith.addf %parallel_loop3A_425, %parallel_loop3A_484 : vector<16xf32>
        %parallel_loop3A_486 = arith.constant 2 : i32
        %parallel_loop3A_487 = arith.muli %parallel_loop3A_486, %parallel_loop3A_381 : i32
        %parallel_loop3A_488 = arith.constant 1 : i32
        %parallel_loop3A_489 = arith.addi %parallel_loop3A_487, %parallel_loop3A_488 : i32
        %parallel_loop3A_490 = arith.index_cast %parallel_loop3A_489 : i32 to index
        %parallel_loop3A_491 = arith.constant 96 : index
        %parallel_loop3A_492 = tpu.vector_load %arg10[%parallel_loop3A_490, %parallel_loop3A_491] {strides = array<i32>} : memref<16x128xf32, #tpu.memory_space<vmem>>, vector<16xf32>,
        %parallel_loop3A_493 = arith.addf %parallel_loop3A_431, %parallel_loop3A_492 : vector<16xf32>
        %parallel_loop3A_494 = arith.constant 2 : i32
        %parallel_loop3A_495 = arith.muli %parallel_loop3A_494, %parallel_loop3A_381 : i32
        %parallel_loop3A_496 = arith.constant 1 : i32
        %parallel_loop3A_497 = arith.addi %parallel_loop3A_495, %parallel_loop3A_496 : i32
        %parallel_loop3A_498 = arith.index_cast %parallel_loop3A_497 : i32 to index
        %parallel_loop3A_499 = arith.constant 112 : index
        %parallel_loop3A_500 = tpu.vector_load %arg10[%parallel_loop3A_498, %parallel_loop3A_499] {strides = array<i32>} : memref<16x128xf32, #tpu.memory_space<vmem>>, vector<16xf32>,
        %parallel_loop3A_501 = arith.addf %parallel_loop3A_437, %parallel_loop3A_500 : vector<16xf32>
        scf.yield %parallel_loop3A_445, %parallel_loop3A_453, %parallel_loop3A_461, %parallel_loop3A_469, %parallel_loop3A_477, %parallel_loop3A_485, %parallel_loop3A_493, %parallel_loop3A_501 : vector<16xf32>, vector<16xf32>, vector<16xf32>, vector<16xf32>, vector<16xf32>, vector<16xf32>, vector<16xf32>, vector<16xf32>
      } {sc.loop_unroll_factor = 2 : i64, sc.parallel_access}
      %add3A_323 = arith.constant 4 : i32
      %add3A_324 = arith.addi %add3A_312, %add3A_323 : i32
      %lt3A_325 = arith.constant 128 : i32
      %lt3A_326 = arith.cmpi slt, %add3A_324, %lt3A_325 : i32
      %convert_element_type3A_327 = arith.extui %lt3A_326 : i1 to i32
      %cond3A_328 = arith.constant 0 : i32
      %cond3A_329 = arith.cmpi ne, %convert_element_type3A_327, %cond3A_328 : i32
      scf.if %cond3A_329 {
        %add3A_381 = arith.constant 4 : i32
        %add3A_382 = arith.addi %add3A_312, %add3A_381 : i32
        %mul3A_383 = arith.constant 16 : i32
        %mul3A_384 = arith.muli %add3A_382, %mul3A_383 : i32
        %dma_start3A_385 = tpu.memref_slice %arg7[%mul3A_384] : memref<2048xi32, #tpu.memory_space<vmem>> -> memref<16xi32, #tpu.memory_space<vmem>>
        %dma_start3A_386 = arith.constant 0 : i32
        %dma_start3A_387 = arith.constant 0 : i32
        %dma_start3A_388 = tpu.memref_slice %arg4[%dma_start3A_386, %dma_start3A_387] : memref<100000x128xf32, #tpu.memory_space<hbm>> -> memref<100000x128xf32, #tpu.memory_space<hbm>>
        tpu.enqueue_indirect_dma source(%dma_start3A_388 : memref<100000x128xf32, #tpu.memory_space<hbm>>) target(%arg10 : memref<16x128xf32, #tpu.memory_space<vmem>>) offsets(%dma_start3A_385 : memref<16xi32, #tpu.memory_space<vmem>>) semaphore(%arg24 : memref<!tpu.dma_semaphore, #tpu.memory_space<semaphore_mem>>)
      } else {
      }
      %mul3A_330 = arith.constant 4 : i32
      %mul3A_331 = arith.muli %scan3A_280, %mul3A_330 : i32
      %add3A_332 = arith.constant 2 : i32
      %add3A_333 = arith.addi %mul3A_331, %add3A_332 : i32
      %mul3A_334 = arith.constant 16 : i32
      %mul3A_335 = arith.muli %add3A_333, %mul3A_334 : i32
      %dma_wait3A_336 = tpu.memref_slice %arg7[%mul3A_335] : memref<2048xi32, #tpu.memory_space<vmem>> -> memref<16xi32, #tpu.memory_space<vmem>>
      %dma_wait3A_337 = arith.constant 0 : i32
      %dma_wait3A_338 = arith.constant 0 : i32
      %dma_wait3A_339 = tpu.memref_slice %arg4[%dma_wait3A_337, %dma_wait3A_338] : memref<100000x128xf32, #tpu.memory_space<hbm>> -> memref<100000x128xf32, #tpu.memory_space<hbm>>
      tpu.wait_indirect_dma semaphore(%arg25 : memref<!tpu.dma_semaphore, #tpu.memory_space<semaphore_mem>>) src(%dma_wait3A_339 : memref<100000x128xf32, #tpu.memory_space<hbm>>) dst(%arg11 : memref<16x128xf32, #tpu.memory_space<vmem>>)
      %parallel_loop3A_340 = arith.constant 0 : i32
      %parallel_loop3A_341 = arith.constant 8 : i32
      %parallel_loop3A_342 = arith.constant 1 : i32
      %parallel_loop3A_343:8 = scf.for %parallel_loop3A_381 = %parallel_loop3A_340 to %parallel_loop3A_341 step %parallel_loop3A_342 iter_args(%parallel_loop3A_382 = %parallel_loop3A_322#0, %parallel_loop3A_383 = %parallel_loop3A_322#1, %parallel_loop3A_384 = %parallel_loop3A_322#2, %parallel_loop3A_385 = %parallel_loop3A_322#3, %parallel_loop3A_386 = %parallel_loop3A_322#4, %parallel_loop3A_387 = %parallel_loop3A_322#5, %parallel_loop3A_388 = %parallel_loop3A_322#6, %parallel_loop3A_389 = %parallel_loop3A_322#7) -> (vector<16xf32>, vector<16xf32>, vector<16xf32>, vector<16xf32>, vector<16xf32>, vector<16xf32>, vector<16xf32>, vector<16xf32>)  : i32 {
        %parallel_loop3A_390 = arith.constant 2 : i32
        %parallel_loop3A_391 = arith.muli %parallel_loop3A_390, %parallel_loop3A_381 : i32
        %parallel_loop3A_392 = arith.index_cast %parallel_loop3A_391 : i32 to index
        %parallel_loop3A_393 = arith.constant 0 : index
        %parallel_loop3A_394 = tpu.vector_load %arg11[%parallel_loop3A_392, %parallel_loop3A_393] {strides = array<i32>} : memref<16x128xf32, #tpu.memory_space<vmem>>, vector<16xf32>,
        %parallel_loop3A_395 = arith.addf %parallel_loop3A_382, %parallel_loop3A_394 : vector<16xf32>
        %parallel_loop3A_396 = arith.constant 2 : i32
        %parallel_loop3A_397 = arith.muli %parallel_loop3A_396, %parallel_loop3A_381 : i32
        %parallel_loop3A_398 = arith.index_cast %parallel_loop3A_397 : i32 to index
        %parallel_loop3A_399 = arith.constant 16 : index
        %parallel_loop3A_400 = tpu.vector_load %arg11[%parallel_loop3A_398, %parallel_loop3A_399] {strides = array<i32>} : memref<16x128xf32, #tpu.memory_space<vmem>>, vector<16xf32>,
        %parallel_loop3A_401 = arith.addf %parallel_loop3A_383, %parallel_loop3A_400 : vector<16xf32>
        %parallel_loop3A_402 = arith.constant 2 : i32
        %parallel_loop3A_403 = arith.muli %parallel_loop3A_402, %parallel_loop3A_381 : i32
        %parallel_loop3A_404 = arith.index_cast %parallel_loop3A_403 : i32 to index
        %parallel_loop3A_405 = arith.constant 32 : index
        %parallel_loop3A_406 = tpu.vector_load %arg11[%parallel_loop3A_404, %parallel_loop3A_405] {strides = array<i32>} : memref<16x128xf32, #tpu.memory_space<vmem>>, vector<16xf32>,
        %parallel_loop3A_407 = arith.addf %parallel_loop3A_384, %parallel_loop3A_406 : vector<16xf32>
        %parallel_loop3A_408 = arith.constant 2 : i32
        %parallel_loop3A_409 = arith.muli %parallel_loop3A_408, %parallel_loop3A_381 : i32
        %parallel_loop3A_410 = arith.index_cast %parallel_loop3A_409 : i32 to index
        %parallel_loop3A_411 = arith.constant 48 : index
        %parallel_loop3A_412 = tpu.vector_load %arg11[%parallel_loop3A_410, %parallel_loop3A_411] {strides = array<i32>} : memref<16x128xf32, #tpu.memory_space<vmem>>, vector<16xf32>,
        %parallel_loop3A_413 = arith.addf %parallel_loop3A_385, %parallel_loop3A_412 : vector<16xf32>
        %parallel_loop3A_414 = arith.constant 2 : i32
        %parallel_loop3A_415 = arith.muli %parallel_loop3A_414, %parallel_loop3A_381 : i32
        %parallel_loop3A_416 = arith.index_cast %parallel_loop3A_415 : i32 to index
        %parallel_loop3A_417 = arith.constant 64 : index
        %parallel_loop3A_418 = tpu.vector_load %arg11[%parallel_loop3A_416, %parallel_loop3A_417] {strides = array<i32>} : memref<16x128xf32, #tpu.memory_space<vmem>>, vector<16xf32>,
        %parallel_loop3A_419 = arith.addf %parallel_loop3A_386, %parallel_loop3A_418 : vector<16xf32>
        %parallel_loop3A_420 = arith.constant 2 : i32
        %parallel_loop3A_421 = arith.muli %parallel_loop3A_420, %parallel_loop3A_381 : i32
        %parallel_loop3A_422 = arith.index_cast %parallel_loop3A_421 : i32 to index
        %parallel_loop3A_423 = arith.constant 80 : index
        %parallel_loop3A_424 = tpu.vector_load %arg11[%parallel_loop3A_422, %parallel_loop3A_423] {strides = array<i32>} : memref<16x128xf32, #tpu.memory_space<vmem>>, vector<16xf32>,
        %parallel_loop3A_425 = arith.addf %parallel_loop3A_387, %parallel_loop3A_424 : vector<16xf32>
        %parallel_loop3A_426 = arith.constant 2 : i32
        %parallel_loop3A_427 = arith.muli %parallel_loop3A_426, %parallel_loop3A_381 : i32
        %parallel_loop3A_428 = arith.index_cast %parallel_loop3A_427 : i32 to index
        %parallel_loop3A_429 = arith.constant 96 : index
        %parallel_loop3A_430 = tpu.vector_load %arg11[%parallel_loop3A_428, %parallel_loop3A_429] {strides = array<i32>} : memref<16x128xf32, #tpu.memory_space<vmem>>, vector<16xf32>,
        %parallel_loop3A_431 = arith.addf %parallel_loop3A_388, %parallel_loop3A_430 : vector<16xf32>
        %parallel_loop3A_432 = arith.constant 2 : i32
        %parallel_loop3A_433 = arith.muli %parallel_loop3A_432, %parallel_loop3A_381 : i32
        %parallel_loop3A_434 = arith.index_cast %parallel_loop3A_433 : i32 to index
        %parallel_loop3A_435 = arith.constant 112 : index
        %parallel_loop3A_436 = tpu.vector_load %arg11[%parallel_loop3A_434, %parallel_loop3A_435] {strides = array<i32>} : memref<16x128xf32, #tpu.memory_space<vmem>>, vector<16xf32>,
        %parallel_loop3A_437 = arith.addf %parallel_loop3A_389, %parallel_loop3A_436 : vector<16xf32>
        %parallel_loop3A_438 = arith.constant 2 : i32
        %parallel_loop3A_439 = arith.muli %parallel_loop3A_438, %parallel_loop3A_381 : i32
        %parallel_loop3A_440 = arith.constant 1 : i32
        %parallel_loop3A_441 = arith.addi %parallel_loop3A_439, %parallel_loop3A_440 : i32
        %parallel_loop3A_442 = arith.index_cast %parallel_loop3A_441 : i32 to index
        %parallel_loop3A_443 = arith.constant 0 : index
        %parallel_loop3A_444 = tpu.vector_load %arg11[%parallel_loop3A_442, %parallel_loop3A_443] {strides = array<i32>} : memref<16x128xf32, #tpu.memory_space<vmem>>, vector<16xf32>,
        %parallel_loop3A_445 = arith.addf %parallel_loop3A_395, %parallel_loop3A_444 : vector<16xf32>
        %parallel_loop3A_446 = arith.constant 2 : i32
        %parallel_loop3A_447 = arith.muli %parallel_loop3A_446, %parallel_loop3A_381 : i32
        %parallel_loop3A_448 = arith.constant 1 : i32
        %parallel_loop3A_449 = arith.addi %parallel_loop3A_447, %parallel_loop3A_448 : i32
        %parallel_loop3A_450 = arith.index_cast %parallel_loop3A_449 : i32 to index
        %parallel_loop3A_451 = arith.constant 16 : index
        %parallel_loop3A_452 = tpu.vector_load %arg11[%parallel_loop3A_450, %parallel_loop3A_451] {strides = array<i32>} : memref<16x128xf32, #tpu.memory_space<vmem>>, vector<16xf32>,
        %parallel_loop3A_453 = arith.addf %parallel_loop3A_401, %parallel_loop3A_452 : vector<16xf32>
        %parallel_loop3A_454 = arith.constant 2 : i32
        %parallel_loop3A_455 = arith.muli %parallel_loop3A_454, %parallel_loop3A_381 : i32
        %parallel_loop3A_456 = arith.constant 1 : i32
        %parallel_loop3A_457 = arith.addi %parallel_loop3A_455, %parallel_loop3A_456 : i32
        %parallel_loop3A_458 = arith.index_cast %parallel_loop3A_457 : i32 to index
        %parallel_loop3A_459 = arith.constant 32 : index
        %parallel_loop3A_460 = tpu.vector_load %arg11[%parallel_loop3A_458, %parallel_loop3A_459] {strides = array<i32>} : memref<16x128xf32, #tpu.memory_space<vmem>>, vector<16xf32>,
        %parallel_loop3A_461 = arith.addf %parallel_loop3A_407, %parallel_loop3A_460 : vector<16xf32>
        %parallel_loop3A_462 = arith.constant 2 : i32
        %parallel_loop3A_463 = arith.muli %parallel_loop3A_462, %parallel_loop3A_381 : i32
        %parallel_loop3A_464 = arith.constant 1 : i32
        %parallel_loop3A_465 = arith.addi %parallel_loop3A_463, %parallel_loop3A_464 : i32
        %parallel_loop3A_466 = arith.index_cast %parallel_loop3A_465 : i32 to index
        %parallel_loop3A_467 = arith.constant 48 : index
        %parallel_loop3A_468 = tpu.vector_load %arg11[%parallel_loop3A_466, %parallel_loop3A_467] {strides = array<i32>} : memref<16x128xf32, #tpu.memory_space<vmem>>, vector<16xf32>,
        %parallel_loop3A_469 = arith.addf %parallel_loop3A_413, %parallel_loop3A_468 : vector<16xf32>
        %parallel_loop3A_470 = arith.constant 2 : i32
        %parallel_loop3A_471 = arith.muli %parallel_loop3A_470, %parallel_loop3A_381 : i32
        %parallel_loop3A_472 = arith.constant 1 : i32
        %parallel_loop3A_473 = arith.addi %parallel_loop3A_471, %parallel_loop3A_472 : i32
        %parallel_loop3A_474 = arith.index_cast %parallel_loop3A_473 : i32 to index
        %parallel_loop3A_475 = arith.constant 64 : index
        %parallel_loop3A_476 = tpu.vector_load %arg11[%parallel_loop3A_474, %parallel_loop3A_475] {strides = array<i32>} : memref<16x128xf32, #tpu.memory_space<vmem>>, vector<16xf32>,
        %parallel_loop3A_477 = arith.addf %parallel_loop3A_419, %parallel_loop3A_476 : vector<16xf32>
        %parallel_loop3A_478 = arith.constant 2 : i32
        %parallel_loop3A_479 = arith.muli %parallel_loop3A_478, %parallel_loop3A_381 : i32
        %parallel_loop3A_480 = arith.constant 1 : i32
        %parallel_loop3A_481 = arith.addi %parallel_loop3A_479, %parallel_loop3A_480 : i32
        %parallel_loop3A_482 = arith.index_cast %parallel_loop3A_481 : i32 to index
        %parallel_loop3A_483 = arith.constant 80 : index
        %parallel_loop3A_484 = tpu.vector_load %arg11[%parallel_loop3A_482, %parallel_loop3A_483] {strides = array<i32>} : memref<16x128xf32, #tpu.memory_space<vmem>>, vector<16xf32>,
        %parallel_loop3A_485 = arith.addf %parallel_loop3A_425, %parallel_loop3A_484 : vector<16xf32>
        %parallel_loop3A_486 = arith.constant 2 : i32
        %parallel_loop3A_487 = arith.muli %parallel_loop3A_486, %parallel_loop3A_381 : i32
        %parallel_loop3A_488 = arith.constant 1 : i32
        %parallel_loop3A_489 = arith.addi %parallel_loop3A_487, %parallel_loop3A_488 : i32
        %parallel_loop3A_490 = arith.index_cast %parallel_loop3A_489 : i32 to index
        %parallel_loop3A_491 = arith.constant 96 : index
        %parallel_loop3A_492 = tpu.vector_load %arg11[%parallel_loop3A_490, %parallel_loop3A_491] {strides = array<i32>} : memref<16x128xf32, #tpu.memory_space<vmem>>, vector<16xf32>,
        %parallel_loop3A_493 = arith.addf %parallel_loop3A_431, %parallel_loop3A_492 : vector<16xf32>
        %parallel_loop3A_494 = arith.constant 2 : i32
        %parallel_loop3A_495 = arith.muli %parallel_loop3A_494, %parallel_loop3A_381 : i32
        %parallel_loop3A_496 = arith.constant 1 : i32
        %parallel_loop3A_497 = arith.addi %parallel_loop3A_495, %parallel_loop3A_496 : i32
        %parallel_loop3A_498 = arith.index_cast %parallel_loop3A_497 : i32 to index
        %parallel_loop3A_499 = arith.constant 112 : index
        %parallel_loop3A_500 = tpu.vector_load %arg11[%parallel_loop3A_498, %parallel_loop3A_499] {strides = array<i32>} : memref<16x128xf32, #tpu.memory_space<vmem>>, vector<16xf32>,
        %parallel_loop3A_501 = arith.addf %parallel_loop3A_437, %parallel_loop3A_500 : vector<16xf32>
        scf.yield %parallel_loop3A_445, %parallel_loop3A_453, %parallel_loop3A_461, %parallel_loop3A_469, %parallel_loop3A_477, %parallel_loop3A_485, %parallel_loop3A_493, %parallel_loop3A_501 : vector<16xf32>, vector<16xf32>, vector<16xf32>, vector<16xf32>, vector<16xf32>, vector<16xf32>, vector<16xf32>, vector<16xf32>
      } {sc.loop_unroll_factor = 2 : i64, sc.parallel_access}
      %add3A_344 = arith.constant 4 : i32
      %add3A_345 = arith.addi %add3A_333, %add3A_344 : i32
      %lt3A_346 = arith.constant 128 : i32
      %lt3A_347 = arith.cmpi slt, %add3A_345, %lt3A_346 : i32
      %convert_element_type3A_348 = arith.extui %lt3A_347 : i1 to i32
      %cond3A_349 = arith.constant 0 : i32
      %cond3A_350 = arith.cmpi ne, %convert_element_type3A_348, %cond3A_349 : i32
      scf.if %cond3A_350 {
        %add3A_381 = arith.constant 4 : i32
        %add3A_382 = arith.addi %add3A_333, %add3A_381 : i32
        %mul3A_383 = arith.constant 16 : i32
        %mul3A_384 = arith.muli %add3A_382, %mul3A_383 : i32
        %dma_start3A_385 = tpu.memref_slice %arg7[%mul3A_384] : memref<2048xi32, #tpu.memory_space<vmem>> -> memref<16xi32, #tpu.memory_space<vmem>>
        %dma_start3A_386 = arith.constant 0 : i32
        %dma_start3A_387 = arith.constant 0 : i32
        %dma_start3A_388 = tpu.memref_slice %arg4[%dma_start3A_386, %dma_start3A_387] : memref<100000x128xf32, #tpu.memory_space<hbm>> -> memref<100000x128xf32, #tpu.memory_space<hbm>>
        tpu.enqueue_indirect_dma source(%dma_start3A_388 : memref<100000x128xf32, #tpu.memory_space<hbm>>) target(%arg11 : memref<16x128xf32, #tpu.memory_space<vmem>>) offsets(%dma_start3A_385 : memref<16xi32, #tpu.memory_space<vmem>>) semaphore(%arg25 : memref<!tpu.dma_semaphore, #tpu.memory_space<semaphore_mem>>)
      } else {
      }
      %mul3A_351 = arith.constant 4 : i32
      %mul3A_352 = arith.muli %scan3A_280, %mul3A_351 : i32
      %add3A_353 = arith.constant 3 : i32
      %add3A_354 = arith.addi %mul3A_352, %add3A_353 : i32
      %mul3A_355 = arith.constant 16 : i32
      %mul3A_356 = arith.muli %add3A_354, %mul3A_355 : i32
      %dma_wait3A_357 = tpu.memref_slice %arg7[%mul3A_356] : memref<2048xi32, #tpu.memory_space<vmem>> -> memref<16xi32, #tpu.memory_space<vmem>>
      %dma_wait3A_358 = arith.constant 0 : i32
      %dma_wait3A_359 = arith.constant 0 : i32
      %dma_wait3A_360 = tpu.memref_slice %arg4[%dma_wait3A_358, %dma_wait3A_359] : memref<100000x128xf32, #tpu.memory_space<hbm>> -> memref<100000x128xf32, #tpu.memory_space<hbm>>
      tpu.wait_indirect_dma semaphore(%arg26 : memref<!tpu.dma_semaphore, #tpu.memory_space<semaphore_mem>>) src(%dma_wait3A_360 : memref<100000x128xf32, #tpu.memory_space<hbm>>) dst(%arg12 : memref<16x128xf32, #tpu.memory_space<vmem>>)
      %parallel_loop3A_361 = arith.constant 0 : i32
      %parallel_loop3A_362 = arith.constant 8 : i32
      %parallel_loop3A_363 = arith.constant 1 : i32
      %parallel_loop3A_364:8 = scf.for %parallel_loop3A_381 = %parallel_loop3A_361 to %parallel_loop3A_362 step %parallel_loop3A_363 iter_args(%parallel_loop3A_382 = %parallel_loop3A_343#0, %parallel_loop3A_383 = %parallel_loop3A_343#1, %parallel_loop3A_384 = %parallel_loop3A_343#2, %parallel_loop3A_385 = %parallel_loop3A_343#3, %parallel_loop3A_386 = %parallel_loop3A_343#4, %parallel_loop3A_387 = %parallel_loop3A_343#5, %parallel_loop3A_388 = %parallel_loop3A_343#6, %parallel_loop3A_389 = %parallel_loop3A_343#7) -> (vector<16xf32>, vector<16xf32>, vector<16xf32>, vector<16xf32>, vector<16xf32>, vector<16xf32>, vector<16xf32>, vector<16xf32>)  : i32 {
        %parallel_loop3A_390 = arith.constant 2 : i32
        %parallel_loop3A_391 = arith.muli %parallel_loop3A_390, %parallel_loop3A_381 : i32
        %parallel_loop3A_392 = arith.index_cast %parallel_loop3A_391 : i32 to index
        %parallel_loop3A_393 = arith.constant 0 : index
        %parallel_loop3A_394 = tpu.vector_load %arg12[%parallel_loop3A_392, %parallel_loop3A_393] {strides = array<i32>} : memref<16x128xf32, #tpu.memory_space<vmem>>, vector<16xf32>,
        %parallel_loop3A_395 = arith.addf %parallel_loop3A_382, %parallel_loop3A_394 : vector<16xf32>
        %parallel_loop3A_396 = arith.constant 2 : i32
        %parallel_loop3A_397 = arith.muli %parallel_loop3A_396, %parallel_loop3A_381 : i32
        %parallel_loop3A_398 = arith.index_cast %parallel_loop3A_397 : i32 to index
        %parallel_loop3A_399 = arith.constant 16 : index
        %parallel_loop3A_400 = tpu.vector_load %arg12[%parallel_loop3A_398, %parallel_loop3A_399] {strides = array<i32>} : memref<16x128xf32, #tpu.memory_space<vmem>>, vector<16xf32>,
        %parallel_loop3A_401 = arith.addf %parallel_loop3A_383, %parallel_loop3A_400 : vector<16xf32>
        %parallel_loop3A_402 = arith.constant 2 : i32
        %parallel_loop3A_403 = arith.muli %parallel_loop3A_402, %parallel_loop3A_381 : i32
        %parallel_loop3A_404 = arith.index_cast %parallel_loop3A_403 : i32 to index
        %parallel_loop3A_405 = arith.constant 32 : index
        %parallel_loop3A_406 = tpu.vector_load %arg12[%parallel_loop3A_404, %parallel_loop3A_405] {strides = array<i32>} : memref<16x128xf32, #tpu.memory_space<vmem>>, vector<16xf32>,
        %parallel_loop3A_407 = arith.addf %parallel_loop3A_384, %parallel_loop3A_406 : vector<16xf32>
        %parallel_loop3A_408 = arith.constant 2 : i32
        %parallel_loop3A_409 = arith.muli %parallel_loop3A_408, %parallel_loop3A_381 : i32
        %parallel_loop3A_410 = arith.index_cast %parallel_loop3A_409 : i32 to index
        %parallel_loop3A_411 = arith.constant 48 : index
        %parallel_loop3A_412 = tpu.vector_load %arg12[%parallel_loop3A_410, %parallel_loop3A_411] {strides = array<i32>} : memref<16x128xf32, #tpu.memory_space<vmem>>, vector<16xf32>,
        %parallel_loop3A_413 = arith.addf %parallel_loop3A_385, %parallel_loop3A_412 : vector<16xf32>
        %parallel_loop3A_414 = arith.constant 2 : i32
        %parallel_loop3A_415 = arith.muli %parallel_loop3A_414, %parallel_loop3A_381 : i32
        %parallel_loop3A_416 = arith.index_cast %parallel_loop3A_415 : i32 to index
        %parallel_loop3A_417 = arith.constant 64 : index
        %parallel_loop3A_418 = tpu.vector_load %arg12[%parallel_loop3A_416, %parallel_loop3A_417] {strides = array<i32>} : memref<16x128xf32, #tpu.memory_space<vmem>>, vector<16xf32>,
        %parallel_loop3A_419 = arith.addf %parallel_loop3A_386, %parallel_loop3A_418 : vector<16xf32>
        %parallel_loop3A_420 = arith.constant 2 : i32
        %parallel_loop3A_421 = arith.muli %parallel_loop3A_420, %parallel_loop3A_381 : i32
        %parallel_loop3A_422 = arith.index_cast %parallel_loop3A_421 : i32 to index
        %parallel_loop3A_423 = arith.constant 80 : index
        %parallel_loop3A_424 = tpu.vector_load %arg12[%parallel_loop3A_422, %parallel_loop3A_423] {strides = array<i32>} : memref<16x128xf32, #tpu.memory_space<vmem>>, vector<16xf32>,
        %parallel_loop3A_425 = arith.addf %parallel_loop3A_387, %parallel_loop3A_424 : vector<16xf32>
        %parallel_loop3A_426 = arith.constant 2 : i32
        %parallel_loop3A_427 = arith.muli %parallel_loop3A_426, %parallel_loop3A_381 : i32
        %parallel_loop3A_428 = arith.index_cast %parallel_loop3A_427 : i32 to index
        %parallel_loop3A_429 = arith.constant 96 : index
        %parallel_loop3A_430 = tpu.vector_load %arg12[%parallel_loop3A_428, %parallel_loop3A_429] {strides = array<i32>} : memref<16x128xf32, #tpu.memory_space<vmem>>, vector<16xf32>,
        %parallel_loop3A_431 = arith.addf %parallel_loop3A_388, %parallel_loop3A_430 : vector<16xf32>
        %parallel_loop3A_432 = arith.constant 2 : i32
        %parallel_loop3A_433 = arith.muli %parallel_loop3A_432, %parallel_loop3A_381 : i32
        %parallel_loop3A_434 = arith.index_cast %parallel_loop3A_433 : i32 to index
        %parallel_loop3A_435 = arith.constant 112 : index
        %parallel_loop3A_436 = tpu.vector_load %arg12[%parallel_loop3A_434, %parallel_loop3A_435] {strides = array<i32>} : memref<16x128xf32, #tpu.memory_space<vmem>>, vector<16xf32>,
        %parallel_loop3A_437 = arith.addf %parallel_loop3A_389, %parallel_loop3A_436 : vector<16xf32>
        %parallel_loop3A_438 = arith.constant 2 : i32
        %parallel_loop3A_439 = arith.muli %parallel_loop3A_438, %parallel_loop3A_381 : i32
        %parallel_loop3A_440 = arith.constant 1 : i32
        %parallel_loop3A_441 = arith.addi %parallel_loop3A_439, %parallel_loop3A_440 : i32
        %parallel_loop3A_442 = arith.index_cast %parallel_loop3A_441 : i32 to index
        %parallel_loop3A_443 = arith.constant 0 : index
        %parallel_loop3A_444 = tpu.vector_load %arg12[%parallel_loop3A_442, %parallel_loop3A_443] {strides = array<i32>} : memref<16x128xf32, #tpu.memory_space<vmem>>, vector<16xf32>,
        %parallel_loop3A_445 = arith.addf %parallel_loop3A_395, %parallel_loop3A_444 : vector<16xf32>
        %parallel_loop3A_446 = arith.constant 2 : i32
        %parallel_loop3A_447 = arith.muli %parallel_loop3A_446, %parallel_loop3A_381 : i32
        %parallel_loop3A_448 = arith.constant 1 : i32
        %parallel_loop3A_449 = arith.addi %parallel_loop3A_447, %parallel_loop3A_448 : i32
        %parallel_loop3A_450 = arith.index_cast %parallel_loop3A_449 : i32 to index
        %parallel_loop3A_451 = arith.constant 16 : index
        %parallel_loop3A_452 = tpu.vector_load %arg12[%parallel_loop3A_450, %parallel_loop3A_451] {strides = array<i32>} : memref<16x128xf32, #tpu.memory_space<vmem>>, vector<16xf32>,
        %parallel_loop3A_453 = arith.addf %parallel_loop3A_401, %parallel_loop3A_452 : vector<16xf32>
        %parallel_loop3A_454 = arith.constant 2 : i32
        %parallel_loop3A_455 = arith.muli %parallel_loop3A_454, %parallel_loop3A_381 : i32
        %parallel_loop3A_456 = arith.constant 1 : i32
        %parallel_loop3A_457 = arith.addi %parallel_loop3A_455, %parallel_loop3A_456 : i32
        %parallel_loop3A_458 = arith.index_cast %parallel_loop3A_457 : i32 to index
        %parallel_loop3A_459 = arith.constant 32 : index
        %parallel_loop3A_460 = tpu.vector_load %arg12[%parallel_loop3A_458, %parallel_loop3A_459] {strides = array<i32>} : memref<16x128xf32, #tpu.memory_space<vmem>>, vector<16xf32>,
        %parallel_loop3A_461 = arith.addf %parallel_loop3A_407, %parallel_loop3A_460 : vector<16xf32>
        %parallel_loop3A_462 = arith.constant 2 : i32
        %parallel_loop3A_463 = arith.muli %parallel_loop3A_462, %parallel_loop3A_381 : i32
        %parallel_loop3A_464 = arith.constant 1 : i32
        %parallel_loop3A_465 = arith.addi %parallel_loop3A_463, %parallel_loop3A_464 : i32
        %parallel_loop3A_466 = arith.index_cast %parallel_loop3A_465 : i32 to index
        %parallel_loop3A_467 = arith.constant 48 : index
        %parallel_loop3A_468 = tpu.vector_load %arg12[%parallel_loop3A_466, %parallel_loop3A_467] {strides = array<i32>} : memref<16x128xf32, #tpu.memory_space<vmem>>, vector<16xf32>,
        %parallel_loop3A_469 = arith.addf %parallel_loop3A_413, %parallel_loop3A_468 : vector<16xf32>
        %parallel_loop3A_470 = arith.constant 2 : i32
        %parallel_loop3A_471 = arith.muli %parallel_loop3A_470, %parallel_loop3A_381 : i32
        %parallel_loop3A_472 = arith.constant 1 : i32
        %parallel_loop3A_473 = arith.addi %parallel_loop3A_471, %parallel_loop3A_472 : i32
        %parallel_loop3A_474 = arith.index_cast %parallel_loop3A_473 : i32 to index
        %parallel_loop3A_475 = arith.constant 64 : index
        %parallel_loop3A_476 = tpu.vector_load %arg12[%parallel_loop3A_474, %parallel_loop3A_475] {strides = array<i32>} : memref<16x128xf32, #tpu.memory_space<vmem>>, vector<16xf32>,
        %parallel_loop3A_477 = arith.addf %parallel_loop3A_419, %parallel_loop3A_476 : vector<16xf32>
        %parallel_loop3A_478 = arith.constant 2 : i32
        %parallel_loop3A_479 = arith.muli %parallel_loop3A_478, %parallel_loop3A_381 : i32
        %parallel_loop3A_480 = arith.constant 1 : i32
        %parallel_loop3A_481 = arith.addi %parallel_loop3A_479, %parallel_loop3A_480 : i32
        %parallel_loop3A_482 = arith.index_cast %parallel_loop3A_481 : i32 to index
        %parallel_loop3A_483 = arith.constant 80 : index
        %parallel_loop3A_484 = tpu.vector_load %arg12[%parallel_loop3A_482, %parallel_loop3A_483] {strides = array<i32>} : memref<16x128xf32, #tpu.memory_space<vmem>>, vector<16xf32>,
        %parallel_loop3A_485 = arith.addf %parallel_loop3A_425, %parallel_loop3A_484 : vector<16xf32>
        %parallel_loop3A_486 = arith.constant 2 : i32
        %parallel_loop3A_487 = arith.muli %parallel_loop3A_486, %parallel_loop3A_381 : i32
        %parallel_loop3A_488 = arith.constant 1 : i32
        %parallel_loop3A_489 = arith.addi %parallel_loop3A_487, %parallel_loop3A_488 : i32
        %parallel_loop3A_490 = arith.index_cast %parallel_loop3A_489 : i32 to index
        %parallel_loop3A_491 = arith.constant 96 : index
        %parallel_loop3A_492 = tpu.vector_load %arg12[%parallel_loop3A_490, %parallel_loop3A_491] {strides = array<i32>} : memref<16x128xf32, #tpu.memory_space<vmem>>, vector<16xf32>,
        %parallel_loop3A_493 = arith.addf %parallel_loop3A_431, %parallel_loop3A_492 : vector<16xf32>
        %parallel_loop3A_494 = arith.constant 2 : i32
        %parallel_loop3A_495 = arith.muli %parallel_loop3A_494, %parallel_loop3A_381 : i32
        %parallel_loop3A_496 = arith.constant 1 : i32
        %parallel_loop3A_497 = arith.addi %parallel_loop3A_495, %parallel_loop3A_496 : i32
        %parallel_loop3A_498 = arith.index_cast %parallel_loop3A_497 : i32 to index
        %parallel_loop3A_499 = arith.constant 112 : index
        %parallel_loop3A_500 = tpu.vector_load %arg12[%parallel_loop3A_498, %parallel_loop3A_499] {strides = array<i32>} : memref<16x128xf32, #tpu.memory_space<vmem>>, vector<16xf32>,
        %parallel_loop3A_501 = arith.addf %parallel_loop3A_437, %parallel_loop3A_500 : vector<16xf32>
        scf.yield %parallel_loop3A_445, %parallel_loop3A_453, %parallel_loop3A_461, %parallel_loop3A_469, %parallel_loop3A_477, %parallel_loop3A_485, %parallel_loop3A_493, %parallel_loop3A_501 : vector<16xf32>, vector<16xf32>, vector<16xf32>, vector<16xf32>, vector<16xf32>, vector<16xf32>, vector<16xf32>, vector<16xf32>
      } {sc.loop_unroll_factor = 2 : i64, sc.parallel_access}
      %add3A_365 = arith.constant 4 : i32
      %add3A_366 = arith.addi %add3A_354, %add3A_365 : i32
      %lt3A_367 = arith.constant 128 : i32
      %lt3A_368 = arith.cmpi slt, %add3A_366, %lt3A_367 : i32
      %convert_element_type3A_369 = arith.extui %lt3A_368 : i1 to i32
      %cond3A_370 = arith.constant 0 : i32
      %cond3A_371 = arith.cmpi ne, %convert_element_type3A_369, %cond3A_370 : i32
      scf.if %cond3A_371 {
        %add3A_381 = arith.constant 4 : i32
        %add3A_382 = arith.addi %add3A_354, %add3A_381 : i32
        %mul3A_383 = arith.constant 16 : i32
        %mul3A_384 = arith.muli %add3A_382, %mul3A_383 : i32
        %dma_start3A_385 = tpu.memref_slice %arg7[%mul3A_384] : memref<2048xi32, #tpu.memory_space<vmem>> -> memref<16xi32, #tpu.memory_space<vmem>>
        %dma_start3A_386 = arith.constant 0 : i32
        %dma_start3A_387 = arith.constant 0 : i32
        %dma_start3A_388 = tpu.memref_slice %arg4[%dma_start3A_386, %dma_start3A_387] : memref<100000x128xf32, #tpu.memory_space<hbm>> -> memref<100000x128xf32, #tpu.memory_space<hbm>>
        tpu.enqueue_indirect_dma source(%dma_start3A_388 : memref<100000x128xf32, #tpu.memory_space<hbm>>) target(%arg12 : memref<16x128xf32, #tpu.memory_space<vmem>>) offsets(%dma_start3A_385 : memref<16xi32, #tpu.memory_space<vmem>>) semaphore(%arg26 : memref<!tpu.dma_semaphore, #tpu.memory_space<semaphore_mem>>)
      } else {
      }
      %sub3A_372 = arith.constant 18 : i32
      %sub3A_373 = arith.subi %scan3A_280, %sub3A_372 : i32
      %mul3A_374 = arith.constant 447 : i32
      %mul3A_375 = arith.muli %sub3A_373, %mul3A_374 : i32
      %add3A_376 = arith.constant 447 : i32
      %add3A_377 = arith.addi %mul3A_375, %add3A_376 : i32
      %min3A = arith.constant 6250 : i32
      %min3A_378 = arith.minsi %add3A_377, %min3A : i32
      %parallel_loop3A_379 = arith.constant 1 : i32
      %parallel_loop3A_380 = scf.for %parallel_loop3A_381 = %mul3A_375 to %min3A_378 step %parallel_loop3A_379 iter_args(%parallel_loop3A_382 = %scan3A_289) -> (i32)  : i32 {
        %parallel_loop3A_383 = arith.constant 16 : i32
        %parallel_loop3A_384 = arith.muli %parallel_loop3A_381, %parallel_loop3A_383 : i32
        %parallel_loop3A_385 = arith.index_cast %parallel_loop3A_384 : i32 to index
        %parallel_loop3A_386 = tpu.vector_load %arg8[%parallel_loop3A_385] {strides = array<i32>} : memref<100000xf32, #tpu.memory_space<vmem>>, vector<16xf32>,
        %parallel_loop3A_387 = tpu.bitcast %parallel_loop3A_386 : vector<16xf32> -> vector<16xi32>
        %parallel_loop3A_388 = arith.constant 31 : i32
        %parallel_loop3A_389 = vector.broadcast %parallel_loop3A_388 : i32 to vector<16xi32>
        %parallel_loop3A_390 = arith.shrsi %parallel_loop3A_387, %parallel_loop3A_389 : vector<16xi32>
        %parallel_loop3A_391 = arith.constant -2147483648 : i32
        %parallel_loop3A_392 = vector.broadcast %parallel_loop3A_391 : i32 to vector<16xi32>
        %parallel_loop3A_393 = arith.ori %parallel_loop3A_390, %parallel_loop3A_392 : vector<16xi32>
        %parallel_loop3A_394 = arith.xori %parallel_loop3A_387, %parallel_loop3A_393 : vector<16xi32>
        %parallel_loop3A_395 = vector.bitcast %parallel_loop3A_394 : vector<16xi32> to vector<16xi32>
        %parallel_loop3A_396 = vector.bitcast %parallel_loop3A_395 : vector<16xi32> to vector<16xi32>
        %parallel_loop3A_397 = arith.constant -2147483648 : i32
        %parallel_loop3A_398 = vector.broadcast %parallel_loop3A_397 : i32 to vector<16xi32>
        %parallel_loop3A_399 = arith.xori %parallel_loop3A_396, %parallel_loop3A_398 : vector<16xi32>
        %parallel_loop3A_400 = arith.constant 24 : i32
        %parallel_loop3A_401 = vector.broadcast %parallel_loop3A_400 : i32 to vector<16xi32>
        %parallel_loop3A_402 = arith.shrui %parallel_loop3A_395, %parallel_loop3A_401 : vector<16xi32>
        %parallel_loop3A_403 = vector.broadcast %parallel_loop3A_83#1 : i32 to vector<16xi32>
        %parallel_loop3A_404 = arith.cmpi sge, %parallel_loop3A_402, %parallel_loop3A_403 : vector<16xi32>
        %parallel_loop3A_405 = arith.index_cast %parallel_loop3A_382 : i32 to index
        %parallel_loop3A_406 = tpu.vector_load %arg15[%parallel_loop3A_405] masked %parallel_loop3A_404 {strides = array<i32>} : memref<3072xi32, #tpu.memory_space<vmem>>, vector<16xi32>, vector<16xi1>
        tpu.vector_store %arg15[%parallel_loop3A_405], %parallel_loop3A_399 masked %parallel_loop3A_404 {strides = array<i32>} : memref<3072xi32, #tpu.memory_space<vmem>>, vector<16xi32>, vector<16xi1>
        %parallel_loop3A_407 = arith.constant 16 : i32
        %parallel_loop3A_408 = arith.muli %parallel_loop3A_381, %parallel_loop3A_407 : i32
        %parallel_loop3A_409 = vector.broadcast %parallel_loop3A_408 : i32 to vector<16xi32>
        %parallel_loop3A_410 = arith.addi %iota3A, %parallel_loop3A_409 : vector<16xi32>
        %parallel_loop3A_411 = arith.index_cast %parallel_loop3A_382 : i32 to index
        %parallel_loop3A_412 = tpu.vector_load %arg16[%parallel_loop3A_411] masked %parallel_loop3A_404 {strides = array<i32>} : memref<3072xi32, #tpu.memory_space<vmem>>, vector<16xi32>, vector<16xi1>
        tpu.vector_store %arg16[%parallel_loop3A_411], %parallel_loop3A_410 masked %parallel_loop3A_404 {strides = array<i32>} : memref<3072xi32, #tpu.memory_space<vmem>>, vector<16xi32>, vector<16xi1>
        %parallel_loop3A_413 = tpu.all_reduce %parallel_loop3A_404 {dim = 0 : i64, kind = #tpu.reduction_kind<sum>} : vector<16xi1> -> vector<16xi32>
        %parallel_loop3A_414 = vector.extract_strided_slice %parallel_loop3A_413 {offsets = [0], sizes = [1], strides = [1]} : vector<16xi32> to vector<1xi32>
        %parallel_loop3A_415 = vector.extract %parallel_loop3A_414[0] : i32 from vector<1xi32>
        %parallel_loop3A_416 = arith.addi %parallel_loop3A_382, %parallel_loop3A_415 : i32
        %parallel_loop3A_417 = arith.constant 3056 : i32
        %parallel_loop3A_418 = arith.minsi %parallel_loop3A_416, %parallel_loop3A_417 : i32
        scf.yield %parallel_loop3A_418 : i32
      } {sc.loop_unroll_factor = 4 : i64, sc.parallel_access}
      scf.yield %parallel_loop3A_364#0, %parallel_loop3A_364#1, %parallel_loop3A_364#2, %parallel_loop3A_364#3, %parallel_loop3A_364#4, %parallel_loop3A_364#5, %parallel_loop3A_364#6, %parallel_loop3A_364#7, %parallel_loop3A_380 : vector<16xf32>, vector<16xf32>, vector<16xf32>, vector<16xf32>, vector<16xf32>, vector<16xf32>, vector<16xf32>, vector<16xf32>, i32
    }
    %scan3A_90 = arith.constant 14 : i32
    %mul3A_91 = arith.constant 4.8828125E-4 : f32
    %mul3A_92 = vector.broadcast %mul3A_91 : f32 to vector<16xf32>
    %mul3A_93 = arith.mulf %scan3A_89#0, %mul3A_92 : vector<16xf32>
    %mul3A_94 = arith.constant 4.8828125E-4 : f32
    %mul3A_95 = vector.broadcast %mul3A_94 : f32 to vector<16xf32>
    %mul3A_96 = arith.mulf %scan3A_89#1, %mul3A_95 : vector<16xf32>
    %mul3A_97 = arith.constant 4.8828125E-4 : f32
    %mul3A_98 = vector.broadcast %mul3A_97 : f32 to vector<16xf32>
    %mul3A_99 = arith.mulf %scan3A_89#2, %mul3A_98 : vector<16xf32>
    %mul3A_100 = arith.constant 4.8828125E-4 : f32
    %mul3A_101 = vector.broadcast %mul3A_100 : f32 to vector<16xf32>
    %mul3A_102 = arith.mulf %scan3A_89#3, %mul3A_101 : vector<16xf32>
    %mul3A_103 = arith.constant 4.8828125E-4 : f32
    %mul3A_104 = vector.broadcast %mul3A_103 : f32 to vector<16xf32>
    %mul3A_105 = arith.mulf %scan3A_89#4, %mul3A_104 : vector<16xf32>
    %mul3A_106 = arith.constant 4.8828125E-4 : f32
    %mul3A_107 = vector.broadcast %mul3A_106 : f32 to vector<16xf32>
    %mul3A_108 = arith.mulf %scan3A_89#5, %mul3A_107 : vector<16xf32>
    %mul3A_109 = arith.constant 4.8828125E-4 : f32
    %mul3A_110 = vector.broadcast %mul3A_109 : f32 to vector<16xf32>
    %mul3A_111 = arith.mulf %scan3A_89#6, %mul3A_110 : vector<16xf32>
    %mul3A_112 = arith.constant 4.8828125E-4 : f32
    %mul3A_113 = vector.broadcast %mul3A_112 : f32 to vector<16xf32>
    %mul3A_114 = arith.mulf %scan3A_89#7, %mul3A_113 : vector<16xf32>
    %broadcast_in_dim3A_115 = arith.constant -2147483648 : i32
    %broadcast_in_dim3A_116 = vector.broadcast %broadcast_in_dim3A_115 : i32 to vector<16xi32>
    %swap3A = arith.index_cast %scan3A_89#8 : i32 to index
    %swap3A_117 = tpu.vector_load %arg15[%swap3A] {strides = array<i32>} : memref<3072xi32, #tpu.memory_space<vmem>>, vector<16xi32>,
    tpu.vector_store %arg15[%swap3A], %broadcast_in_dim3A_116 {strides = array<i32>} : memref<3072xi32, #tpu.memory_space<vmem>>, vector<16xi32>,
    %broadcast_in_dim3A_118 = arith.constant 1073741824 : i32
    %broadcast_in_dim3A_119 = vector.broadcast %broadcast_in_dim3A_118 : i32 to vector<16xi32>
    %swap3A_120 = arith.index_cast %scan3A_89#8 : i32 to index
    %swap3A_121 = tpu.vector_load %arg16[%swap3A_120] {strides = array<i32>} : memref<3072xi32, #tpu.memory_space<vmem>>, vector<16xi32>,
    tpu.vector_store %arg16[%swap3A_120], %broadcast_in_dim3A_119 {strides = array<i32>} : memref<3072xi32, #tpu.memory_space<vmem>>, vector<16xi32>,
    %add3A_122 = arith.constant 16 : i32
    %add3A_123 = arith.addi %scan3A_89#8, %add3A_122 : i32
    %sub3A = arith.constant 1 : i32
    %sub3A_124 = arith.subi %add3A_123, %sub3A : i32
    %jit3A = arith.constant 16 : i32
    %div3A = arith.divsi %sub3A_124, %jit3A : i32
    %sign3A = arith.constant 0 : i32
    %sign3A_125 = arith.cmpi sgt, %sub3A_124, %sign3A : i32
    %sign3A_126 = arith.extui %sign3A_125 : i1 to i32
    %sign3A_127 = arith.constant 0 : i32
    %sign3A_128 = arith.cmpi slt, %sub3A_124, %sign3A_127 : i32
    %sign3A_129 = arith.extui %sign3A_128 : i1 to i32
    %sign3A_130 = arith.subi %sign3A_126, %sign3A_129 : i32
    %sign3A_131 = arith.constant 0 : i32
    %sign3A_132 = arith.cmpi sgt, %jit3A, %sign3A_131 : i32
    %sign3A_133 = arith.extui %sign3A_132 : i1 to i32
    %sign3A_134 = arith.constant 0 : i32
    %sign3A_135 = arith.cmpi slt, %jit3A, %sign3A_134 : i32
    %sign3A_136 = arith.extui %sign3A_135 : i1 to i32
    %sign3A_137 = arith.subi %sign3A_133, %sign3A_136 : i32
    %ne3A = arith.cmpi ne, %sign3A_130, %sign3A_137 : i32
    %rem3A = arith.remsi %sub3A_124, %jit3A : i32
    %ne3A_138 = arith.constant 0 : i32
    %ne3A_139 = arith.cmpi ne, %rem3A, %ne3A_138 : i32
    %and3A = arith.andi %ne3A, %ne3A_139 : i1
    %sub3A_140 = arith.constant 1 : i32
    %sub3A_141 = arith.subi %div3A, %sub3A_140 : i32
    %select_n3A = arith.select %and3A, %sub3A_141, %div3A : i32
    %parallel_loop3A_142 = arith.constant 0 : i32
    %parallel_loop3A_143 = arith.constant 256 : i32
    %parallel_loop3A_144 = arith.constant 1 : i32
    scf.for %parallel_loop3A_280 = %parallel_loop3A_142 to %parallel_loop3A_143 step %parallel_loop3A_144  : i32 {
      %parallel_loop3A_281 = arith.constant 0 : i32
      %parallel_loop3A_282 = vector.broadcast %parallel_loop3A_281 : i32 to vector<16xi32>
      %parallel_loop3A_283 = arith.constant 16 : i32
      %parallel_loop3A_284 = arith.muli %parallel_loop3A_280, %parallel_loop3A_283 : i32
      %parallel_loop3A_285 = arith.index_cast %parallel_loop3A_284 : i32 to index
      %parallel_loop3A_286 = tpu.vector_load %arg14[%parallel_loop3A_285] {strides = array<i32>} : memref<4096xi32, #tpu.memory_space<vmem>>, vector<16xi32>,
      tpu.vector_store %arg14[%parallel_loop3A_285], %parallel_loop3A_282 {strides = array<i32>} : memref<4096xi32, #tpu.memory_space<vmem>>, vector<16xi32>,
    } {sc.loop_unroll_factor = 8 : i64, sc.parallel_access}
    %parallel_loop3A_145 = arith.constant 0 : i32
    %parallel_loop3A_146 = arith.constant 1 : i32
    scf.for %parallel_loop3A_280 = %parallel_loop3A_145 to %select_n3A step %parallel_loop3A_146  : i32 {
      %parallel_loop3A_281 = arith.constant 16 : i32
      %parallel_loop3A_282 = arith.muli %parallel_loop3A_280, %parallel_loop3A_281 : i32
      %parallel_loop3A_283 = arith.index_cast %parallel_loop3A_282 : i32 to index
      %parallel_loop3A_284 = tpu.vector_load %arg15[%parallel_loop3A_283] {strides = array<i32>} : memref<3072xi32, #tpu.memory_space<vmem>>, vector<16xi32>,
      %parallel_loop3A_285 = arith.constant -2147483648 : i32
      %parallel_loop3A_286 = vector.broadcast %parallel_loop3A_285 : i32 to vector<16xi32>
      %parallel_loop3A_287 = arith.xori %parallel_loop3A_284, %parallel_loop3A_286 : vector<16xi32>
      %parallel_loop3A_288 = vector.bitcast %parallel_loop3A_287 : vector<16xi32> to vector<16xi32>
      %parallel_loop3A_289 = arith.constant 24 : i32
      %parallel_loop3A_290 = vector.broadcast %parallel_loop3A_289 : i32 to vector<16xi32>
      %parallel_loop3A_291 = arith.shrui %parallel_loop3A_288, %parallel_loop3A_290 : vector<16xi32>
      %parallel_loop3A_292 = arith.constant 16 : i32
      %parallel_loop3A_293 = vector.broadcast %parallel_loop3A_292 : i32 to vector<16xi32>
      %parallel_loop3A_294 = arith.shrui %parallel_loop3A_288, %parallel_loop3A_293 : vector<16xi32>
      %parallel_loop3A_295 = arith.constant 255 : i32
      %parallel_loop3A_296 = vector.broadcast %parallel_loop3A_295 : i32 to vector<16xi32>
      %parallel_loop3A_297 = arith.andi %parallel_loop3A_294, %parallel_loop3A_296 : vector<16xi32>
      %parallel_loop3A_298 = arith.constant 16 : i32
      %parallel_loop3A_299 = vector.broadcast %parallel_loop3A_298 : i32 to vector<16xi32>
      %parallel_loop3A_300 = arith.muli %parallel_loop3A_297, %parallel_loop3A_299 : vector<16xi32>
      %parallel_loop3A_301 = arith.addi %parallel_loop3A_300, %iota3A : vector<16xi32>
      %parallel_loop3A_302 = vector.broadcast %parallel_loop3A_83#1 : i32 to vector<16xi32>
      %parallel_loop3A_303 = arith.cmpi eq, %parallel_loop3A_291, %parallel_loop3A_302 : vector<16xi32>
      tpu.vector_store_idx %arg14[%parallel_loop3A_301], %broadcast_in_dim3A_1 masked %parallel_loop3A_303 {add = true} : memref<4096xi32, #tpu.memory_space<vmem>>[vector<16xi32>], vector<16xi32>, vector<16xi1>
    } {sc.loop_unroll_factor = 4 : i64, sc.parallel_access}
    %sub3A_147 = arith.constant 20 : i32
    %sub3A_148 = arith.subi %sub3A_147, %parallel_loop3A_83#2 : i32
    %parallel_loop3A_149 = arith.constant 0 : i32
    %parallel_loop3A_150 = arith.constant 256 : i32
    %parallel_loop3A_151 = arith.constant 1 : i32
    %parallel_loop3A_152 = arith.constant 0 : i32
    %parallel_loop3A_153 = arith.constant 0 : i32
    %parallel_loop3A_154 = arith.constant 0 : i32
    %parallel_loop3A_155 = arith.constant false
    %parallel_loop3A_156:4 = scf.for %parallel_loop3A_280 = %parallel_loop3A_149 to %parallel_loop3A_150 step %parallel_loop3A_151 iter_args(%parallel_loop3A_281 = %parallel_loop3A_152, %parallel_loop3A_282 = %parallel_loop3A_153, %parallel_loop3A_283 = %parallel_loop3A_154, %parallel_loop3A_284 = %parallel_loop3A_155) -> (i32, i32, i32, i1)  : i32 {
      %parallel_loop3A_285 = arith.constant 255 : i32
      %parallel_loop3A_286 = arith.subi %parallel_loop3A_285, %parallel_loop3A_280 : i32
      %parallel_loop3A_287 = arith.constant 16 : i32
      %parallel_loop3A_288 = arith.muli %parallel_loop3A_286, %parallel_loop3A_287 : i32
      %parallel_loop3A_289 = arith.index_cast %parallel_loop3A_288 : i32 to index
      %parallel_loop3A_290 = tpu.vector_load %arg14[%parallel_loop3A_289] {strides = array<i32>} : memref<4096xi32, #tpu.memory_space<vmem>>, vector<16xi32>,
      %parallel_loop3A_291 = arith.constant true
      %parallel_loop3A_292 = vector.broadcast %parallel_loop3A_291 : i1 to vector<16xi1>
      %parallel_loop3A_293 = tpu.scan <sum>, %parallel_loop3A_290 masked %parallel_loop3A_292 : vector<16xi32>, vector<16xi1> -> vector<16xi32>
      %parallel_loop3A_294 = vector.extract %parallel_loop3A_293[15] : i32 from vector<16xi32>
      %parallel_loop3A_295 = arith.constant true
      %parallel_loop3A_296 = arith.xori %parallel_loop3A_284, %parallel_loop3A_295 : i1
      %parallel_loop3A_297 = arith.addi %parallel_loop3A_281, %parallel_loop3A_294 : i32
      %parallel_loop3A_298 = arith.cmpi sge, %parallel_loop3A_297, %sub3A_148 : i32
      %parallel_loop3A_299 = arith.andi %parallel_loop3A_296, %parallel_loop3A_298 : i1
      %parallel_loop3A_300 = arith.select %parallel_loop3A_299, %parallel_loop3A_286, %parallel_loop3A_282 : i32
      %parallel_loop3A_301 = arith.select %parallel_loop3A_299, %parallel_loop3A_281, %parallel_loop3A_283 : i32
      %parallel_loop3A_302 = arith.addi %parallel_loop3A_281, %parallel_loop3A_294 : i32
      %parallel_loop3A_303 = arith.ori %parallel_loop3A_284, %parallel_loop3A_299 : i1
      scf.yield %parallel_loop3A_302, %parallel_loop3A_300, %parallel_loop3A_301, %parallel_loop3A_303 : i32, i32, i32, i1
    } {sc.loop_unroll_factor = 4 : i64, sc.parallel_access}
    %mul3A_157 = arith.constant 256 : i32
    %mul3A_158 = arith.muli %parallel_loop3A_83#1, %mul3A_157 : i32
    %add3A_159 = arith.addi %mul3A_158, %parallel_loop3A_156#1 : i32
    %parallel_loop3A_160 = arith.constant 0 : i32
    %parallel_loop3A_161 = arith.constant 1 : i32
    %parallel_loop3A_162 = arith.constant 0 : i32
    %parallel_loop3A_163 = scf.for %parallel_loop3A_280 = %parallel_loop3A_160 to %select_n3A step %parallel_loop3A_161 iter_args(%parallel_loop3A_281 = %parallel_loop3A_162) -> (i32)  : i32 {
      %parallel_loop3A_282 = arith.constant 16 : i32
      %parallel_loop3A_283 = arith.muli %parallel_loop3A_280, %parallel_loop3A_282 : i32
      %parallel_loop3A_284 = arith.index_cast %parallel_loop3A_283 : i32 to index
      %parallel_loop3A_285 = tpu.vector_load %arg15[%parallel_loop3A_284] {strides = array<i32>} : memref<3072xi32, #tpu.memory_space<vmem>>, vector<16xi32>,
      %parallel_loop3A_286 = arith.constant 16 : i32
      %parallel_loop3A_287 = arith.muli %parallel_loop3A_280, %parallel_loop3A_286 : i32
      %parallel_loop3A_288 = arith.index_cast %parallel_loop3A_287 : i32 to index
      %parallel_loop3A_289 = tpu.vector_load %arg16[%parallel_loop3A_288] {strides = array<i32>} : memref<3072xi32, #tpu.memory_space<vmem>>, vector<16xi32>,
      %parallel_loop3A_290 = arith.constant -2147483648 : i32
      %parallel_loop3A_291 = vector.broadcast %parallel_loop3A_290 : i32 to vector<16xi32>
      %parallel_loop3A_292 = arith.xori %parallel_loop3A_285, %parallel_loop3A_291 : vector<16xi32>
      %parallel_loop3A_293 = vector.bitcast %parallel_loop3A_292 : vector<16xi32> to vector<16xi32>
      %parallel_loop3A_294 = arith.constant 16 : i32
      %parallel_loop3A_295 = vector.broadcast %parallel_loop3A_294 : i32 to vector<16xi32>
      %parallel_loop3A_296 = arith.shrui %parallel_loop3A_293, %parallel_loop3A_295 : vector<16xi32>
      %parallel_loop3A_297 = vector.broadcast %add3A_159 : i32 to vector<16xi32>
      %parallel_loop3A_298 = arith.cmpi sge, %parallel_loop3A_296, %parallel_loop3A_297 : vector<16xi32>
      %parallel_loop3A_299 = arith.index_cast %parallel_loop3A_281 : i32 to index
      %parallel_loop3A_300 = tpu.vector_load %arg17[%parallel_loop3A_299] masked %parallel_loop3A_298 {strides = array<i32>} : memref<512xi32, #tpu.memory_space<vmem>>, vector<16xi32>, vector<16xi1>
      tpu.vector_store %arg17[%parallel_loop3A_299], %parallel_loop3A_285 masked %parallel_loop3A_298 {strides = array<i32>} : memref<512xi32, #tpu.memory_space<vmem>>, vector<16xi32>, vector<16xi1>
      %parallel_loop3A_301 = arith.index_cast %parallel_loop3A_281 : i32 to index
      %parallel_loop3A_302 = tpu.vector_load %arg18[%parallel_loop3A_301] masked %parallel_loop3A_298 {strides = array<i32>} : memref<512xi32, #tpu.memory_space<vmem>>, vector<16xi32>, vector<16xi1>
      tpu.vector_store %arg18[%parallel_loop3A_301], %parallel_loop3A_289 masked %parallel_loop3A_298 {strides = array<i32>} : memref<512xi32, #tpu.memory_space<vmem>>, vector<16xi32>, vector<16xi1>
      %parallel_loop3A_303 = tpu.all_reduce %parallel_loop3A_298 {dim = 0 : i64, kind = #tpu.reduction_kind<sum>} : vector<16xi1> -> vector<16xi32>
      %parallel_loop3A_304 = vector.extract_strided_slice %parallel_loop3A_303 {offsets = [0], sizes = [1], strides = [1]} : vector<16xi32> to vector<1xi32>
      %parallel_loop3A_305 = vector.extract %parallel_loop3A_304[0] : i32 from vector<1xi32>
      %parallel_loop3A_306 = arith.addi %parallel_loop3A_281, %parallel_loop3A_305 : i32
      %parallel_loop3A_307 = arith.constant 496 : i32
      %parallel_loop3A_308 = arith.minsi %parallel_loop3A_306, %parallel_loop3A_307 : i32
      scf.yield %parallel_loop3A_308 : i32
    } {sc.loop_unroll_factor = 4 : i64, sc.parallel_access}
    %broadcast_in_dim3A_164 = arith.constant -2147483648 : i32
    %broadcast_in_dim3A_165 = vector.broadcast %broadcast_in_dim3A_164 : i32 to vector<16xi32>
    %swap3A_166 = arith.index_cast %parallel_loop3A_163 : i32 to index
    %swap3A_167 = tpu.vector_load %arg17[%swap3A_166] {strides = array<i32>} : memref<512xi32, #tpu.memory_space<vmem>>, vector<16xi32>,
    tpu.vector_store %arg17[%swap3A_166], %broadcast_in_dim3A_165 {strides = array<i32>} : memref<512xi32, #tpu.memory_space<vmem>>, vector<16xi32>,
    %broadcast_in_dim3A_168 = arith.constant 1073741824 : i32
    %broadcast_in_dim3A_169 = vector.broadcast %broadcast_in_dim3A_168 : i32 to vector<16xi32>
    %swap3A_170 = arith.index_cast %parallel_loop3A_163 : i32 to index
    %swap3A_171 = tpu.vector_load %arg18[%swap3A_170] {strides = array<i32>} : memref<512xi32, #tpu.memory_space<vmem>>, vector<16xi32>,
    tpu.vector_store %arg18[%swap3A_170], %broadcast_in_dim3A_169 {strides = array<i32>} : memref<512xi32, #tpu.memory_space<vmem>>, vector<16xi32>,
    %add3A_172 = arith.constant 16 : i32
    %add3A_173 = arith.addi %parallel_loop3A_163, %add3A_172 : i32
    %sub3A_174 = arith.constant 1 : i32
    %sub3A_175 = arith.subi %add3A_173, %sub3A_174 : i32
    %jit3A_176 = arith.constant 16 : i32
    %div3A_177 = arith.divsi %sub3A_175, %jit3A_176 : i32
    %sign3A_178 = arith.constant 0 : i32
    %sign3A_179 = arith.cmpi sgt, %sub3A_175, %sign3A_178 : i32
    %sign3A_180 = arith.extui %sign3A_179 : i1 to i32
    %sign3A_181 = arith.constant 0 : i32
    %sign3A_182 = arith.cmpi slt, %sub3A_175, %sign3A_181 : i32
    %sign3A_183 = arith.extui %sign3A_182 : i1 to i32
    %sign3A_184 = arith.subi %sign3A_180, %sign3A_183 : i32
    %sign3A_185 = arith.constant 0 : i32
    %sign3A_186 = arith.cmpi sgt, %jit3A_176, %sign3A_185 : i32
    %sign3A_187 = arith.extui %sign3A_186 : i1 to i32
    %sign3A_188 = arith.constant 0 : i32
    %sign3A_189 = arith.cmpi slt, %jit3A_176, %sign3A_188 : i32
    %sign3A_190 = arith.extui %sign3A_189 : i1 to i32
    %sign3A_191 = arith.subi %sign3A_187, %sign3A_190 : i32
    %ne3A_192 = arith.cmpi ne, %sign3A_184, %sign3A_191 : i32
    %rem3A_193 = arith.remsi %sub3A_175, %jit3A_176 : i32
    %ne3A_194 = arith.constant 0 : i32
    %ne3A_195 = arith.cmpi ne, %rem3A_193, %ne3A_194 : i32
    %and3A_196 = arith.andi %ne3A_192, %ne3A_195 : i1
    %sub3A_197 = arith.constant 1 : i32
    %sub3A_198 = arith.subi %div3A_177, %sub3A_197 : i32
    %select_n3A_199 = arith.select %and3A_196, %sub3A_198, %div3A_177 : i32
    %mul3A_200 = arith.constant 32 : i32
    %mul3A_201 = vector.broadcast %mul3A_200 : i32 to vector<16xi32>
    %mul3A_202 = arith.muli %iota3A, %mul3A_201 : vector<16xi32>
    %add3A_203 = vector.broadcast %add3A : i32 to vector<16xi32>
    %add3A_204 = arith.addi %mul3A_202, %add3A_203 : vector<16xi32>
    %swap3A_205 = arith.constant 0 : index
    %swap3A_206 = tpu.vector_load %arg19[%swap3A_205] {strides = array<i32>} : memref<32xi32, #tpu.memory_space<vmem>>, vector<16xi32>,
    tpu.vector_store %arg19[%swap3A_205], %add3A_204 {strides = array<i32>} : memref<32xi32, #tpu.memory_space<vmem>>, vector<16xi32>,
    %add3A_207 = arith.constant 512 : i32
    %add3A_208 = vector.broadcast %add3A_207 : i32 to vector<16xi32>
    %add3A_209 = arith.addi %add3A_204, %add3A_208 : vector<16xi32>
    %swap3A_210 = arith.constant 16 : index
    %swap3A_211 = tpu.vector_load %arg19[%swap3A_210] {strides = array<i32>} : memref<32xi32, #tpu.memory_space<vmem>>, vector<16xi32>,
    tpu.vector_store %arg19[%swap3A_210], %add3A_209 {strides = array<i32>} : memref<32xi32, #tpu.memory_space<vmem>>, vector<16xi32>,
    %scan3A_212 = arith.constant 0 : i32
    %scan3A_213 = arith.constant 0 : i32
    %scan3A_214 = arith.constant 20 : i32
    %scan3A_215 = arith.addi %scan3A_213, %scan3A_214 : i32
    %scan3A_216 = arith.constant 1 : i32
    %scan3A_217 = scf.for %scan3A_280 = %scan3A_213 to %scan3A_215 step %scan3A_216 iter_args(%scan3A_281 = %scan3A_212) -> (i32)  : i32 {
      %parallel_loop3A_282 = arith.constant 0 : i32
      %parallel_loop3A_283 = arith.constant 1 : i32
      %parallel_loop3A_284 = arith.constant -2147483648 : i32
      %parallel_loop3A_285 = arith.constant 1073741824 : i32
      %parallel_loop3A_286 = arith.constant 1073741824 : i32
      %parallel_loop3A_287:3 = scf.for %parallel_loop3A_294 = %parallel_loop3A_282 to %select_n3A_199 step %parallel_loop3A_283 iter_args(%parallel_loop3A_295 = %parallel_loop3A_284, %parallel_loop3A_296 = %parallel_loop3A_285, %parallel_loop3A_297 = %parallel_loop3A_286) -> (i32, i32, i32)  : i32 {
        %parallel_loop3A_298 = arith.constant 16 : i32
        %parallel_loop3A_299 = arith.muli %parallel_loop3A_294, %parallel_loop3A_298 : i32
        %parallel_loop3A_300 = arith.index_cast %parallel_loop3A_299 : i32 to index
        %parallel_loop3A_301 = tpu.vector_load %arg17[%parallel_loop3A_300] {strides = array<i32>} : memref<512xi32, #tpu.memory_space<vmem>>, vector<16xi32>,
        %parallel_loop3A_302 = arith.constant 16 : i32
        %parallel_loop3A_303 = arith.muli %parallel_loop3A_294, %parallel_loop3A_302 : i32
        %parallel_loop3A_304 = arith.index_cast %parallel_loop3A_303 : i32 to index
        %parallel_loop3A_305 = tpu.vector_load %arg18[%parallel_loop3A_304] {strides = array<i32>} : memref<512xi32, #tpu.memory_space<vmem>>, vector<16xi32>,
        %parallel_loop3A_306 = arith.constant true
        %parallel_loop3A_307 = vector.broadcast %parallel_loop3A_306 : i1 to vector<16xi1>
        %parallel_loop3A_308 = arith.constant -2147483648 : i32
        %parallel_loop3A_309 = vector.broadcast %parallel_loop3A_308 : i32 to vector<16xi32>
        %parallel_loop3A_310 = arith.xori %parallel_loop3A_301, %parallel_loop3A_309 : vector<16xi32>
        %parallel_loop3A_311 = tpu.scan <max>, %parallel_loop3A_310 masked %parallel_loop3A_307 : vector<16xi32>, vector<16xi1> -> vector<16xi32>
        %parallel_loop3A_312 = arith.xori %parallel_loop3A_311, %parallel_loop3A_309 : vector<16xi32>
        %parallel_loop3A_313 = vector.extract %parallel_loop3A_312[15] : i32 from vector<16xi32>
        %parallel_loop3A_314 = vector.broadcast %parallel_loop3A_313 : i32 to vector<16xi32>
        %parallel_loop3A_315 = arith.cmpi eq, %parallel_loop3A_301, %parallel_loop3A_314 : vector<16xi32>
        %parallel_loop3A_316 = arith.constant 1073741824 : i32
        %parallel_loop3A_317 = vector.broadcast %parallel_loop3A_316 : i32 to vector<16xi32>
        %parallel_loop3A_318 = arith.select %parallel_loop3A_315, %parallel_loop3A_305, %parallel_loop3A_317 : vector<16xi1>, vector<16xi32>
        %parallel_loop3A_319 = arith.constant true
        %parallel_loop3A_320 = vector.broadcast %parallel_loop3A_319 : i1 to vector<16xi1>
        %parallel_loop3A_321 = arith.constant -2147483648 : i32
        %parallel_loop3A_322 = vector.broadcast %parallel_loop3A_321 : i32 to vector<16xi32>
        %parallel_loop3A_323 = arith.xori %parallel_loop3A_318, %parallel_loop3A_322 : vector<16xi32>
        %parallel_loop3A_324 = tpu.scan <min>, %parallel_loop3A_323 masked %parallel_loop3A_320 : vector<16xi32>, vector<16xi1> -> vector<16xi32>
        %parallel_loop3A_325 = arith.xori %parallel_loop3A_324, %parallel_loop3A_322 : vector<16xi32>
        %parallel_loop3A_326 = vector.extract %parallel_loop3A_325[15] : i32 from vector<16xi32>
        %parallel_loop3A_327 = vector.broadcast %parallel_loop3A_313 : i32 to vector<16xi32>
        %parallel_loop3A_328 = arith.cmpi eq, %parallel_loop3A_301, %parallel_loop3A_327 : vector<16xi32>
        %parallel_loop3A_329 = vector.broadcast %parallel_loop3A_326 : i32 to vector<16xi32>
        %parallel_loop3A_330 = arith.cmpi eq, %parallel_loop3A_305, %parallel_loop3A_329 : vector<16xi32>
        %parallel_loop3A_331 = arith.andi %parallel_loop3A_328, %parallel_loop3A_330 : vector<16xi1>
        %parallel_loop3A_332 = arith.constant 16 : i32
        %parallel_loop3A_333 = arith.muli %parallel_loop3A_294, %parallel_loop3A_332 : i32
        %parallel_loop3A_334 = vector.broadcast %parallel_loop3A_333 : i32 to vector<16xi32>
        %parallel_loop3A_335 = arith.addi %iota3A, %parallel_loop3A_334 : vector<16xi32>
        %parallel_loop3A_336 = arith.constant 1073741824 : i32
        %parallel_loop3A_337 = vector.broadcast %parallel_loop3A_336 : i32 to vector<16xi32>
        %parallel_loop3A_338 = arith.select %parallel_loop3A_331, %parallel_loop3A_335, %parallel_loop3A_337 : vector<16xi1>, vector<16xi32>
        %parallel_loop3A_339 = arith.constant true
        %parallel_loop3A_340 = vector.broadcast %parallel_loop3A_339 : i1 to vector<16xi1>
        %parallel_loop3A_341 = arith.constant -2147483648 : i32
        %parallel_loop3A_342 = vector.broadcast %parallel_loop3A_341 : i32 to vector<16xi32>
        %parallel_loop3A_343 = arith.xori %parallel_loop3A_338, %parallel_loop3A_342 : vector<16xi32>
        %parallel_loop3A_344 = tpu.scan <min>, %parallel_loop3A_343 masked %parallel_loop3A_340 : vector<16xi32>, vector<16xi1> -> vector<16xi32>
        %parallel_loop3A_345 = arith.xori %parallel_loop3A_344, %parallel_loop3A_342 : vector<16xi32>
        %parallel_loop3A_346 = vector.extract %parallel_loop3A_345[15] : i32 from vector<16xi32>
        %parallel_loop3A_347 = arith.cmpi sgt, %parallel_loop3A_313, %parallel_loop3A_295 : i32
        %parallel_loop3A_348 = arith.cmpi eq, %parallel_loop3A_313, %parallel_loop3A_295 : i32
        %parallel_loop3A_349 = arith.cmpi slt, %parallel_loop3A_326, %parallel_loop3A_296 : i32
        %parallel_loop3A_350 = arith.andi %parallel_loop3A_348, %parallel_loop3A_349 : i1
        %parallel_loop3A_351 = arith.ori %parallel_loop3A_347, %parallel_loop3A_350 : i1
        %parallel_loop3A_352 = arith.select %parallel_loop3A_351, %parallel_loop3A_313, %parallel_loop3A_295 : i32
        %parallel_loop3A_353 = arith.select %parallel_loop3A_351, %parallel_loop3A_326, %parallel_loop3A_296 : i32
        %parallel_loop3A_354 = arith.select %parallel_loop3A_351, %parallel_loop3A_346, %parallel_loop3A_297 : i32
        scf.yield %parallel_loop3A_352, %parallel_loop3A_353, %parallel_loop3A_354 : i32, i32, i32
      } {sc.loop_unroll_factor = 2 : i64, sc.parallel_access}
      %broadcast_in_dim3A_288 = vector.broadcast %scan3A_280 : i32 to vector<16xi32>
      %broadcast_in_dim3A_289 = vector.broadcast %parallel_loop3A_287#1 : i32 to vector<16xi32>
      tpu.vector_store_idx %arg19[%broadcast_in_dim3A_288], %broadcast_in_dim3A_289 masked %eq3A_3 : memref<32xi32, #tpu.memory_space<vmem>>[vector<16xi32>], vector<16xi32>, vector<16xi1>
      %broadcast_in_dim3A_290 = vector.broadcast %parallel_loop3A_287#2 : i32 to vector<16xi32>
      %broadcast_in_dim3A_291 = arith.constant -2147483648 : i32
      %broadcast_in_dim3A_292 = vector.broadcast %broadcast_in_dim3A_291 : i32 to vector<16xi32>
      tpu.vector_store_idx %arg17[%broadcast_in_dim3A_290], %broadcast_in_dim3A_292 masked %eq3A_3 : memref<512xi32, #tpu.memory_space<vmem>>[vector<16xi32>], vector<16xi32>, vector<16xi1>
      %scan3A_293 = arith.constant 0 : i32
      scf.yield %scan3A_293 : i32
    }
    %scan3A_218 = arith.constant 20 : i32
    %dma_start3A_219 = arith.constant 0 : i32
    %dma_start3A_220 = arith.constant 0 : i32
    %dma_start3A_221 = tpu.memref_slice %arg4[%dma_start3A_219, %dma_start3A_220] : memref<100000x128xf32, #tpu.memory_space<hbm>> -> memref<100000x128xf32, #tpu.memory_space<hbm>>
    tpu.enqueue_indirect_dma source(%dma_start3A_221 : memref<100000x128xf32, #tpu.memory_space<hbm>>) target(%arg13 : memref<32x128xf32, #tpu.memory_space<vmem>>) offsets(%arg19 : memref<32xi32, #tpu.memory_space<vmem>>) semaphore(%arg23 : memref<!tpu.dma_semaphore, #tpu.memory_space<semaphore_mem>>)
    %dma_wait3A_222 = arith.constant 0 : i32
    %dma_wait3A_223 = arith.constant 0 : i32
    %dma_wait3A_224 = tpu.memref_slice %arg4[%dma_wait3A_222, %dma_wait3A_223] : memref<100000x128xf32, #tpu.memory_space<hbm>> -> memref<100000x128xf32, #tpu.memory_space<hbm>>
    tpu.wait_indirect_dma semaphore(%arg23 : memref<!tpu.dma_semaphore, #tpu.memory_space<semaphore_mem>>) src(%dma_wait3A_224 : memref<100000x128xf32, #tpu.memory_space<hbm>>) dst(%arg13 : memref<32x128xf32, #tpu.memory_space<vmem>>)
    %get3A = arith.constant 0 : index
    %get3A_225 = tpu.vector_load %arg21[%get3A] {strides = array<i32>} : memref<128xf32, #tpu.memory_space<vmem>>, vector<16xf32>,
    %get3A_226 = arith.constant 16 : index
    %get3A_227 = tpu.vector_load %arg21[%get3A_226] {strides = array<i32>} : memref<128xf32, #tpu.memory_space<vmem>>, vector<16xf32>,
    %get3A_228 = arith.constant 32 : index
    %get3A_229 = tpu.vector_load %arg21[%get3A_228] {strides = array<i32>} : memref<128xf32, #tpu.memory_space<vmem>>, vector<16xf32>,
    %get3A_230 = arith.constant 48 : index
    %get3A_231 = tpu.vector_load %arg21[%get3A_230] {strides = array<i32>} : memref<128xf32, #tpu.memory_space<vmem>>, vector<16xf32>,
    %get3A_232 = arith.constant 64 : index
    %get3A_233 = tpu.vector_load %arg21[%get3A_232] {strides = array<i32>} : memref<128xf32, #tpu.memory_space<vmem>>, vector<16xf32>,
    %get3A_234 = arith.constant 80 : index
    %get3A_235 = tpu.vector_load %arg21[%get3A_234] {strides = array<i32>} : memref<128xf32, #tpu.memory_space<vmem>>, vector<16xf32>,
    %get3A_236 = arith.constant 96 : index
    %get3A_237 = tpu.vector_load %arg21[%get3A_236] {strides = array<i32>} : memref<128xf32, #tpu.memory_space<vmem>>, vector<16xf32>,
    %get3A_238 = arith.constant 112 : index
    %get3A_239 = tpu.vector_load %arg21[%get3A_238] {strides = array<i32>} : memref<128xf32, #tpu.memory_space<vmem>>, vector<16xf32>,
    %scan3A_240 = arith.constant 0 : i32
    %scan3A_241 = arith.constant 0 : i32
    %scan3A_242 = arith.constant 20 : i32
    %scan3A_243 = arith.addi %scan3A_241, %scan3A_242 : i32
    %scan3A_244 = arith.constant 1 : i32
    %scan3A_245 = scf.for %scan3A_280 = %scan3A_241 to %scan3A_243 step %scan3A_244 iter_args(%scan3A_281 = %scan3A_240) -> (i32)  : i32 {
      %broadcast_in_dim3A_282 = arith.constant 0.000000e+00 : f32
      %broadcast_in_dim3A_283 = vector.broadcast %broadcast_in_dim3A_282 : f32 to vector<16xf32>
      %get3A_284 = arith.index_cast %scan3A_280 : i32 to index
      %get3A_285 = arith.constant 0 : index
      %get3A_286 = tpu.vector_load %arg13[%get3A_284, %get3A_285] {strides = array<i32>} : memref<32x128xf32, #tpu.memory_space<vmem>>, vector<16xf32>,
      %add3A_287 = arith.addf %get3A_286, %mul3A_93 : vector<16xf32>
      %add3A_288 = arith.addf %add3A_287, %add3A_287 : vector<16xf32>
      %exp3A = math.exp %add3A_288 : vector<16xf32>
      %add3A_289 = arith.constant 1.000000e+00 : f32
      %add3A_290 = vector.broadcast %add3A_289 : f32 to vector<16xf32>
      %add3A_291 = arith.addf %exp3A, %add3A_290 : vector<16xf32>
      %div3A_292 = arith.constant 2.000000e+00 : f32
      %div3A_293 = vector.broadcast %div3A_292 : f32 to vector<16xf32>
      %div3A_294 = arith.divf %div3A_293, %add3A_291 : vector<16xf32>
      %sub3A_295 = arith.constant 1.000000e+00 : f32
      %sub3A_296 = vector.broadcast %sub3A_295 : f32 to vector<16xf32>
      %sub3A_297 = arith.subf %sub3A_296, %div3A_294 : vector<16xf32>
      %mul3A_298 = arith.mulf %sub3A_297, %get3A_225 : vector<16xf32>
      %add3A_299 = arith.addf %broadcast_in_dim3A_283, %mul3A_298 : vector<16xf32>
      %get3A_300 = arith.index_cast %scan3A_280 : i32 to index
      %get3A_301 = arith.constant 16 : index
      %get3A_302 = tpu.vector_load %arg13[%get3A_300, %get3A_301] {strides = array<i32>} : memref<32x128xf32, #tpu.memory_space<vmem>>, vector<16xf32>,
      %add3A_303 = arith.addf %get3A_302, %mul3A_96 : vector<16xf32>
      %add3A_304 = arith.addf %add3A_303, %add3A_303 : vector<16xf32>
      %exp3A_305 = math.exp %add3A_304 : vector<16xf32>
      %add3A_306 = arith.constant 1.000000e+00 : f32
      %add3A_307 = vector.broadcast %add3A_306 : f32 to vector<16xf32>
      %add3A_308 = arith.addf %exp3A_305, %add3A_307 : vector<16xf32>
      %div3A_309 = arith.constant 2.000000e+00 : f32
      %div3A_310 = vector.broadcast %div3A_309 : f32 to vector<16xf32>
      %div3A_311 = arith.divf %div3A_310, %add3A_308 : vector<16xf32>
      %sub3A_312 = arith.constant 1.000000e+00 : f32
      %sub3A_313 = vector.broadcast %sub3A_312 : f32 to vector<16xf32>
      %sub3A_314 = arith.subf %sub3A_313, %div3A_311 : vector<16xf32>
      %mul3A_315 = arith.mulf %sub3A_314, %get3A_227 : vector<16xf32>
      %add3A_316 = arith.addf %add3A_299, %mul3A_315 : vector<16xf32>
      %get3A_317 = arith.index_cast %scan3A_280 : i32 to index
      %get3A_318 = arith.constant 32 : index
      %get3A_319 = tpu.vector_load %arg13[%get3A_317, %get3A_318] {strides = array<i32>} : memref<32x128xf32, #tpu.memory_space<vmem>>, vector<16xf32>,
      %add3A_320 = arith.addf %get3A_319, %mul3A_99 : vector<16xf32>
      %add3A_321 = arith.addf %add3A_320, %add3A_320 : vector<16xf32>
      %exp3A_322 = math.exp %add3A_321 : vector<16xf32>
      %add3A_323 = arith.constant 1.000000e+00 : f32
      %add3A_324 = vector.broadcast %add3A_323 : f32 to vector<16xf32>
      %add3A_325 = arith.addf %exp3A_322, %add3A_324 : vector<16xf32>
      %div3A_326 = arith.constant 2.000000e+00 : f32
      %div3A_327 = vector.broadcast %div3A_326 : f32 to vector<16xf32>
      %div3A_328 = arith.divf %div3A_327, %add3A_325 : vector<16xf32>
      %sub3A_329 = arith.constant 1.000000e+00 : f32
      %sub3A_330 = vector.broadcast %sub3A_329 : f32 to vector<16xf32>
      %sub3A_331 = arith.subf %sub3A_330, %div3A_328 : vector<16xf32>
      %mul3A_332 = arith.mulf %sub3A_331, %get3A_229 : vector<16xf32>
      %add3A_333 = arith.addf %add3A_316, %mul3A_332 : vector<16xf32>
      %get3A_334 = arith.index_cast %scan3A_280 : i32 to index
      %get3A_335 = arith.constant 48 : index
      %get3A_336 = tpu.vector_load %arg13[%get3A_334, %get3A_335] {strides = array<i32>} : memref<32x128xf32, #tpu.memory_space<vmem>>, vector<16xf32>,
      %add3A_337 = arith.addf %get3A_336, %mul3A_102 : vector<16xf32>
      %add3A_338 = arith.addf %add3A_337, %add3A_337 : vector<16xf32>
      %exp3A_339 = math.exp %add3A_338 : vector<16xf32>
      %add3A_340 = arith.constant 1.000000e+00 : f32
      %add3A_341 = vector.broadcast %add3A_340 : f32 to vector<16xf32>
      %add3A_342 = arith.addf %exp3A_339, %add3A_341 : vector<16xf32>
      %div3A_343 = arith.constant 2.000000e+00 : f32
      %div3A_344 = vector.broadcast %div3A_343 : f32 to vector<16xf32>
      %div3A_345 = arith.divf %div3A_344, %add3A_342 : vector<16xf32>
      %sub3A_346 = arith.constant 1.000000e+00 : f32
      %sub3A_347 = vector.broadcast %sub3A_346 : f32 to vector<16xf32>
      %sub3A_348 = arith.subf %sub3A_347, %div3A_345 : vector<16xf32>
      %mul3A_349 = arith.mulf %sub3A_348, %get3A_231 : vector<16xf32>
      %add3A_350 = arith.addf %add3A_333, %mul3A_349 : vector<16xf32>
      %get3A_351 = arith.index_cast %scan3A_280 : i32 to index
      %get3A_352 = arith.constant 64 : index
      %get3A_353 = tpu.vector_load %arg13[%get3A_351, %get3A_352] {strides = array<i32>} : memref<32x128xf32, #tpu.memory_space<vmem>>, vector<16xf32>,
      %add3A_354 = arith.addf %get3A_353, %mul3A_105 : vector<16xf32>
      %add3A_355 = arith.addf %add3A_354, %add3A_354 : vector<16xf32>
      %exp3A_356 = math.exp %add3A_355 : vector<16xf32>
      %add3A_357 = arith.constant 1.000000e+00 : f32
      %add3A_358 = vector.broadcast %add3A_357 : f32 to vector<16xf32>
      %add3A_359 = arith.addf %exp3A_356, %add3A_358 : vector<16xf32>
      %div3A_360 = arith.constant 2.000000e+00 : f32
      %div3A_361 = vector.broadcast %div3A_360 : f32 to vector<16xf32>
      %div3A_362 = arith.divf %div3A_361, %add3A_359 : vector<16xf32>
      %sub3A_363 = arith.constant 1.000000e+00 : f32
      %sub3A_364 = vector.broadcast %sub3A_363 : f32 to vector<16xf32>
      %sub3A_365 = arith.subf %sub3A_364, %div3A_362 : vector<16xf32>
      %mul3A_366 = arith.mulf %sub3A_365, %get3A_233 : vector<16xf32>
      %add3A_367 = arith.addf %add3A_350, %mul3A_366 : vector<16xf32>
      %get3A_368 = arith.index_cast %scan3A_280 : i32 to index
      %get3A_369 = arith.constant 80 : index
      %get3A_370 = tpu.vector_load %arg13[%get3A_368, %get3A_369] {strides = array<i32>} : memref<32x128xf32, #tpu.memory_space<vmem>>, vector<16xf32>,
      %add3A_371 = arith.addf %get3A_370, %mul3A_108 : vector<16xf32>
      %add3A_372 = arith.addf %add3A_371, %add3A_371 : vector<16xf32>
      %exp3A_373 = math.exp %add3A_372 : vector<16xf32>
      %add3A_374 = arith.constant 1.000000e+00 : f32
      %add3A_375 = vector.broadcast %add3A_374 : f32 to vector<16xf32>
      %add3A_376 = arith.addf %exp3A_373, %add3A_375 : vector<16xf32>
      %div3A_377 = arith.constant 2.000000e+00 : f32
      %div3A_378 = vector.broadcast %div3A_377 : f32 to vector<16xf32>
      %div3A_379 = arith.divf %div3A_378, %add3A_376 : vector<16xf32>
      %sub3A_380 = arith.constant 1.000000e+00 : f32
      %sub3A_381 = vector.broadcast %sub3A_380 : f32 to vector<16xf32>
      %sub3A_382 = arith.subf %sub3A_381, %div3A_379 : vector<16xf32>
      %mul3A_383 = arith.mulf %sub3A_382, %get3A_235 : vector<16xf32>
      %add3A_384 = arith.addf %add3A_367, %mul3A_383 : vector<16xf32>
      %get3A_385 = arith.index_cast %scan3A_280 : i32 to index
      %get3A_386 = arith.constant 96 : index
      %get3A_387 = tpu.vector_load %arg13[%get3A_385, %get3A_386] {strides = array<i32>} : memref<32x128xf32, #tpu.memory_space<vmem>>, vector<16xf32>,
      %add3A_388 = arith.addf %get3A_387, %mul3A_111 : vector<16xf32>
      %add3A_389 = arith.addf %add3A_388, %add3A_388 : vector<16xf32>
      %exp3A_390 = math.exp %add3A_389 : vector<16xf32>
      %add3A_391 = arith.constant 1.000000e+00 : f32
      %add3A_392 = vector.broadcast %add3A_391 : f32 to vector<16xf32>
      %add3A_393 = arith.addf %exp3A_390, %add3A_392 : vector<16xf32>
      %div3A_394 = arith.constant 2.000000e+00 : f32
      %div3A_395 = vector.broadcast %div3A_394 : f32 to vector<16xf32>
      %div3A_396 = arith.divf %div3A_395, %add3A_393 : vector<16xf32>
      %sub3A_397 = arith.constant 1.000000e+00 : f32
      %sub3A_398 = vector.broadcast %sub3A_397 : f32 to vector<16xf32>
      %sub3A_399 = arith.subf %sub3A_398, %div3A_396 : vector<16xf32>
      %mul3A_400 = arith.mulf %sub3A_399, %get3A_237 : vector<16xf32>
      %add3A_401 = arith.addf %add3A_384, %mul3A_400 : vector<16xf32>
      %get3A_402 = arith.index_cast %scan3A_280 : i32 to index
      %get3A_403 = arith.constant 112 : index
      %get3A_404 = tpu.vector_load %arg13[%get3A_402, %get3A_403] {strides = array<i32>} : memref<32x128xf32, #tpu.memory_space<vmem>>, vector<16xf32>,
      %add3A_405 = arith.addf %get3A_404, %mul3A_114 : vector<16xf32>
      %add3A_406 = arith.addf %add3A_405, %add3A_405 : vector<16xf32>
      %exp3A_407 = math.exp %add3A_406 : vector<16xf32>
      %add3A_408 = arith.constant 1.000000e+00 : f32
      %add3A_409 = vector.broadcast %add3A_408 : f32 to vector<16xf32>
      %add3A_410 = arith.addf %exp3A_407, %add3A_409 : vector<16xf32>
      %div3A_411 = arith.constant 2.000000e+00 : f32
      %div3A_412 = vector.broadcast %div3A_411 : f32 to vector<16xf32>
      %div3A_413 = arith.divf %div3A_412, %add3A_410 : vector<16xf32>
      %sub3A_414 = arith.constant 1.000000e+00 : f32
      %sub3A_415 = vector.broadcast %sub3A_414 : f32 to vector<16xf32>
      %sub3A_416 = arith.subf %sub3A_415, %div3A_413 : vector<16xf32>
      %mul3A_417 = arith.mulf %sub3A_416, %get3A_239 : vector<16xf32>
      %add3A_418 = arith.addf %add3A_401, %mul3A_417 : vector<16xf32>
      %reduce_sum3A_419 = arith.constant true
      %reduce_sum3A_420 = vector.broadcast %reduce_sum3A_419 : i1 to vector<16xi1>
      %reduce_sum3A_421 = tpu.scan <sum>, %add3A_418 masked %reduce_sum3A_420 : vector<16xf32>, vector<16xi1> -> vector<16xf32>
      %reduce_sum3A_422 = vector.extract %reduce_sum3A_421[15] : f32 from vector<16xf32>
      %broadcast_in_dim3A_423 = vector.broadcast %scan3A_280 : i32 to vector<16xi32>
      %broadcast_in_dim3A_424 = vector.broadcast %reduce_sum3A_422 : f32 to vector<16xf32>
      tpu.vector_store_idx %arg20[%broadcast_in_dim3A_423], %broadcast_in_dim3A_424 masked %eq3A_3 : memref<32xf32, #tpu.memory_space<vmem>>[vector<16xi32>], vector<16xf32>, vector<16xi1>
      %scan3A_425 = arith.constant 0 : i32
      scf.yield %scan3A_425 : i32
    }
    %scan3A_246 = arith.constant 20 : i32
    %get3A_247 = arith.constant 0 : index
    %get3A_248 = tpu.vector_load %arg20[%get3A_247] {strides = array<i32>} : memref<32xf32, #tpu.memory_space<vmem>>, vector<16xf32>,
    %get3A_249 = arith.constant 16 : index
    %get3A_250 = tpu.vector_load %arg20[%get3A_249] {strides = array<i32>} : memref<32xf32, #tpu.memory_space<vmem>>, vector<16xf32>,
    %lt3A = arith.constant 4 : i32
    %lt3A_251 = vector.broadcast %lt3A : i32 to vector<16xi32>
    %lt3A_252 = arith.cmpi slt, %iota3A, %lt3A_251 : vector<16xi32>
    %reduce_sum3A = arith.constant true
    %reduce_sum3A_253 = vector.broadcast %reduce_sum3A : i1 to vector<16xi1>
    %reduce_sum3A_254 = tpu.scan <sum>, %get3A_248 masked %reduce_sum3A_253 : vector<16xf32>, vector<16xi1> -> vector<16xf32>
    %reduce_sum3A_255 = vector.extract %reduce_sum3A_254[15] : f32 from vector<16xf32>
    %jit3A_256 = arith.constant 0.000000e+00 : f32
    %broadcast_in_dim3A_257 = vector.broadcast %jit3A_256 : f32 to vector<16xf32>
    %select_n3A_258 = arith.select %lt3A_252, %get3A_250, %broadcast_in_dim3A_257 : vector<16xi1>, vector<16xf32>
    %reduce_sum3A_259 = arith.constant true
    %reduce_sum3A_260 = vector.broadcast %reduce_sum3A_259 : i1 to vector<16xi1>
    %reduce_sum3A_261 = tpu.scan <sum>, %select_n3A_258 masked %reduce_sum3A_260 : vector<16xf32>, vector<16xi1> -> vector<16xf32>
    %reduce_sum3A_262 = vector.extract %reduce_sum3A_261[15] : f32 from vector<16xf32>
    %add3A_263 = arith.addf %reduce_sum3A_255, %reduce_sum3A_262 : f32
    %mul3A_264 = arith.constant 5.000000e-02 : f32
    %mul3A_265 = arith.mulf %add3A_263, %mul3A_264 : f32
    %get3A_266 = arith.constant 0 : index
    %get3A_267 = tpu.vector_load %arg19[%get3A_266] {strides = array<i32>} : memref<32xi32, #tpu.memory_space<vmem>>, vector<16xi32>,
    %get3A_268 = arith.constant 16 : index
    %get3A_269 = tpu.vector_load %arg19[%get3A_268] {strides = array<i32>} : memref<32xi32, #tpu.memory_space<vmem>>, vector<16xi32>,
    %sub3A_270 = vector.broadcast %mul3A_265 : f32 to vector<16xf32>
    %sub3A_271 = arith.subf %get3A_248, %sub3A_270 : vector<16xf32>
    %mul3A_272 = arith.constant 1.000000e+00 : f32
    %mul3A_273 = vector.broadcast %mul3A_272 : f32 to vector<16xf32>
    %mul3A_274 = arith.mulf %sub3A_271, %mul3A_273 : vector<16xf32>
    tpu.vector_store_idx %arg8[%get3A_267], %mul3A_274 {add = true} : memref<100000xf32, #tpu.memory_space<vmem>>[vector<16xi32>], vector<16xf32>,
    %sub3A_275 = vector.broadcast %mul3A_265 : f32 to vector<16xf32>
    %sub3A_276 = arith.subf %get3A_250, %sub3A_275 : vector<16xf32>
    %mul3A_277 = arith.constant 1.000000e+00 : f32
    %mul3A_278 = vector.broadcast %mul3A_277 : f32 to vector<16xf32>
    %mul3A_279 = arith.mulf %sub3A_276, %mul3A_278 : vector<16xf32>
    tpu.vector_store_idx %arg8[%get3A_269], %mul3A_279 masked %lt3A_252 {add = true} : memref<100000xf32, #tpu.memory_space<vmem>>[vector<16xi32>], vector<16xf32>, vector<16xi1>
    "tpu.region"() ({
      %run_scoped3A = tpu.sem_alloc : memref<!tpu.dma_semaphore, #tpu.memory_space<semaphore_mem>>
      %dma_start3A_280 = arith.constant 0 : i32
      %dma_start3A_281 = tpu.memref_slice %arg6[%add3A, %dma_start3A_280] : memref<32x100000xf32, #tpu.memory_space<hbm>> -> memref<1x100000xf32, #tpu.memory_space<hbm>>
      %dma_start3A_282 = tpu.memref_squeeze %dma_start3A_281 : memref<1x100000xf32, #tpu.memory_space<hbm>> -> memref<100000xf32, #tpu.memory_space<hbm>>
      %dma_start3A_283 = arith.constant 0 : i32
      %dma_start3A_284 = tpu.memref_slice %arg6[%add3A, %dma_start3A_283] : memref<32x100000xf32, #tpu.memory_space<hbm>> -> memref<1x100000xf32, #tpu.memory_space<hbm>>
      %dma_start3A_285 = tpu.memref_squeeze %dma_start3A_284 : memref<1x100000xf32, #tpu.memory_space<hbm>> -> memref<100000xf32, #tpu.memory_space<hbm>>
      tpu.enqueue_dma source(%arg8 : memref<100000xf32, #tpu.memory_space<vmem>>) target(%dma_start3A_285 : memref<100000xf32, #tpu.memory_space<hbm>>) target_semaphore(%run_scoped3A : memref<!tpu.dma_semaphore, #tpu.memory_space<semaphore_mem>>)
      %dma_wait3A_286 = arith.constant 0 : i32
      %dma_wait3A_287 = tpu.memref_slice %arg6[%add3A, %dma_wait3A_286] : memref<32x100000xf32, #tpu.memory_space<hbm>> -> memref<1x100000xf32, #tpu.memory_space<hbm>>
      %dma_wait3A_288 = tpu.memref_squeeze %dma_wait3A_287 : memref<1x100000xf32, #tpu.memory_space<hbm>> -> memref<100000xf32, #tpu.memory_space<hbm>>
      %dma_wait3A_289 = arith.constant 0 : i32
      %dma_wait3A_290 = tpu.memref_slice %arg6[%add3A, %dma_wait3A_289] : memref<32x100000xf32, #tpu.memory_space<hbm>> -> memref<1x100000xf32, #tpu.memory_space<hbm>>
      %dma_wait3A_291 = tpu.memref_squeeze %dma_wait3A_290 : memref<1x100000xf32, #tpu.memory_space<hbm>> -> memref<100000xf32, #tpu.memory_space<hbm>>
      tpu.wait_dma2 semaphore(%run_scoped3A : memref<!tpu.dma_semaphore, #tpu.memory_space<semaphore_mem>>) src(%arg8 : memref<100000xf32, #tpu.memory_space<vmem>>) dst(%dma_wait3A_291 : memref<100000xf32, #tpu.memory_space<hbm>>)
      tpu.yield
    }) : () -> ()
    return
  }
}

</mosaic_0001>

<sc_bundles>
// kernel: kernel.3.cloned.1.call-start
scs
__scs_entry_jumppad:
0x0: {  	(pc) =	sbr.rel $0x88, $3  }
0x1: {  	(tag) =	ssettag $0x0;
	lr =	simm.s32 $0x1  }
0x2: {  	[smem:$0x3F9D] =	sst lr;
	_ =	strace $0xD0000000  }
0x3: {  	_ = 	snop  }
0x4: {  	_ = 	snop  }
0x5: {  	_ = 	snop  }
0x6: {  	_ = 	snop  }
0x7: {  	_ = 	snop  }
__scs_overlays_trampoline_lowered:
0x8: {  	[smem:$0x3FAC] =	sst s0  }
0x9: {  	[smem:$0x3FAD] =	sst s1  }
0xa: {  	[smem:$0x3FAE] =	sst s2  }
0xb: {  	[smem:$0x3FAF] =	sst s3  }
0xc: {  	[smem:$0x3FB0] =	sst s4  }
0xd: {  	[smem:$0x3FB1] =	sst s5  }
0xe: {  	[smem:$0x3FB2] =	sst s6  }
0xf: {  	[smem:$0x3FB3] =	sst s7  }
0x10: {  	[smem:$0x3FB4] =	sst s8  }
0x11: {  	[smem:$0x3FB5] =	sst s9;
	s0 =	simm.s32 @!p0 $0x0  }
0x12: {  	s1 =	sld [smem:$0x3F9B];
	s0 =	simm.s32 @p0 $0x1  }
0x13: {  	[smem:$0x3FB6] =	sst s0;
	s0 =	simm.s32 @!p1 $0x0  }
0x14: {  	s2 =	sld [smem:$0x3F9A];
	s0 =	simm.s32 @p1 $0x1  }
0x15: {  	[smem:$0x3FB7] =	sst s0;
	s0 =	simm.s32 @!p2 $0x0  }
0x16: {  	s3 =	sld [smem:$0x3FDB];
	s0 =	simm.s32 @p2 $0x1  }
0x17: {  	s4 =	simm.s32 $0x1BF5;
	[smem:$0x3FB9] =	sst s0  }
0x18: {  	s0 =	sld [smem:$0x3F9C];
	_ =	swait.ge [sflag:s4], $0x0  }
0x19: {  	s7 =	sld [smem:$0x3F9D]  }
0x1a: {  	s8 =	sadd.s32 $0xFFFFE003, lr  }
0x1b: {  	s9 =	sadd.s32 $0xFFFFFEF7, lr;
	s5 =	simm.s32 $0xFFFFFFFF;
	p2 =	slt.u32 s8, $0xFFFFF086  }
0x1c: {  	p1 =	slt.u32 s9, $0xF7A;
	s5 =	simm.s32 @!p2 $0x0  }
0x1d: {  	s5 =	simm.s32 @p1 $0x1;
	p0 =	seq.s32 s7, s2  }
0x1e: {  	s7 =	smul.u32 @!p0 $0xF7A, s2;
	p2 =	seq.s32 @!p0 s5, $0x0  }
0x1f: {  	s9 =	smul.u32 $0xF7A, s1;
	s8 =	simm.s32 @!p0 $0x1BF5;
	p2 =	por !p2, p0  }
0x20: {  	[sflag:s8] =	ssyncset.s32 @!p0 $0xFFFFF086;
	s6 =	sadd.s32 @!p0 s3, s7;
	s7 =	simm.s32 @!p0 $0x108  }
0x21: {  	s3 =	sadd.s32 s3, s9;
	s6 =	sadd.s32 @!p0 $0x88, s6;
	s7 =	simm.s32 @p2 $0x1082  }
0x22: {  	[simem:s7], [sflag:s8] =	dma.local @!p0 [hbm:s6], $0xF7A  }
0x23: {  	s9 =	sor.u32 $0xD0000000, s2;
	s6 =	simm.s32 $0x108;
	_ =	swait.ge @!p0 [sflag:s8], $0x0  }
0x24: {  	s3 =	sadd.s32 $0x88, s3;
	s6 =	simm.s32 @!p1 $0x1082;
	[sflag:s4] =	ssyncset.s32 $0xFFFFF086  }
0x25: {  	[simem:s6], [sflag:s4] =	dma.local [hbm:s3], $0xF7A  }
0x26: {  	[smem:$0x3F9D] =	sst s1;
	(tag) =	ssettag s2;
	_ =	strace s9  }
0x27: {  	s1 =	sld [smem:$0x3FAD]  }
0x28: {  	s2 =	sld [smem:$0x3FAE]  }
0x29: {  	s4 =	sld [smem:$0x3FB0]  }
0x2a: {  	p0 =	seq.s32 s5, $0x0;
	s5 =	sld [smem:$0x3FB1]  }
0x2b: {  	s6 =	sld [smem:$0x3FB2]  }
0x2c: {  	s7 =	sld [smem:$0x3FB3]  }
0x2d: {  	s3 =	simm.s32 $0x108;
	s8 =	sld [smem:$0x3FB4]  }
0x2e: {  	s3 =	simm.s32 @!p0 $0x1082;
	s9 =	sld [smem:$0x3FB5]  }
0x2f: {  	lr =	sadd.s32 s0, s3;
	s0 =	sld [smem:$0x3FAC]  }
0x30: {  	s3 =	sld [smem:$0x3FAF]  }
0x31: {  	[smem:$0x3FB8] =	sst s10  }
0x32: {  	s10 =	sld [smem:$0x3FB6];
	_ =	sdelay $0x3  }
0x33: {  	p0 =	seq.s32 s10, $0x1;
	s10 =	sld [smem:$0x3FB8];
	_ =	sdelay $0x3  }
0x34: {  	[smem:$0x3FB8] =	sst s10  }
0x35: {  	s10 =	sld [smem:$0x3FB7];
	_ =	sdelay $0x3  }
0x36: {  	p1 =	seq.s32 s10, $0x1;
	s10 =	sld [smem:$0x3FB8];
	_ =	sdelay $0x3  }
0x37: {  	[smem:$0x3FB8] =	sst s10  }
0x38: {  	s10 =	sld [smem:$0x3FB9]  }
0x39: {  	_ = 	snop;
	(pc) =	sbr.ind lr, $3  }
0x3a: {  	_ = 	snop  }
0x3b: {  	_ = 	snop  }
0x3c: {  	p2 =	seq.s32 s10, $0x1;
	s10 =	sld [smem:$0x3FB8]  }
0x3d: {  	_ =	shalt  }
0x3e: {  	_ =	shalt  }
0x3f: {  	_ =	shalt  }
0x40: {  	_ =	shalt  }
0x41: {  	_ =	shalt  }
0x42: {  	_ =	shalt  }
0x43: {  	_ =	shalt  }
0x44: {  	_ =	shalt  }
0x45: {  	_ =	shalt  }
0x46: {  	_ =	shalt  }
0x47: {  	_ =	shalt  }
0x48: {  	_ =	shalt  }
0x49: {  	_ =	shalt  }
0x4a: {  	_ =	shalt  }
0x4b: {  	_ =	shalt  }
0x4c: {  	_ =	shalt  }
0x4d: {  	_ =	shalt  }
0x4e: {  	_ =	shalt  }
0x4f: {  	_ =	shalt  }
0x50: {  	_ =	shalt  }
0x51: {  	_ =	shalt  }
0x52: {  	_ =	shalt  }
0x53: {  	_ =	shalt  }
0x54: {  	_ =	shalt  }
0x55: {  	_ =	shalt  }
0x56: {  	_ =	shalt  }
0x57: {  	_ =	shalt  }
0x58: {  	_ =	shalt  }
0x59: {  	_ =	shalt  }
0x5a: {  	_ =	shalt  }
0x5b: {  	_ =	shalt  }
0x5c: {  	_ =	shalt  }
0x5d: {  	_ =	shalt  }
0x5e: {  	_ =	shalt  }
0x5f: {  	_ =	shalt  }
0x60: {  	_ =	shalt  }
0x61: {  	_ =	shalt  }
0x62: {  	_ =	shalt  }
0x63: {  	_ =	shalt  }
0x64: {  	_ =	shalt  }
0x65: {  	_ =	shalt  }
0x66: {  	_ =	shalt  }
0x67: {  	_ =	shalt  }
0x68: {  	_ =	shalt  }
0x69: {  	_ =	shalt  }
0x6a: {  	_ =	shalt  }
0x6b: {  	_ =	shalt  }
0x6c: {  	_ =	shalt  }
0x6d: {  	_ =	shalt  }
0x6e: {  	_ =	shalt  }
0x6f: {  	_ =	shalt  }
0x70: {  	_ =	shalt  }
0x71: {  	_ =	shalt  }
0x72: {  	_ =	shalt  }
0x73: {  	_ =	shalt  }
0x74: {  	_ =	shalt  }
0x75: {  	_ =	shalt  }
0x76: {  	_ =	shalt  }
0x77: {  	_ =	shalt  }
0x78: {  	_ =	shalt  }
0x79: {  	_ =	shalt  }
0x7a: {  	_ =	shalt  }
0x7b: {  	_ =	shalt  }
0x7c: {  	_ =	shalt  }
0x7d: {  	_ =	shalt  }
0x7e: {  	_ =	shalt  }
0x7f: {  	_ =	shalt  }
0x80: {  	_ =	shalt  }
0x81: {  	_ =	shalt  }
0x82: {  	_ =	shalt  }
0x83: {  	_ =	shalt  }
0x84: {  	_ =	shalt  }
0x85: {  	_ =	shalt  }
0x86: {  	_ =	shalt  }
0x87: {  	_ =	shalt  }
.Lfunc_end0:
.L_simem_size_0:
called_computation_lowered:
.L_overlay_start_0:
0x88: {  	s2 =	sld [smem:$0x3FD9]  }
0x89: {  	s3 =	sld [smem:$0x3FFE];
	_ =	sdelay $0x1  }
0x8a: {  	s1 =	srdreg.scid  }
0x8b: {  	s0 =	sand.u32 $0x1, s1  }
0x8c: {  	s18 =	sshll.u32 s0, $0xA;
	s2 =	sadd.s32 s3, s2  }
0x8d: {  	s2 =	sadd.s32 s2, s18  }
0x8e: {  	[smem:$0x3FC4] =	sst s2  }
0x8f: {  	_ = 	snop  }
0x90: {  	s2 =	sld [smem:$0x3FC9]  }
0x91: {  	s19 =	sld [smem:$0x3FC8]  }
0x92: {  	s4 =	sld [smem:$0x3FC7]  }
0x93: {  	s5 =	sld [smem:$0x3FC6]  }
0x94: {  	s6 =	sld [smem:$0x3FD0];
	(tm) =	ssettm $0x1  }
0x95: {  	s7 =	sld [smem:$0x3FFB];
	_ =	sdelay $0x3  }
0x96: {  	_ =	strace s7  }
0x97: {  	s7 =	sld [smem:$0x3FFC];
	_ =	sdelay $0x3  }
0x98: {  	_ =	strace s7  }
0x99: {  	s7 =	sld [smem:$0x3FFD];
	_ =	sdelay $0x3  }
0x9a: {  	_ =	strace s7  }
0x9b: {  	_ =	strace $0x8FFFFFFF  }
0x9c: {  	s20 =	sld [smem:$0x3FDB];
	_ =	sdelay $0x1  }
0x9d: {  	s8 =	simm.s32 $_scs_section_size  }
0x9e: {  	s9 =	simm.s32 $_size__tile_overlayer_lowered;
	s10 =	simm.s32 $_tile_overlayer_lowered  }
0x9f: {  	s23 =	simm.s32 $0x1BFF;
	s22 =	sshll.u32 s10, $0x1;
	s7 =	sadd.s32 s8, s20  }
0xa0: {  	s11 =	simm.s32 $0x0;
	s21 =	sshll.u32 s9, $0x1;
	s9 =	sadd.s32 s22, s7  }
0xa1: {  	[timem:s11], [sflag:s23] =	dma.local [hbm:s9], s21  }
0xa2: {  	_ =	swait.ge [sflag:s23], s21  }
0xa3: {  	s8 =	ssub.s32 $0x0, s21;
	[sflag:s23] =	ssyncset.done $0x0  }
0xa4: {  	[sflag:s23] =	ssyncadd.s32 s8;
	_ =	sdelay $0x1  }
0xa5: {  	s24 =	simm.s32 $0x1B8B  }
0xa6: {  	_ =	swait.ge [sflag:s24], $0x1  }
0xa7: {  	[sflag:s24] =	ssyncset.done $0x0  }
0xa8: {  	s25 =	simm.s32 $0x1B8E;
	[sflag:s24] =	ssyncadd.s32 $0xFFFFFFFF  }
0xa9: {  	s26 =	simm.s32 $execute0_lowered;
	[smem:$0x3FD2] =	sst s25  }
0xaa: {  	s8 =	sshll.u32 s26, $0x1;
	_ =	strace $0x80000046;
	[dreg:$0x1] =	wrdreg $0xFFFFFFFF  }
0xab: {  	s28 =	simm.s32 $_size_execute0_lowered;
	s7 =	sadd.s32 s7, s8;
	[dreg:$0x0] =	wrdreg $0x0  }
0xac: {  	s8 =	sshll.u32 s28, $0x1;
	[dreg:$0x2] =	wrdreg s7  }
0xad: {  	[dreg:$0x3] =	wrdreg s8  }
0xae: {  	[dreg:$0x4] =	wrdreg $0xC0  }
0xaf: {  	_ =	task [dreg:s11], $0x5FFFF  }
0xb0: {  	[dreg:$0x1] =	wrdreg $0xFFFFFFFF  }
0xb1: {  	[dreg:$0x0] =	wrdreg $0x60  }
0xb2: {  	[dreg:$0x2] =	wrdreg s2  }
0xb3: {  	[dreg:$0x3] =	wrdreg s19  }
0xb4: {  	[dreg:$0x4] =	wrdreg s4  }
0xb5: {  	[dreg:$0x5] =	wrdreg s5  }
0xb6: {  	[dreg:$0x6] =	wrdreg s6  }
0xb7: {  	[dreg:$0x7] =	wrdreg $0x9  }
0xb8: {  	_ =	task.clear_ibuf [dreg:s11], $0x8FFFF;
	_ =	strace $0x90000046  }
0xb9: {  	s29 =	simm.s32 $0x9;
	_ =	strace $0x80000048  }
0xba: {  	_ =	swait.ge [sflag:s29], $0x1  }
0xbb: {  	[sflag:s29] =	ssyncadd.s32 $0xFFFFFFFF  }
0xbc: {  	_ =	strace $0x90000048  }
0xbd: {  	_ =	sfence  }
0xbe: {  	s30 =	sld [smem:$0x0];
	_ =	sdelay $0x2  }
0xbf: {  	s31 =	sshll.u32 s1, $0xD;
	s1 =	sshrl.u32 s1, $0x2  }
0xc0: {  	s3 =	sand.u32 $0x4000, s31;
	s1 =	sadd.s32 s1, s30  }
0xc1: {  	s0 =	sor.u32 s3, s0;
	s1 =	sshll.u32 s1, $0x11  }
0xc2: {  	s0 =	sor.u32 s1, s0  }
0xc3: {  	s0 =	sadd.s32 $0x8F2B, s0  }
0xc4: {  	[sflag:s0] =	ssyncadd.remote.s32 $0x1  }
0xc5: {  	_ =	sfence.sel $0xFFFF  }
0xc6: {  	[dreg:$0x0] =	wrdreg $0xFFFFFFFF;
	(pc) =	sbr.abs _section_cstart, $3  }
0xc7: {  	[dreg:$0x1] =	wrdreg $0xFFFFFFFF  }
0xc8: {  	_ =	task.clear_ibuf [dreg:s11], $0x2FFFF;
	_ =	strace $0x9FFFFFFF  }
0xc9: {  	(tm) =	ssettm $0x7FFFFFFF  }
tec
execute0_lowered:
.L_overlay_start_1:
0x0: {  	(tag) =	ssettag $0x1  }
0x1: {  	s0 =	rddreg [dreg:$0x0]  }
0x2: {  	s1 =	rddreg [dreg:$0x1]  }
0x3: {  	s16 =	rddreg [dreg:$0x2]  }
0x4: {  	s2 =	rddreg [dreg:$0x4]  }
0x5: {  	s3 =	srdreg.scid;
	s5 =	stileid.u32  }
0x6: {  	s6 =	simm.s32 $0x0;
	s17 =	simm.s32 $0x2;
	s10 =	simm.s32 $0x10  }
0x7: {  	s11 =	simm.s32 $0x18F00;
	s12 =	simm.s32 $0x19700;
	s13 =	simm.s32 $0x19F00  }
0x8: {  	s14 =	simm.s32 $0x1A700;
	s19 =	simm.s32 $0x3;
	s21 =	simm.s32 $0x4  }
0x9: {  	s22 =	simm.s32 $0x5;
	s26 =	simm.s32 $0x1BF00;
	s3 =	sand.u32 $0x1, s3  }
0xa: {  	s4 =	sshll.u32 s5, $0x1;
	[smem:$0x7FF] =	sst s6;
	s5 =	sshrl.u32 s5, $0x2  }
0xb: {  	s4 =	sor.u32 s3, s4;
	_ =	strace $0x80000047;
	s3 =	ssub.s32 $0x2, s3  }
0xc: {  	s7 =	smul.u32 $0xC3800, s5;
	s28 =	sshll.u32 s4, $0x7;
	s8 =	sshrl.u32 s3, $0x1  }
0xd: {  	s5 =	sshll.u32 s5, $0xE;
	s6 =	sand.u32 $0x380, s28;
	s3 =	ssub.s32 s3, s8  }
0xe: {  	s5 =	sor.u32 s5, s6;
	s6 =	sor.u32 s7, s6;
	s31 =	smax.u32 s3, $0x1  }
0xf: {  	v0 =	vlaneseq.u32;
	s3 =	simm.s32 $0x400;
	s7 =	simm.s32 $0x20;
	s5 =	sshrl.u32 s5, $0x3  }
0x10: {  	v1 =	vmul.u32 $0x20, v0;
	s6 =	sshrl.u32 s6, $0x3;
	[dreg:$0x9] =	wrdreg s31;
	s0 =	sadd.s32 s0, s5  }
0x11: {  	v3 =	vimm.s32 $0x0;
	s29 =	sadd.s32 s1, s6;
	s30 =	sadd.s32 s2, s6;
	[dreg:$0x6] =	wrdreg s0  }
0x12: {  	v4 =	vimm.s32 $0x1;
	v5 =	vimm.s32 $0x80000000;
	v2 =	vor.u32 $0x200, v1;
	s2 =	simm.s32 $0x80;
	s5 =	simm.s32 $0x800;
	[dreg:$0x7] =	wrdreg s29  }
0x13: {  	v6 =	vimm.s32 $0x40000000;
	v1 =	vor.u32 s4, v1;
	v2 =	vor.u32 s4, v2;
	s6 =	simm.s32 $0x6;
	s1 =	simm.s32 $0x0;
	[dreg:$0x8] =	wrdreg s30  }
.LBB2_1:
0x14: {  	[dreg:$0xa] =	wrdreg s1  }
0x15: {  	s25 =	simm.s32 $0x0;
	s0 =	rddreg [dreg:$0x6]  }
0x16: {  	[tilespmem:s25], [sflag:$0x2] =	stream.strided.gather [hbm4b:s0+s2], $0x800, s3, s2, $0x38;
	[tilespmem:$0x1EC80] =	vst v63  }
0x17: {  	s28 =	rddreg [dreg:$0x7]  }
0x18: {  	[tilespmem:s5], [sflag:$0x1] =	stream.strided.gather [hbm4b:s28+s2], $0x18700, s3, s2, $0x38;
	[tilespmem:$0x1EC80] =	vst v63  }
0x19: {  	s29 =	rddreg [dreg:$0x3];
	s30 =	simm.s32 $0x1EC00  }
0x1a: {  	[tilespmem:s30], [sflag:$0x6] =	stream.linear.gather [hbm4b:s29+s25], $0x80, $0x38;
	[tilespmem:$0x1EC80] =	vst v63  }
0x1b: {  	_ =	swait.ge [sflag:s6], $0x80  }
0x1c: {  	[sflag:s6] =	ssyncset.done $0x0  }
0x1d: {  	[sflag:s6] =	ssyncadd.s32 $0xFFFFFF80  }
0x1e: {  	_ =	swait.ge [sflag:s17], $0x800  }
0x1f: {  	[sflag:s17] =	ssyncset.done $0x0  }
0x20: {  	[sflag:s17] =	ssyncadd.s32 $0xFFFFF800  }
0x21: {  	[tilespmem:s11], [sflag:$0x2] =	stream.indirect.gather [hbm4b:s16+s10], $0x80, s25, s10, $0xb8;
	[tilespmem:$0x1EC80] =	vst v63  }
0x22: {  	_ = 	snop  }
0x23: {  	[tilespmem:s12], [sflag:$0x3] =	stream.indirect.gather [hbm4b:s16+s10], $0x80, s10, s10, $0xb8;
	[tilespmem:$0x1EC80] =	vst v63  }
0x24: {  	_ = 	snop  }
0x25: {  	v15 =	vimm.f32 $0.0e+00;
	v14 =	vimm.f32 $0.0e+00;
	[tilespmem:s13], [sflag:$0x4] =	stream.indirect.gather [hbm4b:s16+s10], $0x80, s7, s10, $0xb8;
	[tilespmem:$0x1EC80] =	vst v63  }
0x26: {  	s31 =	simm.s32 $0x30;
	v16 =	vimm.f32 $0.0e+00;
	v13 =	vimm.f32 $0.0e+00;
	v7 =	vimm.f32 $0.0e+00;
	s2 =	simm.s32 $0x0  }
0x27: {  	v9 =	vimm.f32 $0.0e+00;
	v8 =	vimm.f32 $0.0e+00;
	v10 =	vimm.f32 $0.0e+00;
	[tilespmem:s14], [sflag:$0x5] =	stream.indirect.gather [hbm4b:s16+s10], $0x80, s31, s10, $0xb8;
	[tilespmem:$0x1EC80] =	vst v63  }
.LBB2_2:
0x28: {  	_ =	swait.ge [sflag:s17], $0x800  }
0x29: {  	[sflag:s17] =	ssyncset.done $0x0  }
0x2a: {  	s1 =	simm.s32 $0x19000;
	[sflag:s17] =	ssyncadd.s32 $0xFFFFF800  }
0x2b: {  	v19 =	vld [tilespmem:s1+$0x80]  }
0x2c: {  	v20 =	vld [tilespmem:s1+$0x90]  }
0x2d: {  	v24 =	vld [tilespmem:s1+$0xA0]  }
0x2e: {  	v25 =	vld [tilespmem:s1+$0xB0]  }
0x2f: {  	v11 =	vld [tilespmem:s1+$0xC0]  }
0x30: {  	v12 =	vld [tilespmem:s1+$0xD0]  }
0x31: {  	v21 =	vld [tilespmem:s1+$0x0]  }
0x32: {  	v22 =	vld [tilespmem:s1+$0x10]  }
0x33: {  	v23 =	vld [tilespmem:s1+$0x20]  }
0x34: {  	v26 =	vld [tilespmem:s1+$0x30]  }
0x35: {  	v17 =	vld [tilespmem:s1+$0x40]  }
0x36: {  	v18 =	vld [tilespmem:s1+$0x50]  }
0x37: {  	v27 =	vld [tilespmem:s1+$0xFFFFFF80]  }
0x38: {  	v28 =	vld [tilespmem:s1+$0xFFFFFF90]  }
0x39: {  	v29 =	vld [tilespmem:s1+$0xFFFFFF00]  }
0x3a: {  	v30 =	vld [tilespmem:s1+$0xFFFFFF10]  }
0x3b: {  	v31 =	vld [tilespmem:s1+$0xFFFFFF20]  }
0x3c: {  	v32 =	vld [tilespmem:s1+$0xFFFFFF30]  }
0x3d: {  	v33 =	vld [tilespmem:s1+$0xFFFFFFA0]  }
0x3e: {  	v34 =	vld [tilespmem:s1+$0xFFFFFFB0]  }
0x3f: {  	v35 =	vld [tilespmem:s1+$0xFFFFFFC0]  }
0x40: {  	v10 =	vadd.f32 v29, v10;
	v8 =	vadd.f32 v30, v8;
	v29 =	vld [tilespmem:s1+$0xFFFFFFD0]  }
0x41: {  	v9 =	vadd.f32 v31, v9;
	v7 =	vadd.f32 v32, v7;
	v30 =	vld [tilespmem:s1+$0xFFFFFF40]  }
0x42: {  	v31 =	vld [tilespmem:s1+$0xFFFFFF50];
	v10 =	vadd.f32 v27, v10;
	v8 =	vadd.f32 v28, v8  }
0x43: {  	v27 =	vld [tilespmem:s1+$0xFFFFFF60];
	v9 =	vadd.f32 v33, v9;
	v7 =	vadd.f32 v34, v7  }
0x44: {  	v28 =	vld [tilespmem:s1+$0xFFFFFF70];
	v10 =	vadd.f32 v21, v10;
	v22 =	vadd.f32 v22, v8  }
0x45: {  	v21 =	vld [tilespmem:s1+$0xFFFFFFE0];
	v9 =	vadd.f32 v23, v9;
	v7 =	vadd.f32 v26, v7  }
0x46: {  	v23 =	vld [tilespmem:s1+$0xFFFFFFF0];
	v8 =	vadd.f32 v19, v10;
	v10 =	vadd.f32 v20, v22  }
0x47: {  	v22 =	vld [tilespmem:s1+$0x60];
	v19 =	vadd.f32 v24, v9;
	v20 =	vadd.f32 v25, v7  }
0x48: {  	v7 =	vadd.f32 v30, v13;
	v9 =	vadd.f32 v31, v16;
	v16 =	vld [tilespmem:s1+$0x70]  }
0x49: {  	v24 =	vld [tilespmem:s1+$0xF0];
	v25 =	vadd.f32 v27, v14;
	v26 =	vadd.f32 v28, v15  }
0x4a: {  	s0 =	simm.s32 $0x0;
	v14 =	vld [tilespmem:s1+$0xE0];
	s1 =	simm.s32 $0x19200;
	v27 =	vadd.f32 v35, v7;
	v28 =	vadd.f32 v29, v9  }
.LBB2_3:
0x4b: {  	v7 =	vld [tilespmem:s1+$0x80];
	v9 =	vadd.f32 v21, v25;
	v13 =	vadd.f32 v23, v26  }
0x4c: {  	v15 =	vld [tilespmem:s1+$0x90];
	v17 =	vadd.f32 v17, v27;
	v18 =	vadd.f32 v18, v28  }
0x4d: {  	v25 =	vld [tilespmem:s1+$0xA0];
	v9 =	vadd.f32 v22, v9;
	v13 =	vadd.f32 v16, v13  }
0x4e: {  	v16 =	vld [tilespmem:s1+$0xB0];
	v26 =	vadd.f32 v11, v17;
	v27 =	vadd.f32 v12, v18  }
0x4f: {  	v11 =	vld [tilespmem:s1+$0xC0];
	v9 =	vadd.f32 v14, v9;
	v13 =	vadd.f32 v24, v13  }
0x50: {  	v12 =	vld [tilespmem:s1+$0xD0]  }
0x51: {  	v14 =	vld [tilespmem:s1+$0x0]  }
0x52: {  	v21 =	vld [tilespmem:s1+$0x10]  }
0x53: {  	v22 =	vld [tilespmem:s1+$0x20]  }
0x54: {  	v23 =	vld [tilespmem:s1+$0x30]  }
0x55: {  	v17 =	vld [tilespmem:s1+$0x40]  }
0x56: {  	v18 =	vld [tilespmem:s1+$0x50]  }
0x57: {  	v24 =	vld [tilespmem:s1+$0xFFFFFF80]  }
0x58: {  	v28 =	vld [tilespmem:s1+$0xFFFFFF90]  }
0x59: {  	v29 =	vld [tilespmem:s1+$0xFFFFFF00]  }
0x5a: {  	v30 =	vld [tilespmem:s1+$0xFFFFFF10]  }
0x5b: {  	v31 =	vld [tilespmem:s1+$0xFFFFFF20]  }
0x5c: {  	v32 =	vld [tilespmem:s1+$0xFFFFFF30]  }
0x5d: {  	v33 =	vld [tilespmem:s1+$0xFFFFFFA0]  }
0x5e: {  	v34 =	vld [tilespmem:s1+$0xFFFFFFB0]  }
0x5f: {  	v35 =	vld [tilespmem:s1+$0xFFFFFFC0]  }
0x60: {  	v8 =	vadd.f32 v29, v8;
	v10 =	vadd.f32 v30, v10;
	v29 =	vld [tilespmem:s1+$0xFFFFFFD0]  }
0x61: {  	v19 =	vadd.f32 v31, v19;
	v20 =	vadd.f32 v32, v20;
	v30 =	vld [tilespmem:s1+$0xFFFFFF40]  }
0x62: {  	v8 =	vadd.f32 v24, v8;
	v10 =	vadd.f32 v28, v10;
	v31 =	vld [tilespmem:s1+$0xFFFFFF50]  }
0x63: {  	v19 =	vadd.f32 v33, v19;
	v24 =	vld [tilespmem:s1+$0xFFFFFF60];
	v20 =	vadd.f32 v34, v20  }
0x64: {  	s0 =	sadd.s32 $0x2, s0;
	v8 =	vadd.f32 v14, v8;
	v10 =	vadd.f32 v21, v10;
	v28 =	vld [tilespmem:s1+$0xFFFFFF70]  }
0x65: {  	p0 =	slt.u32 s0, $0x6;
	v14 =	vadd.f32 v22, v19;
	v21 =	vld [tilespmem:s1+$0xFFFFFFE0];
	v20 =	vadd.f32 v23, v20  }
.Ltmp0:
0x66: {  	v8 =	vadd.f32 v7, v8;
	v10 =	vadd.f32 v15, v10;
	v23 =	vld [tilespmem:s1+$0xFFFFFFF0];
	(pc) =	sbr.rel @p0 .LBB2_3-.Ltmp0, $4  }
0x67: {  	v19 =	vadd.f32 v25, v14;
	v22 =	vld [tilespmem:s1+$0x60];
	v20 =	vadd.f32 v16, v20  }
0x68: {  	v7 =	vadd.f32 v30, v26;
	v15 =	vadd.f32 v31, v27;
	v16 =	vld [tilespmem:s1+$0x70]  }
0x69: {  	v25 =	vadd.f32 v24, v9;
	v26 =	vadd.f32 v28, v13;
	v14 =	vld [tilespmem:s1+$0xE0]  }
0x6a: {  	v27 =	vadd.f32 v35, v7;
	v28 =	vadd.f32 v29, v15;
	v24 =	vld [tilespmem:s1+$0xF0];
	s1 =	sadd.s32 $0x200, s1  }
0x6b: {  	s0 =	sshll.u32 s2, $0x6  }
0x6c: {  	s0 =	sand.u32 $0x3FFFFFC0, s0  }
0x6d: {  	s1 =	sadd.s32 $0x40, s0  }
0x6e: {  	[tilespmem:s11], [sflag:$0x2] =	stream.indirect.gather [hbm4b:s16+s10], $0x80, s1, s10, $0xb8;
	[tilespmem:$0x1EC80] =	vst v63  }
0x6f: {  	_ =	swait.ge [sflag:s19], $0x800  }
0x70: {  	[sflag:s19] =	ssyncset.done $0x0  }
0x71: {  	s3 =	simm.s32 $0x19800;
	[sflag:s19] =	ssyncadd.s32 $0xFFFFF800  }
0x72: {  	v29 =	vld [tilespmem:s3+$0x80]  }
0x73: {  	v30 =	vld [tilespmem:s3+$0x90]  }
0x74: {  	v31 =	vld [tilespmem:s3+$0xA0]  }
0x75: {  	v32 =	vld [tilespmem:s3+$0xB0]  }
0x76: {  	v7 =	vld [tilespmem:s3+$0xC0]  }
0x77: {  	v9 =	vld [tilespmem:s3+$0xD0]  }
0x78: {  	v33 =	vld [tilespmem:s3+$0x0]  }
0x79: {  	v34 =	vld [tilespmem:s3+$0x10]  }
0x7a: {  	v35 =	vld [tilespmem:s3+$0x20]  }
0x7b: {  	v36 =	vld [tilespmem:s3+$0x30]  }
0x7c: {  	v13 =	vld [tilespmem:s3+$0x40]  }
0x7d: {  	v15 =	vld [tilespmem:s3+$0x50]  }
0x7e: {  	v37 =	vld [tilespmem:s3+$0xFFFFFF80]  }
0x7f: {  	v38 =	vld [tilespmem:s3+$0xFFFFFF90]  }
0x80: {  	v39 =	vld [tilespmem:s3+$0xFFFFFF00]  }
0x81: {  	v40 =	vld [tilespmem:s3+$0xFFFFFF10]  }
0x82: {  	v21 =	vadd.f32 v21, v25;
	v23 =	vadd.f32 v23, v26;
	v25 =	vld [tilespmem:s3+$0xFFFFFF20]  }
0x83: {  	v17 =	vadd.f32 v17, v27;
	v18 =	vadd.f32 v18, v28;
	v26 =	vld [tilespmem:s3+$0xFFFFFF30]  }
0x84: {  	v21 =	vadd.f32 v22, v21;
	v16 =	vadd.f32 v16, v23;
	v22 =	vld [tilespmem:s3+$0xFFFFFFA0]  }
0x85: {  	v23 =	vadd.f32 v11, v17;
	v27 =	vadd.f32 v12, v18;
	v11 =	vld [tilespmem:s3+$0xFFFFFFB0]  }
0x86: {  	v14 =	vadd.f32 v14, v21;
	v16 =	vadd.f32 v24, v16;
	v24 =	vld [tilespmem:s3+$0xFFFFFFC0]  }
0x87: {  	v28 =	vld [tilespmem:s3+$0xFFFFFFD0];
	v8 =	vadd.f32 v39, v8;
	v10 =	vadd.f32 v40, v10  }
0x88: {  	v21 =	vld [tilespmem:s3+$0xFFFFFF40];
	v12 =	vadd.f32 v25, v19;
	v17 =	vadd.f32 v26, v20  }
0x89: {  	v63 =	vld [tilespmem:s3+$0xFFFFFF70];
	v8 =	vadd.f32 v37, v8;
	v10 =	vadd.f32 v38, v10  }
0x8a: {  	v25 =	vld [tilespmem:s3+$0xFFFFFF50];
	v12 =	vadd.f32 v22, v12;
	v11 =	vadd.f32 v11, v17  }
0x8b: {  	v26 =	vld [tilespmem:s3+$0xFFFFFF60];
	v8 =	vadd.f32 v33, v8;
	v10 =	vadd.f32 v34, v10  }
0x8c: {  	v19 =	vld [tilespmem:s3+$0xFFFFFFE0];
	v17 =	vadd.f32 v35, v12;
	v18 =	vadd.f32 v36, v11  }
0x8d: {  	v22 =	vld [tilespmem:s3+$0xFFFFFFF0];
	v11 =	vadd.f32 v29, v8;
	v12 =	vadd.f32 v30, v10  }
0x8e: {  	v20 =	vld [tilespmem:s3+$0x60];
	v17 =	vadd.f32 v31, v17;
	v18 =	vadd.f32 v32, v18  }
0x8f: {  	v8 =	vadd.f32 v21, v23;
	v10 =	vadd.f32 v25, v27;
	v23 =	vld [tilespmem:s3+$0x70]  }
0x90: {  	v25 =	vadd.f32 v26, v14;
	v26 =	vadd.f32 v63, v16;
	v21 =	vld [tilespmem:s3+$0xE0]  }
0x91: {  	s1 =	simm.s32 $0x0;
	v27 =	vadd.f32 v24, v8;
	v28 =	vadd.f32 v28, v10;
	v24 =	vld [tilespmem:s3+$0xF0];
	s3 =	simm.s32 $0x19A00  }
.LBB2_5:
0x92: {  	v8 =	vld [tilespmem:s3+$0x80];
	v10 =	vadd.f32 v19, v25;
	v14 =	vadd.f32 v22, v26  }
0x93: {  	v16 =	vld [tilespmem:s3+$0x90];
	v13 =	vadd.f32 v13, v27;
	v15 =	vadd.f32 v15, v28  }
0x94: {  	v25 =	vld [tilespmem:s3+$0xA0];
	v10 =	vadd.f32 v20, v10;
	v14 =	vadd.f32 v23, v14  }
0x95: {  	v23 =	vld [tilespmem:s3+$0xB0];
	v26 =	vadd.f32 v7, v13;
	v27 =	vadd.f32 v9, v15  }
0x96: {  	v7 =	vld [tilespmem:s3+$0xC0];
	v10 =	vadd.f32 v21, v10;
	v14 =	vadd.f32 v24, v14  }
0x97: {  	v9 =	vld [tilespmem:s3+$0xD0]  }
0x98: {  	v19 =	vld [tilespmem:s3+$0x0]  }
0x99: {  	v20 =	vld [tilespmem:s3+$0x10]  }
0x9a: {  	v21 =	vld [tilespmem:s3+$0x20]  }
0x9b: {  	v22 =	vld [tilespmem:s3+$0x30]  }
0x9c: {  	v13 =	vld [tilespmem:s3+$0x40]  }
0x9d: {  	v15 =	vld [tilespmem:s3+$0x50]  }
0x9e: {  	v24 =	vld [tilespmem:s3+$0xFFFFFF80]  }
0x9f: {  	v28 =	vld [tilespmem:s3+$0xFFFFFF90]  }
0xa0: {  	v29 =	vld [tilespmem:s3+$0xFFFFFF00]  }
0xa1: {  	v30 =	vld [tilespmem:s3+$0xFFFFFF10]  }
0xa2: {  	v31 =	vld [tilespmem:s3+$0xFFFFFF20]  }
0xa3: {  	v32 =	vld [tilespmem:s3+$0xFFFFFF30]  }
0xa4: {  	v33 =	vld [tilespmem:s3+$0xFFFFFFA0]  }
0xa5: {  	v34 =	vld [tilespmem:s3+$0xFFFFFFB0]  }
0xa6: {  	v35 =	vld [tilespmem:s3+$0xFFFFFFC0]  }
0xa7: {  	v11 =	vadd.f32 v29, v11;
	v12 =	vadd.f32 v30, v12;
	v29 =	vld [tilespmem:s3+$0xFFFFFFD0]  }
0xa8: {  	v17 =	vadd.f32 v31, v17;
	v18 =	vadd.f32 v32, v18;
	v30 =	vld [tilespmem:s3+$0xFFFFFF40]  }
0xa9: {  	v11 =	vadd.f32 v24, v11;
	v12 =	vadd.f32 v28, v12;
	v31 =	vld [tilespmem:s3+$0xFFFFFF50]  }
0xaa: {  	v17 =	vadd.f32 v33, v17;
	v24 =	vld [tilespmem:s3+$0xFFFFFF60];
	v18 =	vadd.f32 v34, v18  }
0xab: {  	s1 =	sadd.s32 $0x2, s1;
	v11 =	vadd.f32 v19, v11;
	v12 =	vadd.f32 v20, v12;
	v28 =	vld [tilespmem:s3+$0xFFFFFF70]  }
0xac: {  	p0 =	slt.u32 s1, $0x6;
	v17 =	vadd.f32 v21, v17;
	v19 =	vld [tilespmem:s3+$0xFFFFFFE0];
	v18 =	vadd.f32 v22, v18  }
.Ltmp1:
0xad: {  	v11 =	vadd.f32 v8, v11;
	v12 =	vadd.f32 v16, v12;
	v22 =	vld [tilespmem:s3+$0xFFFFFFF0];
	(pc) =	sbr.rel @p0 .LBB2_5-.Ltmp1, $4  }
0xae: {  	v17 =	vadd.f32 v25, v17;
	v20 =	vld [tilespmem:s3+$0x60];
	v18 =	vadd.f32 v23, v18  }
0xaf: {  	v8 =	vadd.f32 v30, v26;
	v16 =	vadd.f32 v31, v27;
	v23 =	vld [tilespmem:s3+$0x70]  }
0xb0: {  	v25 =	vadd.f32 v24, v10;
	v26 =	vadd.f32 v28, v14;
	v21 =	vld [tilespmem:s3+$0xE0]  }
0xb1: {  	v27 =	vadd.f32 v35, v8;
	v28 =	vadd.f32 v29, v16;
	v24 =	vld [tilespmem:s3+$0xF0];
	s3 =	sadd.s32 $0x200, s3  }
0xb2: {  	s1 =	sadd.s32 $0x50, s0  }
0xb3: {  	[tilespmem:s12], [sflag:$0x3] =	stream.indirect.gather [hbm4b:s16+s10], $0x80, s1, s10, $0xb8;
	[tilespmem:$0x1EC80] =	vst v63  }
0xb4: {  	_ =	swait.ge [sflag:s21], $0x800  }
0xb5: {  	[sflag:s21] =	ssyncset.done $0x0  }
0xb6: {  	s3 =	simm.s32 $0x1A000;
	[sflag:s21] =	ssyncadd.s32 $0xFFFFF800  }
0xb7: {  	v29 =	vld [tilespmem:s3+$0x80]  }
0xb8: {  	v30 =	vld [tilespmem:s3+$0x90]  }
0xb9: {  	v31 =	vld [tilespmem:s3+$0xA0]  }
0xba: {  	v32 =	vld [tilespmem:s3+$0xB0]  }
0xbb: {  	v8 =	vld [tilespmem:s3+$0xC0]  }
0xbc: {  	v10 =	vld [tilespmem:s3+$0xD0]  }
0xbd: {  	v33 =	vld [tilespmem:s3+$0x0]  }
0xbe: {  	v34 =	vld [tilespmem:s3+$0x10]  }
0xbf: {  	v35 =	vld [tilespmem:s3+$0x20]  }
0xc0: {  	v36 =	vld [tilespmem:s3+$0x30]  }
0xc1: {  	v14 =	vld [tilespmem:s3+$0x40]  }
0xc2: {  	v16 =	vld [tilespmem:s3+$0x50]  }
0xc3: {  	v37 =	vld [tilespmem:s3+$0xFFFFFF80]  }
0xc4: {  	v38 =	vld [tilespmem:s3+$0xFFFFFF90]  }
0xc5: {  	v39 =	vld [tilespmem:s3+$0xFFFFFF00]  }
0xc6: {  	v40 =	vld [tilespmem:s3+$0xFFFFFF10]  }
0xc7: {  	v19 =	vadd.f32 v19, v25;
	v22 =	vadd.f32 v22, v26;
	v25 =	vld [tilespmem:s3+$0xFFFFFF20]  }
0xc8: {  	v13 =	vadd.f32 v13, v27;
	v15 =	vadd.f32 v15, v28;
	v26 =	vld [tilespmem:s3+$0xFFFFFF30]  }
0xc9: {  	v19 =	vadd.f32 v20, v19;
	v20 =	vadd.f32 v23, v22;
	v22 =	vld [tilespmem:s3+$0xFFFFFFA0]  }
0xca: {  	v13 =	vadd.f32 v7, v13;
	v15 =	vadd.f32 v9, v15;
	v7 =	vld [tilespmem:s3+$0xFFFFFFB0]  }
0xcb: {  	v21 =	vadd.f32 v21, v19;
	v24 =	vadd.f32 v24, v20;
	v27 =	vld [tilespmem:s3+$0xFFFFFFC0]  }
0xcc: {  	v23 =	vld [tilespmem:s3+$0xFFFFFF40];
	v9 =	vadd.f32 v39, v11;
	v11 =	vadd.f32 v40, v12  }
0xcd: {  	v28 =	vld [tilespmem:s3+$0xFFFFFF70];
	v17 =	vadd.f32 v25, v17;
	v18 =	vadd.f32 v26, v18  }
0xce: {  	v19 =	vld [tilespmem:s3+$0xFFFFFFE0];
	v9 =	vadd.f32 v37, v9;
	v11 =	vadd.f32 v38, v11  }
0xcf: {  	v25 =	vld [tilespmem:s3+$0xFFFFFF50];
	v17 =	vadd.f32 v22, v17;
	v7 =	vadd.f32 v7, v18  }
0xd0: {  	v26 =	vld [tilespmem:s3+$0xFFFFFF60];
	v9 =	vadd.f32 v33, v9;
	v11 =	vadd.f32 v34, v11  }
0xd1: {  	v12 =	vld [tilespmem:s3+$0xFFFFFFD0];
	v17 =	vadd.f32 v35, v17;
	v18 =	vadd.f32 v36, v7  }
0xd2: {  	v22 =	vld [tilespmem:s3+$0xFFFFFFF0];
	v7 =	vadd.f32 v29, v9;
	v9 =	vadd.f32 v30, v11  }
0xd3: {  	v20 =	vld [tilespmem:s3+$0x60];
	v17 =	vadd.f32 v31, v17;
	v18 =	vadd.f32 v32, v18  }
0xd4: {  	v11 =	vadd.f32 v23, v13;
	v13 =	vadd.f32 v25, v15;
	v23 =	vld [tilespmem:s3+$0x70]  }
0xd5: {  	v25 =	vadd.f32 v26, v21;
	v26 =	vadd.f32 v28, v24;
	v21 =	vld [tilespmem:s3+$0xE0]  }
0xd6: {  	s1 =	simm.s32 $0x0;
	v24 =	vld [tilespmem:s3+$0xF0];
	s3 =	simm.s32 $0x1A200;
	v27 =	vadd.f32 v27, v11;
	v28 =	vadd.f32 v12, v13  }
.LBB2_7:
0xd7: {  	v11 =	vld [tilespmem:s3+$0x80];
	v12 =	vadd.f32 v19, v25;
	v13 =	vadd.f32 v22, v26  }
0xd8: {  	v15 =	vld [tilespmem:s3+$0x90];
	v14 =	vadd.f32 v14, v27;
	v16 =	vadd.f32 v16, v28  }
0xd9: {  	v25 =	vld [tilespmem:s3+$0xA0];
	v12 =	vadd.f32 v20, v12;
	v13 =	vadd.f32 v23, v13  }
0xda: {  	v23 =	vld [tilespmem:s3+$0xB0];
	v26 =	vadd.f32 v8, v14;
	v27 =	vadd.f32 v10, v16  }
0xdb: {  	v8 =	vld [tilespmem:s3+$0xC0];
	v12 =	vadd.f32 v21, v12;
	v13 =	vadd.f32 v24, v13  }
0xdc: {  	v10 =	vld [tilespmem:s3+$0xD0]  }
0xdd: {  	v19 =	vld [tilespmem:s3+$0x0]  }
0xde: {  	v20 =	vld [tilespmem:s3+$0x10]  }
0xdf: {  	v21 =	vld [tilespmem:s3+$0x20]  }
0xe0: {  	v22 =	vld [tilespmem:s3+$0x30]  }
0xe1: {  	v14 =	vld [tilespmem:s3+$0x40]  }
0xe2: {  	v16 =	vld [tilespmem:s3+$0x50]  }
0xe3: {  	v24 =	vld [tilespmem:s3+$0xFFFFFF80]  }
0xe4: {  	v28 =	vld [tilespmem:s3+$0xFFFFFF90]  }
0xe5: {  	v29 =	vld [tilespmem:s3+$0xFFFFFF00]  }
0xe6: {  	v30 =	vld [tilespmem:s3+$0xFFFFFF10]  }
0xe7: {  	v31 =	vld [tilespmem:s3+$0xFFFFFF20]  }
0xe8: {  	v32 =	vld [tilespmem:s3+$0xFFFFFF30]  }
0xe9: {  	v33 =	vld [tilespmem:s3+$0xFFFFFFA0]  }
0xea: {  	v34 =	vld [tilespmem:s3+$0xFFFFFFB0]  }
0xeb: {  	v35 =	vld [tilespmem:s3+$0xFFFFFFC0]  }
0xec: {  	v7 =	vadd.f32 v29, v7;
	v9 =	vadd.f32 v30, v9;
	v29 =	vld [tilespmem:s3+$0xFFFFFFD0]  }
0xed: {  	v17 =	vadd.f32 v31, v17;
	v18 =	vadd.f32 v32, v18;
	v30 =	vld [tilespmem:s3+$0xFFFFFF40]  }
0xee: {  	v7 =	vadd.f32 v24, v7;
	v9 =	vadd.f32 v28, v9;
	v31 =	vld [tilespmem:s3+$0xFFFFFF50]  }
0xef: {  	v17 =	vadd.f32 v33, v17;
	v24 =	vld [tilespmem:s3+$0xFFFFFF60];
	v18 =	vadd.f32 v34, v18  }
0xf0: {  	s1 =	sadd.s32 $0x2, s1;
	v7 =	vadd.f32 v19, v7;
	v9 =	vadd.f32 v20, v9;
	v28 =	vld [tilespmem:s3+$0xFFFFFF70]  }
0xf1: {  	p0 =	slt.u32 s1, $0x6;
	v17 =	vadd.f32 v21, v17;
	v19 =	vld [tilespmem:s3+$0xFFFFFFE0];
	v18 =	vadd.f32 v22, v18  }
.Ltmp2:
0xf2: {  	v7 =	vadd.f32 v11, v7;
	v9 =	vadd.f32 v15, v9;
	v22 =	vld [tilespmem:s3+$0xFFFFFFF0];
	(pc) =	sbr.rel @p0 .LBB2_7-.Ltmp2, $4  }
0xf3: {  	v17 =	vadd.f32 v25, v17;
	v20 =	vld [tilespmem:s3+$0x60];
	v18 =	vadd.f32 v23, v18  }
0xf4: {  	v11 =	vadd.f32 v30, v26;
	v15 =	vadd.f32 v31, v27;
	v23 =	vld [tilespmem:s3+$0x70]  }
0xf5: {  	v25 =	vadd.f32 v24, v12;
	v26 =	vadd.f32 v28, v13;
	v21 =	vld [tilespmem:s3+$0xE0]  }
0xf6: {  	v27 =	vadd.f32 v35, v11;
	v28 =	vadd.f32 v29, v15;
	v24 =	vld [tilespmem:s3+$0xF0];
	s3 =	sadd.s32 $0x200, s3  }
0xf7: {  	s1 =	sadd.s32 $0x60, s0  }
0xf8: {  	[tilespmem:s13], [sflag:$0x4] =	stream.indirect.gather [hbm4b:s16+s10], $0x80, s1, s10, $0xb8;
	[tilespmem:$0x1EC80] =	vst v63  }
0xf9: {  	_ =	swait.ge [sflag:s22], $0x800  }
0xfa: {  	[sflag:s22] =	ssyncset.done $0x0  }
0xfb: {  	s3 =	simm.s32 $0x1A800;
	[sflag:s22] =	ssyncadd.s32 $0xFFFFF800  }
0xfc: {  	v29 =	vld [tilespmem:s3+$0x80]  }
0xfd: {  	v30 =	vld [tilespmem:s3+$0x90]  }
0xfe: {  	v31 =	vld [tilespmem:s3+$0xA0]  }
0xff: {  	v32 =	vld [tilespmem:s3+$0xB0]  }
0x100: {  	v11 =	vld [tilespmem:s3+$0xC0]  }
0x101: {  	v12 =	vld [tilespmem:s3+$0xD0]  }
0x102: {  	v33 =	vld [tilespmem:s3+$0x0]  }
0x103: {  	v34 =	vld [tilespmem:s3+$0x10]  }
0x104: {  	v35 =	vld [tilespmem:s3+$0x20]  }
0x105: {  	v36 =	vld [tilespmem:s3+$0x30]  }
0x106: {  	v13 =	vld [tilespmem:s3+$0x40]  }
0x107: {  	v15 =	vld [tilespmem:s3+$0x50]  }
0x108: {  	v37 =	vld [tilespmem:s3+$0xFFFFFF80]  }
0x109: {  	v38 =	vld [tilespmem:s3+$0xFFFFFF90]  }
0x10a: {  	v39 =	vld [tilespmem:s3+$0xFFFFFF00]  }
0x10b: {  	v40 =	vld [tilespmem:s3+$0xFFFFFF10]  }
0x10c: {  	v19 =	vadd.f32 v19, v25;
	v22 =	vadd.f32 v22, v26;
	v25 =	vld [tilespmem:s3+$0xFFFFFF20]  }
0x10d: {  	v14 =	vadd.f32 v14, v27;
	v16 =	vadd.f32 v16, v28;
	v26 =	vld [tilespmem:s3+$0xFFFFFF30]  }
0x10e: {  	v19 =	vadd.f32 v20, v19;
	v20 =	vadd.f32 v23, v22;
	v22 =	vld [tilespmem:s3+$0xFFFFFFA0]  }
0x10f: {  	v23 =	vadd.f32 v8, v14;
	v27 =	vadd.f32 v10, v16;
	v8 =	vld [tilespmem:s3+$0xFFFFFFB0]  }
0x110: {  	v20 =	vadd.f32 v24, v20;
	v24 =	vld [tilespmem:s3+$0xFFFFFFC0];
	v7 =	vadd.f32 v39, v7  }
0x111: {  	v9 =	vadd.f32 v40, v9;
	v10 =	vadd.f32 v25, v17;
	v17 =	vld [tilespmem:s3+$0xFFFFFF40]  }
0x112: {  	v21 =	vadd.f32 v21, v19;
	v14 =	vadd.f32 v26, v18;
	v25 =	vld [tilespmem:s3+$0xFFFFFF60]  }
0x113: {  	v62 =	vld [tilespmem:s3+$0xFFFFFFD0];
	v7 =	vadd.f32 v37, v7;
	v9 =	vadd.f32 v38, v9  }
0x114: {  	v19 =	vld [tilespmem:s3+$0xFFFFFF50];
	v10 =	vadd.f32 v22, v10;
	v8 =	vadd.f32 v8, v14  }
0x115: {  	v22 =	vld [tilespmem:s3+$0xFFFFFF70];
	v7 =	vadd.f32 v33, v7;
	v9 =	vadd.f32 v34, v9  }
0x116: {  	v18 =	vld [tilespmem:s3+$0xFFFFFFF0];
	v26 =	vadd.f32 v35, v10;
	v63 =	vadd.f32 v36, v8  }
0x117: {  	v14 =	vld [tilespmem:s3+$0xFFFFFFE0];
	v23 =	vadd.f32 v17, v23;
	v21 =	vadd.f32 v25, v21  }
0x118: {  	v16 =	vld [tilespmem:s3+$0x60];
	v10 =	vadd.f32 v29, v7;
	v8 =	vadd.f32 v30, v9  }
0x119: {  	v9 =	vadd.f32 v31, v26;
	v26 =	vadd.f32 v19, v27;
	v19 =	vld [tilespmem:s3+$0x70]  }
0x11a: {  	v17 =	vld [tilespmem:s3+$0xE0];
	v7 =	vadd.f32 v32, v63;
	v22 =	vadd.f32 v22, v20  }
0x11b: {  	s1 =	simm.s32 $0x0;
	v23 =	vadd.f32 v24, v23;
	v20 =	vld [tilespmem:s3+$0xF0];
	s3 =	simm.s32 $0x1AA00;
	v24 =	vadd.f32 v62, v26  }
.LBB2_9:
0x11c: {  	v25 =	vld [tilespmem:s3+$0x80];
	v14 =	vadd.f32 v14, v21;
	v18 =	vadd.f32 v18, v22  }
0x11d: {  	v21 =	vld [tilespmem:s3+$0x90];
	v13 =	vadd.f32 v13, v23;
	v15 =	vadd.f32 v15, v24  }
0x11e: {  	v22 =	vld [tilespmem:s3+$0xA0];
	v14 =	vadd.f32 v16, v14;
	v16 =	vadd.f32 v19, v18  }
0x11f: {  	v19 =	vld [tilespmem:s3+$0xB0];
	v23 =	vadd.f32 v11, v13;
	v24 =	vadd.f32 v12, v15  }
0x120: {  	v11 =	vld [tilespmem:s3+$0xC0];
	v17 =	vadd.f32 v17, v14;
	v20 =	vadd.f32 v20, v16  }
0x121: {  	v12 =	vld [tilespmem:s3+$0xD0]  }
0x122: {  	v14 =	vld [tilespmem:s3+$0x0]  }
0x123: {  	v16 =	vld [tilespmem:s3+$0x10]  }
0x124: {  	v18 =	vld [tilespmem:s3+$0x20]  }
0x125: {  	v26 =	vld [tilespmem:s3+$0x30]  }
0x126: {  	v13 =	vld [tilespmem:s3+$0x40]  }
0x127: {  	v15 =	vld [tilespmem:s3+$0x50]  }
0x128: {  	v27 =	vld [tilespmem:s3+$0xFFFFFF80]  }
0x129: {  	v28 =	vld [tilespmem:s3+$0xFFFFFF90]  }
0x12a: {  	v29 =	vld [tilespmem:s3+$0xFFFFFF00]  }
0x12b: {  	v30 =	vld [tilespmem:s3+$0xFFFFFF10]  }
0x12c: {  	v31 =	vld [tilespmem:s3+$0xFFFFFF20]  }
0x12d: {  	v32 =	vld [tilespmem:s3+$0xFFFFFF30]  }
0x12e: {  	v33 =	vld [tilespmem:s3+$0xFFFFFFA0]  }
0x12f: {  	v34 =	vld [tilespmem:s3+$0xFFFFFFB0]  }
0x130: {  	v35 =	vld [tilespmem:s3+$0xFFFFFFC0]  }
0x131: {  	v10 =	vadd.f32 v29, v10;
	v8 =	vadd.f32 v30, v8;
	v29 =	vld [tilespmem:s3+$0xFFFFFFD0]  }
0x132: {  	v9 =	vadd.f32 v31, v9;
	v7 =	vadd.f32 v32, v7;
	v30 =	vld [tilespmem:s3+$0xFFFFFF40]  }
0x133: {  	v10 =	vadd.f32 v27, v10;
	v8 =	vadd.f32 v28, v8;
	v31 =	vld [tilespmem:s3+$0xFFFFFF50]  }
0x134: {  	v9 =	vadd.f32 v33, v9;
	v27 =	vld [tilespmem:s3+$0xFFFFFF60];
	v7 =	vadd.f32 v34, v7  }
0x135: {  	s1 =	sadd.s32 $0x2, s1;
	v10 =	vadd.f32 v14, v10;
	v8 =	vadd.f32 v16, v8;
	v28 =	vld [tilespmem:s3+$0xFFFFFF70]  }
0x136: {  	p0 =	slt.u32 s1, $0x6;
	v9 =	vadd.f32 v18, v9;
	v14 =	vld [tilespmem:s3+$0xFFFFFFE0];
	v7 =	vadd.f32 v26, v7  }
.Ltmp3:
0x137: {  	v10 =	vadd.f32 v25, v10;
	v8 =	vadd.f32 v21, v8;
	v18 =	vld [tilespmem:s3+$0xFFFFFFF0];
	(pc) =	sbr.rel @p0 .LBB2_9-.Ltmp3, $4  }
0x138: {  	v9 =	vadd.f32 v22, v9;
	v16 =	vld [tilespmem:s3+$0x60];
	v7 =	vadd.f32 v19, v7  }
0x139: {  	v23 =	vadd.f32 v30, v23;
	v24 =	vadd.f32 v31, v24;
	v19 =	vld [tilespmem:s3+$0x70]  }
0x13a: {  	v21 =	vadd.f32 v27, v17;
	v22 =	vadd.f32 v28, v20;
	v17 =	vld [tilespmem:s3+$0xE0]  }
0x13b: {  	v23 =	vadd.f32 v35, v23;
	v24 =	vadd.f32 v29, v24;
	v20 =	vld [tilespmem:s3+$0xF0];
	s3 =	sadd.s32 $0x200, s3  }
0x13c: {  	s2 =	sadd.s32 $0x1, s2  }
0x13d: {  	p0 =	sne.s32 s2, $0x4  }
.Ltmp4:
0x13e: {  	v14 =	vadd.f32 v14, v21;
	v18 =	vadd.f32 v18, v22;
	(pc) =	sbr.rel @p0 .LBB2_2-.Ltmp4, $4  }
0x13f: {  	v13 =	vadd.f32 v13, v23;
	v15 =	vadd.f32 v15, v24  }
0x140: {  	v14 =	vadd.f32 v16, v14;
	v18 =	vadd.f32 v19, v18  }
0x141: {  	s0 =	sadd.s32 $0x70, s0;
	v13 =	vadd.f32 v11, v13;
	v16 =	vadd.f32 v12, v15  }
0x142: {  	[tilespmem:s14], [sflag:$0x5] =	stream.indirect.gather [hbm4b:s16+s10], $0x80, s0, s10, $0xb8;
	v14 =	vadd.f32 v17, v14;
	v15 =	vadd.f32 v20, v18;
	[tilespmem:$0x1EC80] =	vst v63  }
0x143: {  	s0 =	simm.s32 $0x1  }
0x144: {  	_ =	swait.ge [sflag:s0], $0x18700  }
0x145: {  	[sflag:s0] =	ssyncset.done $0x0  }
0x146: {  	[sflag:s0] =	ssyncadd.s32 $0xFFFE7900;
	s0 =	simm.s32 $0x1BF40  }
0x147: {  	[tilespmem:s0+$0xFFFFFFC0] =	vst v3  }
0x148: {  	[tilespmem:s0+$0x30] =	vst v3  }
0x149: {  	[tilespmem:s0+$0x20] =	vst v3  }
0x14a: {  	[tilespmem:s0+$0x10] =	vst v3  }
0x14b: {  	[tilespmem:s0+$0x0] =	vst v3  }
0x14c: {  	[tilespmem:s0+$0xFFFFFFF0] =	vst v3  }
0x14d: {  	s1 =	simm.s32 $0x0;
	s2 =	simm.s32 $0x6FC;
	s3 =	simm.s32 $0x820;
	[tilespmem:s0+$0xFFFFFFE0] =	vst v3  }
.LBB2_12:
0x14e: {  	s1 =	sadd.s32 $0x8, s1;
	[tilespmem:s0+$0xFFFFFFD0] =	vst v3;
	s0 =	sadd.s32 $0x80, s0  }
0x14f: {  	[tilespmem:s0+$0xFFFFFFC0] =	vst v3;
	p0 =	slt.u32 s1, $0xF8  }
0x150: {  	[tilespmem:s0+$0x30] =	vst v3  }
.Ltmp5:
0x151: {  	[tilespmem:s0+$0x20] =	vst v3;
	(pc) =	sbr.rel @p0 .LBB2_12-.Ltmp5, $4  }
0x152: {  	[tilespmem:s0+$0x10] =	vst v3  }
0x153: {  	[tilespmem:s0+$0x0] =	vst v3  }
0x154: {  	[tilespmem:s0+$0xFFFFFFF0] =	vst v3  }
0x155: {  	[tilespmem:s0+$0xFFFFFFE0] =	vst v3  }
.Ltmp6:
0x156: {  	(pc) =	sbr.rel .LBB2_14-.Ltmp6, $2  }
0x157: {  	_ =	sdelay $0x2  }
0x158: {  	[tilespmem:s0+$0xFFFFFFD0] =	vst v3;
	s5 =	simm.s32 $0x4  }
.LBB2_26:
0x159: {  	s5 =	sadd.s32 $0x1, s5  }
0x15a: {  	p0 =	seq.s32 s5, $0x12  }
.Ltmp7:
0x15b: {  	_ = 	snop;
	(pc) =	sbr.rel @p0 .LBB2_27-.Ltmp7, $2  }
0x15c: {  	_ =	sdelay $0x2  }
0x15d: {  	s2 =	sadd.s32 $0x1BF, s2;
	s3 =	sadd.s32 $0x1BF0, s3  }
.LBB2_14:
0x15e: {  	_ =	swait.ge [sflag:s17], $0x800  }
0x15f: {  	[sflag:s17] =	ssyncset.done $0x0  }
0x160: {  	s1 =	simm.s32 $0x19000;
	[sflag:s17] =	ssyncadd.s32 $0xFFFFF800  }
0x161: {  	v19 =	vld [tilespmem:s1+$0x80]  }
0x162: {  	v20 =	vld [tilespmem:s1+$0x90]  }
0x163: {  	v24 =	vld [tilespmem:s1+$0xA0]  }
0x164: {  	v25 =	vld [tilespmem:s1+$0xB0]  }
0x165: {  	v11 =	vld [tilespmem:s1+$0xC0]  }
0x166: {  	v12 =	vld [tilespmem:s1+$0xD0]  }
0x167: {  	v21 =	vld [tilespmem:s1+$0x0]  }
0x168: {  	v22 =	vld [tilespmem:s1+$0x10]  }
0x169: {  	v23 =	vld [tilespmem:s1+$0x20]  }
0x16a: {  	v26 =	vld [tilespmem:s1+$0x30]  }
0x16b: {  	v17 =	vld [tilespmem:s1+$0x40]  }
0x16c: {  	v18 =	vld [tilespmem:s1+$0x50]  }
0x16d: {  	v27 =	vld [tilespmem:s1+$0xFFFFFF80]  }
0x16e: {  	v28 =	vld [tilespmem:s1+$0xFFFFFF90]  }
0x16f: {  	v29 =	vld [tilespmem:s1+$0xFFFFFF00]  }
0x170: {  	v30 =	vld [tilespmem:s1+$0xFFFFFF10]  }
0x171: {  	v31 =	vld [tilespmem:s1+$0xFFFFFF20]  }
0x172: {  	v32 =	vld [tilespmem:s1+$0xFFFFFF30]  }
0x173: {  	v33 =	vld [tilespmem:s1+$0xFFFFFFA0]  }
0x174: {  	v34 =	vld [tilespmem:s1+$0xFFFFFFB0]  }
0x175: {  	v35 =	vld [tilespmem:s1+$0xFFFFFFC0]  }
0x176: {  	v10 =	vadd.f32 v29, v10;
	v8 =	vadd.f32 v30, v8;
	v29 =	vld [tilespmem:s1+$0xFFFFFFD0]  }
0x177: {  	v9 =	vadd.f32 v31, v9;
	v7 =	vadd.f32 v32, v7;
	v30 =	vld [tilespmem:s1+$0xFFFFFF40]  }
0x178: {  	v31 =	vld [tilespmem:s1+$0xFFFFFF50];
	v10 =	vadd.f32 v27, v10;
	v8 =	vadd.f32 v28, v8  }
0x179: {  	v27 =	vld [tilespmem:s1+$0xFFFFFF60];
	v9 =	vadd.f32 v33, v9;
	v7 =	vadd.f32 v34, v7  }
0x17a: {  	v28 =	vld [tilespmem:s1+$0xFFFFFF70];
	v10 =	vadd.f32 v21, v10;
	v22 =	vadd.f32 v22, v8  }
0x17b: {  	v21 =	vld [tilespmem:s1+$0xFFFFFFE0];
	v9 =	vadd.f32 v23, v9;
	v7 =	vadd.f32 v26, v7  }
0x17c: {  	v23 =	vld [tilespmem:s1+$0xFFFFFFF0];
	v8 =	vadd.f32 v19, v10;
	v10 =	vadd.f32 v20, v22  }
0x17d: {  	v22 =	vld [tilespmem:s1+$0x60];
	v19 =	vadd.f32 v24, v9;
	v20 =	vadd.f32 v25, v7  }
0x17e: {  	v7 =	vadd.f32 v30, v13;
	v9 =	vadd.f32 v31, v16;
	v16 =	vld [tilespmem:s1+$0x70]  }
0x17f: {  	s0 =	smin.u32 s2, $0x1DA7;
	v24 =	vld [tilespmem:s1+$0xF0];
	v25 =	vadd.f32 v27, v14;
	v26 =	vadd.f32 v28, v15  }
0x180: {  	s6 =	sshll.u32 s0, $0x6;
	s0 =	simm.s32 $0x0;
	v14 =	vld [tilespmem:s1+$0xE0];
	s1 =	simm.s32 $0x19200;
	v27 =	vadd.f32 v35, v7;
	v28 =	vadd.f32 v29, v9  }
.LBB2_15:
0x181: {  	v7 =	vld [tilespmem:s1+$0x80];
	v9 =	vadd.f32 v21, v25;
	v13 =	vadd.f32 v23, v26  }
0x182: {  	v15 =	vld [tilespmem:s1+$0x90];
	v17 =	vadd.f32 v17, v27;
	v18 =	vadd.f32 v18, v28  }
0x183: {  	v25 =	vld [tilespmem:s1+$0xA0];
	v9 =	vadd.f32 v22, v9;
	v13 =	vadd.f32 v16, v13  }
0x184: {  	v16 =	vld [tilespmem:s1+$0xB0];
	v26 =	vadd.f32 v11, v17;
	v27 =	vadd.f32 v12, v18  }
0x185: {  	v11 =	vld [tilespmem:s1+$0xC0];
	v9 =	vadd.f32 v14, v9;
	v13 =	vadd.f32 v24, v13  }
0x186: {  	v12 =	vld [tilespmem:s1+$0xD0]  }
0x187: {  	v14 =	vld [tilespmem:s1+$0x0]  }
0x188: {  	v21 =	vld [tilespmem:s1+$0x10]  }
0x189: {  	v22 =	vld [tilespmem:s1+$0x20]  }
0x18a: {  	v23 =	vld [tilespmem:s1+$0x30]  }
0x18b: {  	v17 =	vld [tilespmem:s1+$0x40]  }
0x18c: {  	v18 =	vld [tilespmem:s1+$0x50]  }
0x18d: {  	v24 =	vld [tilespmem:s1+$0xFFFFFF80]  }
0x18e: {  	v28 =	vld [tilespmem:s1+$0xFFFFFF90]  }
0x18f: {  	v29 =	vld [tilespmem:s1+$0xFFFFFF00]  }
0x190: {  	v30 =	vld [tilespmem:s1+$0xFFFFFF10]  }
0x191: {  	v31 =	vld [tilespmem:s1+$0xFFFFFF20]  }
0x192: {  	v32 =	vld [tilespmem:s1+$0xFFFFFF30]  }
0x193: {  	v33 =	vld [tilespmem:s1+$0xFFFFFFA0]  }
0x194: {  	v34 =	vld [tilespmem:s1+$0xFFFFFFB0]  }
0x195: {  	v35 =	vld [tilespmem:s1+$0xFFFFFFC0]  }
0x196: {  	v8 =	vadd.f32 v29, v8;
	v10 =	vadd.f32 v30, v10;
	v29 =	vld [tilespmem:s1+$0xFFFFFFD0]  }
0x197: {  	v19 =	vadd.f32 v31, v19;
	v20 =	vadd.f32 v32, v20;
	v30 =	vld [tilespmem:s1+$0xFFFFFF40]  }
0x198: {  	v8 =	vadd.f32 v24, v8;
	v10 =	vadd.f32 v28, v10;
	v31 =	vld [tilespmem:s1+$0xFFFFFF50]  }
0x199: {  	v19 =	vadd.f32 v33, v19;
	v24 =	vld [tilespmem:s1+$0xFFFFFF60];
	v20 =	vadd.f32 v34, v20  }
0x19a: {  	s0 =	sadd.s32 $0x2, s0;
	v8 =	vadd.f32 v14, v8;
	v10 =	vadd.f32 v21, v10;
	v28 =	vld [tilespmem:s1+$0xFFFFFF70]  }
0x19b: {  	p0 =	slt.u32 s0, $0x6;
	v14 =	vadd.f32 v22, v19;
	v21 =	vld [tilespmem:s1+$0xFFFFFFE0];
	v20 =	vadd.f32 v23, v20  }
.Ltmp8:
0x19c: {  	v8 =	vadd.f32 v7, v8;
	v10 =	vadd.f32 v15, v10;
	v23 =	vld [tilespmem:s1+$0xFFFFFFF0];
	(pc) =	sbr.rel @p0 .LBB2_15-.Ltmp8, $4  }
0x19d: {  	v19 =	vadd.f32 v25, v14;
	v22 =	vld [tilespmem:s1+$0x60];
	v20 =	vadd.f32 v16, v20  }
0x19e: {  	v7 =	vadd.f32 v30, v26;
	v15 =	vadd.f32 v31, v27;
	v16 =	vld [tilespmem:s1+$0x70]  }
0x19f: {  	v25 =	vadd.f32 v24, v9;
	v26 =	vadd.f32 v28, v13;
	v14 =	vld [tilespmem:s1+$0xE0]  }
0x1a0: {  	v27 =	vadd.f32 v35, v7;
	v28 =	vadd.f32 v29, v15;
	v24 =	vld [tilespmem:s1+$0xF0];
	s1 =	sadd.s32 $0x200, s1  }
0x1a1: {  	s0 =	sshll.u32 s5, $0x6  }
0x1a2: {  	s0 =	sand.u32 $0x3FFFFFC0, s0  }
0x1a3: {  	s1 =	sadd.s32 $0x40, s0  }
0x1a4: {  	[tilespmem:s11], [sflag:$0x2] =	stream.indirect.gather [hbm4b:s16+s10], $0x80, s1, s10, $0xb8;
	[tilespmem:$0x1EC80] =	vst v63  }
0x1a5: {  	_ =	swait.ge [sflag:s19], $0x800  }
0x1a6: {  	[sflag:s19] =	ssyncset.done $0x0  }
0x1a7: {  	s4 =	simm.s32 $0x19800;
	[sflag:s19] =	ssyncadd.s32 $0xFFFFF800  }
0x1a8: {  	v29 =	vld [tilespmem:s4+$0x80]  }
0x1a9: {  	v30 =	vld [tilespmem:s4+$0x90]  }
0x1aa: {  	v31 =	vld [tilespmem:s4+$0xA0]  }
0x1ab: {  	v32 =	vld [tilespmem:s4+$0xB0]  }
0x1ac: {  	v7 =	vld [tilespmem:s4+$0xC0]  }
0x1ad: {  	v9 =	vld [tilespmem:s4+$0xD0]  }
0x1ae: {  	v33 =	vld [tilespmem:s4+$0x0]  }
0x1af: {  	v34 =	vld [tilespmem:s4+$0x10]  }
0x1b0: {  	v35 =	vld [tilespmem:s4+$0x20]  }
0x1b1: {  	v36 =	vld [tilespmem:s4+$0x30]  }
0x1b2: {  	v13 =	vld [tilespmem:s4+$0x40]  }
0x1b3: {  	v15 =	vld [tilespmem:s4+$0x50]  }
0x1b4: {  	v37 =	vld [tilespmem:s4+$0xFFFFFF80]  }
0x1b5: {  	v38 =	vld [tilespmem:s4+$0xFFFFFF90]  }
0x1b6: {  	v39 =	vld [tilespmem:s4+$0xFFFFFF00]  }
0x1b7: {  	v40 =	vld [tilespmem:s4+$0xFFFFFF10]  }
0x1b8: {  	v21 =	vadd.f32 v21, v25;
	v23 =	vadd.f32 v23, v26;
	v25 =	vld [tilespmem:s4+$0xFFFFFF20]  }
0x1b9: {  	v17 =	vadd.f32 v17, v27;
	v18 =	vadd.f32 v18, v28;
	v26 =	vld [tilespmem:s4+$0xFFFFFF30]  }
0x1ba: {  	v21 =	vadd.f32 v22, v21;
	v16 =	vadd.f32 v16, v23;
	v22 =	vld [tilespmem:s4+$0xFFFFFFA0]  }
0x1bb: {  	v23 =	vadd.f32 v11, v17;
	v27 =	vadd.f32 v12, v18;
	v11 =	vld [tilespmem:s4+$0xFFFFFFB0]  }
0x1bc: {  	v14 =	vadd.f32 v14, v21;
	v16 =	vadd.f32 v24, v16;
	v24 =	vld [tilespmem:s4+$0xFFFFFFC0]  }
0x1bd: {  	v28 =	vld [tilespmem:s4+$0xFFFFFFD0];
	v8 =	vadd.f32 v39, v8;
	v10 =	vadd.f32 v40, v10  }
0x1be: {  	v21 =	vld [tilespmem:s4+$0xFFFFFF40];
	v12 =	vadd.f32 v25, v19;
	v17 =	vadd.f32 v26, v20  }
0x1bf: {  	v63 =	vld [tilespmem:s4+$0xFFFFFF70];
	v8 =	vadd.f32 v37, v8;
	v10 =	vadd.f32 v38, v10  }
0x1c0: {  	v25 =	vld [tilespmem:s4+$0xFFFFFF50];
	v12 =	vadd.f32 v22, v12;
	v11 =	vadd.f32 v11, v17  }
0x1c1: {  	v26 =	vld [tilespmem:s4+$0xFFFFFF60];
	v8 =	vadd.f32 v33, v8;
	v10 =	vadd.f32 v34, v10  }
0x1c2: {  	v19 =	vld [tilespmem:s4+$0xFFFFFFE0];
	v17 =	vadd.f32 v35, v12;
	v18 =	vadd.f32 v36, v11  }
0x1c3: {  	v22 =	vld [tilespmem:s4+$0xFFFFFFF0];
	v11 =	vadd.f32 v29, v8;
	v12 =	vadd.f32 v30, v10  }
0x1c4: {  	v20 =	vld [tilespmem:s4+$0x60];
	v17 =	vadd.f32 v31, v17;
	v18 =	vadd.f32 v32, v18  }
0x1c5: {  	v8 =	vadd.f32 v21, v23;
	v10 =	vadd.f32 v25, v27;
	v23 =	vld [tilespmem:s4+$0x70]  }
0x1c6: {  	v25 =	vadd.f32 v26, v14;
	v26 =	vadd.f32 v63, v16;
	v21 =	vld [tilespmem:s4+$0xE0]  }
0x1c7: {  	s1 =	simm.s32 $0x0;
	v27 =	vadd.f32 v24, v8;
	v28 =	vadd.f32 v28, v10;
	v24 =	vld [tilespmem:s4+$0xF0];
	s4 =	simm.s32 $0x19A00  }
.LBB2_17:
0x1c8: {  	v8 =	vld [tilespmem:s4+$0x80];
	v10 =	vadd.f32 v19, v25;
	v14 =	vadd.f32 v22, v26  }
0x1c9: {  	v16 =	vld [tilespmem:s4+$0x90];
	v13 =	vadd.f32 v13, v27;
	v15 =	vadd.f32 v15, v28  }
0x1ca: {  	v25 =	vld [tilespmem:s4+$0xA0];
	v10 =	vadd.f32 v20, v10;
	v14 =	vadd.f32 v23, v14  }
0x1cb: {  	v23 =	vld [tilespmem:s4+$0xB0];
	v26 =	vadd.f32 v7, v13;
	v27 =	vadd.f32 v9, v15  }
0x1cc: {  	v7 =	vld [tilespmem:s4+$0xC0];
	v10 =	vadd.f32 v21, v10;
	v14 =	vadd.f32 v24, v14  }
0x1cd: {  	v9 =	vld [tilespmem:s4+$0xD0]  }
0x1ce: {  	v19 =	vld [tilespmem:s4+$0x0]  }
0x1cf: {  	v20 =	vld [tilespmem:s4+$0x10]  }
0x1d0: {  	v21 =	vld [tilespmem:s4+$0x20]  }
0x1d1: {  	v22 =	vld [tilespmem:s4+$0x30]  }
0x1d2: {  	v13 =	vld [tilespmem:s4+$0x40]  }
0x1d3: {  	v15 =	vld [tilespmem:s4+$0x50]  }
0x1d4: {  	v24 =	vld [tilespmem:s4+$0xFFFFFF80]  }
0x1d5: {  	v28 =	vld [tilespmem:s4+$0xFFFFFF90]  }
0x1d6: {  	v29 =	vld [tilespmem:s4+$0xFFFFFF00]  }
0x1d7: {  	v30 =	vld [tilespmem:s4+$0xFFFFFF10]  }
0x1d8: {  	v31 =	vld [tilespmem:s4+$0xFFFFFF20]  }
0x1d9: {  	v32 =	vld [tilespmem:s4+$0xFFFFFF30]  }
0x1da: {  	v33 =	vld [tilespmem:s4+$0xFFFFFFA0]  }
0x1db: {  	v34 =	vld [tilespmem:s4+$0xFFFFFFB0]  }
0x1dc: {  	v35 =	vld [tilespmem:s4+$0xFFFFFFC0]  }
0x1dd: {  	v11 =	vadd.f32 v29, v11;
	v12 =	vadd.f32 v30, v12;
	v29 =	vld [tilespmem:s4+$0xFFFFFFD0]  }
0x1de: {  	v17 =	vadd.f32 v31, v17;
	v18 =	vadd.f32 v32, v18;
	v30 =	vld [tilespmem:s4+$0xFFFFFF40]  }
0x1df: {  	v11 =	vadd.f32 v24, v11;
	v12 =	vadd.f32 v28, v12;
	v31 =	vld [tilespmem:s4+$0xFFFFFF50]  }
0x1e0: {  	v17 =	vadd.f32 v33, v17;
	v24 =	vld [tilespmem:s4+$0xFFFFFF60];
	v18 =	vadd.f32 v34, v18  }
0x1e1: {  	s1 =	sadd.s32 $0x2, s1;
	v11 =	vadd.f32 v19, v11;
	v12 =	vadd.f32 v20, v12;
	v28 =	vld [tilespmem:s4+$0xFFFFFF70]  }
0x1e2: {  	p0 =	slt.u32 s1, $0x6;
	v17 =	vadd.f32 v21, v17;
	v19 =	vld [tilespmem:s4+$0xFFFFFFE0];
	v18 =	vadd.f32 v22, v18  }
.Ltmp9:
0x1e3: {  	v11 =	vadd.f32 v8, v11;
	v12 =	vadd.f32 v16, v12;
	v22 =	vld [tilespmem:s4+$0xFFFFFFF0];
	(pc) =	sbr.rel @p0 .LBB2_17-.Ltmp9, $4  }
0x1e4: {  	v17 =	vadd.f32 v25, v17;
	v20 =	vld [tilespmem:s4+$0x60];
	v18 =	vadd.f32 v23, v18  }
0x1e5: {  	v8 =	vadd.f32 v30, v26;
	v16 =	vadd.f32 v31, v27;
	v23 =	vld [tilespmem:s4+$0x70]  }
0x1e6: {  	v25 =	vadd.f32 v24, v10;
	v26 =	vadd.f32 v28, v14;
	v21 =	vld [tilespmem:s4+$0xE0]  }
0x1e7: {  	v27 =	vadd.f32 v35, v8;
	v28 =	vadd.f32 v29, v16;
	v24 =	vld [tilespmem:s4+$0xF0];
	s4 =	sadd.s32 $0x200, s4  }
0x1e8: {  	s1 =	sadd.s32 $0x50, s0  }
0x1e9: {  	[tilespmem:s12], [sflag:$0x3] =	stream.indirect.gather [hbm4b:s16+s10], $0x80, s1, s10, $0xb8;
	[tilespmem:$0x1EC80] =	vst v63  }
0x1ea: {  	_ =	swait.ge [sflag:s21], $0x800  }
0x1eb: {  	[sflag:s21] =	ssyncset.done $0x0  }
0x1ec: {  	s4 =	simm.s32 $0x1A000;
	[sflag:s21] =	ssyncadd.s32 $0xFFFFF800  }
0x1ed: {  	v29 =	vld [tilespmem:s4+$0x80]  }
0x1ee: {  	v30 =	vld [tilespmem:s4+$0x90]  }
0x1ef: {  	v31 =	vld [tilespmem:s4+$0xA0]  }
0x1f0: {  	v32 =	vld [tilespmem:s4+$0xB0]  }
0x1f1: {  	v8 =	vld [tilespmem:s4+$0xC0]  }
0x1f2: {  	v10 =	vld [tilespmem:s4+$0xD0]  }
0x1f3: {  	v33 =	vld [tilespmem:s4+$0x0]  }
0x1f4: {  	v34 =	vld [tilespmem:s4+$0x10]  }
0x1f5: {  	v35 =	vld [tilespmem:s4+$0x20]  }
0x1f6: {  	v36 =	vld [tilespmem:s4+$0x30]  }
0x1f7: {  	v14 =	vld [tilespmem:s4+$0x40]  }
0x1f8: {  	v16 =	vld [tilespmem:s4+$0x50]  }
0x1f9: {  	v37 =	vld [tilespmem:s4+$0xFFFFFF80]  }
0x1fa: {  	v38 =	vld [tilespmem:s4+$0xFFFFFF90]  }
0x1fb: {  	v39 =	vld [tilespmem:s4+$0xFFFFFF00]  }
0x1fc: {  	v40 =	vld [tilespmem:s4+$0xFFFFFF10]  }
0x1fd: {  	v19 =	vadd.f32 v19, v25;
	v22 =	vadd.f32 v22, v26;
	v25 =	vld [tilespmem:s4+$0xFFFFFF20]  }
0x1fe: {  	v13 =	vadd.f32 v13, v27;
	v15 =	vadd.f32 v15, v28;
	v26 =	vld [tilespmem:s4+$0xFFFFFF30]  }
0x1ff: {  	v19 =	vadd.f32 v20, v19;
	v20 =	vadd.f32 v23, v22;
	v22 =	vld [tilespmem:s4+$0xFFFFFFA0]  }
0x200: {  	v13 =	vadd.f32 v7, v13;
	v15 =	vadd.f32 v9, v15;
	v7 =	vld [tilespmem:s4+$0xFFFFFFB0]  }
0x201: {  	v21 =	vadd.f32 v21, v19;
	v24 =	vadd.f32 v24, v20;
	v27 =	vld [tilespmem:s4+$0xFFFFFFC0]  }
0x202: {  	v23 =	vld [tilespmem:s4+$0xFFFFFF40];
	v9 =	vadd.f32 v39, v11;
	v11 =	vadd.f32 v40, v12  }
0x203: {  	v28 =	vld [tilespmem:s4+$0xFFFFFF70];
	v17 =	vadd.f32 v25, v17;
	v18 =	vadd.f32 v26, v18  }
0x204: {  	v19 =	vld [tilespmem:s4+$0xFFFFFFE0];
	v9 =	vadd.f32 v37, v9;
	v11 =	vadd.f32 v38, v11  }
0x205: {  	v25 =	vld [tilespmem:s4+$0xFFFFFF50];
	v17 =	vadd.f32 v22, v17;
	v7 =	vadd.f32 v7, v18  }
0x206: {  	v26 =	vld [tilespmem:s4+$0xFFFFFF60];
	v9 =	vadd.f32 v33, v9;
	v11 =	vadd.f32 v34, v11  }
0x207: {  	v12 =	vld [tilespmem:s4+$0xFFFFFFD0];
	v17 =	vadd.f32 v35, v17;
	v18 =	vadd.f32 v36, v7  }
0x208: {  	v22 =	vld [tilespmem:s4+$0xFFFFFFF0];
	v7 =	vadd.f32 v29, v9;
	v9 =	vadd.f32 v30, v11  }
0x209: {  	v20 =	vld [tilespmem:s4+$0x60];
	v17 =	vadd.f32 v31, v17;
	v18 =	vadd.f32 v32, v18  }
0x20a: {  	v11 =	vadd.f32 v23, v13;
	v13 =	vadd.f32 v25, v15;
	v23 =	vld [tilespmem:s4+$0x70]  }
0x20b: {  	v25 =	vadd.f32 v26, v21;
	v26 =	vadd.f32 v28, v24;
	v21 =	vld [tilespmem:s4+$0xE0]  }
0x20c: {  	s1 =	simm.s32 $0x0;
	v24 =	vld [tilespmem:s4+$0xF0];
	s4 =	simm.s32 $0x1A200;
	v27 =	vadd.f32 v27, v11;
	v28 =	vadd.f32 v12, v13  }
.LBB2_19:
0x20d: {  	v11 =	vld [tilespmem:s4+$0x80];
	v12 =	vadd.f32 v19, v25;
	v13 =	vadd.f32 v22, v26  }
0x20e: {  	v15 =	vld [tilespmem:s4+$0x90];
	v14 =	vadd.f32 v14, v27;
	v16 =	vadd.f32 v16, v28  }
0x20f: {  	v25 =	vld [tilespmem:s4+$0xA0];
	v12 =	vadd.f32 v20, v12;
	v13 =	vadd.f32 v23, v13  }
0x210: {  	v23 =	vld [tilespmem:s4+$0xB0];
	v26 =	vadd.f32 v8, v14;
	v27 =	vadd.f32 v10, v16  }
0x211: {  	v8 =	vld [tilespmem:s4+$0xC0];
	v12 =	vadd.f32 v21, v12;
	v13 =	vadd.f32 v24, v13  }
0x212: {  	v10 =	vld [tilespmem:s4+$0xD0]  }
0x213: {  	v19 =	vld [tilespmem:s4+$0x0]  }
0x214: {  	v20 =	vld [tilespmem:s4+$0x10]  }
0x215: {  	v21 =	vld [tilespmem:s4+$0x20]  }
0x216: {  	v22 =	vld [tilespmem:s4+$0x30]  }
0x217: {  	v14 =	vld [tilespmem:s4+$0x40]  }
0x218: {  	v16 =	vld [tilespmem:s4+$0x50]  }
0x219: {  	v24 =	vld [tilespmem:s4+$0xFFFFFF80]  }
0x21a: {  	v28 =	vld [tilespmem:s4+$0xFFFFFF90]  }
0x21b: {  	v29 =	vld [tilespmem:s4+$0xFFFFFF00]  }
0x21c: {  	v30 =	vld [tilespmem:s4+$0xFFFFFF10]  }
0x21d: {  	v31 =	vld [tilespmem:s4+$0xFFFFFF20]  }
0x21e: {  	v32 =	vld [tilespmem:s4+$0xFFFFFF30]  }
0x21f: {  	v33 =	vld [tilespmem:s4+$0xFFFFFFA0]  }
0x220: {  	v34 =	vld [tilespmem:s4+$0xFFFFFFB0]  }
0x221: {  	v35 =	vld [tilespmem:s4+$0xFFFFFFC0]  }
0x222: {  	v7 =	vadd.f32 v29, v7;
	v9 =	vadd.f32 v30, v9;
	v29 =	vld [tilespmem:s4+$0xFFFFFFD0]  }
0x223: {  	v17 =	vadd.f32 v31, v17;
	v18 =	vadd.f32 v32, v18;
	v30 =	vld [tilespmem:s4+$0xFFFFFF40]  }
0x224: {  	v7 =	vadd.f32 v24, v7;
	v9 =	vadd.f32 v28, v9;
	v31 =	vld [tilespmem:s4+$0xFFFFFF50]  }
0x225: {  	v17 =	vadd.f32 v33, v17;
	v24 =	vld [tilespmem:s4+$0xFFFFFF60];
	v18 =	vadd.f32 v34, v18  }
0x226: {  	s1 =	sadd.s32 $0x2, s1;
	v7 =	vadd.f32 v19, v7;
	v9 =	vadd.f32 v20, v9;
	v28 =	vld [tilespmem:s4+$0xFFFFFF70]  }
0x227: {  	p0 =	slt.u32 s1, $0x6;
	v17 =	vadd.f32 v21, v17;
	v19 =	vld [tilespmem:s4+$0xFFFFFFE0];
	v18 =	vadd.f32 v22, v18  }
.Ltmp10:
0x228: {  	v7 =	vadd.f32 v11, v7;
	v9 =	vadd.f32 v15, v9;
	v22 =	vld [tilespmem:s4+$0xFFFFFFF0];
	(pc) =	sbr.rel @p0 .LBB2_19-.Ltmp10, $4  }
0x229: {  	v17 =	vadd.f32 v25, v17;
	v20 =	vld [tilespmem:s4+$0x60];
	v18 =	vadd.f32 v23, v18  }
0x22a: {  	v11 =	vadd.f32 v30, v26;
	v15 =	vadd.f32 v31, v27;
	v23 =	vld [tilespmem:s4+$0x70]  }
0x22b: {  	v25 =	vadd.f32 v24, v12;
	v26 =	vadd.f32 v28, v13;
	v21 =	vld [tilespmem:s4+$0xE0]  }
0x22c: {  	v27 =	vadd.f32 v35, v11;
	v28 =	vadd.f32 v29, v15;
	v24 =	vld [tilespmem:s4+$0xF0];
	s4 =	sadd.s32 $0x200, s4  }
0x22d: {  	s1 =	sadd.s32 $0x60, s0  }
0x22e: {  	[tilespmem:s13], [sflag:$0x4] =	stream.indirect.gather [hbm4b:s16+s10], $0x80, s1, s10, $0xb8;
	[tilespmem:$0x1EC80] =	vst v63  }
0x22f: {  	_ =	swait.ge [sflag:s22], $0x800  }
0x230: {  	[sflag:s22] =	ssyncset.done $0x0  }
0x231: {  	s4 =	simm.s32 $0x1A800;
	[sflag:s22] =	ssyncadd.s32 $0xFFFFF800  }
0x232: {  	v29 =	vld [tilespmem:s4+$0x80]  }
0x233: {  	v30 =	vld [tilespmem:s4+$0x90]  }
0x234: {  	v31 =	vld [tilespmem:s4+$0xA0]  }
0x235: {  	v32 =	vld [tilespmem:s4+$0xB0]  }
0x236: {  	v11 =	vld [tilespmem:s4+$0xC0]  }
0x237: {  	v12 =	vld [tilespmem:s4+$0xD0]  }
0x238: {  	v33 =	vld [tilespmem:s4+$0x0]  }
0x239: {  	v34 =	vld [tilespmem:s4+$0x10]  }
0x23a: {  	v35 =	vld [tilespmem:s4+$0x20]  }
0x23b: {  	v36 =	vld [tilespmem:s4+$0x30]  }
0x23c: {  	v13 =	vld [tilespmem:s4+$0x40]  }
0x23d: {  	v15 =	vld [tilespmem:s4+$0x50]  }
0x23e: {  	v37 =	vld [tilespmem:s4+$0xFFFFFF80]  }
0x23f: {  	v38 =	vld [tilespmem:s4+$0xFFFFFF90]  }
0x240: {  	v39 =	vld [tilespmem:s4+$0xFFFFFF00]  }
0x241: {  	v40 =	vld [tilespmem:s4+$0xFFFFFF10]  }
0x242: {  	v19 =	vadd.f32 v19, v25;
	v22 =	vadd.f32 v22, v26;
	v25 =	vld [tilespmem:s4+$0xFFFFFF20]  }
0x243: {  	v14 =	vadd.f32 v14, v27;
	v16 =	vadd.f32 v16, v28;
	v26 =	vld [tilespmem:s4+$0xFFFFFF30]  }
0x244: {  	v19 =	vadd.f32 v20, v19;
	v20 =	vadd.f32 v23, v22;
	v22 =	vld [tilespmem:s4+$0xFFFFFFA0]  }
0x245: {  	v23 =	vadd.f32 v8, v14;
	v27 =	vadd.f32 v10, v16;
	v8 =	vld [tilespmem:s4+$0xFFFFFFB0]  }
0x246: {  	v20 =	vadd.f32 v24, v20;
	v24 =	vld [tilespmem:s4+$0xFFFFFFC0];
	v7 =	vadd.f32 v39, v7  }
0x247: {  	v9 =	vadd.f32 v40, v9;
	v10 =	vadd.f32 v25, v17;
	v17 =	vld [tilespmem:s4+$0xFFFFFF40]  }
0x248: {  	v21 =	vadd.f32 v21, v19;
	v14 =	vadd.f32 v26, v18;
	v25 =	vld [tilespmem:s4+$0xFFFFFF60]  }
0x249: {  	v62 =	vld [tilespmem:s4+$0xFFFFFFD0];
	v7 =	vadd.f32 v37, v7;
	v9 =	vadd.f32 v38, v9  }
0x24a: {  	v19 =	vld [tilespmem:s4+$0xFFFFFF50];
	v10 =	vadd.f32 v22, v10;
	v8 =	vadd.f32 v8, v14  }
0x24b: {  	v22 =	vld [tilespmem:s4+$0xFFFFFF70];
	v7 =	vadd.f32 v33, v7;
	v9 =	vadd.f32 v34, v9  }
0x24c: {  	v18 =	vld [tilespmem:s4+$0xFFFFFFF0];
	v26 =	vadd.f32 v35, v10;
	v63 =	vadd.f32 v36, v8  }
0x24d: {  	v14 =	vld [tilespmem:s4+$0xFFFFFFE0];
	v23 =	vadd.f32 v17, v23;
	v21 =	vadd.f32 v25, v21  }
0x24e: {  	v16 =	vld [tilespmem:s4+$0x60];
	v10 =	vadd.f32 v29, v7;
	v8 =	vadd.f32 v30, v9  }
0x24f: {  	v9 =	vadd.f32 v31, v26;
	v26 =	vadd.f32 v19, v27;
	v19 =	vld [tilespmem:s4+$0x70]  }
0x250: {  	v17 =	vld [tilespmem:s4+$0xE0];
	v7 =	vadd.f32 v32, v63;
	v22 =	vadd.f32 v22, v20  }
0x251: {  	s1 =	simm.s32 $0x0;
	v23 =	vadd.f32 v24, v23;
	v20 =	vld [tilespmem:s4+$0xF0];
	s4 =	simm.s32 $0x1AA00;
	v24 =	vadd.f32 v62, v26  }
.LBB2_21:
0x252: {  	v25 =	vld [tilespmem:s4+$0x80];
	v14 =	vadd.f32 v14, v21;
	v18 =	vadd.f32 v18, v22  }
0x253: {  	v21 =	vld [tilespmem:s4+$0x90];
	v13 =	vadd.f32 v13, v23;
	v15 =	vadd.f32 v15, v24  }
0x254: {  	v22 =	vld [tilespmem:s4+$0xA0];
	v14 =	vadd.f32 v16, v14;
	v16 =	vadd.f32 v19, v18  }
0x255: {  	v19 =	vld [tilespmem:s4+$0xB0];
	v23 =	vadd.f32 v11, v13;
	v24 =	vadd.f32 v12, v15  }
0x256: {  	v11 =	vld [tilespmem:s4+$0xC0];
	v17 =	vadd.f32 v17, v14;
	v20 =	vadd.f32 v20, v16  }
0x257: {  	v12 =	vld [tilespmem:s4+$0xD0]  }
0x258: {  	v14 =	vld [tilespmem:s4+$0x0]  }
0x259: {  	v16 =	vld [tilespmem:s4+$0x10]  }
0x25a: {  	v18 =	vld [tilespmem:s4+$0x20]  }
0x25b: {  	v26 =	vld [tilespmem:s4+$0x30]  }
0x25c: {  	v13 =	vld [tilespmem:s4+$0x40]  }
0x25d: {  	v15 =	vld [tilespmem:s4+$0x50]  }
0x25e: {  	v27 =	vld [tilespmem:s4+$0xFFFFFF80]  }
0x25f: {  	v28 =	vld [tilespmem:s4+$0xFFFFFF90]  }
0x260: {  	v29 =	vld [tilespmem:s4+$0xFFFFFF00]  }
0x261: {  	v30 =	vld [tilespmem:s4+$0xFFFFFF10]  }
0x262: {  	v31 =	vld [tilespmem:s4+$0xFFFFFF20]  }
0x263: {  	v32 =	vld [tilespmem:s4+$0xFFFFFF30]  }
0x264: {  	v33 =	vld [tilespmem:s4+$0xFFFFFFA0]  }
0x265: {  	v34 =	vld [tilespmem:s4+$0xFFFFFFB0]  }
0x266: {  	v35 =	vld [tilespmem:s4+$0xFFFFFFC0]  }
0x267: {  	v10 =	vadd.f32 v29, v10;
	v8 =	vadd.f32 v30, v8;
	v29 =	vld [tilespmem:s4+$0xFFFFFFD0]  }
0x268: {  	v9 =	vadd.f32 v31, v9;
	v7 =	vadd.f32 v32, v7;
	v30 =	vld [tilespmem:s4+$0xFFFFFF40]  }
0x269: {  	v10 =	vadd.f32 v27, v10;
	v8 =	vadd.f32 v28, v8;
	v31 =	vld [tilespmem:s4+$0xFFFFFF50]  }
0x26a: {  	v9 =	vadd.f32 v33, v9;
	v27 =	vld [tilespmem:s4+$0xFFFFFF60];
	v7 =	vadd.f32 v34, v7  }
0x26b: {  	s1 =	sadd.s32 $0x2, s1;
	v10 =	vadd.f32 v14, v10;
	v8 =	vadd.f32 v16, v8;
	v28 =	vld [tilespmem:s4+$0xFFFFFF70]  }
0x26c: {  	p0 =	slt.u32 s1, $0x6;
	v9 =	vadd.f32 v18, v9;
	v14 =	vld [tilespmem:s4+$0xFFFFFFE0];
	v7 =	vadd.f32 v26, v7  }
.Ltmp11:
0x26d: {  	v10 =	vadd.f32 v25, v10;
	v8 =	vadd.f32 v21, v8;
	v18 =	vld [tilespmem:s4+$0xFFFFFFF0];
	(pc) =	sbr.rel @p0 .LBB2_21-.Ltmp11, $4  }
0x26e: {  	v9 =	vadd.f32 v22, v9;
	v16 =	vld [tilespmem:s4+$0x60];
	v7 =	vadd.f32 v19, v7  }
0x26f: {  	v23 =	vadd.f32 v30, v23;
	v24 =	vadd.f32 v31, v24;
	v19 =	vld [tilespmem:s4+$0x70]  }
0x270: {  	v21 =	vadd.f32 v27, v17;
	v22 =	vadd.f32 v28, v20;
	v17 =	vld [tilespmem:s4+$0xE0]  }
0x271: {  	v23 =	vadd.f32 v35, v23;
	v24 =	vadd.f32 v29, v24;
	v20 =	vld [tilespmem:s4+$0xF0];
	s4 =	sadd.s32 $0x200, s4  }
0x272: {  	s0 =	sadd.s32 $0x70, s0;
	s1 =	smul.u32 $0x1BF, s5  }
0x273: {  	[tilespmem:s14], [sflag:$0x5] =	stream.indirect.gather [hbm4b:s16+s10], $0x80, s0, s10, $0xb8;
	[tilespmem:$0x1EC80] =	vst v63  }
0x274: {  	s31 =	smin.u32 s1, $0x1DA7  }
0x275: {  	s8 =	sadd.s32 $0xFFFFF904, s1;
	s1 =	sadd.s32 $0xFFFFFAC3, s31  }
0x276: {  	s0 =	ssub.s32 s1, s8  }
0x277: {  	s4 =	sshra.s32 s0, $0x1F  }
0x278: {  	s4 =	sshrl.u32 s4, $0x1E  }
0x279: {  	s4 =	sadd.s32 s4, s0  }
0x27a: {  	s4 =	sand.u32 $0xFFFFFFFC, s4  }
0x27b: {  	p0 =	slt.s32 s4, $0x1  }
.Ltmp12:
0x27c: {  	v14 =	vadd.f32 v14, v21;
	v18 =	vadd.f32 v18, v22;
	(pc) =	sbr.rel @p0 .LBB2_23-.Ltmp12, $4  }
0x27d: {  	v13 =	vadd.f32 v13, v23;
	v15 =	vadd.f32 v15, v24  }
0x27e: {  	v14 =	vadd.f32 v16, v14;
	v18 =	vadd.f32 v19, v18  }
0x27f: {  	v13 =	vadd.f32 v11, v13;
	v16 =	vadd.f32 v12, v15  }
0x280: {  	v14 =	vadd.f32 v17, v14;
	v15 =	vadd.f32 v20, v18;
	s7 =	sadd.s32 s8, s4  }
0x281: {  	v12 =	vld [tilespmem:s3+$0x10]  }
0x282: {  	v25 =	vld [tilespmem:s3+$0xFFFFFFF0];
	s8 =	sadd.s32 $0x4, s8  }
0x283: {  	v22 =	vld [tilespmem:s3+$0x0];
	p1 =	slt.u32 s8, s7  }
.Ltmp13:
0x284: {  	_ = 	snop;
	(pc) =	sbr.rel @!p1 .LBB2_49-.Ltmp13, $4  }
0x285: {  	_ = 	snop  }
0x286: {  	v11 =	vshra.s32 v12, $0x1F  }
0x287: {  	v17 =	vshra.s32 v25, $0x1F;
	v18 =	vor.u32 $0x80000000, v11  }
0x288: {  	s9 =	sadd.s32 $0x40, s3;
	p0 =	por $0x0, $0x0;
	v24 =	vshra.s32 v22, $0x1F;
	v11 =	vld [tilespmem:s3+$0xFFFFFFE0];
	v21 =	vor.u32 $0x80000000, v17;
	v23 =	vxor.u32 v12, v18  }
0x289: {  	_ =	sdelay $0x3  }
0x28a: {  	v12 =	vshra.s32 v11, $0x1F  }
0x28b: {  	v26 =	vld [tilespmem:s9+$0x10];
	v17 =	vor.u32 $0x80000000, v24;
	v12 =	vor.u32 $0x80000000, v12  }
0x28c: {  	v18 =	vshrl.u32 v23, $0x14;
	v19 =	vld [tilespmem:s9+$0xFFFFFFF0];
	v21 =	vxor.u32 v25, v21;
	v11 =	vxor.u32 v11, v12  }
0x28d: {  	s8 =	sadd.s32 $0x4, s8;
	v18 =	vand.u32 $0xFF0, v18;
	v12 =	vxor.u32 v22, v17;
	v11 =	vshrl.u32 v11, $0x14  }
0x28e: {  	v20 =	vld [tilespmem:s9+$0x0];
	p1 =	slt.u32 s8, s7;
	v22 =	vor.u32 v0, v18;
	v17 =	vshrl.u32 v21, $0x14;
	v11 =	vand.u32 $0xFF0, v11  }
.Ltmp14:
0x28f: {  	v18 =	vand.u32 $0xFF0, v17;
	v17 =	vor.u32 v0, v11;
	v11 =	vld [tilespmem:s9+$0xFFFFFFE0];
	(pc) =	sbr.rel @!p1 .LBB2_51-.Ltmp14, $4  }
0x290: {  	v23 =	vshra.s32 v26, $0x1F  }
0x291: {  	v24 =	vshra.s32 v19, $0x1F;
	v23 =	vor.u32 $0x80000000, v23;
	v12 =	vshrl.u32 v12, $0x14  }
0x292: {  	v23 =	vxor.u32 v26, v23;
	v21 =	vand.u32 $0xFF0, v12;
	v12 =	vor.u32 v0, v18  }
0x293: {  	p0 =	por $0x1, $0x1;
	v18 =	vor.u32 v0, v21;
	v21 =	vor.u32 $0x80000000, v24;
	v24 =	vshra.s32 v20, $0x1F;
	s9 =	sadd.s32 $0x40, s9;
	[tilespmem:v22+s26+$0x0] =	vst.idx.add.s32.msk $0xffff, v4  }
.LBB2_52:
0x294: {  	v22 =	vld [tilespmem:s9+$0x10];
	s8 =	sadd.s32 $0x4, s8;
	v25 =	vshra.s32 v11, $0x1F;
	v24 =	vor.u32 $0x80000000, v24;
	v23 =	vshrl.u32 v23, $0x14  }
0x295: {  	v21 =	vxor.u32 v19, v21;
	p1 =	slt.u32 s8, s7;
	v25 =	vor.u32 $0x80000000, v25;
	v19 =	vld [tilespmem:s9+$0xFFFFFFF0];
	v23 =	vand.u32 $0xFF0, v23  }
0x296: {  	v24 =	vxor.u32 v20, v24;
	v25 =	vxor.u32 v11, v25;
	v20 =	vld [tilespmem:s9+$0x0];
	v26 =	vor.u32 v0, v23  }
.Ltmp15:
0x297: {  	v21 =	vshrl.u32 v21, $0x14;
	v24 =	vshrl.u32 v24, $0x14;
	v11 =	vld [tilespmem:s9+$0xFFFFFFE0];
	v23 =	vshrl.u32 v25, $0x14;
	(pc) =	sbr.rel @p1 .LBB2_52-.Ltmp15, $4  }
0x298: {  	v21 =	vand.u32 $0xFF0, v21;
	v24 =	vand.u32 $0xFF0, v24;
	v23 =	vand.u32 $0xFF0, v23;
	[tilespmem:v17+s26+$0x0] =	vst.idx.add.s32.msk $0xffff, v4  }
0x299: {  	v25 =	vshra.s32 v22, $0x1F;
	v17 =	vor.u32 v0, v23;
	[tilespmem:v12+s26+$0x0] =	vst.idx.add.s32.msk $0xffff, v4;
	v12 =	vor.u32 v0, v21  }
0x29a: {  	v21 =	vshra.s32 v19, $0x1F;
	v23 =	vor.u32 $0x80000000, v25;
	[tilespmem:v18+s26+$0x0] =	vst.idx.add.s32.msk $0xffff, v4;
	v18 =	vor.u32 v0, v24  }
0x29b: {  	s9 =	sadd.s32 $0x40, s9;
	v21 =	vor.u32 $0x80000000, v21;
	v24 =	vshra.s32 v20, $0x1F;
	v23 =	vxor.u32 v22, v23;
	[tilespmem:v26+s26+$0x0] =	vst.idx.add.s32.msk $0xffff, v4  }
0x29c: {  	v25 =	vmov v19;
	v22 =	vmov v20  }
.LBB2_54:
0x29d: {  	v19 =	vshra.s32 v11, $0x1F;
	v20 =	vor.u32 $0x80000000, v24;
	v23 =	vshrl.u32 v23, $0x14  }
0x29e: {  	v21 =	vxor.u32 v25, v21;
	v19 =	vor.u32 $0x80000000, v19;
	v20 =	vxor.u32 v22, v20  }
0x29f: {  	v21 =	vshrl.u32 v21, $0x14;
	v11 =	vxor.u32 v11, v19;
	v19 =	vand.u32 $0xFF0, v23  }
0x2a0: {  	v20 =	vshrl.u32 v20, $0x14;
	v21 =	vand.u32 $0xFF0, v21;
	v19 =	vor.u32 v0, v19  }
0x2a1: {  	[tilespmem:v17+s26+$0x0] =	vst.idx.add.s32.msk @p0 $0xffff, v4;
	v11 =	vshrl.u32 v11, $0x14;
	v20 =	vand.u32 $0xFF0, v20;
	v17 =	vor.u32 v0, v21  }
0x2a2: {  	[tilespmem:v12+s26+$0x0] =	vst.idx.add.s32.msk @p0 $0xffff, v4;
	v11 =	vand.u32 $0xFF0, v11;
	v12 =	vor.u32 v0, v20  }
0x2a3: {  	v11 =	vor.u32 v0, v11  }
0x2a4: {  	[tilespmem:v18+s26+$0x0] =	vst.idx.add.s32.msk @p0 $0xffff, v4  }
0x2a5: {  	[tilespmem:v19+s26+$0x0] =	vst.idx.add.s32.msk $0xffff, v4  }
0x2a6: {  	[tilespmem:v17+s26+$0x0] =	vst.idx.add.s32.msk $0xffff, v4  }
0x2a7: {  	[tilespmem:v12+s26+$0x0] =	vst.idx.add.s32.msk $0xffff, v4  }
0x2a8: {  	[tilespmem:v11+s26+$0x0] =	vst.idx.add.s32.msk $0xffff, v4  }
.LBB2_23:
0x2a9: {  	p0 =	sge.s32 s7, s1  }
.Ltmp16:
0x2aa: {  	_ = 	snop;
	(pc) =	sbr.rel @p0 .LBB2_26-.Ltmp16, $1  }
0x2ab: {  	_ =	sdelay $0x3  }
0x2ac: {  	s0 =	ssub.s32 s0, s4  }
0x2ad: {  	s1 =	sshll.u32 s0, $0x6  }
0x2ae: {  	s1 =	ssub.s32 s6, s1  }
0x2af: {  	s1 =	sshra.s32 s1, $0x2  }
0x2b0: {  	s1 =	sadd.s32 $0xFFFFB430, s1  }
.LBB2_25:
0x2b1: {  	v11 =	vld [tilespmem:s1+$0x0];
	_ =	sdelay $0x4  }
0x2b2: {  	v12 =	vshra.s32 v11, $0x1F  }
0x2b3: {  	v12 =	vor.u32 $0x80000000, v12  }
0x2b4: {  	v11 =	vxor.u32 v11, v12  }
0x2b5: {  	v11 =	vshrl.u32 v11, $0x14  }
0x2b6: {  	v11 =	vand.u32 $0xFF0, v11  }
0x2b7: {  	p0 =	sne.s32 s0, $0x1;
	v11 =	vor.u32 v0, v11  }
.Ltmp17:
0x2b8: {  	_ = 	snop;
	(pc) =	sbr.rel @p0 .LBB2_25-.Ltmp17, $2  }
0x2b9: {  	_ =	sdelay $0x2  }
0x2ba: {  	s1 =	sadd.s32 $0x10, s1;
	s0 =	sadd.s32 $0xFFFFFFFF, s0;
	[tilespmem:v11+s26+$0x0] =	vst.idx.add.s32.msk $0xffff, v4  }
.Ltmp18:
0x2bb: {  	_ = 	snop;
	(pc) =	sbr.rel .LBB2_26-.Ltmp18, $1  }
0x2bc: {  	_ =	sdelay $0x3  }
.LBB2_49:
.Ltmp19:
0x2bd: {  	(pc) =	sbr.rel .LBB2_54-.Ltmp19, $2  }
0x2be: {  	_ =	sdelay $0x2  }
0x2bf: {  	_ = 	snop  }
.LBB2_51:
.Ltmp20:
0x2c0: {  	(pc) =	sbr.rel .LBB2_54-.Ltmp20, $2  }
0x2c1: {  	_ =	sdelay $0x2  }
0x2c2: {  	v25 =	vmov v19;
	v22 =	vmov v20  }
.LBB2_27:
0x2c3: {  	s0 =	simm.s32 $0x1CEF0  }
0x2c4: {  	v11 =	vld [tilespmem:s0+$0x0]  }
0x2c5: {  	v12 =	vld [tilespmem:s0+$0xFFFFFFF0];
	_ =	sdelay $0x1  }
0x2c6: {  	v17 =	vld [tilespmem:s0+$0xFFFFFFE0]  }
0x2c7: {  	v18 =	vld [tilespmem:s0+$0xFFFFFFD0]  }
0x2c8: {  	(xrf0) =	vadd.scan.msk.s32 $0xffff, v11  }
0x2c9: {  	(xrf0) =	vadd.scan.msk.s32 $0xffff, v12;
	_ =	sdelay $0x1  }
0x2ca: {  	(xrf0) =	vadd.scan.msk.s32 $0xffff, v17  }
0x2cb: {  	(xrf0) =	vadd.scan.msk.s32 $0xffff, v18;
	_ =	sdelay $0x1  }
0x2cc: {  	v11, _, _ =	vpop (xrf0)  }
0x2cd: {  	(v2sf) =	vpush v11, $0xF;
	v11, _, _ =	vpop (xrf0)  }
0x2ce: {  	(v2sf) =	vpush v11, $0xF  }
0x2cf: {  	v11, _, _ =	vpop (xrf0)  }
0x2d0: {  	s29 =	simm.s32 $0x1CEB0;
	(v2sf) =	vpush v11, $0xF;
	v11, _, _ =	vpop (xrf0)  }
0x2d1: {  	(v2sf) =	vpush v11, $0xF;
	v11 =	vld [tilespmem:s29+$0x0];
	_ =	sdelay $0x1  }
0x2d2: {  	v12 =	vld [tilespmem:s29+$0xFFFFFFF0]  }
0x2d3: {  	v17 =	vld [tilespmem:s29+$0xFFFFFFE0]  }
0x2d4: {  	v18 =	vld [tilespmem:s29+$0xFFFFFFD0]  }
0x2d5: {  	(xrf0) =	vadd.scan.msk.s32 $0xffff, v11;
	_ =	sdelay $0x1  }
0x2d6: {  	(xrf0) =	vadd.scan.msk.s32 $0xffff, v12  }
0x2d7: {  	(xrf0) =	vadd.scan.msk.s32 $0xffff, v17  }
0x2d8: {  	s3 =	simm.s32 $0x0;
	p0 =	por $0x0, $0x0;
	s1 =	simm.s32 $0xFF;
	(xrf0) =	vadd.scan.msk.s32 $0xffff, v18  }
0x2d9: {  	s5 =	simm.s32 $0x8;
	s7 =	simm.s32 $0xFD;
	s6 =	simm.s32 $0x1CE70  }
0x2da: {  	s11 =	simm.s32 $0xFE;
	s0 =	simm.s32 $0xFB;
	v11, _, _ =	vpop (xrf0);
	s2 =	spop (v2sf)  }
0x2db: {  	p1 =	por !p0, !p0;
	s9 =	sadd.s32 $0x0, s2;
	s30 =	spop (v2sf);
	(v2sf) =	vpush v11, $0xF  }
0x2dc: {  	v12, _, _ =	vpop (xrf0);
	s2 =	simm.s32 $0x0;
	p2 =	sgt.s32 s9, $0x13;
	s8 =	sadd.s32 s30, s9  }
0x2dd: {  	v17, _, _ =	vpop (xrf0);
	s31 =	spop (v2sf);
	(v2sf) =	vpush v12, $0xF;
	p0 =	por p0, p2;
	p3 =	sgt.s32 s8, $0x13  }
0x2de: {  	v18, _, _ =	vpop (xrf0);
	s4 =	spop (v2sf);
	s10 =	sadd.s32 s31, s8;
	p1 =	por !p2, !p1;
	(v2sf) =	vpush v17, $0xF  }
0x2df: {  	v11 =	vld [tilespmem:s6+$0x0];
	p4 =	por !p0, !p0;
	p0 =	por p0, p3;
	s4 =	sadd.s32 s4, s10;
	(v2sf) =	vpush v18, $0xF  }
0x2e0: {  	v12 =	vld [tilespmem:s6+$0xFFFFFFF0];
	p2 =	por !p1, !p1;
	p5 =	sgt.s32 s10, $0x13;
	p4 =	por !p3, !p4  }
0x2e1: {  	v17 =	vld [tilespmem:s6+$0xFFFFFFE0];
	p3 =	por !p0, !p0;
	p1 =	sgt.s32 s4, $0x13;
	s2 =	smov.u32 @p2 s1  }
0x2e2: {  	v18 =	vld [tilespmem:s6+$0xFFFFFFD0];
	s3 =	smov.u32 @p2 s3;
	p2 =	por p0, p5;
	p4 =	por !p4, !p4  }
.LBB2_28:
0x2e3: {  	s2 =	smov.u32 @p4 s11;
	s3 =	smov.u32 @p4 s9;
	p0 =	por !p5, !p3  }
0x2e4: {  	s5 =	sadd.s32 $0x4, s5;
	p3 =	por !p2, !p2;
	(xrf0) =	vadd.scan.msk.s32 $0xffff, v11;
	p0 =	por !p0, !p0  }
0x2e5: {  	p3 =	por !p1, !p3;
	(xrf0) =	vadd.scan.msk.s32 $0xffff, v12;
	s2 =	smov.u32 @p0 s7;
	s3 =	smov.u32 @p0 s8  }
0x2e6: {  	s1 =	sadd.s32 $0xFFFFFFFD, s1;
	p0 =	slt.u32 s5, $0xFC;
	p3 =	por !p3, !p3;
	(xrf0) =	vadd.scan.msk.s32 $0xffff, v17  }
0x2e7: {  	p2 =	por p2, p1;
	s2 =	smov.u32 @p3 s1;
	s3 =	smov.u32 @p3 s10;
	(xrf0) =	vadd.scan.msk.s32 $0xffff, v18  }
0x2e8: {  	s12 =	smov.u32 s4;
	s1 =	smov.u32 s0  }
0x2e9: {  	s7 =	sadd.s32 $0xFFFFFFFE, s0  }
0x2ea: {  	s8 =	spop (v2sf)  }
0x2eb: {  	s6 =	sadd.s32 $0xFFFFFFC0, s6;
	s0 =	sadd.s32 $0xFFFFFFFC, s0;
	v11, _, _ =	vpop (xrf0);
	s9 =	sadd.s32 s4, s8  }
0x2ec: {  	p1 =	por !p2, !p2;
	(v2sf) =	vpush v11, $0xF;
	v11, _, _ =	vpop (xrf0);
	s4 =	spop (v2sf);
	p4 =	sgt.s32 s9, $0x13  }
0x2ed: {  	(v2sf) =	vpush v11, $0xF;
	v11, _, _ =	vpop (xrf0);
	s8 =	sadd.s32 s4, s9;
	s4 =	spop (v2sf);
	p2 =	por p2, p4  }
0x2ee: {  	(v2sf) =	vpush v11, $0xF;
	v11, _, _ =	vpop (xrf0);
	p3 =	sgt.s32 s8, $0x13;
	s11 =	spop (v2sf);
	s10 =	sadd.s32 s4, s8  }
.Ltmp21:
0x2ef: {  	(v2sf) =	vpush v11, $0xF;
	p5 =	por !p2, !p2;
	p2 =	por p2, p3;
	(pc) =	sbr.rel @p0 .LBB2_28-.Ltmp21, $4  }
0x2f0: {  	s4 =	sadd.s32 s11, s10;
	v11 =	vld [tilespmem:s6+$0x0];
	p5 =	por !p3, !p5;
	p3 =	por !p2, !p2  }
0x2f1: {  	p1 =	por !p4, !p1;
	s11 =	sadd.s32 $0xFFFFFFFF, s1;
	v12 =	vld [tilespmem:s6+$0xFFFFFFF0];
	p4 =	por !p5, !p5  }
0x2f2: {  	p6 =	por !p1, !p1;
	p1 =	sgt.s32 s4, $0x13;
	p5 =	sgt.s32 s10, $0x13;
	v17 =	vld [tilespmem:s6+$0xFFFFFFE0]  }
0x2f3: {  	s2 =	smov.u32 @p6 s1;
	s3 =	smov.u32 @p6 s12;
	p2 =	por p2, p5;
	v18 =	vld [tilespmem:s6+$0xFFFFFFD0]  }
0x2f4: {  	_ = 	snop  }
0x2f5: {  	(xrf0) =	vadd.scan.msk.s32 $0xffff, v11  }
0x2f6: {  	(xrf0) =	vadd.scan.msk.s32 $0xffff, v12  }
0x2f7: {  	(xrf0) =	vadd.scan.msk.s32 $0xffff, v17  }
0x2f8: {  	p0 =	por !p5, !p3;
	(xrf0) =	vadd.scan.msk.s32 $0xffff, v18  }
0x2f9: {  	s2 =	smov.u32 @p4 s11;
	p6 =	por !p2, !p2;
	s3 =	smov.u32 @p4 s9  }
0x2fa: {  	s1 =	sadd.s32 $0xFFFFFFFD, s1;
	s6 =	sadd.s32 $0xFFFFFFFE, s0;
	s9 =	sadd.s32 $0xFFFFFFFF, s0  }
0x2fb: {  	s18 =	simm.s32 $0x12;
	s30 =	simm.s32 $0x0;
	p0 =	por !p0, !p0;
	v11, _, _ =	vpop (xrf0)  }
0x2fc: {  	p3 =	por !p1, !p6;
	s2 =	smov.u32 @p0 s7;
	s5 =	spop (v2sf);
	(v2sf) =	vpush v11, $0xF;
	v11, _, _ =	vpop (xrf0)  }
0x2fd: {  	p3 =	por !p3, !p3;
	s3 =	smov.u32 @p0 s8;
	s20 =	spop (v2sf);
	(v2sf) =	vpush v11, $0xF;
	v11, _, _ =	vpop (xrf0)  }
0x2fe: {  	s2 =	smov.u32 @p3 s1;
	s3 =	smov.u32 @p3 s10;
	s23 =	spop (v2sf);
	(v2sf) =	vpush v11, $0xF;
	v11, _, _ =	vpop (xrf0)  }
0x2ff: {  	p3 =	por p2, p1;
	s5 =	sadd.s32 s4, s5;
	s24 =	spop (v2sf);
	(v2sf) =	vpush v11, $0xF  }
0x300: {  	p2 =	por !p3, !p3;
	p1 =	sgt.s32 s5, $0x13;
	s1 =	sadd.s32 s20, s5  }
0x301: {  	p0 =	por p3, p1;
	p4 =	sgt.s32 s1, $0x13;
	s7 =	sadd.s32 s23, s1  }
0x302: {  	p1 =	por !p1, !p2;
	p6 =	por !p0, !p0;
	p5 =	por p0, p4  }
0x303: {  	s8 =	sadd.s32 s24, s7;
	p1 =	por !p1, !p1;
	p3 =	por !p4, !p6  }
0x304: {  	p4 =	por !p5, !p5;
	p6 =	sgt.s32 s7, $0x13;
	p0 =	sgt.s32 s8, $0x13  }
0x305: {  	s2 =	smov.u32 @p1 s0;
	s3 =	smov.u32 @p1 s4;
	s4 =	sadd.s32 $0xFFFFFFFD, s0  }
0x306: {  	s0 =	sadd.s32 $0xFFFFFFFC, s0;
	p2 =	por !p3, !p3;
	p1 =	por p5, p6  }
0x307: {  	p3 =	por !p6, !p4;
	s2 =	smov.u32 @p2 s9;
	p6 =	por !p1, !p1  }
0x308: {  	s3 =	smov.u32 @p2 s5;
	p2 =	por !p3, !p3;
	s9 =	sadd.s32 $0xFFFFFFFF, s0  }
0x309: {  	p5 =	por !p0, !p6;
	s2 =	smov.u32 @p2 s6;
	p0 =	por p1, p0  }
0x30a: {  	s3 =	smov.u32 @p2 s1;
	p3 =	por !p5, !p5;
	p1 =	por !p0, !p0  }
0x30b: {  	s2 =	smov.u32 @p3 s4;
	s3 =	smov.u32 @p3 s7;
	s25 =	spop (v2sf)  }
0x30c: {  	s4 =	sadd.s32 $0xFFFFFFFE, s0;
	s1 =	sadd.s32 s8, s25;
	s28 =	spop (v2sf)  }
0x30d: {  	p6 =	sgt.s32 s1, $0x13;
	s5 =	sadd.s32 s28, s1;
	s29 =	spop (v2sf)  }
0x30e: {  	p0 =	por p0, p6;
	p4 =	sgt.s32 s5, $0x13;
	s31 =	spop (v2sf)  }
0x30f: {  	s6 =	sadd.s32 s29, s5;
	p1 =	por !p6, !p1;
	p5 =	por !p0, !p0  }
0x310: {  	p0 =	por p0, p4;
	s7 =	sadd.s32 s31, s6;
	p1 =	por !p1, !p1  }
0x311: {  	p6 =	sgt.s32 s6, $0x13;
	p3 =	por !p4, !p5;
	p4 =	por !p0, !p0  }
0x312: {  	p5 =	sgt.s32 s7, $0x13;
	s2 =	smov.u32 @p1 s0;
	s3 =	smov.u32 @p1 s8  }
0x313: {  	p0 =	por p0, p6;
	s0 =	sadd.s32 $0xFFFFFFFD, s0;
	p2 =	por !p3, !p3  }
.Ltmp22:
0x314: {  	p6 =	por !p6, !p4;
	p0 =	por !p0, !p0;
	(pc) =	sbr.rel .LBB2_30-.Ltmp22, $4  }
0x315: {  	s2 =	smov.u32 @p2 s9;
	p1 =	por !p6, !p6;
	p0 =	por !p5, !p0  }
0x316: {  	s3 =	smov.u32 @p2 s1;
	s2 =	smov.u32 @p1 s4;
	p0 =	por !p0, !p0  }
0x317: {  	s12 =	simm.s32 $0x0;
	s3 =	smov.u32 @p1 s5;
	s2 =	smov.u32 @p0 s0  }
0x318: {  	s20 =	simm.s32 $0x1F6E;
	s5 =	simm.s32 $0x820;
	s3 =	smov.u32 @p0 s6;
	v11 =	vmov s2  }
.LBB2_42:
0x319: {  	s18 =	sadd.s32 $0x1, s18  }
0x31a: {  	p0 =	sne.s32 s18, $0x20  }
.Ltmp23:
0x31b: {  	_ = 	snop;
	(pc) =	sbr.rel @!p0 .LBB2_43-.Ltmp23, $2  }
0x31c: {  	_ =	sdelay $0x2  }
0x31d: {  	s20 =	sadd.s32 $0x1BF, s20;
	s30 =	sadd.s32 $0x1BF0, s30;
	s5 =	sadd.s32 $0x1BF0, s5  }
.LBB2_30:
0x31e: {  	_ =	swait.ge [sflag:s17], $0x800  }
0x31f: {  	[sflag:s17] =	ssyncset.done $0x0  }
0x320: {  	s1 =	simm.s32 $0x19000;
	[sflag:s17] =	ssyncadd.s32 $0xFFFFF800  }
0x321: {  	v20 =	vld [tilespmem:s1+$0x80]  }
0x322: {  	v21 =	vld [tilespmem:s1+$0x90]  }
0x323: {  	v25 =	vld [tilespmem:s1+$0xA0]  }
0x324: {  	v26 =	vld [tilespmem:s1+$0xB0]  }
0x325: {  	v12 =	vld [tilespmem:s1+$0xC0]  }
0x326: {  	v17 =	vld [tilespmem:s1+$0xD0]  }
0x327: {  	v22 =	vld [tilespmem:s1+$0x0]  }
0x328: {  	v23 =	vld [tilespmem:s1+$0x10]  }
0x329: {  	v24 =	vld [tilespmem:s1+$0x20]  }
0x32a: {  	v27 =	vld [tilespmem:s1+$0x30]  }
0x32b: {  	v18 =	vld [tilespmem:s1+$0x40]  }
0x32c: {  	v19 =	vld [tilespmem:s1+$0x50]  }
0x32d: {  	v28 =	vld [tilespmem:s1+$0xFFFFFF80]  }
0x32e: {  	v29 =	vld [tilespmem:s1+$0xFFFFFF90]  }
0x32f: {  	v30 =	vld [tilespmem:s1+$0xFFFFFF00]  }
0x330: {  	v31 =	vld [tilespmem:s1+$0xFFFFFF10]  }
0x331: {  	v32 =	vld [tilespmem:s1+$0xFFFFFF20]  }
0x332: {  	v33 =	vld [tilespmem:s1+$0xFFFFFF30]  }
0x333: {  	v34 =	vld [tilespmem:s1+$0xFFFFFFA0]  }
0x334: {  	v35 =	vld [tilespmem:s1+$0xFFFFFFB0]  }
0x335: {  	v36 =	vld [tilespmem:s1+$0xFFFFFFC0]  }
0x336: {  	v63 =	vld [tilespmem:s1+$0xFFFFFF50];
	v10 =	vadd.f32 v30, v10;
	v8 =	vadd.f32 v31, v8  }
0x337: {  	v30 =	vld [tilespmem:s1+$0xFFFFFFD0];
	v9 =	vadd.f32 v32, v9;
	v7 =	vadd.f32 v33, v7  }
0x338: {  	v31 =	vld [tilespmem:s1+$0xFFFFFF40];
	v10 =	vadd.f32 v28, v10;
	v8 =	vadd.f32 v29, v8  }
0x339: {  	v28 =	vld [tilespmem:s1+$0xFFFFFF60];
	v9 =	vadd.f32 v34, v9;
	v7 =	vadd.f32 v35, v7  }
0x33a: {  	v29 =	vld [tilespmem:s1+$0xFFFFFF70];
	v10 =	vadd.f32 v22, v10;
	v23 =	vadd.f32 v23, v8  }
0x33b: {  	v22 =	vld [tilespmem:s1+$0xFFFFFFE0];
	v9 =	vadd.f32 v24, v9;
	v7 =	vadd.f32 v27, v7  }
0x33c: {  	v24 =	vld [tilespmem:s1+$0xFFFFFFF0];
	v8 =	vadd.f32 v20, v10;
	v10 =	vadd.f32 v21, v23  }
0x33d: {  	v23 =	vld [tilespmem:s1+$0x60];
	v20 =	vadd.f32 v25, v9;
	v21 =	vadd.f32 v26, v7  }
0x33e: {  	v7 =	vadd.f32 v31, v13;
	v9 =	vadd.f32 v63, v16;
	v16 =	vld [tilespmem:s1+$0x70]  }
0x33f: {  	s6 =	smin.u32 s20, $0x3619;
	v25 =	vld [tilespmem:s1+$0xF0];
	v26 =	vadd.f32 v28, v14;
	v27 =	vadd.f32 v29, v15  }
0x340: {  	s0 =	simm.s32 $0x0;
	s7 =	sshll.u32 s6, $0x6;
	v15 =	vld [tilespmem:s1+$0xE0];
	s1 =	simm.s32 $0x19200;
	v28 =	vadd.f32 v36, v7;
	v29 =	vadd.f32 v30, v9  }
.LBB2_31:
0x341: {  	v7 =	vld [tilespmem:s1+$0x80];
	v9 =	vadd.f32 v22, v26;
	v13 =	vadd.f32 v24, v27  }
0x342: {  	v14 =	vld [tilespmem:s1+$0x90];
	v18 =	vadd.f32 v18, v28;
	v19 =	vadd.f32 v19, v29  }
0x343: {  	v26 =	vld [tilespmem:s1+$0xA0];
	v9 =	vadd.f32 v23, v9;
	v13 =	vadd.f32 v16, v13  }
0x344: {  	v16 =	vld [tilespmem:s1+$0xB0];
	v27 =	vadd.f32 v12, v18;
	v28 =	vadd.f32 v17, v19  }
0x345: {  	v12 =	vld [tilespmem:s1+$0xC0];
	v9 =	vadd.f32 v15, v9;
	v13 =	vadd.f32 v25, v13  }
0x346: {  	v17 =	vld [tilespmem:s1+$0xD0]  }
0x347: {  	v15 =	vld [tilespmem:s1+$0x0]  }
0x348: {  	v22 =	vld [tilespmem:s1+$0x10]  }
0x349: {  	v23 =	vld [tilespmem:s1+$0x20]  }
0x34a: {  	v24 =	vld [tilespmem:s1+$0x30]  }
0x34b: {  	v18 =	vld [tilespmem:s1+$0x40]  }
0x34c: {  	v19 =	vld [tilespmem:s1+$0x50]  }
0x34d: {  	v25 =	vld [tilespmem:s1+$0xFFFFFF80]  }
0x34e: {  	v29 =	vld [tilespmem:s1+$0xFFFFFF90]  }
0x34f: {  	v30 =	vld [tilespmem:s1+$0xFFFFFF00]  }
0x350: {  	v31 =	vld [tilespmem:s1+$0xFFFFFF10]  }
0x351: {  	v32 =	vld [tilespmem:s1+$0xFFFFFF20]  }
0x352: {  	v33 =	vld [tilespmem:s1+$0xFFFFFF30]  }
0x353: {  	v34 =	vld [tilespmem:s1+$0xFFFFFFA0]  }
0x354: {  	v35 =	vld [tilespmem:s1+$0xFFFFFFB0]  }
0x355: {  	v36 =	vld [tilespmem:s1+$0xFFFFFFC0]  }
0x356: {  	v8 =	vadd.f32 v30, v8;
	v10 =	vadd.f32 v31, v10;
	v30 =	vld [tilespmem:s1+$0xFFFFFFD0]  }
0x357: {  	v20 =	vadd.f32 v32, v20;
	v21 =	vadd.f32 v33, v21;
	v31 =	vld [tilespmem:s1+$0xFFFFFF40]  }
0x358: {  	v8 =	vadd.f32 v25, v8;
	v10 =	vadd.f32 v29, v10;
	v32 =	vld [tilespmem:s1+$0xFFFFFF50]  }
0x359: {  	v20 =	vadd.f32 v34, v20;
	v25 =	vld [tilespmem:s1+$0xFFFFFF60];
	v21 =	vadd.f32 v35, v21  }
0x35a: {  	s0 =	sadd.s32 $0x2, s0;
	v8 =	vadd.f32 v15, v8;
	v10 =	vadd.f32 v22, v10;
	v29 =	vld [tilespmem:s1+$0xFFFFFF70]  }
0x35b: {  	p0 =	slt.u32 s0, $0x6;
	v15 =	vadd.f32 v23, v20;
	v22 =	vld [tilespmem:s1+$0xFFFFFFE0];
	v21 =	vadd.f32 v24, v21  }
.Ltmp24:
0x35c: {  	v8 =	vadd.f32 v7, v8;
	v10 =	vadd.f32 v14, v10;
	v24 =	vld [tilespmem:s1+$0xFFFFFFF0];
	(pc) =	sbr.rel @p0 .LBB2_31-.Ltmp24, $4  }
0x35d: {  	v20 =	vadd.f32 v26, v15;
	v23 =	vld [tilespmem:s1+$0x60];
	v21 =	vadd.f32 v16, v21  }
0x35e: {  	v7 =	vadd.f32 v31, v27;
	v14 =	vadd.f32 v32, v28;
	v16 =	vld [tilespmem:s1+$0x70]  }
0x35f: {  	v26 =	vadd.f32 v25, v9;
	v27 =	vadd.f32 v29, v13;
	v15 =	vld [tilespmem:s1+$0xE0]  }
0x360: {  	v28 =	vadd.f32 v36, v7;
	v29 =	vadd.f32 v30, v14;
	v25 =	vld [tilespmem:s1+$0xF0];
	s1 =	sadd.s32 $0x200, s1  }
0x361: {  	s0 =	sshll.u32 s18, $0x8;
	p0 =	seq.s32 s18, $0x1F  }
0x362: {  	s0 =	sshrl.u32 @!p0 s0, $0x2  }
0x363: {  	s4 =	simm.s32 @!p0 $0x10;
	s8 =	simm.s32 @!p0 $0x18F00;
	s1 =	sadd.s32 @!p0 $0x40, s0  }
0x364: {  	[tilespmem:s8], [sflag:$0x2] =	stream.indirect.gather @!p0 [hbm4b:s16+s4], $0x80, s1, s4, $0xb8;
	[tilespmem:$0x1EC80] =	vst v63  }
0x365: {  	_ =	swait.ge [sflag:s19], $0x800  }
0x366: {  	[sflag:s19] =	ssyncset.done $0x0  }
0x367: {  	s31 =	simm.s32 $0x19800;
	[sflag:s19] =	ssyncadd.s32 $0xFFFFF800  }
0x368: {  	v30 =	vld [tilespmem:s31+$0x80]  }
0x369: {  	v31 =	vld [tilespmem:s31+$0x90]  }
0x36a: {  	v32 =	vld [tilespmem:s31+$0xA0]  }
0x36b: {  	v33 =	vld [tilespmem:s31+$0xB0]  }
0x36c: {  	v7 =	vld [tilespmem:s31+$0xC0]  }
0x36d: {  	v9 =	vld [tilespmem:s31+$0xD0]  }
0x36e: {  	v34 =	vld [tilespmem:s31+$0x0]  }
0x36f: {  	v35 =	vld [tilespmem:s31+$0x10]  }
0x370: {  	v36 =	vld [tilespmem:s31+$0x20]  }
0x371: {  	v37 =	vld [tilespmem:s31+$0x30]  }
0x372: {  	v13 =	vld [tilespmem:s31+$0x40]  }
0x373: {  	v14 =	vld [tilespmem:s31+$0x50]  }
0x374: {  	v38 =	vld [tilespmem:s31+$0xFFFFFF80]  }
0x375: {  	v39 =	vld [tilespmem:s31+$0xFFFFFF90]  }
0x376: {  	v40 =	vld [tilespmem:s31+$0xFFFFFF00]  }
0x377: {  	v41 =	vld [tilespmem:s31+$0xFFFFFF10]  }
0x378: {  	v22 =	vadd.f32 v22, v26;
	v24 =	vadd.f32 v24, v27;
	v26 =	vld [tilespmem:s31+$0xFFFFFF20]  }
0x379: {  	v18 =	vadd.f32 v18, v28;
	v19 =	vadd.f32 v19, v29;
	v27 =	vld [tilespmem:s31+$0xFFFFFF30]  }
0x37a: {  	v22 =	vadd.f32 v23, v22;
	v16 =	vadd.f32 v16, v24;
	v23 =	vld [tilespmem:s31+$0xFFFFFFA0]  }
0x37b: {  	v24 =	vadd.f32 v12, v18;
	v28 =	vadd.f32 v17, v19;
	v12 =	vld [tilespmem:s31+$0xFFFFFFB0]  }
0x37c: {  	v15 =	vadd.f32 v15, v22;
	v16 =	vadd.f32 v25, v16;
	v25 =	vld [tilespmem:s31+$0xFFFFFFC0]  }
0x37d: {  	v29 =	vld [tilespmem:s31+$0xFFFFFFD0];
	v8 =	vadd.f32 v40, v8;
	v10 =	vadd.f32 v41, v10  }
0x37e: {  	v22 =	vld [tilespmem:s31+$0xFFFFFF40];
	v17 =	vadd.f32 v26, v20;
	v18 =	vadd.f32 v27, v21  }
0x37f: {  	v63 =	vld [tilespmem:s31+$0xFFFFFF70];
	v8 =	vadd.f32 v38, v8;
	v10 =	vadd.f32 v39, v10  }
0x380: {  	v26 =	vld [tilespmem:s31+$0xFFFFFF50];
	v17 =	vadd.f32 v23, v17;
	v12 =	vadd.f32 v12, v18  }
0x381: {  	v27 =	vld [tilespmem:s31+$0xFFFFFF60];
	v8 =	vadd.f32 v34, v8;
	v10 =	vadd.f32 v35, v10  }
0x382: {  	v20 =	vld [tilespmem:s31+$0xFFFFFFE0];
	v18 =	vadd.f32 v36, v17;
	v19 =	vadd.f32 v37, v12  }
0x383: {  	v23 =	vld [tilespmem:s31+$0xFFFFFFF0];
	v12 =	vadd.f32 v30, v8;
	v17 =	vadd.f32 v31, v10  }
0x384: {  	v21 =	vld [tilespmem:s31+$0x60];
	v18 =	vadd.f32 v32, v18;
	v19 =	vadd.f32 v33, v19  }
0x385: {  	v8 =	vadd.f32 v22, v24;
	v10 =	vadd.f32 v26, v28;
	v24 =	vld [tilespmem:s31+$0x70]  }
0x386: {  	v26 =	vadd.f32 v27, v15;
	v27 =	vadd.f32 v63, v16;
	v22 =	vld [tilespmem:s31+$0xE0]  }
0x387: {  	s1 =	simm.s32 $0x0;
	s4 =	simm.s32 $0x19A00;
	v28 =	vadd.f32 v25, v8;
	v29 =	vadd.f32 v29, v10;
	v25 =	vld [tilespmem:s31+$0xF0]  }
.LBB2_33:
0x388: {  	v8 =	vld [tilespmem:s4+$0x80];
	v10 =	vadd.f32 v20, v26;
	v15 =	vadd.f32 v23, v27  }
0x389: {  	v16 =	vld [tilespmem:s4+$0x90];
	v13 =	vadd.f32 v13, v28;
	v14 =	vadd.f32 v14, v29  }
0x38a: {  	v26 =	vld [tilespmem:s4+$0xA0];
	v10 =	vadd.f32 v21, v10;
	v15 =	vadd.f32 v24, v15  }
0x38b: {  	v24 =	vld [tilespmem:s4+$0xB0];
	v27 =	vadd.f32 v7, v13;
	v28 =	vadd.f32 v9, v14  }
0x38c: {  	v7 =	vld [tilespmem:s4+$0xC0];
	v10 =	vadd.f32 v22, v10;
	v15 =	vadd.f32 v25, v15  }
0x38d: {  	v9 =	vld [tilespmem:s4+$0xD0]  }
0x38e: {  	v20 =	vld [tilespmem:s4+$0x0]  }
0x38f: {  	v21 =	vld [tilespmem:s4+$0x10]  }
0x390: {  	v22 =	vld [tilespmem:s4+$0x20]  }
0x391: {  	v23 =	vld [tilespmem:s4+$0x30]  }
0x392: {  	v13 =	vld [tilespmem:s4+$0x40]  }
0x393: {  	v14 =	vld [tilespmem:s4+$0x50]  }
0x394: {  	v25 =	vld [tilespmem:s4+$0xFFFFFF80]  }
0x395: {  	v29 =	vld [tilespmem:s4+$0xFFFFFF90]  }
0x396: {  	v30 =	vld [tilespmem:s4+$0xFFFFFF00]  }
0x397: {  	v31 =	vld [tilespmem:s4+$0xFFFFFF10]  }
0x398: {  	v32 =	vld [tilespmem:s4+$0xFFFFFF20]  }
0x399: {  	v33 =	vld [tilespmem:s4+$0xFFFFFF30]  }
0x39a: {  	v34 =	vld [tilespmem:s4+$0xFFFFFFA0]  }
0x39b: {  	v35 =	vld [tilespmem:s4+$0xFFFFFFB0]  }
0x39c: {  	v36 =	vld [tilespmem:s4+$0xFFFFFFC0]  }
0x39d: {  	v12 =	vadd.f32 v30, v12;
	v17 =	vadd.f32 v31, v17;
	v30 =	vld [tilespmem:s4+$0xFFFFFFD0]  }
0x39e: {  	v18 =	vadd.f32 v32, v18;
	v19 =	vadd.f32 v33, v19;
	v31 =	vld [tilespmem:s4+$0xFFFFFF40]  }
0x39f: {  	v12 =	vadd.f32 v25, v12;
	v17 =	vadd.f32 v29, v17;
	v32 =	vld [tilespmem:s4+$0xFFFFFF50]  }
0x3a0: {  	v18 =	vadd.f32 v34, v18;
	v25 =	vld [tilespmem:s4+$0xFFFFFF60];
	v19 =	vadd.f32 v35, v19  }
0x3a1: {  	s1 =	sadd.s32 $0x2, s1;
	v12 =	vadd.f32 v20, v12;
	v17 =	vadd.f32 v21, v17;
	v29 =	vld [tilespmem:s4+$0xFFFFFF70]  }
0x3a2: {  	p1 =	slt.u32 s1, $0x6;
	v18 =	vadd.f32 v22, v18;
	v20 =	vld [tilespmem:s4+$0xFFFFFFE0];
	v19 =	vadd.f32 v23, v19  }
.Ltmp25:
0x3a3: {  	v12 =	vadd.f32 v8, v12;
	v17 =	vadd.f32 v16, v17;
	v23 =	vld [tilespmem:s4+$0xFFFFFFF0];
	(pc) =	sbr.rel @p1 .LBB2_33-.Ltmp25, $4  }
0x3a4: {  	v18 =	vadd.f32 v26, v18;
	v21 =	vld [tilespmem:s4+$0x60];
	v19 =	vadd.f32 v24, v19  }
0x3a5: {  	v8 =	vadd.f32 v31, v27;
	v16 =	vadd.f32 v32, v28;
	v24 =	vld [tilespmem:s4+$0x70]  }
0x3a6: {  	v26 =	vadd.f32 v25, v10;
	v27 =	vadd.f32 v29, v15;
	v22 =	vld [tilespmem:s4+$0xE0]  }
0x3a7: {  	v28 =	vadd.f32 v36, v8;
	v29 =	vadd.f32 v30, v16;
	v25 =	vld [tilespmem:s4+$0xF0];
	s4 =	sadd.s32 $0x200, s4  }
0x3a8: {  	s1 =	sadd.s32 @!p0 $0x50, s0;
	s4 =	simm.s32 @!p0 $0x10;
	s8 =	simm.s32 @!p0 $0x19700  }
0x3a9: {  	[tilespmem:s8], [sflag:$0x3] =	stream.indirect.gather @!p0 [hbm4b:s16+s4], $0x80, s1, s4, $0xb8;
	[tilespmem:$0x1EC80] =	vst v63  }
0x3aa: {  	_ =	swait.ge [sflag:s21], $0x800  }
0x3ab: {  	[sflag:s21] =	ssyncset.done $0x0  }
0x3ac: {  	s31 =	simm.s32 $0x1A000;
	[sflag:s21] =	ssyncadd.s32 $0xFFFFF800  }
0x3ad: {  	v30 =	vld [tilespmem:s31+$0x80]  }
0x3ae: {  	v31 =	vld [tilespmem:s31+$0x90]  }
0x3af: {  	v32 =	vld [tilespmem:s31+$0xA0]  }
0x3b0: {  	v33 =	vld [tilespmem:s31+$0xB0]  }
0x3b1: {  	v8 =	vld [tilespmem:s31+$0xC0]  }
0x3b2: {  	v10 =	vld [tilespmem:s31+$0xD0]  }
0x3b3: {  	v34 =	vld [tilespmem:s31+$0x0]  }
0x3b4: {  	v35 =	vld [tilespmem:s31+$0x10]  }
0x3b5: {  	v36 =	vld [tilespmem:s31+$0x20]  }
0x3b6: {  	v37 =	vld [tilespmem:s31+$0x30]  }
0x3b7: {  	v15 =	vld [tilespmem:s31+$0x40]  }
0x3b8: {  	v16 =	vld [tilespmem:s31+$0x50]  }
0x3b9: {  	v38 =	vld [tilespmem:s31+$0xFFFFFF80]  }
0x3ba: {  	v39 =	vld [tilespmem:s31+$0xFFFFFF90]  }
0x3bb: {  	v40 =	vld [tilespmem:s31+$0xFFFFFF00]  }
0x3bc: {  	v41 =	vld [tilespmem:s31+$0xFFFFFF10]  }
0x3bd: {  	v20 =	vadd.f32 v20, v26;
	v23 =	vadd.f32 v23, v27;
	v26 =	vld [tilespmem:s31+$0xFFFFFF20]  }
0x3be: {  	v13 =	vadd.f32 v13, v28;
	v14 =	vadd.f32 v14, v29;
	v27 =	vld [tilespmem:s31+$0xFFFFFF30]  }
0x3bf: {  	v20 =	vadd.f32 v21, v20;
	v21 =	vadd.f32 v24, v23;
	v23 =	vld [tilespmem:s31+$0xFFFFFFA0]  }
0x3c0: {  	v13 =	vadd.f32 v7, v13;
	v14 =	vadd.f32 v9, v14;
	v7 =	vld [tilespmem:s31+$0xFFFFFFB0]  }
0x3c1: {  	v22 =	vadd.f32 v22, v20;
	v25 =	vadd.f32 v25, v21;
	v28 =	vld [tilespmem:s31+$0xFFFFFFC0]  }
0x3c2: {  	v24 =	vld [tilespmem:s31+$0xFFFFFF40];
	v9 =	vadd.f32 v40, v12;
	v12 =	vadd.f32 v41, v17  }
0x3c3: {  	v29 =	vld [tilespmem:s31+$0xFFFFFF70];
	v18 =	vadd.f32 v26, v18;
	v19 =	vadd.f32 v27, v19  }
0x3c4: {  	v20 =	vld [tilespmem:s31+$0xFFFFFFE0];
	v9 =	vadd.f32 v38, v9;
	v12 =	vadd.f32 v39, v12  }
0x3c5: {  	v26 =	vld [tilespmem:s31+$0xFFFFFF50];
	v18 =	vadd.f32 v23, v18;
	v7 =	vadd.f32 v7, v19  }
0x3c6: {  	v27 =	vld [tilespmem:s31+$0xFFFFFF60];
	v9 =	vadd.f32 v34, v9;
	v12 =	vadd.f32 v35, v12  }
0x3c7: {  	v17 =	vld [tilespmem:s31+$0xFFFFFFD0];
	v18 =	vadd.f32 v36, v18;
	v19 =	vadd.f32 v37, v7  }
0x3c8: {  	v23 =	vld [tilespmem:s31+$0xFFFFFFF0];
	v7 =	vadd.f32 v30, v9;
	v9 =	vadd.f32 v31, v12  }
0x3c9: {  	v21 =	vld [tilespmem:s31+$0x60];
	v18 =	vadd.f32 v32, v18;
	v19 =	vadd.f32 v33, v19  }
0x3ca: {  	v12 =	vadd.f32 v24, v13;
	v13 =	vadd.f32 v26, v14;
	v24 =	vld [tilespmem:s31+$0x70]  }
0x3cb: {  	v26 =	vadd.f32 v27, v22;
	v27 =	vadd.f32 v29, v25;
	v22 =	vld [tilespmem:s31+$0xE0]  }
0x3cc: {  	s1 =	simm.s32 $0x0;
	s4 =	simm.s32 $0x1A200;
	v25 =	vld [tilespmem:s31+$0xF0];
	v28 =	vadd.f32 v28, v12;
	v29 =	vadd.f32 v17, v13  }
.LBB2_35:
0x3cd: {  	v12 =	vld [tilespmem:s4+$0x80];
	v13 =	vadd.f32 v20, v26;
	v14 =	vadd.f32 v23, v27  }
0x3ce: {  	v17 =	vld [tilespmem:s4+$0x90];
	v15 =	vadd.f32 v15, v28;
	v16 =	vadd.f32 v16, v29  }
0x3cf: {  	v26 =	vld [tilespmem:s4+$0xA0];
	v13 =	vadd.f32 v21, v13;
	v14 =	vadd.f32 v24, v14  }
0x3d0: {  	v24 =	vld [tilespmem:s4+$0xB0];
	v27 =	vadd.f32 v8, v15;
	v28 =	vadd.f32 v10, v16  }
0x3d1: {  	v8 =	vld [tilespmem:s4+$0xC0];
	v13 =	vadd.f32 v22, v13;
	v14 =	vadd.f32 v25, v14  }
0x3d2: {  	v10 =	vld [tilespmem:s4+$0xD0]  }
0x3d3: {  	v20 =	vld [tilespmem:s4+$0x0]  }
0x3d4: {  	v21 =	vld [tilespmem:s4+$0x10]  }
0x3d5: {  	v22 =	vld [tilespmem:s4+$0x20]  }
0x3d6: {  	v23 =	vld [tilespmem:s4+$0x30]  }
0x3d7: {  	v15 =	vld [tilespmem:s4+$0x40]  }
0x3d8: {  	v16 =	vld [tilespmem:s4+$0x50]  }
0x3d9: {  	v25 =	vld [tilespmem:s4+$0xFFFFFF80]  }
0x3da: {  	v29 =	vld [tilespmem:s4+$0xFFFFFF90]  }
0x3db: {  	v30 =	vld [tilespmem:s4+$0xFFFFFF00]  }
0x3dc: {  	v31 =	vld [tilespmem:s4+$0xFFFFFF10]  }
0x3dd: {  	v32 =	vld [tilespmem:s4+$0xFFFFFF20]  }
0x3de: {  	v33 =	vld [tilespmem:s4+$0xFFFFFF30]  }
0x3df: {  	v34 =	vld [tilespmem:s4+$0xFFFFFFA0]  }
0x3e0: {  	v35 =	vld [tilespmem:s4+$0xFFFFFFB0]  }
0x3e1: {  	v36 =	vld [tilespmem:s4+$0xFFFFFFC0]  }
0x3e2: {  	v7 =	vadd.f32 v30, v7;
	v9 =	vadd.f32 v31, v9;
	v30 =	vld [tilespmem:s4+$0xFFFFFFD0]  }
0x3e3: {  	v18 =	vadd.f32 v32, v18;
	v19 =	vadd.f32 v33, v19;
	v31 =	vld [tilespmem:s4+$0xFFFFFF40]  }
0x3e4: {  	v7 =	vadd.f32 v25, v7;
	v9 =	vadd.f32 v29, v9;
	v32 =	vld [tilespmem:s4+$0xFFFFFF50]  }
0x3e5: {  	v18 =	vadd.f32 v34, v18;
	v25 =	vld [tilespmem:s4+$0xFFFFFF60];
	v19 =	vadd.f32 v35, v19  }
0x3e6: {  	s1 =	sadd.s32 $0x2, s1;
	v7 =	vadd.f32 v20, v7;
	v9 =	vadd.f32 v21, v9;
	v29 =	vld [tilespmem:s4+$0xFFFFFF70]  }
0x3e7: {  	p1 =	slt.u32 s1, $0x6;
	v18 =	vadd.f32 v22, v18;
	v20 =	vld [tilespmem:s4+$0xFFFFFFE0];
	v19 =	vadd.f32 v23, v19  }
.Ltmp26:
0x3e8: {  	v7 =	vadd.f32 v12, v7;
	v9 =	vadd.f32 v17, v9;
	v23 =	vld [tilespmem:s4+$0xFFFFFFF0];
	(pc) =	sbr.rel @p1 .LBB2_35-.Ltmp26, $4  }
0x3e9: {  	v18 =	vadd.f32 v26, v18;
	v21 =	vld [tilespmem:s4+$0x60];
	v19 =	vadd.f32 v24, v19  }
0x3ea: {  	v12 =	vadd.f32 v31, v27;
	v17 =	vadd.f32 v32, v28;
	v24 =	vld [tilespmem:s4+$0x70]  }
0x3eb: {  	v26 =	vadd.f32 v25, v13;
	v27 =	vadd.f32 v29, v14;
	v22 =	vld [tilespmem:s4+$0xE0]  }
0x3ec: {  	v28 =	vadd.f32 v36, v12;
	v29 =	vadd.f32 v30, v17;
	v25 =	vld [tilespmem:s4+$0xF0];
	s4 =	sadd.s32 $0x200, s4  }
0x3ed: {  	s1 =	sadd.s32 @!p0 $0x60, s0;
	s4 =	simm.s32 @!p0 $0x10;
	s8 =	simm.s32 @!p0 $0x19F00  }
0x3ee: {  	[tilespmem:s8], [sflag:$0x4] =	stream.indirect.gather @!p0 [hbm4b:s16+s4], $0x80, s1, s4, $0xb8;
	[tilespmem:$0x1EC80] =	vst v63  }
0x3ef: {  	_ =	swait.ge [sflag:s22], $0x800  }
0x3f0: {  	[sflag:s22] =	ssyncset.done $0x0  }
0x3f1: {  	s31 =	simm.s32 $0x1A800;
	[sflag:s22] =	ssyncadd.s32 $0xFFFFF800  }
0x3f2: {  	v30 =	vld [tilespmem:s31+$0x80]  }
0x3f3: {  	v31 =	vld [tilespmem:s31+$0x90]  }
0x3f4: {  	v32 =	vld [tilespmem:s31+$0xA0]  }
0x3f5: {  	v33 =	vld [tilespmem:s31+$0xB0]  }
0x3f6: {  	v12 =	vld [tilespmem:s31+$0xC0]  }
0x3f7: {  	v14 =	vld [tilespmem:s31+$0xD0]  }
0x3f8: {  	v34 =	vld [tilespmem:s31+$0x0]  }
0x3f9: {  	v35 =	vld [tilespmem:s31+$0x10]  }
0x3fa: {  	v36 =	vld [tilespmem:s31+$0x20]  }
0x3fb: {  	v37 =	vld [tilespmem:s31+$0x30]  }
0x3fc: {  	v13 =	vld [tilespmem:s31+$0x40]  }
0x3fd: {  	v17 =	vld [tilespmem:s31+$0x50]  }
0x3fe: {  	v38 =	vld [tilespmem:s31+$0xFFFFFF80]  }
0x3ff: {  	v39 =	vld [tilespmem:s31+$0xFFFFFF90]  }
0x400: {  	v40 =	vld [tilespmem:s31+$0xFFFFFF00]  }
0x401: {  	v41 =	vld [tilespmem:s31+$0xFFFFFF10]  }
0x402: {  	v20 =	vadd.f32 v20, v26;
	v23 =	vadd.f32 v23, v27;
	v26 =	vld [tilespmem:s31+$0xFFFFFF20]  }
0x403: {  	v15 =	vadd.f32 v15, v28;
	v16 =	vadd.f32 v16, v29;
	v27 =	vld [tilespmem:s31+$0xFFFFFF30]  }
0x404: {  	v20 =	vadd.f32 v21, v20;
	v21 =	vadd.f32 v24, v23;
	v23 =	vld [tilespmem:s31+$0xFFFFFFA0]  }
0x405: {  	v24 =	vadd.f32 v8, v15;
	v61 =	vadd.f32 v10, v16;
	v8 =	vld [tilespmem:s31+$0xFFFFFFB0]  }
0x406: {  	v21 =	vadd.f32 v25, v21;
	v25 =	vld [tilespmem:s31+$0xFFFFFFC0];
	v7 =	vadd.f32 v40, v7  }
0x407: {  	v9 =	vadd.f32 v41, v9;
	v10 =	vadd.f32 v26, v18;
	v18 =	vld [tilespmem:s31+$0xFFFFFF40]  }
0x408: {  	v22 =	vadd.f32 v22, v20;
	v15 =	vadd.f32 v27, v19;
	v26 =	vld [tilespmem:s31+$0xFFFFFF60]  }
0x409: {  	v62 =	vld [tilespmem:s31+$0xFFFFFFD0];
	v7 =	vadd.f32 v38, v7;
	v9 =	vadd.f32 v39, v9  }
0x40a: {  	v20 =	vld [tilespmem:s31+$0xFFFFFF50];
	v10 =	vadd.f32 v23, v10;
	v8 =	vadd.f32 v8, v15  }
0x40b: {  	v23 =	vld [tilespmem:s31+$0xFFFFFF70];
	v7 =	vadd.f32 v34, v7;
	v9 =	vadd.f32 v35, v9  }
0x40c: {  	v19 =	vld [tilespmem:s31+$0xFFFFFFF0];
	v27 =	vadd.f32 v36, v10;
	v63 =	vadd.f32 v37, v8  }
0x40d: {  	v15 =	vld [tilespmem:s31+$0xFFFFFFE0];
	v24 =	vadd.f32 v18, v24;
	v22 =	vadd.f32 v26, v22  }
0x40e: {  	v16 =	vld [tilespmem:s31+$0x60];
	v10 =	vadd.f32 v30, v7;
	v8 =	vadd.f32 v31, v9  }
0x40f: {  	v9 =	vadd.f32 v32, v27;
	v27 =	vadd.f32 v20, v61;
	v20 =	vld [tilespmem:s31+$0x70]  }
0x410: {  	v18 =	vld [tilespmem:s31+$0xE0];
	v7 =	vadd.f32 v33, v63;
	v23 =	vadd.f32 v23, v21  }
0x411: {  	s1 =	simm.s32 $0x0;
	s4 =	simm.s32 $0x1AA00;
	v24 =	vadd.f32 v25, v24;
	v21 =	vld [tilespmem:s31+$0xF0];
	v25 =	vadd.f32 v62, v27  }
.LBB2_37:
0x412: {  	v26 =	vld [tilespmem:s4+$0x80];
	v15 =	vadd.f32 v15, v22;
	v19 =	vadd.f32 v19, v23  }
0x413: {  	v22 =	vld [tilespmem:s4+$0x90];
	v13 =	vadd.f32 v13, v24;
	v17 =	vadd.f32 v17, v25  }
0x414: {  	v23 =	vld [tilespmem:s4+$0xA0];
	v15 =	vadd.f32 v16, v15;
	v16 =	vadd.f32 v20, v19  }
0x415: {  	v20 =	vld [tilespmem:s4+$0xB0];
	v24 =	vadd.f32 v12, v13;
	v25 =	vadd.f32 v14, v17  }
0x416: {  	v12 =	vld [tilespmem:s4+$0xC0];
	v18 =	vadd.f32 v18, v15;
	v21 =	vadd.f32 v21, v16  }
0x417: {  	v14 =	vld [tilespmem:s4+$0xD0]  }
0x418: {  	v15 =	vld [tilespmem:s4+$0x0]  }
0x419: {  	v16 =	vld [tilespmem:s4+$0x10]  }
0x41a: {  	v19 =	vld [tilespmem:s4+$0x20]  }
0x41b: {  	v27 =	vld [tilespmem:s4+$0x30]  }
0x41c: {  	v13 =	vld [tilespmem:s4+$0x40]  }
0x41d: {  	v17 =	vld [tilespmem:s4+$0x50]  }
0x41e: {  	v28 =	vld [tilespmem:s4+$0xFFFFFF80]  }
0x41f: {  	v29 =	vld [tilespmem:s4+$0xFFFFFF90]  }
0x420: {  	v30 =	vld [tilespmem:s4+$0xFFFFFF00]  }
0x421: {  	v31 =	vld [tilespmem:s4+$0xFFFFFF10]  }
0x422: {  	v32 =	vld [tilespmem:s4+$0xFFFFFF20]  }
0x423: {  	v33 =	vld [tilespmem:s4+$0xFFFFFF30]  }
0x424: {  	v34 =	vld [tilespmem:s4+$0xFFFFFFA0]  }
0x425: {  	v35 =	vld [tilespmem:s4+$0xFFFFFFB0]  }
0x426: {  	v36 =	vld [tilespmem:s4+$0xFFFFFFC0]  }
0x427: {  	v10 =	vadd.f32 v30, v10;
	v8 =	vadd.f32 v31, v8;
	v30 =	vld [tilespmem:s4+$0xFFFFFFD0]  }
0x428: {  	v9 =	vadd.f32 v32, v9;
	v7 =	vadd.f32 v33, v7;
	v31 =	vld [tilespmem:s4+$0xFFFFFF40]  }
0x429: {  	v10 =	vadd.f32 v28, v10;
	v8 =	vadd.f32 v29, v8;
	v32 =	vld [tilespmem:s4+$0xFFFFFF50]  }
0x42a: {  	v9 =	vadd.f32 v34, v9;
	v28 =	vld [tilespmem:s4+$0xFFFFFF60];
	v7 =	vadd.f32 v35, v7  }
0x42b: {  	s1 =	sadd.s32 $0x2, s1;
	v10 =	vadd.f32 v15, v10;
	v8 =	vadd.f32 v16, v8;
	v29 =	vld [tilespmem:s4+$0xFFFFFF70]  }
0x42c: {  	p1 =	slt.u32 s1, $0x6;
	v9 =	vadd.f32 v19, v9;
	v15 =	vld [tilespmem:s4+$0xFFFFFFE0];
	v7 =	vadd.f32 v27, v7  }
.Ltmp27:
0x42d: {  	v10 =	vadd.f32 v26, v10;
	v8 =	vadd.f32 v22, v8;
	v19 =	vld [tilespmem:s4+$0xFFFFFFF0];
	(pc) =	sbr.rel @p1 .LBB2_37-.Ltmp27, $4  }
0x42e: {  	v9 =	vadd.f32 v23, v9;
	v16 =	vld [tilespmem:s4+$0x60];
	v7 =	vadd.f32 v20, v7  }
0x42f: {  	v24 =	vadd.f32 v31, v24;
	v25 =	vadd.f32 v32, v25;
	v20 =	vld [tilespmem:s4+$0x70]  }
0x430: {  	v22 =	vadd.f32 v28, v18;
	v23 =	vadd.f32 v29, v21;
	v18 =	vld [tilespmem:s4+$0xE0]  }
0x431: {  	v24 =	vadd.f32 v36, v24;
	v25 =	vadd.f32 v30, v25;
	v21 =	vld [tilespmem:s4+$0xF0];
	s4 =	sadd.s32 $0x200, s4  }
0x432: {  	s0 =	sadd.s32 @!p0 $0x70, s0  }
0x433: {  	s1 =	simm.s32 @!p0 $0x10;
	s4 =	simm.s32 @!p0 $0x1A700;
	s8 =	smul.u32 $0x1BF, s18  }
0x434: {  	[tilespmem:s4], [sflag:$0x5] =	stream.indirect.gather @!p0 [hbm4b:s16+s1], $0x80, s0, s1, $0xb8;
	[tilespmem:$0x1EC80] =	vst v63  }
0x435: {  	s29 =	smin.u32 s8, $0x3619  }
0x436: {  	s9 =	sadd.s32 $0xFFFFE092, s8;
	s1 =	sadd.s32 $0xFFFFE251, s29  }
0x437: {  	s0 =	ssub.s32 s1, s9  }
0x438: {  	s31 =	sshra.s32 s0, $0x1F  }
0x439: {  	s4 =	sshrl.u32 s31, $0x1E  }
0x43a: {  	s4 =	sadd.s32 s4, s0  }
0x43b: {  	s4 =	sand.u32 $0xFFFFFFFC, s4  }
0x43c: {  	p0 =	slt.s32 s4, $0x1  }
.Ltmp28:
0x43d: {  	v15 =	vadd.f32 v15, v22;
	v19 =	vadd.f32 v19, v23;
	(pc) =	sbr.rel @p0 .LBB2_39-.Ltmp28, $4  }
0x43e: {  	v13 =	vadd.f32 v13, v24;
	v17 =	vadd.f32 v17, v25  }
0x43f: {  	v15 =	vadd.f32 v16, v15;
	v19 =	vadd.f32 v20, v19  }
0x440: {  	v13 =	vadd.f32 v12, v13;
	v16 =	vadd.f32 v14, v17  }
0x441: {  	v14 =	vadd.f32 v18, v15;
	v15 =	vadd.f32 v21, v19;
	s8 =	sadd.s32 s9, s4  }
0x442: {  	v12 =	vld [tilespmem:s5+$0xFFFFFFE0];
	_ =	sdelay $0x2  }
0x443: {  	v19 =	vld [tilespmem:s5+$0xFFFFFFF0];
	_ =	sdelay $0x1  }
0x444: {  	v18 =	vld [tilespmem:s5+$0x0];
	v17 =	vshra.s32 v12, $0x1F  }
0x445: {  	s9 =	sadd.s32 $0x4, s9;
	v17 =	vor.u32 $0x80000000, v17  }
0x446: {  	p2 =	slt.u32 s9, s8;
	v12 =	vxor.u32 v12, v17  }
.Ltmp29:
0x447: {  	v20 =	vshra.s32 v19, $0x1F;
	v17 =	vshrl.u32 v12, $0x18;
	(pc) =	sbr.rel @!p2 .LBB2_56-.Ltmp29, $4  }
0x448: {  	v20 =	vor.u32 $0x80000000, v20;
	vm2 =	vge.s32 v17, v11  }
0x449: {  	v19 =	vxor.u32 v19, v20;
	v20 =	vshra.s32 v18, $0x1F;
	v22 =	vmpcnt.ones.xlane vm2  }
0x44a: {  	v17 =	vxor.u32 $0x80000000, v12;
	v12 =	vxor.u32 $0x80000000, v19;
	v19 =	vshrl.u32 v19, $0x18  }
0x44b: {  	v21 =	vld [tilespmem:s5+$0x10];
	s11 =	sadd.s32 $0x40, s5;
	p0 =	por $0x0, $0x0;
	p1 =	por $0x0, $0x0;
	v26 =	vor.u32 $0x80000000, v20;
	vm4 =	vge.s32 v19, v11;
	(v2sf) =	vpush v22, $0x0  }
0x44c: {  	_ =	sdelay $0x1  }
0x44d: {  	v19 =	vld [tilespmem:s11+$0xFFFFFFE0];
	_ =	sdelay $0x1  }
0x44e: {  	v18 =	vxor.u32 v18, v26;
	v20 =	vmpcnt.ones.xlane vm4;
	v23 =	vshra.s32 v21, $0x1F  }
0x44f: {  	v22 =	vshrl.u32 v18, $0x18;
	v25 =	vxor.u32 $0x80000000, v18;
	v18 =	vor.u32 $0x80000000, v23  }
0x450: {  	vm0 =	vge.s32 v22, v11;
	v22 =	vld [tilespmem:s11+$0xFFFFFFF0];
	v18 =	vxor.u32 v21, v18  }
0x451: {  	(v2sf) =	vpush v20, $0x0;
	v24 =	vshra.s32 v19, $0x1F;
	v21 =	vshrl.u32 v18, $0x18  }
0x452: {  	v20 =	vmpcnt.ones.xlane vm0;
	vm5 =	vge.s32 v21, v11;
	v21 =	vor.u32 $0x80000000, v24  }
0x453: {  	v19 =	vxor.u32 v19, v21  }
0x454: {  	vm3 =	vmmov vm2;
	(v2sf) =	vpush v20, $0x0;
	v21 =	vshrl.u32 v19, $0x18  }
0x455: {  	v24 =	vshra.s32 v22, $0x1F;
	v20 =	vmpcnt.ones.xlane vm5;
	vm2 =	vge.s32 v21, v11  }
0x456: {  	v21 =	vor.u32 $0x80000000, v24;
	v24 =	vmpcnt.ones.xlane vm2  }
0x457: {  	(v2sf) =	vpush v20, $0x0  }
0x458: {  	(v2sf) =	vpush v24, $0x0;
	_ =	sdelay $0x5  }
0x459: {  	s10 =	sadd.s32 $0x4, s9;
	v23 =	vxor.u32 $0x80000000, v18;
	v18 =	vld [tilespmem:s11+$0x0]  }
0x45a: {  	p2 =	slt.u32 s10, s8  }
.Ltmp30:
0x45b: {  	_ = 	snop;
	(pc) =	sbr.rel @!p2 .LBB2_58-.Ltmp30, $4  }
0x45c: {  	_ = 	snop  }
0x45d: {  	vm1 =	vmmov vm4;
	v21 =	vxor.u32 v22, v21  }
0x45e: {  	v20 =	vxor.u32 $0x80000000, v19;
	v26 =	vshra.s32 v18, $0x1F;
	v22 =	vshrl.u32 v21, $0x18  }
0x45f: {  	s9 =	sadd.s32 $0x40, s11;
	p0 =	por $0x1, $0x1;
	v19 =	vxor.u32 $0x80000000, v21;
	v21 =	vld [tilespmem:s11+$0x10];
	v26 =	vor.u32 $0x80000000, v26;
	vm4 =	vge.s32 v22, v11  }
0x460: {  	_ = 	snop  }
0x461: {  	v27 =	vld [tilespmem:s9+$0xFFFFFFE0]  }
0x462: {  	v24 =	vmpcnt.ones.xlane vm4;
	v18 =	vxor.u32 v18, v26;
	v26 =	vor.u32 s30, v0  }
0x463: {  	vm7 =	vmmov vm0;
	vm6 =	vmmov vm5;
	s11 =	spop (v2sf);
	[tilespmem:s12+$0x1CF00] =	vst.msk vm3, v17;
	v28 =	vshrl.u32 v18, $0x18  }
0x464: {  	v22 =	vxor.u32 $0x80000000, v18;
	s11 =	sadd.s32 s12, s11;
	[tilespmem:s12+$0x1DB00] =	vst.msk vm3, v26;
	vm3 =	vmmov vm2;
	v29 =	vshra.s32 v21, $0x1F  }
0x465: {  	v26 =	vld [tilespmem:s9+$0xFFFFFFF0];
	vm0 =	vge.s32 v28, v11;
	(v2sf) =	vpush v24, $0x0;
	p1 =	slt.s32 s11, $0xBF0;
	v17 =	vor.u32 $0x80000000, v29  }
0x466: {  	v18 =	vmpcnt.ones.xlane vm0;
	s11 =	simm.s32 @!p1 $0xBF0;
	v61 =	vshra.s32 v27, $0x1F;
	v17 =	vxor.u32 v21, v17  }
0x467: {  	s13 =	sadd.s32 $0x10, s30;
	s14 =	spop (v2sf);
	[tilespmem:s11+$0x1CF00] =	vst.msk vm1, v12;
	v12 =	vor.u32 $0x80000000, v61;
	v24 =	vxor.u32 $0x80000000, v17;
	v17 =	vshrl.u32 v17, $0x18  }
0x468: {  	v21 =	vor.u32 s13, v0;
	s13 =	sadd.s32 s11, s14;
	v12 =	vxor.u32 v27, v12;
	vm5 =	vge.s32 v17, v11  }
0x469: {  	s25 =	sadd.s32 $0x20, s30;
	s10 =	sadd.s32 $0x4, s10;
	(v2sf) =	vpush v18, $0x0;
	v18 =	vld [tilespmem:s9+$0x0];
	p1 =	slt.s32 s13, $0xBF0;
	v27 =	vshrl.u32 v12, $0x18;
	v17 =	vmpcnt.ones.xlane vm5  }
0x46a: {  	p2 =	slt.u32 s10, s8;
	s28 =	spop (v2sf);
	v62 =	vshra.s32 v26, $0x1F;
	[tilespmem:s11+$0x1DB00] =	vst.msk vm1, v21;
	v21 =	vor.u32 s25, v0;
	s13 =	simm.s32 @!p1 $0xBF0;
	vm2 =	vge.s32 v27, v11  }
.Ltmp31:
0x46b: {  	s14 =	sadd.s32 s13, s28;
	[tilespmem:s13+$0x1CF00] =	vst.msk vm7, v25;
	(v2sf) =	vpush v17, $0x0;
	v17 =	vxor.u32 $0x80000000, v12;
	v12 =	vor.u32 $0x80000000, v62;
	(pc) =	sbr.rel @!p2 .LBB2_60-.Ltmp31, $4  }
0x46c: {  	p1 =	slt.s32 s14, $0xBF0;
	[tilespmem:s13+$0x1DB00] =	vst.msk vm7, v21;
	v25 =	vmpcnt.ones.xlane vm2;
	v21 =	vxor.u32 v26, v12  }
0x46d: {  	s29 =	sadd.s32 $0x30, s30;
	s31 =	spop (v2sf);
	s14 =	simm.s32 @!p1 $0xBF0;
	v12 =	vxor.u32 $0x80000000, v21;
	v26 =	vshrl.u32 v21, $0x18;
	v21 =	vld [tilespmem:s9+$0x10]  }
0x46e: {  	s11 =	sadd.s32 $0x40, s9;
	v27 =	vor.u32 s29, v0;
	v63 =	vshra.s32 v18, $0x1F;
	[tilespmem:s14+$0x1CF00] =	vst.msk vm6, v23;
	s13 =	sadd.s32 s14, s31;
	(v2sf) =	vpush v25, $0x0  }
0x46f: {  	vm1 =	vmmov vm4;
	p1 =	por $0x1, $0x1;
	[tilespmem:s14+$0x1DB00] =	vst.msk vm6, v27;
	p3 =	slt.s32 s13, $0xBF0;
	s9 =	sadd.s32 $0x40, s30;
	vm4 =	vge.s32 v26, v11;
	v26 =	vor.u32 $0x80000000, v63  }
.LBB2_61:
0x470: {  	v25 =	vmpcnt.ones.xlane vm4;
	v18 =	vxor.u32 v18, v26  }
0x471: {  	v23 =	vld [tilespmem:s11+$0xFFFFFFE0];
	s10 =	sadd.s32 $0x4, s10;
	v26 =	vor.u32 s9, v0;
	s13 =	simm.s32 @!p3 $0xBF0;
	vm7 =	vmmov vm0;
	vm6 =	vmmov vm5  }
0x472: {  	p2 =	slt.u32 s10, s8;
	v27 =	vxor.u32 $0x80000000, v18;
	v18 =	vshrl.u32 v18, $0x18;
	v28 =	vshra.s32 v21, $0x1F;
	[tilespmem:s13+$0x1CF00] =	vst.msk vm3, v20;
	s14 =	spop (v2sf);
	v20 =	vmovc v17  }
0x473: {  	vm0 =	vge.s32 v18, v11;
	v17 =	vor.u32 $0x80000000, v28;
	(v2sf) =	vpush v25, $0x0;
	[tilespmem:s13+$0x1DB00] =	vst.msk vm3, v26;
	s13 =	sadd.s32 s13, s14  }
0x474: {  	s14 =	sadd.s32 $0x10, s9;
	vm3 =	vmmov vm2;
	v25 =	vld [tilespmem:s11+$0xFFFFFFF0];
	v18 =	vmpcnt.ones.xlane vm0;
	v17 =	vxor.u32 v21, v17;
	p3 =	slt.s32 s13, $0xBF0  }
0x475: {  	v21 =	vor.u32 s14, v0;
	v26 =	vxor.u32 $0x80000000, v17;
	v17 =	vshrl.u32 v17, $0x18;
	s13 =	simm.s32 @!p3 $0xBF0;
	s14 =	spop (v2sf)  }
0x476: {  	v28 =	vshra.s32 v23, $0x1F;
	vm5 =	vge.s32 v17, v11;
	(v2sf) =	vpush v18, $0x0;
	[tilespmem:s13+$0x1CF00] =	vst.msk vm1, v19;
	s14 =	sadd.s32 s13, s14;
	v19 =	vmovc v12  }
0x477: {  	v12 =	vor.u32 $0x80000000, v28;
	v18 =	vld [tilespmem:s11+$0x0];
	v17 =	vmpcnt.ones.xlane vm5;
	[tilespmem:s13+$0x1DB00] =	vst.msk vm1, v21;
	p3 =	slt.s32 s14, $0xBF0;
	s13 =	sadd.s32 $0x20, s9;
	vm1 =	vmmov vm4  }
0x478: {  	v12 =	vxor.u32 v23, v12;
	s14 =	simm.s32 @!p3 $0xBF0;
	v23 =	vor.u32 s13, v0;
	s13 =	spop (v2sf)  }
.Ltmp32:
0x479: {  	v21 =	vshrl.u32 v12, $0x18;
	v28 =	vshra.s32 v25, $0x1F;
	(v2sf) =	vpush v17, $0x0;
	[tilespmem:s14+$0x1CF00] =	vst.msk vm7, v22;
	s15 =	sadd.s32 s14, s13;
	v22 =	vmovc v27;
	(pc) =	sbr.rel @p2 .LBB2_61-.Ltmp32, $4  }
0x47a: {  	v17 =	vxor.u32 $0x80000000, v12;
	s13 =	sadd.s32 $0x30, s9;
	vm2 =	vge.s32 v21, v11;
	v12 =	vor.u32 $0x80000000, v28;
	v21 =	vld [tilespmem:s11+$0x10];
	[tilespmem:s14+$0x1DB00] =	vst.msk vm7, v23;
	p3 =	slt.s32 s15, $0xBF0  }
0x47b: {  	v27 =	vor.u32 s13, v0;
	v23 =	vmpcnt.ones.xlane vm2;
	v25 =	vxor.u32 v25, v12;
	s15 =	simm.s32 @!p3 $0xBF0;
	s13 =	spop (v2sf)  }
0x47c: {  	v12 =	vxor.u32 $0x80000000, v25;
	v25 =	vshrl.u32 v25, $0x18;
	v28 =	vshra.s32 v18, $0x1F;
	[tilespmem:s15+$0x1CF00] =	vst.msk vm6, v24;
	s13 =	sadd.s32 s15, s13;
	v24 =	vmovc v26  }
0x47d: {  	s9 =	sadd.s32 $0x40, s9;
	s11 =	sadd.s32 $0x40, s11;
	vm4 =	vge.s32 v25, v11;
	v26 =	vor.u32 $0x80000000, v28;
	(v2sf) =	vpush v23, $0x0;
	[tilespmem:s15+$0x1DB00] =	vst.msk vm6, v27;
	p3 =	slt.s32 s13, $0xBF0  }
0x47e: {  	v27 =	vmovc v20;
	v28 =	vmov v19;
	v25 =	vmov v22;
	v23 =	vmov v24  }
.LBB2_63:
0x47f: {  	p2 =	por !p3, !p1  }
0x480: {  	s10 =	smov.u32 s12;
	s13 =	simm.s32 @p2 $0xBF0  }
0x481: {  	s11 =	spop @p0 (v2sf);
	s10 =	smov.u32 @p1 s13  }
0x482: {  	s11 =	sadd.s32 @p0 s10, s11  }
0x483: {  	p1 =	slt.s32 @p0 s11, $0xBF0  }
0x484: {  	p1 =	por !p1, !p0  }
0x485: {  	v19 =	vmpcnt.ones.xlane vm4;
	v18 =	vxor.u32 v18, v26;
	s13 =	spop @p0 (v2sf);
	s11 =	simm.s32 @p1 $0xBF0  }
0x486: {  	v22 =	vshra.s32 v21, $0x1F;
	v20 =	vshrl.u32 v18, $0x18;
	s13 =	sadd.s32 @p0 s11, s13  }
0x487: {  	v63 =	vor.u32 $0x80000000, v22;
	vm6 =	vge.s32 v20, v11;
	(v2sf) =	vpush v19, $0x0;
	p1 =	slt.s32 @p0 s13, $0xBF0  }
0x488: {  	v20 =	vxor.u32 v21, v63;
	v19 =	vmpcnt.ones.xlane vm6;
	p1 =	por !p1, !p0  }
0x489: {  	v21 =	vshrl.u32 v20, $0x18;
	s14 =	spop @p0 (v2sf);
	s13 =	simm.s32 @p1 $0xBF0  }
0x48a: {  	vm7 =	vge.s32 v21, v11;
	(v2sf) =	vpush v19, $0x0;
	s14 =	sadd.s32 @p0 s13, s14  }
0x48b: {  	v19 =	vmpcnt.ones.xlane vm7;
	p1 =	slt.s32 @p0 s14, $0xBF0  }
0x48c: {  	p1 =	por !p1, !p0  }
0x48d: {  	s15 =	spop @p0 (v2sf);
	(v2sf) =	vpush v19, $0x0;
	s14 =	simm.s32 @p1 $0xBF0  }
0x48e: {  	s15 =	sadd.s32 @p0 s14, s15  }
0x48f: {  	p1 =	slt.s32 @p0 s15, $0xBF0  }
0x490: {  	[tilespmem:s10+$0x1CF00] =	vst.msk @p0 vm3, v27;
	v19 =	vor.u32 @p0 s9, v0;
	p1 =	por @!p0 p0, p0  }
0x491: {  	[tilespmem:s10+$0x1DB00] =	vst.msk @p0 vm3, v19;
	s10 =	sadd.s32 @p0 $0x10, s9;
	s15 =	smov.u32 @p0 s15;
	p1 =	por !p1, !p0  }
0x492: {  	[tilespmem:s11+$0x1CF00] =	vst.msk @p0 vm1, v28;
	v19 =	vor.u32 @p0 s10, v0;
	s15 =	simm.s32 @p1 $0xBF0  }
0x493: {  	vm0 =	vmmov @p0 vm0;
	s10 =	sadd.s32 @p0 $0x20, s9;
	[tilespmem:s11+$0x1DB00] =	vst.msk @p0 vm1, v19;
	s12 =	smov.u32 @p0 s15;
	s15 =	spop (v2sf)  }
0x494: {  	v19 =	vor.u32 @p0 s10, v0;
	[tilespmem:s13+$0x1CF00] =	vst.msk @p0 vm0, v25;
	s10 =	sadd.s32 s12, s15  }
0x495: {  	vm1 =	vmmov @p0 vm5;
	s11 =	sadd.s32 @p0 $0x30, s9;
	s9 =	sadd.s32 @p0 $0x40, s9;
	[tilespmem:s13+$0x1DB00] =	vst.msk @p0 vm0, v19;
	p1 =	slt.s32 s10, $0xBF0  }
0x496: {  	v19 =	vor.u32 @p0 s11, v0;
	s11 =	smov.u32 s30;
	[tilespmem:s14+$0x1CF00] =	vst.msk @p0 vm1, v23;
	s23 =	spop (v2sf);
	s10 =	simm.s32 @!p1 $0xBF0  }
0x497: {  	vm12 =	vmmov vm2;
	s11 =	smov.u32 @p0 s9;
	[tilespmem:s14+$0x1DB00] =	vst.msk @p0 vm1, v19;
	s9 =	sadd.s32 s10, s23  }
0x498: {  	v19 =	vor.u32 s11, v0;
	[tilespmem:s12+$0x1CF00] =	vst.msk vm12, v17;
	p0 =	slt.s32 s9, $0xBF0  }
0x499: {  	vm13 =	vmmov vm4;
	s24 =	sadd.s32 $0x10, s11;
	[tilespmem:s12+$0x1DB00] =	vst.msk vm12, v19;
	s25 =	spop (v2sf);
	s9 =	simm.s32 @!p0 $0xBF0  }
0x49a: {  	v17 =	vor.u32 s24, v0;
	[tilespmem:s10+$0x1CF00] =	vst.msk vm13, v12;
	s13 =	sadd.s32 s9, s25  }
0x49b: {  	vm14 =	vmmov vm6;
	s28 =	sadd.s32 $0x20, s11;
	v12 =	vxor.u32 $0x80000000, v18;
	[tilespmem:s10+$0x1DB00] =	vst.msk vm13, v17;
	p0 =	slt.s32 s13, $0xBF0  }
0x49c: {  	s29 =	spop (v2sf);
	v17 =	vor.u32 s28, v0;
	[tilespmem:s9+$0x1CF00] =	vst.msk vm14, v12;
	s13 =	simm.s32 @!p0 $0xBF0  }
0x49d: {  	vm15 =	vmmov vm7;
	s31 =	sadd.s32 $0x30, s11;
	v12 =	vxor.u32 $0x80000000, v20;
	[tilespmem:s9+$0x1DB00] =	vst.msk vm14, v17;
	s12 =	sadd.s32 s13, s29  }
0x49e: {  	v17 =	vor.u32 s31, v0;
	[tilespmem:s13+$0x1CF00] =	vst.msk vm15, v12;
	p0 =	slt.s32 s12, $0xBF0  }
0x49f: {  	[tilespmem:s13+$0x1DB00] =	vst.msk vm15, v17;
	s12 =	simm.s32 @!p0 $0xBF0  }
.LBB2_39:
0x4a0: {  	p0 =	sge.s32 s8, s1  }
.Ltmp33:
0x4a1: {  	_ = 	snop;
	(pc) =	sbr.rel @p0 .LBB2_42-.Ltmp33, $1  }
0x4a2: {  	_ =	sdelay $0x3  }
0x4a3: {  	s0 =	ssub.s32 s0, s4  }
0x4a4: {  	s1 =	sshll.u32 s0, $0x6  }
0x4a5: {  	s4 =	ssub.s32 s6, s0;
	s1 =	ssub.s32 s7, s1  }
0x4a6: {  	s4 =	sshll.u32 s4, $0x4;
	s1 =	sshra.s32 s1, $0x2  }
0x4a7: {  	s4 =	sadd.s32 $0xFFFE2510, s4;
	s1 =	sadd.s32 $0xFFFE2D10, s1  }
.LBB2_41:
0x4a8: {  	v12 =	vld [tilespmem:s1+$0x0];
	_ =	sdelay $0x4  }
0x4a9: {  	v17 =	vshra.s32 v12, $0x1F  }
0x4aa: {  	v17 =	vor.u32 $0x80000000, v17  }
0x4ab: {  	v12 =	vxor.u32 v12, v17  }
0x4ac: {  	v17 =	vshrl.u32 v12, $0x18  }
0x4ad: {  	vm0 =	vge.s32 v17, v11  }
0x4ae: {  	v17 =	vmpcnt.ones.xlane vm0;
	_ =	sdelay $0x1  }
0x4af: {  	(v2sf) =	vpush v17, $0x0;
	_ =	sdelay $0xd  }
0x4b0: {  	v12 =	vxor.u32 $0x80000000, v12  }
0x4b1: {  	[tilespmem:s12+$0x1CF00] =	vst.msk vm0, v12;
	v12 =	vor.u32 s4, v0;
	s6 =	spop (v2sf)  }
0x4b2: {  	[tilespmem:s12+$0x1DB00] =	vst.msk vm0, v12;
	s12 =	sadd.s32 s12, s6  }
0x4b3: {  	p0 =	slt.s32 s12, $0xBF0  }
0x4b4: {  	s12 =	simm.s32 @!p0 $0xBF0;
	p0 =	sne.s32 s0, $0x1  }
.Ltmp34:
0x4b5: {  	_ = 	snop;
	(pc) =	sbr.rel @p0 .LBB2_41-.Ltmp34, $2  }
0x4b6: {  	_ =	sdelay $0x2  }
0x4b7: {  	s1 =	sadd.s32 $0x10, s1;
	s4 =	sadd.s32 $0x10, s4;
	s0 =	sadd.s32 $0xFFFFFFFF, s0  }
.Ltmp35:
0x4b8: {  	_ = 	snop;
	(pc) =	sbr.rel .LBB2_42-.Ltmp35, $1  }
0x4b9: {  	_ =	sdelay $0x3  }
.LBB2_56:
.Ltmp36:
0x4ba: {  	(pc) =	sbr.rel .LBB2_63-.Ltmp36, $2  }
0x4bb: {  	_ =	sdelay $0x2  }
0x4bc: {  	s9 =	smov.u32 s30  }
.LBB2_58:
.Ltmp37:
0x4bd: {  	(pc) =	sbr.rel .LBB2_63-.Ltmp37, $2  }
0x4be: {  	_ =	sdelay $0x2  }
0x4bf: {  	v27 =	vmovc v17;
	v28 =	vmov v12;
	s9 =	smov.u32 s30;
	v17 =	vmov v20;
	v12 =	vmov v19  }
.LBB2_60:
.Ltmp38:
0x4c0: {  	(pc) =	sbr.rel .LBB2_63-.Ltmp38, $2  }
0x4c1: {  	_ =	sdelay $0x2  }
0x4c2: {  	v27 =	vmovc v20;
	v28 =	vmov v19;
	v25 =	vmov v22;
	v23 =	vmov v24  }
.LBB2_43:
0x4c3: {  	[tilespmem:s12+$0x1CF00] =	vst v5  }
0x4c4: {  	[tilespmem:s12+$0x1DB00] =	vst v6;
	s0 =	simm.s32 $0x1BF40  }
0x4c5: {  	[tilespmem:s0+$0xFFFFFFC0] =	vst v3  }
0x4c6: {  	[tilespmem:s0+$0x30] =	vst v3  }
0x4c7: {  	[tilespmem:s0+$0x20] =	vst v3  }
0x4c8: {  	[tilespmem:s0+$0x10] =	vst v3  }
0x4c9: {  	[tilespmem:s0+$0x0] =	vst v3  }
0x4ca: {  	[tilespmem:s0+$0xFFFFFFF0] =	vst v3  }
0x4cb: {  	s1 =	simm.s32 $0x0;
	[tilespmem:s0+$0xFFFFFFE0] =	vst v3  }
.LBB2_44:
0x4cc: {  	s1 =	sadd.s32 $0x8, s1;
	[tilespmem:s0+$0xFFFFFFD0] =	vst v3;
	s0 =	sadd.s32 $0x80, s0  }
0x4cd: {  	[tilespmem:s0+$0xFFFFFFC0] =	vst v3;
	p0 =	slt.u32 s1, $0xF8  }
0x4ce: {  	[tilespmem:s0+$0x30] =	vst v3  }
.Ltmp39:
0x4cf: {  	[tilespmem:s0+$0x20] =	vst v3;
	(pc) =	sbr.rel @p0 .LBB2_44-.Ltmp39, $4  }
0x4d0: {  	[tilespmem:s0+$0x10] =	vst v3  }
0x4d1: {  	[tilespmem:s0+$0x0] =	vst v3  }
0x4d2: {  	[tilespmem:s0+$0xFFFFFFF0] =	vst v3  }
0x4d3: {  	[tilespmem:s0+$0xFFFFFFE0] =	vst v3  }
0x4d4: {  	s1 =	sadd.s32 $0xF, s12  }
0x4d5: {  	s4 =	sand.u32 $0xF, s1  }
0x4d6: {  	p0 =	slt.s32 s12, $0xFFFFFFF2;
	s31 =	sshra.s32 s1, $0x1F;
	p1 =	sne.s32 s4, $0x0  }
0x4d7: {  	s4 =	sshrl.u32 s31, $0x1C;
	p0 =	por !p0, !p1  }
0x4d8: {  	s1 =	sadd.s32 s4, s1;
	s4 =	simm.s32 $0x1;
	p0 =	por !p0, !p0  }
0x4d9: {  	s1 =	sshra.s32 s1, $0x4;
	s4 =	simm.s32 @!p0 $0x0  }
0x4da: {  	s5 =	ssub.s32 s1, s4  }
0x4db: {  	s1 =	sshrl.u32 s5, $0x1E  }
0x4dc: {  	s1 =	sadd.s32 s1, s5  }
0x4dd: {  	s6 =	sand.u32 $0xFFFFFFFC, s1  }
0x4de: {  	p1 =	slt.s32 s6, $0x1  }
.Ltmp40:
0x4df: {  	_ = 	snop;
	(pc) =	sbr.rel @p1 .LBB2_64-.Ltmp40, $2  }
0x4e0: {  	_ =	sdelay $0x2  }
0x4e1: {  	[tilespmem:s0+$0xFFFFFFD0] =	vst v3  }
0x4e2: {  	s0 =	simm.s32 $0x1CF20  }
0x4e3: {  	p2 =	sgt.s32 s6, $0x4;
	v12 =	vld [tilespmem:s0+$0xFFFFFFE0]  }
.Ltmp41:
0x4e4: {  	_ = 	snop;
	(pc) =	sbr.rel @!p2 .LBB2_47-.Ltmp41, $4  }
0x4e5: {  	_ = 	snop  }
0x4e6: {  	v22 =	vld [tilespmem:s0+$0xFFFFFFF0]  }
0x4e7: {  	v18 =	vld [tilespmem:s0+$0x10]  }
0x4e8: {  	s1 =	simm.s32 $0x1CF60;
	p0 =	por $0x0, $0x0;
	v19 =	vld [tilespmem:s0+$0x0];
	v23 =	vshrl.u32 v12, $0x18;
	v24 =	vshrl.u32 v12, $0xC  }
0x4e9: {  	_ = 	snop  }
0x4ea: {  	v20 =	vxor.u32 v11, v23  }
0x4eb: {  	v21 =	vand.u32 $0xFF0, v24;
	vm1 =	veq.s32 v20, $0x80  }
0x4ec: {  	v17 =	vshrl.u32 v22, $0x18;
	v12 =	vshrl.u32 v22, $0xC;
	v22 =	vshrl.u32 v18, $0x18  }
0x4ed: {  	v24 =	vld [tilespmem:s1+$0xFFFFFFE0];
	p2 =	sgt.s32 s6, $0x8;
	v18 =	vshrl.u32 v18, $0xC;
	v12 =	vand.u32 $0xFF0, v12;
	v25 =	vxor.u32 v11, v17  }
.Ltmp42:
0x4ee: {  	v23 =	vshrl.u32 v19, $0x18;
	v22 =	vxor.u32 v11, v22;
	v19 =	vshrl.u32 v19, $0xC;
	(pc) =	sbr.rel @!p2 .LBB2_84-.Ltmp42, $4  }
0x4ef: {  	vm0 =	veq.s32 v22, $0x80;
	v17 =	vxor.u32 v11, v23;
	v19 =	vand.u32 $0xFF0, v19;
	v22 =	vld [tilespmem:s1+$0xFFFFFFF0]  }
0x4f0: {  	vm2 =	veq.s32 v17, $0x80;
	v17 =	vor.u32 v0, v19;
	v19 =	vand.u32 $0xFF0, v18;
	v18 =	vld [tilespmem:s1+$0x10]  }
0x4f1: {  	v21 =	vor.u32 v0, v21;
	v12 =	vor.u32 v0, v12;
	v20 =	vor.u32 v0, v19;
	v19 =	vld [tilespmem:s1+$0x0]  }
0x4f2: {  	s0 =	simm.s32 $0x8;
	p0 =	por $0x1, $0x1;
	vm3 =	veq.s32 v25, $0x80;
	v23 =	vshrl.u32 v24, $0x18;
	v24 =	vshrl.u32 v24, $0xC;
	s1 =	simm.s32 $0x1CFA0  }
.LBB2_83:
0x4f3: {  	v23 =	vxor.u32 v11, v23;
	v26 =	vand.u32 $0xFF0, v24  }
0x4f4: {  	v25 =	vld [tilespmem:s1+$0xFFFFFFF0];
	s0 =	sadd.s32 $0x4, s0;
	v24 =	vshrl.u32 v22, $0x18;
	vm5 =	vmmov vm2;
	vm4 =	vmmov vm3  }
0x4f5: {  	v22 =	vshrl.u32 v22, $0xC;
	v28 =	vshrl.u32 v18, $0x18;
	v29 =	vshrl.u32 v18, $0xC;
	v27 =	vld [tilespmem:s1+$0xFFFFFFE0];
	p2 =	slt.s32 s0, s6  }
0x4f6: {  	v22 =	vand.u32 $0xFF0, v22;
	v28 =	vxor.u32 v11, v28;
	v18 =	vld [tilespmem:s1+$0x10];
	v30 =	vshrl.u32 v19, $0x18  }
.Ltmp43:
0x4f7: {  	v31 =	vor.u32 v0, v22;
	v19 =	vshrl.u32 v19, $0xC;
	[tilespmem:v20+s26+$0x0] =	vst.idx.add.s32.msk vm0, v4;
	vm0 =	veq.s32 v28, $0x80;
	(pc) =	sbr.rel @p2 .LBB2_83-.Ltmp43, $4  }
0x4f8: {  	v20 =	vxor.u32 v11, v24;
	v28 =	vxor.u32 v11, v30;
	v24 =	vand.u32 $0xFF0, v19;
	[tilespmem:v21+s26+$0x0] =	vst.idx.add.s32.msk vm1, v4  }
0x4f9: {  	vm2 =	veq.s32 v28, $0x80;
	v21 =	vor.u32 v0, v24;
	v24 =	vand.u32 $0xFF0, v29;
	v19 =	vld [tilespmem:s1+$0x0];
	v22 =	vmovc v25  }
0x4fa: {  	vm1 =	veq.s32 v23, $0x80;
	vm3 =	veq.s32 v20, $0x80;
	v20 =	vor.u32 v0, v24;
	[tilespmem:v17+s26+$0x0] =	vst.idx.add.s32.msk vm5, v4;
	v17 =	vmovc v21  }
0x4fb: {  	s1 =	sadd.s32 $0x40, s1;
	v23 =	vshrl.u32 v27, $0x18;
	v24 =	vshrl.u32 v27, $0xC;
	v21 =	vor.u32 v0, v26;
	[tilespmem:v12+s26+$0x0] =	vst.idx.add.s32.msk vm4, v4;
	v12 =	vmovc v31  }
.LBB2_84:
0x4fc: {  	v23 =	vxor.u32 v11, v23  }
0x4fd: {  	v24 =	vand.u32 $0xFF0, v24;
	vm2 =	vmmov @p0 vm2;
	vm3 =	vmmov @p0 vm3  }
0x4fe: {  	v25 =	vshrl.u32 v22, $0x18;
	v60 =	vshrl.u32 v22, $0xC;
	vm6 =	veq.s32 v23, $0x80  }
0x4ff: {  	v62 =	vor.u32 v0, v24;
	v26 =	vshrl.u32 v18, $0x18;
	v18 =	vshrl.u32 v18, $0xC  }
0x500: {  	v25 =	vxor.u32 v11, v25;
	v63 =	vand.u32 $0xFF0, v60;
	v27 =	vshrl.u32 v19, $0x18  }
0x501: {  	v26 =	vxor.u32 v11, v26;
	v19 =	vshrl.u32 v19, $0xC;
	v18 =	vand.u32 $0xFF0, v18  }
0x502: {  	vm15 =	veq.s32 v25, $0x80;
	vm4 =	veq.s32 v26, $0x80;
	v61 =	vxor.u32 v11, v27  }
0x503: {  	[tilespmem:v20+s26+$0x0] =	vst.idx.add.s32.msk @p0 vm0, v4;
	v18 =	vor.u32 v0, v18;
	vm0 =	vmmov vm15;
	vm5 =	veq.s32 v61, $0x80  }
0x504: {  	[tilespmem:v21+s26+$0x0] =	vst.idx.add.s32.msk @p0 vm1, v4;
	v21 =	vor.u32 v0, v63;
	v19 =	vand.u32 $0xFF0, v19;
	vm5 =	vmmov vm5  }
0x505: {  	v19 =	vor.u32 v0, v19;
	[tilespmem:v17+s26+$0x0] =	vst.idx.add.s32.msk @p0 vm2, v4  }
0x506: {  	[tilespmem:v12+s26+$0x0] =	vst.idx.add.s32.msk @p0 vm3, v4  }
0x507: {  	[tilespmem:v62+s26+$0x0] =	vst.idx.add.s32.msk vm6, v4  }
0x508: {  	[tilespmem:v18+s26+$0x0] =	vst.idx.add.s32.msk vm4, v4  }
0x509: {  	[tilespmem:v21+s26+$0x0] =	vst.idx.add.s32.msk vm0, v4  }
0x50a: {  	[tilespmem:v19+s26+$0x0] =	vst.idx.add.s32.msk vm5, v4  }
.LBB2_64:
0x50b: {  	s0 =	ssub.s32 s5, s6  }
0x50c: {  	p0 =	slt.s32 s0, $0x1  }
.Ltmp44:
0x50d: {  	_ = 	snop;
	(pc) =	sbr.rel @p0 .LBB2_67-.Ltmp44, $3  }
0x50e: {  	_ =	sdelay $0x1  }
0x50f: {  	s31 =	sshll.u32 s6, $0x6  }
0x510: {  	s0 =	sshra.s32 s31, $0x2  }
0x511: {  	s1 =	sadd.s32 $0x1CF00, s0;
	s4 =	smov.u32 s6  }
.LBB2_66:
0x512: {  	v12 =	vld [tilespmem:s1+$0x0];
	_ =	sdelay $0x4  }
0x513: {  	v17 =	vshrl.u32 v12, $0x18  }
0x514: {  	v12 =	vshrl.u32 v12, $0xC;
	v17 =	vxor.u32 v11, v17  }
0x515: {  	s4 =	sadd.s32 $0x1, s4;
	v12 =	vand.u32 $0xFF0, v12;
	vm0 =	veq.s32 v17, $0x80  }
0x516: {  	p2 =	slt.s32 s4, s5;
	v12 =	vor.u32 v0, v12  }
.Ltmp45:
0x517: {  	_ = 	snop;
	(pc) =	sbr.rel @p2 .LBB2_66-.Ltmp45, $2  }
0x518: {  	_ =	sdelay $0x2  }
0x519: {  	s1 =	sadd.s32 $0x10, s1;
	[tilespmem:v12+s26+$0x0] =	vst.idx.add.s32.msk vm0, v4  }
.LBB2_67:
0x51a: {  	s1 =	simm.s32 $0x1CEF0  }
0x51b: {  	v11 =	vld [tilespmem:s1+$0x0]  }
0x51c: {  	v12 =	vld [tilespmem:s1+$0xFFFFFFF0]  }
0x51d: {  	v17 =	vld [tilespmem:s1+$0xFFFFFFE0]  }
0x51e: {  	v18 =	vld [tilespmem:s1+$0xFFFFFFD0];
	_ =	sdelay $0x1  }
0x51f: {  	(xrf0) =	vadd.scan.msk.s32 $0xffff, v11  }
0x520: {  	(xrf0) =	vadd.scan.msk.s32 $0xffff, v12  }
0x521: {  	(xrf0) =	vadd.scan.msk.s32 $0xffff, v17  }
0x522: {  	(xrf0) =	vadd.scan.msk.s32 $0xffff, v18;
	_ =	sdelay $0x2  }
0x523: {  	v11, _, _ =	vpop (xrf0)  }
0x524: {  	(v2sf) =	vpush v11, $0xF;
	v11, _, _ =	vpop (xrf0)  }
0x525: {  	(v2sf) =	vpush v11, $0xF;
	v11, _, _ =	vpop (xrf0)  }
0x526: {  	s30 =	simm.s32 $0x1CEB0;
	(v2sf) =	vpush v11, $0xF;
	v11, _, _ =	vpop (xrf0)  }
0x527: {  	(v2sf) =	vpush v11, $0xF;
	v11 =	vld [tilespmem:s30+$0x0]  }
0x528: {  	v12 =	vld [tilespmem:s30+$0xFFFFFFF0];
	_ =	sdelay $0x1  }
0x529: {  	v59 =	vld [tilespmem:s30+$0xFFFFFFE0]  }
0x52a: {  	v60 =	vld [tilespmem:s30+$0xFFFFFFD0]  }
0x52b: {  	(xrf0) =	vadd.scan.msk.s32 $0xffff, v11  }
0x52c: {  	(xrf0) =	vadd.scan.msk.s32 $0xffff, v12;
	_ =	sdelay $0x1  }
0x52d: {  	(xrf0) =	vadd.scan.msk.s32 $0xffff, v59  }
0x52e: {  	(xrf0) =	vadd.scan.msk.s32 $0xffff, v60  }
0x52f: {  	s8 =	simm.s32 $0x1CE70  }
0x530: {  	v11 =	vld [tilespmem:s8+$0x0];
	v12, _, _ =	vpop (xrf0)  }
0x531: {  	v61 =	vld [tilespmem:s8+$0xFFFFFFF0];
	s10 =	spop (v2sf);
	(v2sf) =	vpush v12, $0xF;
	v20, _, _ =	vpop (xrf0)  }
0x532: {  	v62 =	vld [tilespmem:s8+$0xFFFFFFE0];
	s11 =	spop (v2sf);
	(v2sf) =	vpush v20, $0xF  }
0x533: {  	v19 =	vld [tilespmem:s8+$0xFFFFFFD0];
	v12 =	vmul.f32 $4.882812500e-04, v9;
	v9, _, _ =	vpop (xrf0)  }
0x534: {  	s3 =	ssub.s32 $0x14, s3;
	p2 =	por $0x0, $0x0;
	s31 =	spop (v2sf);
	(v2sf) =	vpush v9, $0xF;
	v63, _, _ =	vpop (xrf0)  }
0x535: {  	s4 =	simm.s32 $0xFF;
	s7 =	simm.s32 $0x8;
	(xrf0) =	vadd.scan.msk.s32 $0xffff, v11;
	s13 =	spop (v2sf);
	(v2sf) =	vpush v63, $0xF  }
0x536: {  	s12 =	simm.s32 $0xFF;
	s1 =	simm.s32 $0x0;
	(xrf0) =	vadd.scan.msk.s32 $0xffff, v61;
	s10 =	sadd.s32 $0x0, s10  }
0x537: {  	s9 =	simm.s32 $0xFE;
	v10 =	vmul.f32 $4.882812500e-04, v10;
	s12 =	smov.u32 @p2 s1;
	s11 =	sadd.s32 s11, s10;
	(xrf0) =	vadd.scan.msk.s32 $0xffff, v62  }
0x538: {  	v8 =	vmul.f32 $4.882812500e-04, v8;
	v13 =	vmul.f32 $4.882812500e-04, v13;
	s8 =	simm.s32 $0x1CE30;
	p3 =	sge.s32 s10, s3;
	s10 =	sadd.s32 s31, s11;
	(xrf0) =	vadd.scan.msk.s32 $0xffff, v19  }
0x539: {  	v14 =	vmul.f32 $4.882812500e-04, v14;
	v11 =	vmul.f32 $4.882812500e-04, v7;
	s1 =	smov.u32 @p3 s12;
	p2 =	por p2, p3;
	p4 =	sge.s32 s11, s3  }
0x53a: {  	v7 =	vmul.f32 $4.882812500e-04, v16;
	v9 =	vmul.f32 $4.882812500e-04, v15;
	s9 =	smov.u32 @p2 s1;
	p2 =	por p2, p4;
	s11 =	sadd.s32 s13, s10  }
.LBB2_68:
0x53b: {  	v15 =	vld [tilespmem:s8+$0x0];
	s7 =	sadd.s32 $0x4, s7;
	v16, _, _ =	vpop (xrf0);
	s12 =	smov.u32 s4  }
0x53c: {  	s4 =	sadd.s32 $0xFFFFFFFC, s4;
	v17 =	vld [tilespmem:s8+$0xFFFFFFF0];
	p3 =	slt.u32 s7, $0xFC;
	(v2sf) =	vpush v16, $0xF;
	v16, _, _ =	vpop (xrf0);
	s13 =	sadd.s32 $0xFFFFFFFD, s12  }
0x53d: {  	s1 =	smov.u32 @p4 s9;
	s14 =	sadd.s32 $0xFFFFFFFF, s4;
	s9 =	sadd.s32 $0xFFFFFFFE, s12;
	v18 =	vld [tilespmem:s8+$0xFFFFFFE0];
	(v2sf) =	vpush v16, $0xF;
	v16, _, _ =	vpop (xrf0)  }
0x53e: {  	p4 =	sge.s32 s10, s3;
	s9 =	smov.u32 @p2 s1;
	v19 =	vld [tilespmem:s8+$0xFFFFFFD0];
	s8 =	sadd.s32 $0xFFFFFFC0, s8;
	(v2sf) =	vpush v16, $0xF;
	v16, _, _ =	vpop (xrf0)  }
0x53f: {  	p2 =	por p2, p4;
	s1 =	smov.u32 @p4 s9;
	p4 =	sge.s32 s11, s3;
	(v2sf) =	vpush v16, $0xF  }
0x540: {  	s13 =	smov.u32 @p2 s1;
	p2 =	por p2, p4;
	(xrf0) =	vadd.scan.msk.s32 $0xffff, v15;
	s9 =	spop (v2sf)  }
0x541: {  	s1 =	smov.u32 @p4 s13;
	s9 =	sadd.s32 s11, s9;
	s10 =	spop (v2sf)  }
.Ltmp46:
0x542: {  	(xrf0) =	vadd.scan.msk.s32 $0xffff, v17;
	s11 =	smov.u32 s4;
	p4 =	sge.s32 s9, s3;
	(pc) =	sbr.rel @p3 .LBB2_68-.Ltmp46, $4  }
0x543: {  	(xrf0) =	vadd.scan.msk.s32 $0xffff, v18;
	s9 =	sadd.s32 s10, s9;
	s10 =	spop (v2sf);
	s11 =	smov.u32 @p2 s1  }
0x544: {  	(xrf0) =	vadd.scan.msk.s32 $0xffff, v19;
	s10 =	sadd.s32 s10, s9;
	s12 =	spop (v2sf);
	s1 =	smov.u32 @p4 s11  }
0x545: {  	p2 =	por p2, p4;
	p4 =	sge.s32 s9, s3;
	s9 =	smov.u32 s14  }
0x546: {  	s9 =	smov.u32 @p2 s1;
	p2 =	por p2, p4;
	s11 =	sadd.s32 s12, s10  }
0x547: {  	v15, _, _ =	vpop (xrf0)  }
0x548: {  	(v2sf) =	vpush v15, $0xF;
	v15, _, _ =	vpop (xrf0)  }
0x549: {  	(v2sf) =	vpush v15, $0xF;
	v15, _, _ =	vpop (xrf0)  }
0x54a: {  	s7 =	sadd.s32 $0xFFFFFFFD, s4;
	s1 =	smov.u32 @p4 s9;
	s8 =	sadd.s32 $0xFFFFFFFE, s4;
	(v2sf) =	vpush v15, $0xF  }
0x54b: {  	s13 =	sadd.s32 $0xFFFFFFFC, s4;
	p3 =	sge.s32 s10, s3;
	s8 =	smov.u32 @p2 s1;
	v15, _, _ =	vpop (xrf0)  }
0x54c: {  	s9 =	sadd.s32 $0xFFFFFFFF, s13;
	p2 =	por p2, p3;
	s1 =	smov.u32 @p3 s8;
	(v2sf) =	vpush v15, $0xF  }
0x54d: {  	s4 =	sadd.s32 $0xFFFFFFFD, s13;
	p3 =	sge.s32 s11, s3;
	s7 =	smov.u32 @p2 s1  }
0x54e: {  	p2 =	por p2, p3;
	s14 =	spop (v2sf);
	s1 =	smov.u32 @p3 s7  }
0x54f: {  	s8 =	sadd.s32 s11, s14;
	s15 =	spop (v2sf);
	s11 =	smov.u32 s13  }
0x550: {  	s18 =	sadd.s32 s15, s8;
	p3 =	sge.s32 s8, s3;
	s11 =	smov.u32 @p2 s1  }
0x551: {  	s20 =	spop (v2sf);
	s1 =	smov.u32 @p3 s11;
	p2 =	por p2, p3  }
0x552: {  	s23 =	sadd.s32 s20, s18;
	p3 =	sge.s32 s18, s3;
	s9 =	smov.u32 @p2 s1  }
0x553: {  	p2 =	por p2, p3;
	s1 =	smov.u32 @p3 s9;
	s9 =	sadd.s32 $0xFFFFFFFE, s13  }
0x554: {  	s24 =	spop (v2sf);
	p3 =	sge.s32 s23, s3;
	s9 =	smov.u32 @p2 s1  }
0x555: {  	s7 =	sadd.s32 s24, s23;
	p2 =	por p2, p3;
	s1 =	smov.u32 @p3 s9  }
0x556: {  	s25 =	sadd.s32 $0xFFFFFFFC, s13;
	p3 =	sge.s32 s7, s3;
	s4 =	smov.u32 @p2 s1  }
0x557: {  	p2 =	por p2, p3;
	s1 =	smov.u32 @p3 s4;
	s28 =	spop (v2sf)  }
0x558: {  	s4 =	smov.u32 s25;
	s7 =	sadd.s32 s7, s28;
	s29 =	spop (v2sf)  }
0x559: {  	p3 =	sge.s32 s7, s3;
	s7 =	sadd.s32 s29, s7;
	s30 =	spop (v2sf)  }
0x55a: {  	s8 =	sadd.s32 $0xFFFFFFFF, s25;
	s4 =	smov.u32 @p2 s1;
	s9 =	sadd.s32 s30, s7  }
0x55b: {  	s1 =	smov.u32 @p3 s4;
	p2 =	por p2, p3;
	s31 =	spop (v2sf)  }
0x55c: {  	p3 =	sge.s32 s7, s3;
	s7 =	sadd.s32 $0xFFFFFFFE, s25;
	s8 =	smov.u32 @p2 s1  }
0x55d: {  	p2 =	por p2, p3;
	s4 =	sadd.s32 s31, s9;
	s1 =	smov.u32 @p3 s8  }
0x55e: {  	p3 =	sge.s32 s9, s3;
	s8 =	sadd.s32 $0xFFFFFFFD, s25;
	s7 =	smov.u32 @p2 s1  }
.Ltmp47:
0x55f: {  	p2 =	por p2, p3;
	s1 =	smov.u32 @p3 s7;
	(pc) =	sbr.rel @p1 .LBB2_70-.Ltmp47, $4  }
0x560: {  	p3 =	sge.s32 s4, s3;
	s8 =	smov.u32 @p2 s1  }
0x561: {  	s2 =	sshll.u32 s2, $0x8;
	s1 =	smov.u32 @p3 s8  }
0x562: {  	s1 =	sadd.s32 s2, s1  }
0x563: {  	v15 =	vmov s1  }
0x564: {  	s3 =	simm.s32 $0x1CF20  }
0x565: {  	v24 =	vld [tilespmem:s3+$0xFFFFFFE0];
	_ =	sdelay $0x1  }
0x566: {  	v22 =	vld [tilespmem:s3+$0xFFFFFFF0];
	_ =	sdelay $0x2  }
0x567: {  	p3 =	sgt.s32 s6, $0x4;
	v18 =	vld [tilespmem:s3+$0x0];
	v16 =	vshrl.u32 v24, $0x10  }
.Ltmp48:
0x568: {  	v16 =	vxor.u32 $0x8000, v16;
	(pc) =	sbr.rel @!p3 .LBB2_86-.Ltmp48, $4  }
0x569: {  	vm0 =	vge.s32 v16, v15;
	v16 =	vshrl.u32 v22, $0x10  }
0x56a: {  	v17 =	vmpcnt.ones.xlane vm0;
	v16 =	vxor.u32 $0x8000, v16  }
0x56b: {  	s2 =	simm.s32 $0x0;
	s1 =	simm.s32 $0x1DB20;
	vm1 =	vge.s32 v16, v15  }
0x56c: {  	p1 =	por $0x0, $0x0;
	p2 =	por $0x0, $0x0;
	v23 =	vld [tilespmem:s3+$0x10];
	s3 =	simm.s32 $0x1CF60;
	v31 =	vshrl.u32 v18, $0x10;
	(v2sf) =	vpush v17, $0x0;
	v27 =	vmpcnt.ones.xlane vm1  }
0x56d: {  	v20 =	vld [tilespmem:s3+$0xFFFFFFE0];
	_ =	sdelay $0x1  }
0x56e: {  	v17 =	vxor.u32 $0x8000, v31  }
0x56f: {  	vm4 =	vge.s32 v17, v15  }
0x570: {  	v19 =	vmpcnt.ones.xlane vm4;
	v17 =	vshrl.u32 v23, $0x10  }
0x571: {  	(v2sf) =	vpush v27, $0x0;
	v21 =	vxor.u32 $0x8000, v17;
	v25 =	vshrl.u32 v20, $0x10  }
0x572: {  	(v2sf) =	vpush v19, $0x0;
	vm3 =	vge.s32 v21, v15;
	v19 =	vxor.u32 $0x8000, v25  }
0x573: {  	vm2 =	vmmov vm0;
	v21 =	vmpcnt.ones.xlane vm3;
	vm0 =	vge.s32 v19, v15  }
0x574: {  	v25 =	vmpcnt.ones.xlane vm0  }
0x575: {  	(v2sf) =	vpush v21, $0x0  }
0x576: {  	(v2sf) =	vpush v25, $0x0;
	_ =	sdelay $0x4  }
0x577: {  	v16 =	vld [tilespmem:s3+$0xFFFFFFF0];
	_ =	sdelay $0x2  }
0x578: {  	p3 =	sgt.s32 s6, $0x8;
	v17 =	vld [tilespmem:s3+$0x0]  }
.Ltmp49:
0x579: {  	_ = 	snop;
	(pc) =	sbr.rel @!p3 .LBB2_88-.Ltmp49, $4  }
0x57a: {  	v19 =	vshrl.u32 v16, $0x10  }
0x57b: {  	v19 =	vxor.u32 $0x8000, v19  }
0x57c: {  	vm5 =	vmmov vm1;
	v21 =	vld [tilespmem:s3+$0x10];
	vm1 =	vge.s32 v19, v15  }
0x57d: {  	p1 =	por $0x1, $0x1;
	vm4 =	vmmov vm4;
	s3 =	simm.s32 $0x1CFA0;
	v25 =	vld [tilespmem:s1+$0xFFFFFFE0];
	v27 =	vmpcnt.ones.xlane vm1;
	v31 =	vshrl.u32 v17, $0x10  }
0x57e: {  	v29 =	vld [tilespmem:s3+$0xFFFFFFE0]  }
0x57f: {  	s4 =	spop (v2sf)  }
0x580: {  	v19 =	vld [tilespmem:s1+$0xFFFFFFF0];
	v26 =	vxor.u32 $0x8000, v31;
	s4 =	sadd.s32 $0x0, s4  }
0x581: {  	[tilespmem:s2+$0x1E700] =	vst.msk vm2, v24;
	vm7 =	vge.s32 v26, v15;
	s7 =	spop (v2sf);
	(v2sf) =	vpush v27, $0x0;
	p2 =	slt.s32 s4, $0x1F0;
	v26 =	vshrl.u32 v21, $0x10  }
0x582: {  	s4 =	simm.s32 @!p2 $0x1F0;
	[tilespmem:s2+$0x1E900] =	vst.msk vm2, v25;
	v25 =	vmpcnt.ones.xlane vm7;
	v26 =	vxor.u32 $0x8000, v26  }
0x583: {  	v28 =	vld [tilespmem:s3+$0xFFFFFFF0];
	vm6 =	vmmov vm3;
	s8 =	sadd.s32 s4, s7;
	vm3 =	vge.s32 v26, v15;
	v26 =	vshrl.u32 v29, $0x10  }
0x584: {  	[tilespmem:s4+$0x1E700] =	vst.msk vm5, v22;
	p2 =	slt.s32 s8, $0x1F0;
	(v2sf) =	vpush v25, $0x0;
	v22 =	vxor.u32 $0x8000, v26  }
0x585: {  	v24 =	vld [tilespmem:s1+$0x0];
	vm2 =	vmmov vm0;
	[tilespmem:s4+$0x1E900] =	vst.msk vm5, v19;
	s8 =	simm.s32 @!p2 $0x1F0;
	v19 =	vmpcnt.ones.xlane vm3;
	vm0 =	vge.s32 v22, v15  }
0x586: {  	v30 =	vld [tilespmem:s3+$0x0];
	p3 =	sgt.s32 s6, $0xC;
	[tilespmem:s8+$0x1E700] =	vst.msk vm4, v18;
	v18 =	vmpcnt.ones.xlane vm0  }
.Ltmp50:
0x587: {  	s31 =	spop (v2sf);
	v26 =	vld [tilespmem:s1+$0x10];
	(v2sf) =	vpush v19, $0x0;
	(pc) =	sbr.rel @!p3 .LBB2_90-.Ltmp50, $4  }
0x588: {  	v22 =	vshrl.u32 v28, $0x10;
	s4 =	sadd.s32 s8, s31;
	(v2sf) =	vpush v18, $0x0  }
0x589: {  	v22 =	vxor.u32 $0x8000, v22;
	p2 =	slt.s32 s4, $0x1F0;
	v19 =	vld [tilespmem:s3+$0x10];
	s3 =	simm.s32 $0x1DB60  }
0x58a: {  	s9 =	spop (v2sf);
	s7 =	simm.s32 $0xC;
	vm5 =	vmmov vm1;
	[tilespmem:s8+$0x1E900] =	vst.msk vm4, v24;
	vm1 =	vge.s32 v22, v15;
	s4 =	simm.s32 @!p2 $0x1F0;
	v25 =	vld [tilespmem:s3+$0xFFFFFFE0]  }
0x58b: {  	v31 =	vshrl.u32 v30, $0x10;
	vm4 =	vmmov vm7;
	s8 =	simm.s32 $0x1CFE0;
	p2 =	por $0x1, $0x1;
	v27 =	vmpcnt.ones.xlane vm1;
	[tilespmem:s4+$0x1E700] =	vst.msk vm6, v23;
	s9 =	sadd.s32 s4, s9  }
.LBB2_91:
0x58c: {  	v18 =	vld [tilespmem:s8+$0xFFFFFFE0];
	s7 =	sadd.s32 $0x4, s7;
	v22 =	vxor.u32 $0x8000, v31;
	[tilespmem:s4+$0x1E900] =	vst.msk vm6, v26;
	p4 =	slt.s32 s9, $0x1F0;
	vm6 =	vmmov vm3  }
0x58d: {  	p3 =	slt.s32 s7, s6;
	vm7 =	vge.s32 v22, v15;
	(v2sf) =	vpush v27, $0x0;
	v22 =	vld [tilespmem:s3+$0xFFFFFFF0];
	s4 =	spop (v2sf);
	s9 =	simm.s32 @!p4 $0x1F0  }
0x58e: {  	v23 =	vmpcnt.ones.xlane vm7;
	v24 =	vshrl.u32 v19, $0x10;
	[tilespmem:s9+$0x1E700] =	vst.msk vm2, v20;
	s4 =	sadd.s32 s9, s4;
	v20 =	vmovc v29;
	v32 =	vmov v19  }
0x58f: {  	v19 =	vld [tilespmem:s8+$0xFFFFFFF0];
	v24 =	vxor.u32 $0x8000, v24;
	[tilespmem:s9+$0x1E900] =	vst.msk vm2, v25;
	p4 =	slt.s32 s4, $0x1F0;
	vm2 =	vmmov vm0  }
0x590: {  	vm3 =	vge.s32 v24, v15;
	(v2sf) =	vpush v23, $0x0;
	s4 =	simm.s32 @!p4 $0x1F0;
	v23 =	vld [tilespmem:s3+$0x0];
	s9 =	spop (v2sf)  }
0x591: {  	v24 =	vshrl.u32 v18, $0x10;
	v25 =	vmpcnt.ones.xlane vm3;
	[tilespmem:s4+$0x1E700] =	vst.msk vm5, v16;
	s9 =	sadd.s32 s4, s9;
	v29 =	vmovc v18;
	v16 =	vmov v28  }
0x592: {  	v18 =	vxor.u32 $0x8000, v24;
	v24 =	vld [tilespmem:s8+$0x0];
	[tilespmem:s4+$0x1E900] =	vst.msk vm5, v22;
	p4 =	slt.s32 s9, $0x1F0;
	vm5 =	vmmov vm1  }
.Ltmp51:
0x593: {  	vm0 =	vge.s32 v18, v15;
	(v2sf) =	vpush v25, $0x0;
	s9 =	simm.s32 @!p4 $0x1F0;
	v26 =	vld [tilespmem:s3+$0x10];
	s4 =	spop (v2sf);
	(pc) =	sbr.rel @p3 .LBB2_91-.Ltmp51, $4  }
0x594: {  	v18 =	vmpcnt.ones.xlane vm0;
	v22 =	vshrl.u32 v19, $0x10;
	[tilespmem:s9+$0x1E700] =	vst.msk vm4, v17;
	s4 =	sadd.s32 s9, s4;
	v28 =	vmovc v19;
	v17 =	vmov v30  }
0x595: {  	s3 =	sadd.s32 $0x40, s3;
	v22 =	vxor.u32 $0x8000, v22;
	v19 =	vld [tilespmem:s8+$0x10];
	[tilespmem:s9+$0x1E900] =	vst.msk vm4, v23;
	p4 =	slt.s32 s4, $0x1F0;
	vm4 =	vmmov vm7  }
0x596: {  	vm1 =	vge.s32 v22, v15;
	(v2sf) =	vpush v18, $0x0;
	v25 =	vld [tilespmem:s3+$0xFFFFFFE0];
	s4 =	simm.s32 @!p4 $0x1F0;
	s9 =	spop (v2sf)  }
0x597: {  	s8 =	sadd.s32 $0x40, s8;
	v27 =	vmpcnt.ones.xlane vm1;
	v31 =	vshrl.u32 v24, $0x10;
	[tilespmem:s4+$0x1E700] =	vst.msk vm6, v21;
	s9 =	sadd.s32 s4, s9;
	v30 =	vmovc v24;
	v21 =	vmov v32  }
0x598: {  	v32 =	vmov v20;
	v24 =	vmov v29  }
0x599: {  	v29 =	vmovc v16;
	v22 =	vmovc v28;
	v28 =	vmov v17;
	v18 =	vmov v30;
	v23 =	vmov v21  }
.LBB2_93:
0x59a: {  	p3 =	slt.s32 @p2 s9, $0x1F0  }
0x59b: {  	p3 =	por !p3, !p2  }
0x59c: {  	s7 =	simm.s32 $0x0;
	s9 =	simm.s32 @p3 $0x1F0  }
0x59d: {  	s8 =	spop @p1 (v2sf);
	s7 =	smov.u32 @p2 s9  }
0x59e: {  	s8 =	sadd.s32 @p1 s7, s8  }
0x59f: {  	p3 =	slt.s32 @p1 s8, $0x1F0  }
0x5a0: {  	p3 =	por !p3, !p1  }
0x5a1: {  	s9 =	spop @p1 (v2sf);
	s8 =	simm.s32 @p3 $0x1F0  }
0x5a2: {  	v16 =	vxor.u32 $0x8000, v31;
	s9 =	sadd.s32 @p1 s8, s9  }
0x5a3: {  	(v2sf) =	vpush v27, $0x0;
	vm7 =	vge.s32 v16, v15;
	p3 =	slt.s32 @p1 s9, $0x1F0  }
0x5a4: {  	v17 =	vshrl.u32 v19, $0x10;
	v16 =	vmpcnt.ones.xlane vm7;
	p3 =	por !p3, !p1  }
0x5a5: {  	v17 =	vxor.u32 $0x8000, v17;
	s10 =	spop @p1 (v2sf);
	s9 =	simm.s32 @p3 $0x1F0  }
0x5a6: {  	vm8 =	vge.s32 v17, v15;
	(v2sf) =	vpush v16, $0x0;
	s10 =	sadd.s32 @p1 s9, s10  }
0x5a7: {  	v16 =	vmpcnt.ones.xlane vm8;
	p3 =	slt.s32 @p1 s10, $0x1F0  }
0x5a8: {  	p3 =	por !p3, !p1  }
0x5a9: {  	s11 =	spop @p1 (v2sf);
	(v2sf) =	vpush v16, $0x0;
	s10 =	simm.s32 @p3 $0x1F0  }
0x5aa: {  	v16 =	vld @p1 [tilespmem:s3+$0xFFFFFFF0];
	s11 =	sadd.s32 @p1 s10, s11  }
0x5ab: {  	[tilespmem:s4+$0x1E900] =	vst.msk @p2 vm6, v26;
	s4 =	smov.u32 @p1 s11  }
0x5ac: {  	v17 =	vld @p1 [tilespmem:s3+$0x0];
	[tilespmem:s7+$0x1E700] =	vst.msk @p1 vm2, v32;
	p2 =	slt.s32 @p1 s4, $0x1F0  }
0x5ad: {  	v20 =	vld @p1 [tilespmem:s3+$0x10];
	[tilespmem:s7+$0x1E900] =	vst.msk @p1 vm2, v25;
	p2 =	por !p2, !p1  }
0x5ae: {  	s3 =	sadd.s32 @p1 $0x40, s3;
	[tilespmem:s8+$0x1E700] =	vst.msk @p1 vm5, v29;
	s4 =	simm.s32 @p2 $0x1F0  }
0x5af: {  	s1 =	smov.u32 @p1 s3;
	[tilespmem:s8+$0x1E900] =	vst.msk @p1 vm5, v16;
	s28 =	spop (v2sf);
	s2 =	smov.u32 @p1 s4  }
0x5b0: {  	v16 =	vld [tilespmem:s1+$0xFFFFFFE0];
	[tilespmem:s9+$0x1E700] =	vst.msk @p1 vm4, v28;
	s3 =	sadd.s32 s2, s28  }
0x5b1: {  	vm2 =	vmmov @p1 vm3;
	[tilespmem:s9+$0x1E900] =	vst.msk @p1 vm4, v17;
	p2 =	slt.s32 s3, $0x1F0  }
0x5b2: {  	v63 =	vld [tilespmem:s1+$0xFFFFFFF0];
	v17 =	vpsel p1, v20, v0;
	s29 =	spop (v2sf);
	[tilespmem:s10+$0x1E700] =	vst.msk @p1 vm2, v23;
	vm2 =	vmmov @p1 vm2;
	s4 =	smov.u32 @p1 s10;
	s3 =	simm.s32 @!p2 $0x1F0  }
0x5b3: {  	vm0 =	vmmov vm0;
	[tilespmem:s4+$0x1E900] =	vst.msk @p1 vm2, v17;
	s4 =	sadd.s32 s3, s29  }
0x5b4: {  	[tilespmem:s2+$0x1E700] =	vst.msk vm0, v24;
	v17 =	vld [tilespmem:s1+$0x0];
	p1 =	slt.s32 s4, $0x1F0  }
0x5b5: {  	vm1 =	vmmov vm1;
	s30 =	spop (v2sf);
	[tilespmem:s2+$0x1E900] =	vst.msk vm0, v16;
	s4 =	simm.s32 @!p1 $0x1F0  }
0x5b6: {  	v16 =	vld [tilespmem:s1+$0x10];
	[tilespmem:s3+$0x1E700] =	vst.msk vm1, v22;
	s2 =	sadd.s32 s4, s30  }
.Ltmp52:
0x5b7: {  	vm14 =	vmmov vm7;
	[tilespmem:s3+$0x1E900] =	vst.msk vm1, v63;
	p1 =	slt.s32 s2, $0x1F0;
	(pc) =	sbr.rel .LBB2_71-.Ltmp52, $4  }
0x5b8: {  	s31 =	spop (v2sf);
	[tilespmem:s4+$0x1E700] =	vst.msk vm14, v18;
	s2 =	simm.s32 @!p1 $0x1F0  }
0x5b9: {  	vm15 =	vmmov vm8;
	[tilespmem:s4+$0x1E900] =	vst.msk vm14, v17;
	s1 =	sadd.s32 s2, s31  }
0x5ba: {  	[tilespmem:s2+$0x1E700] =	vst.msk vm15, v19;
	p1 =	slt.s32 s1, $0x1F0  }
0x5bb: {  	[tilespmem:s2+$0x1E900] =	vst.msk vm15, v16;
	s1 =	simm.s32 @!p1 $0x1F0  }
.LBB2_70:
0x5bc: {  	s1 =	simm.s32 $0x0  }
.LBB2_71:
.Ltmp53:
0x5bd: {  	(pc) =	sbr.rel @p0 .LBB2_74-.Ltmp53, $1  }
0x5be: {  	_ =	sdelay $0x3  }
0x5bf: {  	s2 =	sadd.s32 $0x1CF00, s0;
	s0 =	sadd.s32 $0x1DB00, s0  }
.LBB2_73:
0x5c0: {  	v16 =	vld [tilespmem:s2+$0x0];
	_ =	sdelay $0x4  }
0x5c1: {  	v17 =	vshrl.u32 v16, $0x10  }
0x5c2: {  	v17 =	vxor.u32 $0x8000, v17  }
0x5c3: {  	vm0 =	vge.s32 v17, v15  }
0x5c4: {  	v17 =	vmpcnt.ones.xlane vm0;
	_ =	sdelay $0x1  }
0x5c5: {  	(v2sf) =	vpush v17, $0x0;
	_ =	sdelay $0xa  }
0x5c6: {  	v17 =	vld [tilespmem:s0+$0x0]  }
0x5c7: {  	s6 =	sadd.s32 $0x1, s6  }
0x5c8: {  	p1 =	slt.s32 s6, s5  }
.Ltmp54:
0x5c9: {  	_ = 	snop;
	(pc) =	sbr.rel @p1 .LBB2_73-.Ltmp54, $4  }
0x5ca: {  	[tilespmem:s1+$0x1E700] =	vst.msk vm0, v16;
	s3 =	spop (v2sf)  }
0x5cb: {  	[tilespmem:s1+$0x1E900] =	vst.msk vm0, v17;
	s1 =	sadd.s32 s1, s3  }
0x5cc: {  	p0 =	slt.s32 s1, $0x1F0  }
0x5cd: {  	s2 =	sadd.s32 $0x10, s2;
	s0 =	sadd.s32 $0x10, s0;
	s1 =	simm.s32 @!p0 $0x1F0  }
.LBB2_74:
0x5ce: {  	s0 =	sadd.s32 $0xF, s1  }
0x5cf: {  	s2 =	sand.u32 $0xF, s0  }
0x5d0: {  	p0 =	slt.s32 s1, $0xFFFFFFF2;
	s3 =	sshra.s32 s0, $0x1F;
	p1 =	sne.s32 s2, $0x0  }
0x5d1: {  	s30 =	sshrl.u32 s3, $0x1C;
	p0 =	por !p0, !p1  }
0x5d2: {  	s2 =	simm.s32 $0x1;
	s0 =	sadd.s32 s30, s0;
	p0 =	por !p0, !p0  }
0x5d3: {  	s0 =	sshra.s32 s0, $0x4;
	s2 =	simm.s32 @!p0 $0x0  }
0x5d4: {  	s0 =	ssub.s32 s0, s2  }
0x5d5: {  	s2 =	sshrl.u32 s0, $0x1F  }
.Ltmp55:
0x5d6: {  	s2 =	sadd.s32 s2, s0;
	(pc) =	sbr.rel .LBB2_75-.Ltmp55, $4  }
0x5d7: {  	[tilespmem:s1+$0x1E700] =	vst v5;
	s2 =	sand.u32 $0xFFFFFFFE, s2  }
0x5d8: {  	[tilespmem:s1+$0x1E900] =	vst v6;
	s0 =	ssub.s32 s0, s2  }
0x5d9: {  	v15 =	vor.u32 $0x80000000, v0;
	[tilespmem:$0x1EB00] =	vst v1;
	s31 =	sshll.u32 s2, $0x4;
	[dreg:$0xc] =	wrdreg s0  }
0x5da: {  	s20 =	simm.s32 $0x0;
	[tilespmem:$0x1EB10] =	vst v2;
	[dreg:$0xb] =	wrdreg s31;
	v16 =	vxor.u32 s31, v15  }
.LBB2_76:
0x5db: {  	s3 =	simm.s32 $0x40000000;
	s18 =	simm.s32 $0x80000000;
	s5 =	simm.s32 $0x40000000  }
.LBB2_77:
0x5dc: {  	s0 =	rddreg [dreg:$0xc]  }
0x5dd: {  	p0 =	slt.s32 s0, $0x1;
	s0 =	rddreg [dreg:$0xb]  }
0x5de: {  	v17 =	vld @!p0 [tilespmem:s0+$0x1E700];
	_ =	sdelay $0x4  }
0x5df: {  	v18 =	vxor.u32 @!p0 $0x80000000, v17  }
0x5e0: {  	(xrf0) =	vmax.scan.msk.u32 @!p0 $0xffff, v18;
	_ =	sdelay $0x5  }
0x5e1: {  	v18, _, _ =	vpop @!p0 (xrf0)  }
0x5e2: {  	(v2sf) =	vpush @!p0 v18, $0xF;
	_ =	sdelay $0xb  }
0x5e3: {  	v18 =	vld @!p0 [tilespmem:s0+$0x1E900];
	_ =	sdelay $0x2  }
0x5e4: {  	s0 =	spop @!p0 (v2sf)  }
0x5e5: {  	s1 =	sxor.u32 @!p0 $0x80000000, s0  }
0x5e6: {  	vm0 =	veq.s32 @!p0 v17, s1;
	v17 =	vxor.u32 @!p0 $0x80000000, v18  }
0x5e7: {  	v17 =	vnsel @!p0 vm0, $0xC0000000, v17  }
0x5e8: {  	(xrf0) =	vmin.scan.msk.u32 @!p0 $0xffff, v17;
	_ =	sdelay $0x5  }
0x5e9: {  	v17, _, _ =	vpop @!p0 (xrf0)  }
0x5ea: {  	(v2sf) =	vpush @!p0 v17, $0xF;
	_ =	sdelay $0xe  }
0x5eb: {  	s0 =	spop @!p0 (v2sf)  }
0x5ec: {  	s0 =	sxor.u32 @!p0 $0x80000000, s0  }
0x5ed: {  	vm1 =	veq.s32 @!p0 v18, s0  }
0x5ee: {  	vm0 =	vmand @!p0 vm0, vm1  }
0x5ef: {  	v17 =	vnsel @!p0 vm0, $0xC0000000, v16  }
0x5f0: {  	(xrf0) =	vmin.scan.msk.u32 @!p0 $0xffff, v17;
	_ =	sdelay $0x5  }
0x5f1: {  	v17, _, _ =	vpop @!p0 (xrf0)  }
0x5f2: {  	(v2sf) =	vpush @!p0 v17, $0xF;
	_ =	sdelay $0xb  }
0x5f3: {  	p1 =	seq.s32 @!p0 s1, s18;
	p2 =	slt.s32 @!p0 s0, s3  }
0x5f4: {  	p1 =	por @!p0 !p1, !p2  }
0x5f5: {  	p2 =	sgt.s32 @!p0 s1, s18;
	p1 =	por @!p0 !p1, !p1  }
0x5f6: {  	p1 =	por @!p0 p2, p1;
	s1 =	spop @!p0 (v2sf)  }
0x5f7: {  	p1 =	por !p1, p0;
	s1 =	sxor.u32 @!p0 $0x80000000, s1  }
0x5f8: {  	s1 =	smov.u32 @p1 s5  }
0x5f9: {  	s0 =	smov.u32 @p1 s3;
	v17 =	vmov s20;
	s20 =	sadd.s32 $0x1, s20;
	s1 =	smov.u32 @p0 s5  }
0x5fa: {  	s0 =	smov.u32 @p0 s3;
	p0 =	sne.s32 s20, $0x14;
	v18 =	vmov s1  }
.Ltmp56:
0x5fb: {  	_ = 	snop;
	(pc) =	sbr.rel @!p0 .LBB2_78-.Ltmp56, $4  }
0x5fc: {  	_ = 	snop  }
0x5fd: {  	s30 =	simm.s32 $0x1EB00;
	v19 =	vmov s0  }
0x5fe: {  	s31 =	simm.s32 $0x1E700;
	[tilespmem:v17+s30+$0x0] =	vst.idx.msk $0x1, v19  }
0x5ff: {  	[tilespmem:v18+s31+$0x0] =	vst.idx.msk $0x1, v5  }
.LBB2_75:
0x600: {  	p0 =	slt.s32 s2, $0x1  }
.Ltmp57:
0x601: {  	_ = 	snop;
	(pc) =	sbr.rel @p0 .LBB2_76-.Ltmp57, $1  }
0x602: {  	_ =	sdelay $0x3  }
0x603: {  	p2 =	sgt.s32 s2, $0x2  }
.Ltmp58:
0x604: {  	_ = 	snop;
	(pc) =	sbr.rel @!p2 .LBB2_95-.Ltmp58, $3  }
0x605: {  	_ =	sdelay $0x1  }
0x606: {  	s18 =	simm.s32 $0x80000000  }
0x607: {  	s4 =	simm.s32 $0x1E710;
	s0 =	simm.s32 $0x1E910;
	s5 =	simm.s32 $0x10  }
0x608: {  	v21 =	vld [tilespmem:s4+$0xFFFFFFF0]  }
0x609: {  	v19 =	vld [tilespmem:s4+$0x0];
	_ =	sdelay $0x3  }
0x60a: {  	v17 =	vxor.u32 $0x80000000, v21  }
0x60b: {  	v18 =	vxor.u32 $0x80000000, v19;
	(xrf0) =	vmax.scan.msk.u32 $0xffff, v17  }
0x60c: {  	(xrf0) =	vmax.scan.msk.u32 $0xffff, v18  }
0x60d: {  	p2 =	sgt.s32 s2, $0x4  }
.Ltmp59:
0x60e: {  	_ = 	snop;
	(pc) =	sbr.rel @!p2 .LBB2_97-.Ltmp59, $3  }
0x60f: {  	_ =	sdelay $0x1  }
0x610: {  	v17, _, _ =	vpop (xrf0)  }
0x611: {  	s4 =	simm.s32 $0x1E730;
	(v2sf) =	vpush v17, $0xF;
	v28, _, _ =	vpop (xrf0)  }
0x612: {  	v24 =	vld [tilespmem:s4+$0xFFFFFFF0]  }
0x613: {  	v23 =	vld [tilespmem:s4+$0x0];
	_ =	sdelay $0x3  }
0x614: {  	v17 =	vxor.u32 $0x80000000, v24  }
0x615: {  	v18 =	vxor.u32 $0x80000000, v23;
	(xrf0) =	vmax.scan.msk.u32 $0xffff, v17  }
0x616: {  	(xrf0) =	vmax.scan.msk.u32 $0xffff, v18  }
0x617: {  	p2 =	sgt.s32 s2, $0x6  }
.Ltmp60:
0x618: {  	_ = 	snop;
	(pc) =	sbr.rel @!p2 .LBB2_99-.Ltmp60, $3  }
0x619: {  	_ =	sdelay $0x1  }
0x61a: {  	(v2sf) =	vpush v28, $0xF;
	v22 =	vld [tilespmem:s0+$0xFFFFFFF0];
	v17, _, _ =	vpop (xrf0)  }
0x61b: {  	s4 =	simm.s32 $0x1E750;
	v20 =	vld [tilespmem:s0+$0x0];
	(v2sf) =	vpush v17, $0xF;
	v28, _, _ =	vpop (xrf0)  }
0x61c: {  	_ =	sdelay $0xb  }
0x61d: {  	v31 =	vld [tilespmem:s4+$0xFFFFFFF0];
	s0 =	spop (v2sf)  }
0x61e: {  	v30 =	vld [tilespmem:s4+$0x0];
	s22 =	sxor.u32 $0x80000000, s0;
	s31 =	spop (v2sf)  }
0x61f: {  	vm0 =	veq.s32 v21, s22;
	v17 =	vxor.u32 $0x80000000, v22;
	s19 =	sxor.u32 $0x80000000, s31  }
0x620: {  	v17 =	vnsel vm0, $0xC0000000, v17;
	v18 =	vxor.u32 $0x80000000, v20;
	vm1 =	veq.s32 v19, s19  }
0x621: {  	(xrf0) =	vmin.scan.msk.u32 $0xffff, v17;
	v18 =	vnsel vm1, $0xC0000000, v18  }
0x622: {  	v17 =	vxor.u32 $0x80000000, v31;
	(xrf0) =	vmin.scan.msk.u32 $0xffff, v18  }
0x623: {  	v18 =	vxor.u32 $0x80000000, v30;
	(xrf0) =	vmax.scan.msk.u32 $0xffff, v17  }
0x624: {  	(xrf0) =	vmax.scan.msk.u32 $0xffff, v18  }
0x625: {  	p2 =	sgt.s32 s2, $0x8  }
.Ltmp61:
0x626: {  	_ = 	snop;
	(pc) =	sbr.rel @!p2 .LBB2_101-.Ltmp61, $4  }
0x627: {  	p0 =	por $0x1, $0x1;
	(v2sf) =	vpush v28, $0xF;
	v17, _, _ =	vpop (xrf0)  }
0x628: {  	s28 =	simm.s32 $0x1E930;
	s0 =	simm.s32 @!p0 $0x0;
	(v2sf) =	vpush v17, $0xF;
	v18, _, _ =	vpop (xrf0)  }
0x629: {  	s0 =	simm.s32 @p0 $0x1;
	v17 =	vld [tilespmem:s28+$0xFFFFFFF0];
	v19, _, _ =	vpop (xrf0);
	(v2sf) =	vpush v18, $0xF  }
0x62a: {  	s4 =	simm.s32 $0x1E770;
	vm6 =	vmmov vm0;
	vm5 =	vmmov vm1;
	v18 =	vld [tilespmem:s28+$0x0];
	[smem:$0x7FB] =	sst s0;
	(v2sf) =	vpush v19, $0xF;
	v28, _, _ =	vpop (xrf0)  }
0x62b: {  	_ =	sdelay $0x5  }
0x62c: {  	p0 =	por $0x1, $0x1  }
0x62d: {  	s0 =	simm.s32 @!p0 $0x0  }
0x62e: {  	s0 =	simm.s32 @p0 $0x1  }
0x62f: {  	[smem:$0x7FC] =	sst s0  }
0x630: {  	s29 =	spop (v2sf);
	v27 =	vld [tilespmem:s4+$0xFFFFFFF0]  }
0x631: {  	s8 =	sxor.u32 $0x80000000, s29;
	v25 =	vld [tilespmem:s4+$0x0];
	s30 =	spop (v2sf)  }
0x632: {  	vm0 =	veq.s32 v24, s8;
	v19 =	vxor.u32 $0x80000000, v17;
	s7 =	sxor.u32 $0x80000000, s30  }
0x633: {  	v19 =	vnsel vm0, $0xC0000000, v19;
	v21 =	vxor.u32 $0x80000000, v18;
	vm4 =	veq.s32 v23, s7  }
0x634: {  	(xrf0) =	vmin.scan.msk.u32 $0xffff, v19;
	v21 =	vnsel vm4, $0xC0000000, v21  }
0x635: {  	v19 =	vxor.u32 $0x80000000, v27;
	(xrf0) =	vmin.scan.msk.u32 $0xffff, v21  }
0x636: {  	v21 =	vxor.u32 $0x80000000, v25;
	(xrf0) =	vmax.scan.msk.u32 $0xffff, v19  }
0x637: {  	(xrf0) =	vmax.scan.msk.u32 $0xffff, v21  }
0x638: {  	p2 =	sgt.s32 s2, $0xA;
	p0 =	por $0x1, $0x1  }
.Ltmp62:
0x639: {  	s28 =	simm.s32 $0x1E950;
	s0 =	simm.s32 @!p0 $0x0;
	(pc) =	sbr.rel @!p2 .LBB2_103-.Ltmp62, $4  }
0x63a: {  	v24 =	vld [tilespmem:s28+$0xFFFFFFF0];
	s0 =	simm.s32 @p0 $0x1;
	(v2sf) =	vpush v28, $0xF;
	v19, _, _ =	vpop (xrf0)  }
0x63b: {  	s1 =	simm.s32 $0x0;
	s31 =	spop (v2sf);
	v23 =	vld [tilespmem:s28+$0x0];
	[smem:$0x7FA] =	sst s0;
	(v2sf) =	vpush v19, $0xF;
	v19, _, _ =	vpop (xrf0)  }
0x63c: {  	vm3 =	vmmov vm6;
	vm2 =	vmmov vm5;
	s13 =	spop (v2sf);
	[dreg:$0xf] =	wrdreg s1;
	v21, _, _ =	vpop (xrf0);
	(v2sf) =	vpush v19, $0xF  }
0x63d: {  	vm1 =	vmmov vm0;
	s4 =	simm.s32 $0x1E790;
	s14 =	sxor.u32 $0x80000000, s31;
	vm0 =	vmmov vm4;
	[dreg:$0xe] =	wrdreg s13;
	(v2sf) =	vpush v21, $0xF;
	v28, _, _ =	vpop (xrf0)  }
0x63e: {  	_ =	sdelay $0x5  }
0x63f: {  	p0 =	por $0x1, $0x1  }
0x640: {  	s0 =	simm.s32 @!p0 $0x0  }
0x641: {  	s0 =	simm.s32 @p0 $0x1  }
0x642: {  	[smem:$0x7FD] =	sst s0  }
0x643: {  	s30 =	spop (v2sf);
	vm4 =	veq.s32 v22, s14;
	v21 =	vld [tilespmem:s4+$0xFFFFFFF0]  }
0x644: {  	v26 =	vxor.u32 s1, v15;
	s29 =	sxor.u32 $0x80000000, s30;
	vm4 =	vmand vm3, vm4;
	v19 =	vld [tilespmem:s4+$0x0];
	s31 =	spop (v2sf)  }
0x645: {  	v29 =	vxor.u32 $0x80000000, v24;
	vm5 =	veq.s32 v31, s29;
	v26 =	vnsel vm4, $0xC0000000, v26;
	s16 =	sxor.u32 $0x80000000, s31  }
0x646: {  	v29 =	vnsel vm5, $0xC0000000, v29;
	(xrf0) =	vmin.scan.msk.u32 $0xffff, v26;
	vm4 =	veq.s32 v30, s16;
	v30 =	vxor.u32 $0x80000000, v23  }
0x647: {  	(xrf0) =	vmin.scan.msk.u32 $0xffff, v29;
	v26 =	vnsel vm4, $0xC0000000, v30  }
0x648: {  	v29 =	vxor.u32 $0x80000000, v21;
	(xrf0) =	vmin.scan.msk.u32 $0xffff, v26  }
0x649: {  	v26 =	vxor.u32 $0x80000000, v19;
	(xrf0) =	vmax.scan.msk.u32 $0xffff, v29;
	_ =	sdelay $0x1  }
0x64a: {  	s6 =	sxor.u32 $0x80000000, s13;
	(v2sf) =	vpush v28, $0xF;
	v28 =	vxor.u32 s5, v15  }
0x64b: {  	vm6 =	veq.s32 v20, s6;
	(xrf0) =	vmax.scan.msk.u32 $0xffff, v26;
	v26, _, _ =	vpop (xrf0)  }
0x64c: {  	vm6 =	vmand vm2, vm6;
	v29, _, _ =	vpop (xrf0);
	(v2sf) =	vpush v26, $0xF  }
0x64d: {  	v26 =	vnsel vm6, $0xC0000000, v28;
	(v2sf) =	vpush v29, $0xF;
	v28, _, _ =	vpop (xrf0)  }
0x64e: {  	p2 =	slt.s32 s14, $0x40000000;
	p3 =	seq.s32 s22, $0x80000000;
	v29, _, _ =	vpop (xrf0);
	(v2sf) =	vpush v28, $0xF  }
0x64f: {  	p2 =	por !p3, !p2;
	(v2sf) =	vpush v29, $0xF  }
0x650: {  	p5 =	sgt.s32 s22, $0x80000000;
	p2 =	por !p2, !p2  }
0x651: {  	s3 =	simm.s32 $0x80000000;
	s1 =	simm.s32 $0x40000000;
	p1 =	por p5, p2  }
0x652: {  	s3 =	smov.u32 @p1 s22;
	s1 =	smov.u32 @p1 s14  }
0x653: {  	p6 =	seq.s32 s19, s3;
	p4 =	slt.s32 s6, s1  }
0x654: {  	p3 =	por !p6, !p4  }
0x655: {  	p5 =	sgt.s32 s19, s3;
	p3 =	por !p3, !p3  }
0x656: {  	s28 =	simm.s32 $0x1E970;
	p0 =	por $0x1, $0x1;
	p4 =	por p5, p3  }
0x657: {  	p2 =	sgt.s32 s2, $0xC;
	s1 =	smov.u32 @p4 s6;
	s6 =	simm.s32 @!p0 $0x0  }
0x658: {  	s0 =	simm.s32 $0x30;
	s4 =	simm.s32 $0x1E7B0;
	v31 =	vld [tilespmem:s28+$0xFFFFFFF0];
	s6 =	simm.s32 @p0 $0x1  }
.Ltmp63:
0x659: {  	v30 =	vld [tilespmem:s28+$0x0];
	[smem:$0x7F9] =	sst s6;
	s6 =	simm.s32 @!p1 $0x0;
	(pc) =	sbr.rel @!p2 .LBB2_105-.Ltmp63, $4  }
0x65a: {  	s3 =	smov.u32 @p4 s19;
	[dreg:$0xd] =	wrdreg s16;
	s6 =	simm.s32 @p1 $0x1  }
0x65b: {  	s5 =	simm.s32 $0x20;
	[smem:$0x7F6] =	sst s6;
	s6 =	simm.s32 @!p4 $0x0  }
0x65c: {  	vm7 =	vmmov vm1;
	s9 =	spop (v2sf);
	[dreg:$0x10] =	wrdreg s5;
	s6 =	simm.s32 @p4 $0x1  }
0x65d: {  	vm9 =	vmmov vm0;
	vm8 =	vmmov vm5;
	s21 =	sxor.u32 $0x80000000, s9;
	s24 =	spop (v2sf);
	vm4 =	vmmov vm4;
	[smem:$0x7F7] =	sst s6;
	(xrf0) =	vmin.scan.msk.u32 $0xffff, v26;
	v28, _, _ =	vpop (xrf0)  }
0x65e: {  	s6 =	spop (v2sf);
	vm5 =	veq.s32 v17, s21;
	v38 =	vld [tilespmem:s4+$0x0]  }
0x65f: {  	v39 =	vld [tilespmem:s4+$0xFFFFFFF0];
	v26 =	vxor.u32 s5, v15;
	s9 =	sxor.u32 $0x80000000, s6;
	s25 =	spop (v2sf);
	vm5 =	vmand vm7, vm5  }
0x660: {  	v29 =	vxor.u32 $0x80000000, v31;
	vm6 =	veq.s32 v27, s9;
	s10 =	sxor.u32 $0x80000000, s25;
	v26 =	vnsel vm5, $0xC0000000, v26  }
0x661: {  	v32 =	vxor.u32 $0x80000000, v30;
	v29 =	vnsel vm6, $0xC0000000, v29;
	vm5 =	veq.s32 v25, s10;
	(xrf0) =	vmin.scan.msk.u32 $0xffff, v26  }
0x662: {  	v26 =	vnsel vm5, $0xC0000000, v32;
	(xrf0) =	vmin.scan.msk.u32 $0xffff, v29  }
0x663: {  	(xrf0) =	vmin.scan.msk.u32 $0xffff, v26;
	v26 =	vxor.u32 $0x80000000, v38  }
0x664: {  	v29 =	vxor.u32 $0x80000000, v39  }
0x665: {  	p2 =	slt.s32 s21, s1;
	(xrf0) =	vmax.scan.msk.u32 $0xffff, v29  }
0x666: {  	p3 =	seq.s32 s8, s3;
	p0 =	sgt.s32 s8, s3;
	p6 =	por p1, p1;
	(v2sf) =	vpush v28, $0xF;
	(xrf0) =	vmax.scan.msk.u32 $0xffff, v26;
	v26, _, _ =	vpop (xrf0)  }
0x667: {  	s23 =	smov.u32 s3;
	s12 =	smov.u32 s1;
	s30 =	simm.s32 $0xE;
	(v2sf) =	vpush v26, $0xF  }
0x668: {  	p1 =	sgt.s32 s2, $0xE;
	p4 =	por p4, p4;
	p2 =	por !p3, !p2  }
0x669: {  	s28 =	simm.s32 $0x1E990;
	s31 =	simm.s32 $0x40;
	p2 =	por !p2, !p2  }
0x66a: {  	s4 =	simm.s32 $0x1E7D0;
	s15 =	simm.s32 $0x40000000;
	p5 =	por p0, p2  }
0x66b: {  	s6 =	sxor.u32 $0x80000000, s24;
	s23 =	smov.u32 @p5 s8;
	s12 =	smov.u32 @p5 s21  }
0x66c: {  	vm10 =	veq.s32 v18, s6;
	s11 =	spop (v2sf);
	p2 =	seq.s32 s7, s23;
	p0 =	slt.s32 s6, s12  }
0x66d: {  	v28 =	vxor.u32 s0, v15;
	s0 =	simm.s32 $0x50;
	vm10 =	vmand vm9, vm10;
	s13 =	spop (v2sf);
	p2 =	por !p2, !p0;
	v26, _, _ =	vpop (xrf0)  }
.Ltmp64:
0x66e: {  	p0 =	sgt.s32 s7, s23;
	p2 =	por !p2, !p2;
	(v2sf) =	vpush v26, $0xF;
	v26 =	vnsel vm10, $0xC0000000, v28;
	(pc) =	sbr.rel @!p1 .LBB2_107-.Ltmp64, $4  }
0x66f: {  	vm11 =	vmmov vm8;
	v34 =	vmov v24;
	s25 =	sxor.u32 $0x80000000, s13;
	p3 =	por p0, p2;
	p0 =	por $0x1, $0x1;
	v29, _, _ =	vpop (xrf0);
	(xrf0) =	vmin.scan.msk.u32 $0xffff, v26  }
0x670: {  	v33 =	vmov v31;
	v35 =	vmov v23;
	s13 =	spop (v2sf);
	s12 =	smov.u32 @p3 s6;
	s5 =	simm.s32 @!p0 $0x0;
	(v2sf) =	vpush v29, $0xF;
	v28, _, _ =	vpop (xrf0)  }
0x671: {  	vm6 =	vmmov vm6;
	vm5 =	vmmov vm5;
	s6 =	sxor.u32 $0x80000000, s11;
	s23 =	smov.u32 @p3 s7;
	s5 =	simm.s32 @p0 $0x1;
	v29 =	vld [tilespmem:s28+$0xFFFFFFF0];
	v63, _, _ =	vpop (xrf0);
	(v2sf) =	vpush v28, $0xF  }
0x672: {  	v32 =	vmov v30;
	s11 =	smov.u32 s16;
	s16 =	smov.u32 s29;
	vm10 =	vmmov vm4;
	v26 =	vld [tilespmem:s28+$0x0];
	[smem:$0x7F8] =	sst s5;
	(v2sf) =	vpush v63, $0xF;
	v28, _, _ =	vpop (xrf0)  }
.LBB2_108:
0x673: {  	s5 =	spop (v2sf)  }
0x674: {  	(v2sf) =	vpush v28, $0xF;
	s13 =	sxor.u32 $0x80000000, s13;
	s15 =	smov.u32 @p6 s6;
	s6 =	smov.u32 s9  }
0x675: {  	v36 =	vld [tilespmem:s4+$0xFFFFFFF0];
	vm12 =	veq.s32 v34, s25;
	v28 =	vxor.u32 s31, v15;
	v37, _, _ =	vpop (xrf0);
	v34 =	vmov v33;
	s17 =	smov.u32 s11;
	s11 =	smov.u32 s10;
	p6 =	por p5, p5  }
0x676: {  	s30 =	sadd.s32 $0x2, s30;
	v40 =	vld [tilespmem:s4+$0x0];
	s9 =	sxor.u32 $0x80000000, s5;
	s5 =	spop (v2sf);
	vm11 =	vmand vm11, vm12;
	vm14 =	veq.s32 v35, s13;
	v35 =	vmovc v32;
	(v2sf) =	vpush v37, $0xF  }
0x677: {  	p5 =	slt.s32 s25, s12;
	vm12 =	veq.s32 v21, s9;
	v41 =	vxor.u32 $0x80000000, v29;
	s10 =	sxor.u32 $0x80000000, s5;
	v28 =	vnsel vm11, $0xC0000000, v28;
	v21 =	vmovc v39;
	v33 =	vmovc v29;
	s5 =	spop (v2sf)  }
0x678: {  	p1 =	seq.s32 s16, s23;
	p2 =	slt.s32 s30, s2;
	v29 =	vnsel vm12, $0xC0000000, v41;
	vm13 =	veq.s32 v19, s10;
	v37 =	vxor.u32 $0x80000000, v26;
	v19 =	vmovc v38;
	(xrf0) =	vmin.scan.msk.u32 $0xffff, v28;
	s5 =	sxor.u32 $0x80000000, s5  }
0x679: {  	p1 =	por !p1, !p5;
	vm10 =	vmand vm10, vm14;
	v32 =	vmovc v26;
	v28 =	vnsel vm13, $0xC0000000, v37;
	(xrf0) =	vmin.scan.msk.u32 $0xffff, v29;
	v29 =	vxor.u32 s0, v15;
	s15 =	smov.u32 @p4 s5;
	p4 =	por p3, p3  }
0x67a: {  	p1 =	por !p1, !p1;
	vm11 =	vmmov vm6;
	v26 =	vxor.u32 $0x80000000, v36;
	p3 =	sgt.s32 s16, s23;
	v39 =	vmovc v36;
	(xrf0) =	vmin.scan.msk.u32 $0xffff, v28;
	v28 =	vnsel vm10, $0xC0000000, v29  }
0x67b: {  	vm6 =	vmmov vm12;
	v29 =	vxor.u32 $0x80000000, v40;
	p5 =	por p3, p1;
	v38 =	vmovc v40;
	vm10 =	vmmov vm5;
	(xrf0) =	vmax.scan.msk.u32 $0xffff, v26  }
0x67c: {  	vm5 =	vmmov vm13;
	s23 =	smov.u32 @p5 s16;
	s12 =	smov.u32 @p5 s25;
	s16 =	smov.u32 s6;
	(xrf0) =	vmax.scan.msk.u32 $0xffff, v29  }
0x67d: {  	p3 =	sgt.s32 s17, s23;
	p1 =	seq.s32 s17, s23;
	p0 =	slt.s32 s13, s12;
	(xrf0) =	vmin.scan.msk.u32 $0xffff, v28  }
.Ltmp65:
0x67e: {  	s0 =	sadd.s32 $0x20, s0;
	p0 =	por !p1, !p0;
	v26, _, _ =	vpop (xrf0);
	(pc) =	sbr.rel @p2 .LBB2_108-.Ltmp65, $4  }
0x67f: {  	s28 =	sadd.s32 $0x20, s28;
	s31 =	sadd.s32 $0xFFFFFFF0, s0;
	p0 =	por !p0, !p0;
	v28, _, _ =	vpop (xrf0);
	(v2sf) =	vpush v26, $0xF  }
0x680: {  	s4 =	sadd.s32 $0x20, s4;
	p3 =	por p3, p0;
	v29 =	vld [tilespmem:s28+$0xFFFFFFF0];
	(v2sf) =	vpush v28, $0xF;
	v28, _, _ =	vpop (xrf0);
	s5 =	spop (v2sf)  }
0x681: {  	s12 =	smov.u32 @p3 s13;
	v36, _, _ =	vpop (xrf0);
	v26 =	vld [tilespmem:s28+$0x0];
	(v2sf) =	vpush v28, $0xF;
	s25 =	spop (v2sf);
	s6 =	sxor.u32 $0x80000000, s5  }
0x682: {  	s23 =	smov.u32 @p3 s17;
	(v2sf) =	vpush v36, $0xF;
	v28, _, _ =	vpop (xrf0);
	s25 =	sxor.u32 $0x80000000, s25;
	s13 =	spop (v2sf)  }
0x683: {  	v37 =	vmovc v21;
	v36 =	vmov v19;
	v21 =	vmov v39;
	v19 =	vmov v38  }
.LBB2_110:
0x684: {  	s5 =	sld [smem:$0x7FA];
	_ =	sdelay $0x2  }
0x685: {  	p2 =	seq.s32 s5, $0x1  }
0x686: {  	p0 =	slt.s32 @p2 s25, s12;
	p1 =	seq.s32 @p2 s16, s23  }
0x687: {  	p0 =	por @p2 !p1, !p0  }
0x688: {  	s5 =	simm.s32 @!p2 $0x0;
	p1 =	sgt.s32 @p2 s16, s23;
	p0 =	por @p2 !p0, !p0  }
0x689: {  	s5 =	simm.s32 @p2 $0x1;
	p0 =	por @p2 p1, p0  }
0x68a: {  	[smem:$0x7FA] =	sst s5;
	s5 =	simm.s32 @!p0 $0x0  }
0x68b: {  	s5 =	simm.s32 @p0 $0x1  }
0x68c: {  	s17 =	smov.u32 @p2 s11;
	p0 =	por !p0, !p2;
	[smem:$0x7ED] =	sst s5  }
0x68d: {  	vm12 =	veq.s32 @p2 v34, s25;
	s16 =	smov.u32 @p0 s23;
	s25 =	smov.u32 @p0 s12;
	s5 =	sxor.u32 @p2 $0x80000000, s13  }
0x68e: {  	p0 =	seq.s32 @p2 s17, s16;
	p1 =	slt.s32 @p2 s5, s25  }
0x68f: {  	p1 =	por @p2 !p0, !p1  }
0x690: {  	p1 =	por @p2 !p1, !p1  }
0x691: {  	s12 =	simm.s32 @!p1 $0x0  }
0x692: {  	s23 =	sld [smem:$0x7FC];
	s12 =	simm.s32 @p1 $0x1;
	p1 =	sgt.s32 @p2 s17, s16  }
0x693: {  	[smem:$0x7E8] =	sst s12;
	s12 =	simm.s32 @!p1 $0x0  }
0x694: {  	s12 =	simm.s32 @p1 $0x1;
	s30 =	sld [smem:$0x7E8]  }
0x695: {  	p0 =	seq.s32 s23, $0x1;
	[smem:$0x7E9] =	sst s12  }
0x696: {  	s11 =	simm.s32 @!p0 $0x0;
	s13 =	sld [smem:$0x7E9]  }
0x697: {  	s11 =	simm.s32 @p0 $0x1  }
0x698: {  	[smem:$0x7FC] =	sst s11;
	s11 =	spop @p0 (v2sf)  }
0x699: {  	s23 =	spop @p0 (v2sf);
	p1 =	seq.s32 s30, $0x1;
	p0 =	seq.s32 s13, $0x1  }
0x69a: {  	p1 =	por @p2 p0, p1  }
0x69b: {  	s12 =	simm.s32 @!p1 $0x0  }
0x69c: {  	s30 =	sld [smem:$0x7F8];
	s12 =	simm.s32 @p1 $0x1  }
0x69d: {  	[smem:$0x7EE] =	sst s12  }
0x69e: {  	s13 =	sld [smem:$0x7EE];
	_ =	sdelay $0x1  }
0x69f: {  	p1 =	seq.s32 s30, $0x1  }
0x6a0: {  	s12 =	simm.s32 @!p1 $0x0;
	p0 =	seq.s32 s13, $0x1  }
0x6a1: {  	s30 =	spop @p1 (v2sf);
	s12 =	simm.s32 @p1 $0x1;
	p1 =	por !p0, !p2  }
0x6a2: {  	[smem:$0x7F8] =	sst s12;
	s12 =	simm.s32 @!p1 $0x0  }
0x6a3: {  	s13 =	sld [smem:$0x7F9];
	s12 =	simm.s32 @p1 $0x1  }
0x6a4: {  	[smem:$0x7EA] =	sst s12  }
0x6a5: {  	v34 =	vxor.u32 @p2 s31, v15;
	s31 =	sld [smem:$0x7EA]  }
0x6a6: {  	p1 =	seq.s32 s13, $0x1  }
0x6a7: {  	s12 =	simm.s32 @!p1 $0x0;
	s13 =	spop @p1 (v2sf)  }
0x6a8: {  	s12 =	simm.s32 @p1 $0x1;
	p1 =	seq.s32 s31, $0x1;
	s31 =	sld [smem:$0x7FB]  }
0x6a9: {  	vm13 =	veq.s32 @p2 v35, s5;
	s5 =	smov.u32 @p1 s25;
	s25 =	sld [smem:$0x7FC];
	_ =	sdelay $0x2  }
0x6aa: {  	vm11 =	vmand @p2 vm11, vm12;
	p2 =	seq.s32 s31, $0x1;
	p0 =	seq.s32 s25, $0x1;
	s25 =	sld [smem:$0x7FA]  }
0x6ab: {  	[smem:$0x7F9] =	sst s12;
	s12 =	spop @p2 (v2sf)  }
0x6ac: {  	s17 =	smov.u32 @p1 s16;
	s31 =	sld [smem:$0x7FD];
	s12 =	sxor.u32 @p2 $0x80000000, s12  }
0x6ad: {  	s16 =	sld [smem:$0x7F8];
	s21 =	smov.u32 @p2 s12;
	p1 =	seq.s32 s25, $0x1  }
0x6ae: {  	v34 =	vnsel @p1 vm11, $0xC0000000, v34;
	s1 =	smov.u32 @p1 s5;
	s5 =	smov.u32 @p2 s9;
	s9 =	sld [smem:$0x7F9]  }
0x6af: {  	s12 =	smov.u32 s8;
	s3 =	smov.u32 @p1 s17;
	(xrf0) =	vmin.scan.msk.u32 @p1 $0xffff, v34;
	p1 =	seq.s32 s31, $0x1  }
0x6b0: {  	s12 =	smov.u32 @p2 s5;
	s5 =	simm.s32 @!p1 $0x0  }
0x6b1: {  	(v2sf) =	vpush @p1 v28, $0xF;
	s5 =	simm.s32 @p1 $0x1;
	p1 =	seq.s32 s9, $0x1  }
0x6b2: {  	s17 =	sld [smem:$0x7F9];
	v28, _, _ =	vpop @p1 (xrf0);
	p1 =	seq.s32 s16, $0x1  }
0x6b3: {  	p1 =	por !p6, !p1  }
0x6b4: {  	[smem:$0x7FD] =	sst s5;
	s5 =	simm.s32 @!p1 $0x0  }
0x6b5: {  	s5 =	simm.s32 @p1 $0x1;
	p1 =	seq.s32 s17, $0x1  }
0x6b6: {  	(v2sf) =	vpush @p1 v28, $0xF;
	p1 =	slt.s32 @p2 s21, s1  }
0x6b7: {  	[smem:$0x7EB] =	sst s5;
	s5 =	simm.s32 @!p1 $0x0  }
0x6b8: {  	s25 =	sld [smem:$0x7EB];
	s5 =	simm.s32 @p1 $0x1  }
0x6b9: {  	[smem:$0x7EC] =	sst s5  }
0x6ba: {  	s31 =	sld [smem:$0x7EC];
	_ =	sdelay $0x1  }
0x6bb: {  	s11 =	sxor.u32 @p0 $0x80000000, s11;
	p1 =	seq.s32 s25, $0x1  }
0x6bc: {  	v35 =	vxor.u32 @p0 $0x80000000, v29;
	vm12 =	veq.s32 @p0 v37, s11;
	p6 =	seq.s32 @p2 s12, s3;
	s6 =	smov.u32 @p1 s15;
	p1 =	seq.s32 s31, $0x1  }
0x6bd: {  	v35 =	vnsel @p0 vm12, $0xC0000000, v35;
	s9 =	sxor.u32 @p0 $0x80000000, s23;
	p1 =	por @p2 !p6, !p1  }
0x6be: {  	(xrf0) =	vmin.scan.msk.u32 @p0 $0xffff, v35;
	p6 =	por p0, p0;
	p0 =	por @p2 !p1, !p1;
	p1 =	sgt.s32 @p2 s12, s3  }
0x6bf: {  	s23 =	sld [smem:$0x7F9];
	p0 =	por @p2 p1, p0  }
0x6c0: {  	s17 =	sld [smem:$0x7F8];
	s5 =	simm.s32 @!p0 $0x0  }
0x6c1: {  	s25 =	sld [smem:$0x7FA];
	s5 =	simm.s32 @p0 $0x1  }
0x6c2: {  	v52 =	vld [tilespmem:s4+$0xFFFFFFF0];
	[smem:$0x7F1] =	sst s5  }
0x6c3: {  	s5 =	sld [smem:$0x7F8]  }
0x6c4: {  	s15 =	sld [smem:$0x7FA]  }
0x6c5: {  	vm11 =	veq.s32 @p6 v36, s9;
	v35 =	vxor.u32 @p6 $0x80000000, v26;
	s16 =	sld [smem:$0x7F1]  }
0x6c6: {  	v35 =	vnsel @p6 vm11, $0xC0000000, v35;
	p1 =	por p6, p6;
	p6 =	por p2, p2;
	p0 =	seq.s32 s5, $0x1  }
0x6c7: {  	v53 =	vld [tilespmem:s4+$0x0];
	s4 =	sxor.u32 @p0 $0x80000000, s30;
	p0 =	por !p4, !p0;
	p4 =	seq.s32 s15, $0x1  }
0x6c8: {  	s4 =	smov.u32 @p0 s6;
	p0 =	seq.s32 s16, $0x1;
	s16 =	sld [smem:$0x7F7]  }
0x6c9: {  	v33 =	vpsel p2, v33, v17;
	v36, _, _ =	vpop @p4 (xrf0);
	p0 =	por !p0, !p2;
	p2 =	seq.s32 s17, $0x1;
	s17 =	sld [smem:$0x7EE]  }
0x6ca: {  	s5 =	simm.s32 $0x40000000;
	(v2sf) =	vpush @p4 v36, $0xF;
	p4 =	seq.s32 s23, $0x1;
	s23 =	sld [smem:$0x7F1]  }
0x6cb: {  	vm14 =	veq.s32 @p6 v33, s21;
	s5 =	smov.u32 @p2 s4;
	s12 =	smov.u32 @p0 s3;
	s21 =	smov.u32 @p0 s1  }
0x6cc: {  	(xrf0) =	vmin.scan.msk.u32 @p1 $0xffff, v35;
	s1 =	smov.u32 @p6 s10;
	s3 =	spop @p6 (v2sf);
	s4 =	smov.u32 s7  }
0x6cd: {  	p0 =	por @p4 p5, p5;
	s24 =	smov.u32 @p6 s3;
	s4 =	smov.u32 @p6 s1  }
0x6ce: {  	v35, _, _ =	vpop @p1 (xrf0);
	s3 =	sxor.u32 @p4 $0x80000000, s13;
	p0 =	por @!p4 p0, p0;
	s6 =	sxor.u32 @p6 $0x80000000, s24  }
0x6cf: {  	(v2sf) =	vpush @p1 v35, $0xF;
	s1 =	smov.u32 @p6 s4;
	s3 =	smov.u32 @p4 s3;
	p0 =	por !p0, !p4  }
0x6d0: {  	s24 =	sld [smem:$0x7FD];
	p5 =	seq.s32 @p6 s1, s12;
	p2 =	slt.s32 @p6 s6, s21  }
0x6d1: {  	s13 =	simm.s32 $0x10;
	s3 =	smov.u32 @p0 s5;
	p2 =	por @p6 !p5, !p2  }
0x6d2: {  	s5 =	simm.s32 $0x1E910;
	p5 =	por p1, p1;
	v33, _, _ =	vpop @p1 (xrf0);
	p1 =	por @p6 !p2, !p2  }
0x6d3: {  	v54 =	vxor.u32 $0x80000000, v52;
	p2 =	sgt.s32 @p6 s1, s12;
	p0 =	seq.s32 s24, $0x1;
	s29 =	smov.u32 @p5 s11  }
0x6d4: {  	(xrf0) =	vmax.scan.msk.u32 $0xffff, v54;
	p1 =	por @p6 p2, p1;
	p2 =	por @p4 p3, p3;
	s10 =	spop @p0 (v2sf)  }
0x6d5: {  	p3 =	seq.s32 s25, $0x1;
	s11 =	smov.u32 @p5 s29;
	s4 =	simm.s32 @!p1 $0x0  }
0x6d6: {  	s15 =	sadd.s32 @p3 $0x20, s0;
	p2 =	por @!p4 p0, p0;
	s4 =	simm.s32 @p1 $0x1  }
0x6d7: {  	s22 =	smov.u32 @p5 s11;
	[smem:$0x7F2] =	sst s4;
	s4 =	sadd.s32 @p5 $0x20, s28  }
0x6d8: {  	s28 =	sld [smem:$0x7FD];
	s5 =	smov.u32 @p5 s4;
	s4 =	spop @p0 (v2sf)  }
0x6d9: {  	(v2sf) =	vpush @p5 v33, $0xF;
	v33 =	vxor.u32 @p3 s0, v15;
	s13 =	smov.u32 @p3 s15;
	s15 =	rddreg [dreg:$0x10];
	s0 =	spop @p4 (v2sf)  }
0x6da: {  	v55 =	vxor.u32 $0x80000000, v53;
	v56, _, _ =	vpop (xrf0);
	vm10 =	vmand @p3 vm10, vm13;
	v35 =	vld @p0 [tilespmem:s5+$0xFFFFFFF0];
	p0 =	por !p2, !p4;
	p2 =	por p4, p4;
	s0 =	sxor.u32 @p4 $0x80000000, s0  }
0x6db: {  	(xrf0) =	vmax.scan.msk.u32 $0xffff, v55;
	(v2sf) =	vpush v56, $0xF;
	v33 =	vnsel @p3 vm10, $0xC0000000, v33;
	p4 =	seq.s32 s28, $0x1;
	s0 =	smov.u32 @p0 s3;
	s3 =	sadd.s32 @p6 $0xFFFFFFF0, s13  }
0x6dc: {  	v32 =	vpsel p6, v32, v18;
	s11 =	simm.s32 $0x80000000;
	(xrf0) =	vmin.scan.msk.u32 @p3 $0xffff, v33;
	v33 =	vld @p4 [tilespmem:s5+$0x0];
	s5 =	sadd.s32 @p4 $0x20, s5;
	s15 =	smov.u32 @p6 s3  }
0x6dd: {  	vm6 =	vmmov @p6 vm6;
	vm10 =	veq.s32 @p6 v32, s6;
	s3 =	sxor.u32 @p4 $0x80000000, s10;
	s10 =	spop @p3 (v2sf);
	v32 =	vxor.u32 @p6 s15, v15;
	s15 =	simm.s32 $0x1E910  }
0x6de: {  	vm7 =	vmmov @p6 vm6;
	p0 =	por !p1, !p6;
	s15 =	smov.u32 @p4 s5;
	s5 =	spop @p5 (v2sf)  }
0x6df: {  	vm6 =	vmand @p6 vm7, vm14;
	s24 =	sld [smem:$0x7F2];
	s6 =	smov.u32 @p0 s21;
	s5 =	sxor.u32 @p5 $0x80000000, s5  }
0x6e0: {  	v21 =	vpsel p4, v21, v27;
	s1 =	smov.u32 @p0 s12;
	v27 =	vpsel p4, v35, v31;
	v31 =	vnsel @p6 vm6, $0xC0000000, v32;
	s14 =	smov.u32 @p5 s5;
	s5 =	simm.s32 $0x40000000  }
0x6e1: {  	vm7 =	vmmov @p5 vm12;
	s4 =	sxor.u32 @p4 $0x80000000, s4;
	s11 =	smov.u32 @p6 s1;
	(xrf0) =	vmin.scan.msk.u32 @p6 $0xffff, v31;
	s5 =	smov.u32 @p6 s6  }
0x6e2: {  	v57, _, _ =	vpop (xrf0);
	vm8 =	vmmov @p5 vm7;
	s12 =	sadd.s32 @p6 $0x20, s13;
	vm6 =	veq.s32 @p4 v21, s3;
	p1 =	seq.s32 @p5 s22, s11;
	v21 =	vxor.u32 @p4 $0x80000000, v27;
	p0 =	slt.s32 @p5 s14, s5  }
0x6e3: {  	(v2sf) =	vpush v57, $0xF;
	v19 =	vpsel p4, v19, v25;
	s7 =	smov.u32 @p4 s4;
	v21 =	vnsel @p4 vm6, $0xC0000000, v21;
	s6 =	simm.s32 $0x10;
	p0 =	por @p5 !p1, !p0  }
0x6e4: {  	vm7 =	veq.s32 @p4 v19, s4;
	v19 =	vld [tilespmem:s15+$0xFFFFFFF0];
	v31, _, _ =	vpop @p3 (xrf0);
	(xrf0) =	vmin.scan.msk.u32 @p4 $0xffff, v21;
	v21 =	vpsel p5, v29, v24;
	v24 =	vpsel p4, v33, v30;
	s6 =	smov.u32 @p6 s12;
	p1 =	sgt.s32 @p5 s22, s11;
	p0 =	por @p5 !p0, !p0  }
0x6e5: {  	v58 =	vld [tilespmem:s15+$0x0];
	s15 =	rddreg [dreg:$0xf];
	v25 =	vmov @p5 v21;
	v21 =	vxor.u32 @p4 $0x80000000, v24;
	s1 =	sadd.s32 @p5 $0xFFFFFFF0, s6;
	p0 =	por @p5 p1, p0  }
0x6e6: {  	s8 =	smov.u32 @p4 s3;
	v29 =	vnsel @p4 vm7, $0xC0000000, v21;
	s15 =	smov.u32 @p5 s1;
	s1 =	simm.s32 @!p0 $0x0  }
0x6e7: {  	(v2sf) =	vpush @p3 v31, $0xF;
	v31, _, _ =	vpop @p6 (xrf0);
	(xrf0) =	vmin.scan.msk.u32 @p4 $0xffff, v29;
	v29 =	vxor.u32 @p5 s15, v15;
	s15 =	sld [smem:$0x7ED];
	s1 =	simm.s32 @p0 $0x1;
	p0 =	por !p0, !p5  }
0x6e8: {  	s7 =	smov.u32 @p4 s7;
	s22 =	smov.u32 @p0 s11;
	s11 =	sld [smem:$0x7F6]  }
0x6e9: {  	s3 =	simm.s32 $0x40000000;
	v30 =	vxor.u32 @p6 s13, v15;
	s13 =	simm.s32 $0x40000000;
	s12 =	spop @p5 (v2sf)  }
0x6ea: {  	vm8 =	vmmov @p5 vm8;
	s13 =	smov.u32 @p2 s0;
	p2 =	seq.s32 s17, $0x1;
	v22 =	vpsel p5, v25, v22;
	s30 =	spop (v2sf)  }
0x6eb: {  	vm3 =	vmmov @p5 vm8;
	vm8 =	veq.s32 @p5 v22, s14;
	s14 =	smov.u32 @p0 s5;
	p1 =	seq.s32 s15, $0x1;
	p0 =	seq.s32 s11, $0x1  }
0x6ec: {  	s5 =	rddreg [dreg:$0xd];
	p1 =	por @!p3 p0, p0;
	p0 =	seq.s32 s16, $0x1  }
0x6ed: {  	vm5 =	vmmov @p6 vm5;
	(v2sf) =	vpush @p6 v31, $0xF;
	[smem:$0x7F3] =	sst s1;
	s5 =	smov.u32 @p5 s9;
	p2 =	por @!p3 p0, p0  }
0x6ee: {  	vm9 =	vmmov @p6 vm5;
	s9 =	rddreg [dreg:$0xe];
	p0 =	por @p3 p1, p1;
	p1 =	por @p3 p2, p2  }
0x6ef: {  	vm5 =	vmand @p6 vm9, vm10;
	v25, _, _ =	vpop @p4 (xrf0);
	s9 =	smov.u32 @p5 s12;
	s19 =	smov.u32 @p5 s5;
	s5 =	simm.s32 @!p1 $0x0  }
0x6f0: {  	v22 =	vnsel @p6 vm5, $0xC0000000, v30;
	vm5 =	vmand @p5 vm3, vm8;
	(v2sf) =	vpush @p4 v25, $0xF;
	s1 =	sxor.u32 $0x80000000, s30;
	s9 =	sxor.u32 @p5 $0x80000000, s9;
	s5 =	simm.s32 @p1 $0x1  }
0x6f1: {  	(xrf0) =	vmin.scan.msk.u32 @p6 $0xffff, v22;
	v25 =	vnsel @p5 vm5, $0xC0000000, v29;
	[smem:$0x7EF] =	sst s5;
	s5 =	sxor.u32 @p3 $0x80000000, s10;
	s10 =	smov.u32 @p5 s19  }
0x6f2: {  	v59 =	vxor.u32 $0x80000000, v19;
	s31 =	spop (v2sf);
	vm14 =	veq.s32 v52, s1;
	(xrf0) =	vmin.scan.msk.u32 @p5 $0xffff, v25;
	p2 =	slt.s32 @p5 s9, s14;
	p1 =	seq.s32 @p5 s10, s22  }
0x6f3: {  	s17 =	simm.s32 $0x2;
	s0 =	sxor.u32 $0x80000000, s31;
	v22 =	vnsel vm14, $0xC0000000, v59;
	p1 =	por @p5 !p1, !p2  }
0x6f4: {  	v60 =	vxor.u32 $0x80000000, v58;
	s15 =	simm.s32 $0x10;
	vm15 =	veq.s32 v53, s0;
	s25 =	sld [smem:$0x7F3];
	(xrf0) =	vmin.scan.msk.u32 $0xffff, v22;
	p1 =	por @p5 !p1, !p1  }
0x6f5: {  	v61 =	vnsel vm15, $0xC0000000, v60;
	p0 =	por @!p3 p0, p0;
	s19 =	sld [smem:$0x7EF];
	s12 =	simm.s32 @!p1 $0x0  }
0x6f6: {  	v25, _, _ =	vpop @p4 (xrf0);
	(xrf0) =	vmin.scan.msk.u32 $0xffff, v61;
	p0 =	por !p0, !p3;
	s11 =	spop @p3 (v2sf);
	s12 =	simm.s32 @p1 $0x1  }
0x6f7: {  	(v2sf) =	vpush @p4 v25, $0xF;
	v22 =	vmov @p5 v26;
	v25, _, _ =	vpop @p6 (xrf0);
	s5 =	smov.u32 @p3 s5;
	s11 =	sxor.u32 @p3 $0x80000000, s11;
	[smem:$0x7F0] =	sst s12  }
0x6f8: {  	v22 =	vpsel p5, v22, v23;
	(v2sf) =	vpush @p6 v25, $0xF;
	v23, _, _ =	vpop @p5 (xrf0);
	s5 =	smov.u32 @p0 s13;
	p0 =	seq.s32 s19, $0x1;
	s12 =	sld [smem:$0x7F0]  }
0x6f9: {  	(v2sf) =	vpush @p5 v23, $0xF;
	p2 =	por p5, p5;
	s13 =	simm.s32 $0x80000000;
	p0 =	por @!p3 p0, p0  }
0x6fa: {  	v62, _, _ =	vpop (xrf0);
	s4 =	sadd.s32 @p2 $0x20, s6;
	p1 =	sgt.s32 @p5 s10, s22;
	p0 =	por !p0, !p3  }
0x6fb: {  	(v2sf) =	vpush v62, $0xF;
	s11 =	smov.u32 @p0 s5;
	s5 =	smov.u32 @p4 s8;
	p5 =	seq.s32 s12, $0x1  }
0x6fc: {  	v63, _, _ =	vpop (xrf0);
	s8 =	spop @p6 (v2sf);
	s3 =	smov.u32 @p3 s11;
	p1 =	por @p2 p1, p5  }
0x6fd: {  	(v2sf) =	vpush v63, $0xF;
	s11 =	simm.s32 $0x10;
	s5 =	smov.u32 @p4 s5;
	s12 =	simm.s32 @!p1 $0x0  }
0x6fe: {  	v20 =	vpsel p2, v22, v20;
	s11 =	smov.u32 @p2 s4;
	p0 =	por !p1, !p2;
	s12 =	simm.s32 @p1 $0x1  }
0x6ff: {  	vm9 =	vmmov @p2 vm11;
	vm8 =	veq.s32 @p2 v20, s9;
	s9 =	smov.u32 @p0 s14;
	[smem:$0x7F4] =	sst s12;
	s12 =	spop @p4 (v2sf)  }
0x700: {  	vm4 =	vmmov @p2 vm9;
	s10 =	smov.u32 @p0 s22;
	s4 =	sxor.u32 @p4 $0x80000000, s12;
	s12 =	simm.s32 $0x40000000  }
0x701: {  	vm4 =	vmmov @p2 vm4;
	s13 =	smov.u32 @p2 s10;
	s4 =	smov.u32 @p4 s4;
	s12 =	smov.u32 @p2 s9  }
0x702: {  	vm6 =	vmmov @p4 vm6;
	s16 =	rddreg [dreg:$0x2];
	v20 =	vmov @p4 v27;
	vm2 =	vmmov @p2 vm4;
	p1 =	seq.s32 @p4 s5, s13;
	p0 =	slt.s32 @p4 s4, s12  }
0x703: {  	s19 =	simm.s32 $0x3;
	v17 =	vpsel p4, v20, v17;
	vm2 =	vmand @p2 vm2, vm8;
	v20 =	vxor.u32 @p2 s6, v15;
	s8 =	sxor.u32 @p6 $0x80000000, s8;
	p0 =	por @p4 !p1, !p0  }
0x704: {  	vm1 =	vmmov @p4 vm6;
	v20 =	vnsel @p2 vm2, $0xC0000000, v20;
	s6 =	sadd.s32 @p4 $0xFFFFFFF0, s11;
	p1 =	sgt.s32 @p4 s5, s13;
	p0 =	por @p4 !p0, !p0  }
0x705: {  	vm1 =	vmmov @p4 vm1;
	v22 =	vmovc @p4 v24;
	v17 =	vpsel p4, v17, v0;
	(xrf0) =	vmin.scan.msk.u32 @p2 $0xffff, v20;
	s8 =	smov.u32 @p6 s8;
	s6 =	smov.u32 @p4 s6;
	p0 =	por @p4 p1, p0  }
0x706: {  	s28 =	sld [smem:$0x7F4];
	s9 =	spop @p4 (v2sf);
	vm4 =	veq.s32 @p4 v17, s4;
	v17 =	vpsel p4, v22, v18;
	v18 =	vxor.u32 @p4 s6, v15;
	s6 =	simm.s32 @!p0 $0x0  }
0x707: {  	vm1 =	vmmov @p4 vm1;
	s14 =	spop @p6 (v2sf);
	s6 =	simm.s32 @p0 $0x1;
	p0 =	por !p0, !p4  }
0x708: {  	vm1 =	vmand @p4 vm1, vm4;
	[smem:$0x7F5] =	sst s6;
	s6 =	smov.u32 @p4 s9;
	s9 =	spop @p2 (v2sf)  }
0x709: {  	vm2 =	vmmov @p4 vm7;
	v18 =	vnsel @p4 vm1, $0xC0000000, v18;
	s5 =	smov.u32 @p0 s13;
	s4 =	smov.u32 @p0 s12;
	s12 =	smov.u32 @p4 s7  }
0x70a: {  	vm12 =	vmmov vm15;
	vm0 =	vmmov @p4 vm2;
	(xrf0) =	vmin.scan.msk.u32 @p4 $0xffff, v18;
	s10 =	sxor.u32 @p4 $0x80000000, s6;
	s6 =	sadd.s32 @p4 $0x20, s11;
	s21 =	spop (v2sf)  }
0x70b: {  	vm11 =	vmmov vm14;
	vm0 =	vmmov @p4 vm0;
	v20, _, _ =	vpop @p2 (xrf0);
	v17 =	vpsel p4, v17, v0;
	p0 =	seq.s32 @p4 s12, s5;
	s29 =	sld [smem:$0x7F5];
	s15 =	smov.u32 @p4 s6  }
0x70c: {  	vm0 =	vmmov @p4 vm0;
	(v2sf) =	vpush @p2 v20, $0xF;
	vm1 =	veq.s32 @p4 v17, s10;
	s7 =	sxor.u32 $0x80000000, s21;
	s22 =	spop (v2sf);
	p1 =	slt.s32 @p4 s10, s4  }
0x70d: {  	v17 =	vxor.u32 @p4 s11, v15;
	vm0 =	vmand @p4 vm0, vm1;
	s6 =	sadd.s32 $0xFFFFFFF0, s15;
	p3 =	por @p4 !p0, !p1;
	p0 =	seq.s32 s23, $0x1;
	vm13 =	veq.s32 v19, s7  }
0x70e: {  	p1 =	seq.s32 s24, $0x1;
	v18 =	vxor.u32 s6, v15;
	v17 =	vnsel @p4 vm0, $0xC0000000, v17;
	p0 =	por @!p6 p0, p0;
	vm0 =	vmmov vm11;
	s6 =	sxor.u32 $0x80000000, s22  }
0x70f: {  	s11 =	sxor.u32 @p6 $0x80000000, s14;
	vm1 =	vmmov vm12;
	(xrf0) =	vmin.scan.msk.u32 @p4 $0xffff, v17;
	p1 =	por @!p6 p0, p0;
	p0 =	por @p6 p0, p0;
	vm0 =	vmand vm0, vm13;
	vm14 =	veq.s32 v58, s6  }
0x710: {  	s21 =	simm.s32 $0x4;
	v19, _, _ =	vpop @p4 (xrf0);
	p5 =	por @p4 !p3, !p3;
	v17 =	vxor.u32 s15, v15;
	p0 =	por @!p6 p0, p0;
	v18 =	vnsel vm0, $0xC0000000, v18;
	vm15 =	vmand vm1, vm14  }
0x711: {  	(v2sf) =	vpush @p4 v19, $0xF;
	p3 =	sgt.s32 @p4 s12, s5;
	p1 =	por @p6 p1, p1;
	p0 =	por !p0, !p6;
	(xrf0) =	vmin.scan.msk.u32 $0xffff, v18;
	v17 =	vnsel vm15, $0xC0000000, v17  }
0x712: {  	s22 =	simm.s32 $0x5;
	p3 =	por @p4 p3, p5;
	p1 =	por @!p6 p0, p0;
	(xrf0) =	vmin.scan.msk.u32 $0xffff, v17  }
0x713: {  	p5 =	seq.s32 s25, $0x1;
	s8 =	smov.u32 @p0 s3;
	p0 =	por !p1, !p6  }
0x714: {  	s3 =	simm.s32 $0x40000000;
	p1 =	por !p3, !p4;
	s11 =	smov.u32 @p0 s8  }
0x715: {  	s10 =	smov.u32 @p1 s4;
	s12 =	smov.u32 @p1 s5;
	p5 =	por @!p2 p0, p0;
	v17, _, _ =	vpop @p4 (xrf0)  }
0x716: {  	s4 =	simm.s32 $0x40000000;
	s5 =	sxor.u32 @p2 $0x80000000, s9;
	s3 =	smov.u32 @p4 s10;
	(v2sf) =	vpush @p4 v17, $0xF  }
0x717: {  	s18 =	smov.u32 @p4 s12;
	s4 =	smov.u32 @p6 s11;
	s5 =	smov.u32 @p2 s5;
	v17, _, _ =	vpop (xrf0)  }
0x718: {  	p0 =	slt.s32 s7, s3;
	p1 =	seq.s32 s1, s18;
	p6 =	sgt.s32 s1, s18;
	(v2sf) =	vpush v17, $0xF;
	v17, _, _ =	vpop (xrf0)  }
0x719: {  	p0 =	por !p1, !p0;
	p1 =	por @p2 p5, p5;
	p5 =	seq.s32 s28, $0x1;
	(v2sf) =	vpush v17, $0xF  }
0x71a: {  	p5 =	por @!p2 p0, p0;
	p1 =	por @!p2 p0, p0;
	p0 =	por !p0, !p0  }
0x71b: {  	p5 =	por @p2 p5, p5;
	p1 =	por !p1, !p2;
	p6 =	por p6, p0  }
0x71c: {  	s5 =	smov.u32 @p1 s4;
	p5 =	por @!p2 p0, p0;
	s4 =	spop @p2 (v2sf)  }
0x71d: {  	p1 =	seq.s32 s29, $0x1;
	s18 =	smov.u32 @p6 s1;
	s3 =	smov.u32 @p6 s7  }
0x71e: {  	p1 =	por @!p4 p0, p0;
	s4 =	sxor.u32 @p2 $0x80000000, s4;
	p0 =	por !p5, !p2  }
0x71f: {  	p5 =	sgt.s32 s0, s18;
	s4 =	smov.u32 @p0 s5;
	p0 =	por @p4 p1, p1  }
0x720: {  	s5 =	simm.s32 $0x40000000;
	s1 =	spop @p4 (v2sf);
	p0 =	por @!p4 p0, p0  }
0x721: {  	s5 =	smov.u32 @p2 s4;
	s1 =	sxor.u32 @p4 $0x80000000, s1;
	p3 =	por @!p4 p0, p0  }
0x722: {  	p0 =	por !p0, !p4;
	s1 =	smov.u32 @p4 s1;
	p1 =	por @p4 p3, p3  }
0x723: {  	p3 =	seq.s32 s0, s18;
	s1 =	smov.u32 @p0 s5;
	p0 =	slt.s32 s6, s3  }
0x724: {  	s5 =	simm.s32 $0x40000000;
	p1 =	por @!p4 p0, p0;
	p0 =	por !p3, !p0  }
0x725: {  	p1 =	por !p1, !p4;
	p0 =	por !p0, !p0;
	s4 =	spop @p4 (v2sf)  }
.Ltmp66:
0x726: {  	p0 =	por p5, p0;
	s4 =	sxor.u32 @p4 $0x80000000, s4;
	(pc) =	sbr.rel .LBB2_77-.Ltmp66, $4  }
0x727: {  	s4 =	smov.u32 @p1 s1;
	s30 =	spop (v2sf);
	p1 =	por p6, p6  }
0x728: {  	s5 =	smov.u32 @p4 s4;
	s1 =	sxor.u32 $0x80000000, s30;
	s31 =	spop (v2sf)  }
0x729: {  	s5 =	smov.u32 @p1 s1;
	p1 =	por p0, p0;
	s1 =	sxor.u32 $0x80000000, s31  }
0x72a: {  	s3 =	smov.u32 @p0 s6;
	s18 =	smov.u32 @p0 s0;
	s5 =	smov.u32 @p1 s1  }
.LBB2_95:
0x72b: {  	p0 =	por $0x0, $0x0  }
0x72c: {  	s0 =	simm.s32 @!p0 $0x0  }
0x72d: {  	s0 =	simm.s32 @p0 $0x1;
	p0 =	por $0x0, $0x0  }
0x72e: {  	[smem:$0x7F8] =	sst s0;
	s0 =	simm.s32 @!p0 $0x0  }
0x72f: {  	s0 =	simm.s32 @p0 $0x1;
	p0 =	por $0x0, $0x0  }
0x730: {  	[smem:$0x7F9] =	sst s0;
	s0 =	simm.s32 @!p0 $0x0  }
0x731: {  	s0 =	simm.s32 @p0 $0x1;
	p0 =	por $0x0, $0x0  }
0x732: {  	[smem:$0x7FA] =	sst s0;
	s0 =	simm.s32 @!p0 $0x0  }
0x733: {  	s15 =	simm.s32 $0x40000000;
	s0 =	simm.s32 @p0 $0x1;
	p0 =	por $0x0, $0x0  }
.Ltmp67:
0x734: {  	[smem:$0x7FB] =	sst s0;
	s0 =	simm.s32 @!p0 $0x0;
	(pc) =	sbr.rel .LBB2_110-.Ltmp67, $4  }
0x735: {  	s12 =	simm.s32 $0x40000000;
	s0 =	simm.s32 @p0 $0x1;
	p0 =	por $0x0, $0x0  }
0x736: {  	s23 =	simm.s32 $0x80000000;
	[smem:$0x7FC] =	sst s0;
	s0 =	simm.s32 @!p0 $0x0  }
0x737: {  	s28 =	simm.s32 $0x1E910;
	s3 =	simm.s32 $0x80000000;
	s0 =	simm.s32 @p0 $0x1  }
0x738: {  	s1 =	simm.s32 $0x40000000;
	[smem:$0x7FD] =	sst s0;
	s0 =	simm.s32 $0x10  }
.LBB2_97:
0x739: {  	p0 =	por $0x0, $0x0  }
0x73a: {  	s0 =	simm.s32 @!p0 $0x0  }
0x73b: {  	s0 =	simm.s32 @p0 $0x1;
	p0 =	por $0x0, $0x0  }
0x73c: {  	[smem:$0x7F8] =	sst s0;
	s0 =	simm.s32 @!p0 $0x0  }
0x73d: {  	s0 =	simm.s32 @p0 $0x1;
	p0 =	por $0x0, $0x0  }
0x73e: {  	[smem:$0x7F9] =	sst s0;
	s0 =	simm.s32 @!p0 $0x0  }
0x73f: {  	s0 =	simm.s32 @p0 $0x1;
	p0 =	por $0x0, $0x0  }
0x740: {  	[smem:$0x7FA] =	sst s0;
	s0 =	simm.s32 @!p0 $0x0  }
0x741: {  	s15 =	simm.s32 $0x40000000;
	s0 =	simm.s32 @p0 $0x1;
	p0 =	por $0x0, $0x0  }
.Ltmp68:
0x742: {  	[smem:$0x7FB] =	sst s0;
	s0 =	simm.s32 @!p0 $0x0;
	(pc) =	sbr.rel .LBB2_110-.Ltmp68, $4  }
0x743: {  	s12 =	simm.s32 $0x40000000;
	s0 =	simm.s32 @p0 $0x1;
	p0 =	por $0x1, $0x1  }
0x744: {  	s23 =	simm.s32 $0x80000000;
	[smem:$0x7FC] =	sst s0;
	s0 =	simm.s32 @!p0 $0x0  }
0x745: {  	s28 =	simm.s32 $0x1E910;
	s3 =	simm.s32 $0x80000000;
	s0 =	simm.s32 @p0 $0x1  }
0x746: {  	s1 =	simm.s32 $0x40000000;
	[smem:$0x7FD] =	sst s0;
	s0 =	simm.s32 $0x10  }
.LBB2_99:
0x747: {  	p0 =	por $0x0, $0x0  }
0x748: {  	s0 =	simm.s32 @!p0 $0x0  }
0x749: {  	s0 =	simm.s32 @p0 $0x1;
	p0 =	por $0x0, $0x0  }
0x74a: {  	[smem:$0x7F8] =	sst s0;
	s0 =	simm.s32 @!p0 $0x0  }
0x74b: {  	s0 =	simm.s32 @p0 $0x1;
	p0 =	por $0x0, $0x0  }
0x74c: {  	[smem:$0x7F9] =	sst s0;
	s0 =	simm.s32 @!p0 $0x0  }
0x74d: {  	s0 =	simm.s32 @p0 $0x1;
	p0 =	por $0x0, $0x0  }
0x74e: {  	[smem:$0x7FA] =	sst s0;
	s0 =	simm.s32 @!p0 $0x0  }
0x74f: {  	s15 =	simm.s32 $0x40000000;
	s0 =	simm.s32 @p0 $0x1;
	p0 =	por $0x1, $0x1  }
.Ltmp69:
0x750: {  	[smem:$0x7FB] =	sst s0;
	s0 =	simm.s32 @!p0 $0x0;
	(pc) =	sbr.rel .LBB2_110-.Ltmp69, $4  }
0x751: {  	s12 =	simm.s32 $0x40000000;
	s0 =	simm.s32 @p0 $0x1;
	p0 =	por $0x1, $0x1  }
0x752: {  	s23 =	simm.s32 $0x80000000;
	[smem:$0x7FC] =	sst s0;
	s0 =	simm.s32 @!p0 $0x0  }
0x753: {  	v37 =	vmov v21;
	s28 =	simm.s32 $0x1E910;
	s3 =	simm.s32 $0x80000000;
	s0 =	simm.s32 @p0 $0x1  }
0x754: {  	v36 =	vmovc v19;
	v21 =	vmovc v24;
	v19 =	vmov v23;
	s1 =	simm.s32 $0x40000000;
	v29 =	vmov v22;
	v26 =	vmov v20;
	[smem:$0x7FD] =	sst s0;
	s0 =	simm.s32 $0x10  }
.LBB2_101:
0x755: {  	p0 =	por $0x0, $0x0  }
0x756: {  	s0 =	simm.s32 @!p0 $0x0  }
0x757: {  	s0 =	simm.s32 @p0 $0x1;
	p0 =	por $0x0, $0x0  }
0x758: {  	[smem:$0x7F8] =	sst s0;
	s0 =	simm.s32 @!p0 $0x0  }
0x759: {  	s0 =	simm.s32 @p0 $0x1;
	p0 =	por $0x0, $0x0  }
0x75a: {  	s15 =	simm.s32 $0x40000000;
	[smem:$0x7F9] =	sst s0;
	s0 =	simm.s32 @!p0 $0x0  }
0x75b: {  	s9 =	smov.u32 s22;
	s0 =	simm.s32 @p0 $0x1;
	p0 =	por $0x1, $0x1  }
.Ltmp70:
0x75c: {  	[smem:$0x7FA] =	sst s0;
	s0 =	simm.s32 @!p0 $0x0;
	(pc) =	sbr.rel .LBB2_110-.Ltmp70, $4  }
0x75d: {  	s10 =	smov.u32 s19;
	s0 =	simm.s32 @p0 $0x1;
	p0 =	por $0x1, $0x1  }
0x75e: {  	s12 =	simm.s32 $0x40000000;
	[smem:$0x7FC] =	sst s0;
	s0 =	simm.s32 @!p0 $0x0  }
0x75f: {  	v33 =	vmov v22;
	v32 =	vmov v20;
	s23 =	simm.s32 $0x80000000;
	v37 =	vmov v24;
	s3 =	simm.s32 $0x80000000;
	s0 =	simm.s32 @p0 $0x1  }
0x760: {  	v21 =	vmovc v31;
	v36 =	vmovc v23;
	v19 =	vmov v30;
	s1 =	simm.s32 $0x40000000;
	v29 =	vmov v17;
	v26 =	vmov v18;
	[smem:$0x7FD] =	sst s0;
	s0 =	simm.s32 $0x10  }
0x761: {  	_ = 	snop  }
.LBB2_103:
0x762: {  	p0 =	por $0x0, $0x0  }
0x763: {  	s31 =	simm.s32 $0x0;
	s15 =	simm.s32 $0x40000000;
	s12 =	simm.s32 $0x40000000  }
0x764: {  	s23 =	simm.s32 $0x80000000;
	s25 =	smov.u32 s14;
	s0 =	simm.s32 @!p0 $0x0  }
0x765: {  	s9 =	smov.u32 s8;
	s0 =	simm.s32 @p0 $0x1;
	p0 =	por $0x0, $0x0  }
.Ltmp71:
0x766: {  	[smem:$0x7F8] =	sst s0;
	s0 =	simm.s32 @!p0 $0x0;
	(pc) =	sbr.rel .LBB2_110-.Ltmp71, $4  }
0x767: {  	s11 =	smov.u32 s19;
	s0 =	simm.s32 @p0 $0x1;
	p0 =	por $0x1, $0x1  }
0x768: {  	v21 =	vmovc v27;
	v19 =	vmov v25;
	v34 =	vmov v22;
	v33 =	vmov v17;
	s10 =	smov.u32 s7;
	[smem:$0x7F9] =	sst s0;
	s0 =	simm.s32 @!p0 $0x0  }
0x769: {  	vm11 =	vmmov vm3;
	v35 =	vmovc v20;
	v32 =	vmovc v18;
	v37 =	vmov v31;
	v36 =	vmov v30;
	s16 =	smov.u32 s22;
	s3 =	simm.s32 $0x80000000;
	s0 =	simm.s32 @p0 $0x1  }
0x76a: {  	vm10 =	vmmov vm2;
	vm6 =	vmmov vm1;
	vm5 =	vmmov vm0;
	v29 =	vmovc v24;
	v26 =	vmovc v23;
	s1 =	simm.s32 $0x40000000;
	[smem:$0x7FD] =	sst s0;
	s0 =	simm.s32 $0x10  }
.LBB2_105:
0x76b: {  	p0 =	por $0x0, $0x0;
	s25 =	smov.u32 s21  }
.Ltmp72:
0x76c: {  	s31 =	simm.s32 $0x20;
	s13 =	smov.u32 s24;
	(pc) =	sbr.rel .LBB2_110-.Ltmp72, $4  }
0x76d: {  	s15 =	simm.s32 $0x40000000;
	s9 =	smov.u32 s29;
	s11 =	smov.u32 s7  }
0x76e: {  	v34 =	vmov v17;
	v33 =	vmov v24;
	s10 =	smov.u32 s16;
	p5 =	por p1, p1;
	s5 =	simm.s32 @!p0 $0x0  }
0x76f: {  	vm11 =	vmmov vm7;
	v35 =	vmovc v18;
	v32 =	vmovc v23;
	v37 =	vmov v27;
	v29 =	vmov v31;
	s12 =	smov.u32 s1;
	s16 =	smov.u32 s8;
	s5 =	simm.s32 @p0 $0x1  }
0x770: {  	v36 =	vmovc v25;
	v26 =	vmovc v30;
	s23 =	smov.u32 s3;
	vm10 =	vmmov vm9;
	p3 =	por p4, p4;
	vm6 =	vmmov vm8;
	vm5 =	vmmov vm4;
	[smem:$0x7F8] =	sst s5  }
.LBB2_107:
.Ltmp73:
0x771: {  	(pc) =	sbr.rel .LBB2_110-.Ltmp73, $3  }
0x772: {  	_ =	sdelay $0x1  }
0x773: {  	v37 =	vmov v21;
	v36 =	vmov v19;
	v34 =	vmov v24  }
0x774: {  	s15 =	simm.s32 $0x40000000;
	v33 =	vmovc v31;
	s11 =	rddreg [dreg:$0xd];
	v35 =	vmovc v23;
	v32 =	vmov v30;
	v21 =	vmov v39;
	s16 =	smov.u32 s29;
	v19 =	vmov v38  }
.LBB2_78:
0x775: {  	s7 =	simm.s32 $0x20;
	s0 =	simm.s32 $0x1EB00;
	s1 =	simm.s32 $0x1AF00  }
0x776: {  	[tilespmem:s1], [sflag:$0x2] =	stream.indirect.gather [hbm4b:s16+s7], $0x80, s0, s7, $0xb8;
	[tilespmem:$0x1EC80] =	vst v63  }
0x777: {  	_ =	swait.ge [sflag:s17], $0x1000  }
0x778: {  	[sflag:s17] =	ssyncset.done $0x0  }
0x779: {  	[sflag:s17] =	ssyncadd.s32 $0xFFFFF000  }
0x77a: {  	v22 =	vld [tilespmem:$0x1EC00]  }
0x77b: {  	v21 =	vld [tilespmem:$0x1EC10]  }
0x77c: {  	v20 =	vld [tilespmem:$0x1EC20]  }
0x77d: {  	v19 =	vld [tilespmem:$0x1EC30]  }
0x77e: {  	v18 =	vld [tilespmem:$0x1EC40]  }
0x77f: {  	v17 =	vld [tilespmem:$0x1EC50]  }
0x780: {  	v16 =	vld [tilespmem:$0x1EC60]  }
0x781: {  	s1 =	simm.s32 $0x1AF40;
	v15 =	vld [tilespmem:$0x1EC70]  }
0x782: {  	s2 =	simm.s32 $0x1;
	s3 =	simm.s32 $0x1EB80;
	s0 =	simm.s32 $0x0;
	v23 =	vld [tilespmem:s1+$0xFFFFFFC0]  }
.LBB2_79:
0x783: {  	p0 =	sne.s32 s2, $0x13  }
0x784: {  	v24 =	vld [tilespmem:s1+$0xFFFFFFD0];
	_ =	sdelay $0x1  }
0x785: {  	v25 =	vld [tilespmem:s1+$0xFFFFFFE0]  }
0x786: {  	v23 =	vadd.f32 v23, v10;
	v26 =	vld [tilespmem:s1+$0xFFFFFFF0];
	_ =	sdelay $0x1  }
0x787: {  	v23 =	vadd.f32 v23, v23;
	v24 =	vadd.f32 v24, v8;
	v27 =	vld [tilespmem:s1+$0x0];
	_ =	sdelay $0x1  }
0x788: {  	v23 =	vmul.f32 $1.442695020e+00, v23;
	v24 =	vadd.f32 v24, v24;
	v25 =	vadd.f32 v25, v12;
	v28 =	vld [tilespmem:s1+$0x10]  }
0x789: {  	v26 =	vadd.f32 v26, v11;
	v29 =	vld [tilespmem:s1+$0x20]  }
0x78a: {  	v24 =	vmul.f32 $1.442695020e+00, v24;
	v25 =	vadd.f32 v25, v25;
	(erf) = vpow2.f32 v23  }
0x78b: {  	v23 =	vadd.f32 v26, v26;
	v26 =	vadd.f32 v27, v13;
	v27 =	vld [tilespmem:s1+$0x30]  }
0x78c: {  	v25 =	vmul.f32 $1.442695020e+00, v25;
	(erf) = vpow2.f32 v24  }
0x78d: {  	v23 =	vmul.f32 $1.442695020e+00, v23;
	v24 =	vadd.f32 v26, v26;
	v26 =	vadd.f32 v28, v7  }
0x78e: {  	v28 =	vadd.f32 v29, v14;
	(erf) = vpow2.f32 v25  }
0x78f: {  	v24 =	vmul.f32 $1.442695020e+00, v24;
	v25 =	vadd.f32 v26, v26;
	(erf) = vpow2.f32 v23  }
0x790: {  	v23 =	vadd.f32 v27, v9  }
0x791: {  	v27 =	vadd.f32 v28, v28;
	v25 =	vmul.f32 $1.442695020e+00, v25;
	(erf) = vpow2.f32 v24;
	_ =	sdelay $0x1  }
0x792: {  	v24 =	vmul.f32 $1.442695020e+00, v27;
	v23 =	vadd.f32 v23, v23;
	v26 =	vpop (erf);
	(erf) = vpow2.f32 v25  }
0x793: {  	v27 =	vadd.f32 $1.000000000e+00, v26  }
0x794: {  	v23 =	vmul.f32 $1.442695020e+00, v23;
	v26 =	vpop (erf);
	(erf) = vpow2.f32 v24  }
0x795: {  	v26 =	vadd.f32 $1.000000000e+00, v26;
	(erf) = vrcp.f32 v27  }
0x796: {  	v25 =	vpop (erf);
	(erf) = vpow2.f32 v23  }
0x797: {  	v25 =	vadd.f32 $1.000000000e+00, v25;
	(erf) = vrcp.f32 v26;
	v24 =	vpop (erf)  }
0x798: {  	v26 =	vadd.f32 $1.000000000e+00, v24  }
0x799: {  	(erf) = vrcp.f32 v25;
	v23 =	vpop (erf)  }
0x79a: {  	v25 =	vadd.f32 $1.000000000e+00, v23;
	(erf) = vrcp.f32 v26  }
0x79b: {  	v24 =	vpop (erf)  }
0x79c: {  	v24 =	vadd.f32 $1.000000000e+00, v24;
	(erf) = vrcp.f32 v25  }
0x79d: {  	v23 =	vpop (erf)  }
0x79e: {  	v23 =	vadd.f32 $1.000000000e+00, v23;
	v25 =	vpop (erf);
	(erf) = vrcp.f32 v24  }
0x79f: {  	v24 =	vadd.f32 v25, v25;
	v25 =	vpop (erf)  }
0x7a0: {  	v25 =	vadd.f32 $1.000000000e+00, v25;
	v26 =	vpop (erf);
	(erf) = vrcp.f32 v23  }
0x7a1: {  	v23 =	vsub.f32 $1.000000000e+00, v24;
	v24 =	vadd.f32 v26, v26  }
0x7a2: {  	v26 =	vpop (erf);
	(erf) = vrcp.f32 v25  }
0x7a3: {  	v23 =	vmul.f32 v23, v22;
	v24 =	vsub.f32 $1.000000000e+00, v24;
	v25 =	vadd.f32 v26, v26;
	v26 =	vpop (erf)  }
0x7a4: {  	v28 =	vadd.f32 v26, v26  }
0x7a5: {  	v23 =	vadd.f32 $0.0e+00, v23;
	v24 =	vmul.f32 v24, v21;
	v25 =	vsub.f32 $1.000000000e+00, v25;
	v27 =	vpop (erf)  }
0x7a6: {  	v29 =	vadd.f32 v27, v27  }
0x7a7: {  	v23 =	vadd.f32 v24, v23;
	v24 =	vmul.f32 v25, v20;
	v25 =	vsub.f32 $1.000000000e+00, v28;
	v26 =	vpop (erf)  }
0x7a8: {  	v28 =	vadd.f32 v26, v26  }
0x7a9: {  	v23 =	vadd.f32 v24, v23;
	v24 =	vmul.f32 v25, v19;
	v25 =	vsub.f32 $1.000000000e+00, v29;
	v27 =	vpop (erf)  }
0x7aa: {  	v27 =	vadd.f32 v27, v27  }
0x7ab: {  	v23 =	vadd.f32 v24, v23;
	v24 =	vmul.f32 v25, v18;
	v25 =	vsub.f32 $1.000000000e+00, v28;
	v26 =	vpop (erf)  }
0x7ac: {  	v26 =	vadd.f32 v26, v26  }
0x7ad: {  	v23 =	vadd.f32 v24, v23;
	v24 =	vmul.f32 v25, v17;
	v25 =	vsub.f32 $1.000000000e+00, v27;
	_ =	sdelay $0x1  }
0x7ae: {  	v23 =	vadd.f32 v24, v23;
	v24 =	vmul.f32 v25, v16;
	v25 =	vsub.f32 $1.000000000e+00, v26;
	_ =	sdelay $0x1  }
0x7af: {  	v23 =	vadd.f32 v24, v23;
	v24 =	vmul.f32 v25, v15;
	_ =	sdelay $0x1  }
0x7b0: {  	v23 =	vadd.f32 v24, v23;
	_ =	sdelay $0x1  }
0x7b1: {  	(xrf2) =	vadd.scan.msk.f32 $0xffff, v23;
	_ =	sdelay $0x7  }
0x7b2: {  	v23 =	vmov s0;
	s0 =	smov.u32 s2;
	_ =	sdelay $0x1  }
.Ltmp74:
0x7b3: {  	v24, _, _ =	vpop (xrf2);
	(pc) =	sbr.rel @p0 .LBB2_79-.Ltmp74, $3  }
0x7b4: {  	v24 =	vbroadcast v24, $0xF;
	_ =	sdelay $0x1  }
0x7b5: {  	s1 =	sadd.s32 $0x80, s1;
	[tilespmem:v23+s3+$0x0] =	vst.idx.msk $0x1, v24  }
0x7b6: {  	s2 =	sadd.s32 $0x1, s2;
	v23 =	vld [tilespmem:s1+$0xFFFFFFC0]  }
0x7b7: {  	_ =	sdelay $0x2  }
0x7b8: {  	v24 =	vld [tilespmem:s1+$0xFFFFFFD0]  }
0x7b9: {  	v25 =	vld [tilespmem:s1+$0xFFFFFFE0];
	v10 =	vadd.f32 v23, v10;
	_ =	sdelay $0x1  }
0x7ba: {  	v10 =	vadd.f32 v10, v10  }
0x7bb: {  	v30 =	vld [tilespmem:s1+$0xFFFFFFF0]  }
0x7bc: {  	v31 =	vld [tilespmem:s1+$0x0];
	v8 =	vadd.f32 v24, v8;
	v10 =	vmul.f32 $1.442695020e+00, v10  }
0x7bd: {  	v32 =	vld [tilespmem:s1+$0x10];
	v12 =	vadd.f32 v25, v12  }
0x7be: {  	v8 =	vadd.f32 v8, v8;
	(erf) = vpow2.f32 v10  }
0x7bf: {  	v12 =	vadd.f32 v12, v12  }
0x7c0: {  	v33 =	vld [tilespmem:s1+$0x20];
	v11 =	vadd.f32 v30, v11;
	v8 =	vmul.f32 $1.442695020e+00, v8  }
0x7c1: {  	v35 =	vadd.f32 v31, v13;
	v12 =	vmul.f32 $1.442695020e+00, v12  }
0x7c2: {  	v36 =	vld [tilespmem:s1+$0x30];
	v7 =	vadd.f32 v32, v7;
	v34 =	vadd.f32 v11, v11;
	(erf) = vpow2.f32 v8  }
0x7c3: {  	v37 =	vadd.f32 v35, v35;
	(erf) = vpow2.f32 v12  }
0x7c4: {  	v7 =	vadd.f32 v7, v7;
	v8 =	vmul.f32 $1.442695020e+00, v34  }
0x7c5: {  	v38 =	vadd.f32 v33, v14;
	v10 =	vmul.f32 $1.442695020e+00, v37  }
0x7c6: {  	v7 =	vmul.f32 $1.442695020e+00, v7;
	(erf) = vpow2.f32 v8  }
0x7c7: {  	v39 =	vadd.f32 v38, v38;
	v8 =	vadd.f32 v36, v9;
	(erf) = vpow2.f32 v10;
	v40 =	vpop (erf)  }
0x7c8: {  	(erf) = vpow2.f32 v7;
	v7 =	vadd.f32 $1.000000000e+00, v40  }
0x7c9: {  	v9 =	vmul.f32 $1.442695020e+00, v39;
	v8 =	vadd.f32 v8, v8;
	_ =	sdelay $0x1  }
0x7ca: {  	v8 =	vmul.f32 $1.442695020e+00, v8;
	v41 =	vpop (erf);
	(erf) = vpow2.f32 v9  }
0x7cb: {  	(erf) = vrcp.f32 v7;
	v7 =	vpop (erf)  }
0x7cc: {  	v7 =	vadd.f32 $1.000000000e+00, v7  }
0x7cd: {  	v42 =	vadd.f32 $1.000000000e+00, v41  }
0x7ce: {  	(erf) = vpow2.f32 v8;
	v8 =	vpop (erf)  }
0x7cf: {  	(erf) = vrcp.f32 v42;
	v8 =	vadd.f32 $1.000000000e+00, v8  }
0x7d0: {  	(erf) = vrcp.f32 v7;
	v7 =	vpop (erf)  }
0x7d1: {  	v7 =	vadd.f32 $1.000000000e+00, v7  }
0x7d2: {  	(erf) = vrcp.f32 v8  }
0x7d3: {  	v8 =	vpop (erf)  }
0x7d4: {  	v8 =	vadd.f32 $1.000000000e+00, v8;
	(erf) = vrcp.f32 v7  }
0x7d5: {  	v7 =	vpop (erf)  }
0x7d6: {  	(erf) = vrcp.f32 v8;
	v43 =	vpop (erf)  }
0x7d7: {  	v7 =	vadd.f32 $1.000000000e+00, v7;
	v8 =	vadd.f32 v43, v43;
	v44 =	vpop (erf)  }
0x7d8: {  	v9 =	vadd.f32 $1.000000000e+00, v44;
	v45 =	vpop (erf)  }
0x7d9: {  	(erf) = vrcp.f32 v7;
	v7 =	vsub.f32 $1.000000000e+00, v8;
	v8 =	vadd.f32 v45, v45  }
0x7da: {  	v46 =	vpop (erf);
	(erf) = vrcp.f32 v9  }
0x7db: {  	v47 =	vadd.f32 v46, v46;
	v48 =	vpop (erf);
	v7 =	vmul.f32 v7, v22;
	v8 =	vsub.f32 $1.000000000e+00, v8  }
0x7dc: {  	v10 =	vadd.f32 v48, v48  }
0x7dd: {  	v9 =	vsub.f32 $1.000000000e+00, v47;
	v49 =	vpop (erf);
	v7 =	vadd.f32 $0.0e+00, v7;
	v8 =	vmul.f32 v8, v21  }
0x7de: {  	v11 =	vadd.f32 v49, v49  }
0x7df: {  	v50 =	vsub.f32 $1.000000000e+00, v10;
	v51 =	vpop (erf);
	v7 =	vadd.f32 v8, v7;
	v8 =	vmul.f32 v9, v20  }
0x7e0: {  	v10 =	vadd.f32 v51, v51  }
0x7e1: {  	v52 =	vsub.f32 $1.000000000e+00, v11;
	v7 =	vadd.f32 v8, v7;
	v8 =	vmul.f32 v50, v19  }
0x7e2: {  	v53 =	vpop (erf);
	v54 =	vsub.f32 $1.000000000e+00, v10  }
0x7e3: {  	v11 =	vadd.f32 v53, v53;
	v7 =	vadd.f32 v8, v7;
	v8 =	vmul.f32 v52, v18;
	v55 =	vpop (erf)  }
0x7e4: {  	v10 =	vadd.f32 v55, v55  }
0x7e5: {  	v56 =	vsub.f32 $1.000000000e+00, v11;
	v7 =	vadd.f32 v8, v7;
	v8 =	vmul.f32 v54, v17;
	_ =	sdelay $0x1  }
0x7e6: {  	v57 =	vsub.f32 $1.000000000e+00, v10;
	v7 =	vadd.f32 v8, v7;
	v8 =	vmul.f32 v56, v16;
	_ =	sdelay $0x1  }
0x7e7: {  	v7 =	vadd.f32 v8, v7;
	v8 =	vmul.f32 v57, v15;
	_ =	sdelay $0x1  }
0x7e8: {  	v7 =	vadd.f32 v8, v7;
	_ =	sdelay $0x1  }
0x7e9: {  	(xrf2) =	vadd.scan.msk.f32 $0xffff, v7;
	_ =	sdelay $0x7  }
0x7ea: {  	v7 =	vmov s0;
	_ =	sdelay $0x1  }
0x7eb: {  	v8, _, _ =	vpop (xrf2)  }
0x7ec: {  	v8 =	vbroadcast v8, $0xF;
	_ =	sdelay $0x1  }
0x7ed: {  	[tilespmem:v7+s3+$0x0] =	vst.idx.msk $0x1, v8  }
0x7ee: {  	v7 =	vld [tilespmem:$0x1EB80]  }
0x7ef: {  	v8 =	vld [tilespmem:$0x1EB90];
	_ =	sdelay $0x3  }
0x7f0: {  	vm0 =	vmmov $0xf  }
0x7f1: {  	(xrf2) =	vadd.scan.msk.f32 $0xffff, v7;
	v58 =	vnsel vm0, $0x0, v8  }
0x7f2: {  	(xrf2) =	vadd.scan.msk.f32 $0xffff, v58;
	_ =	sdelay $0x8  }
0x7f3: {  	v59, _, _ =	vpop (xrf2)  }
0x7f4: {  	(v2sf) =	vpush v59, $0xF;
	v60, _, _ =	vpop (xrf2)  }
0x7f5: {  	(v2sf) =	vpush v60, $0xF;
	_ =	sdelay $0xd  }
0x7f6: {  	s25 =	spop (v2sf)  }
0x7f7: {  	v61 =	vld [tilespmem:$0x1EB00];
	s28 =	spop (v2sf)  }
0x7f8: {  	v62 =	vld [tilespmem:$0x1EB10];
	s0 =	sadd.f32 s28, s25;
	_ =	sdelay $0x1  }
0x7f9: {  	s0 =	smul.f32 $5.000000070e-02, s0;
	_ =	sdelay $0x1  }
0x7fa: {  	v63 =	vmov s0  }
0x7fb: {  	v7 =	vsub.f32 v7, v63  }
0x7fc: {  	s5 =	simm.s32 $0x800;
	v8 =	vsub.f32 v8, v63  }
0x7fd: {  	s29 =	rddreg [dreg:$0x8];
	[tilespmem:v61+s5+$0x0] =	vst.idx.add.f32.msk $0xffff, v7  }
0x7fe: {  	s2 =	simm.s32 $0x80;
	s6 =	simm.s32 $0x6;
	s3 =	simm.s32 $0x400;
	[tilespmem:v62+s5+$0x0] =	vst.idx.add.f32.msk $0xf, v8  }
0x7ff: {  	[hbm4b:s29+s2] =	stream.strided.scatter [tilespmem:s5], [sflag:$0x6], $0x18700, s3, s2, $0x38;
	[tilespmem:$0x1EC80] =	vst v63  }
0x800: {  	_ =	swait.ge [sflag:s6], $0x18700  }
0x801: {  	s30 =	rddreg [dreg:$0xa]  }
0x802: {  	s31 =	rddreg [dreg:$0x9];
	s1 =	sadd.s32 $0x1, s30  }
0x803: {  	p0 =	sne.s32 s1, s31  }
.Ltmp75:
0x804: {  	_ = 	snop;
	(pc) =	sbr.rel @p0 .LBB2_1-.Ltmp75, $4  }
.Ltmp76:
0x805: {  	_ = 	snop;
	(pc) =	sbr.rel @!p0 .LBB2_81-.Ltmp76, $4  }
0x806: {  	s10 =	simm.s32 $0x10  }
0x807: {  	s11 =	simm.s32 $0x18F00;
	s12 =	simm.s32 $0x19700;
	[sflag:s6] =	ssyncset.done $0x0  }
0x808: {  	s13 =	simm.s32 $0x19F00;
	s14 =	simm.s32 $0x1A700;
	[sflag:s6] =	ssyncadd.s32 $0xFFFE7900  }
0x809: {  	_ = 	snop  }
.LBB2_47:
.Ltmp77:
0x80a: {  	(pc) =	sbr.rel .LBB2_84-.Ltmp77, $2  }
0x80b: {  	_ =	sdelay $0x2  }
0x80c: {  	_ = 	snop  }
.LBB2_86:
.Ltmp78:
0x80d: {  	_ = 	snop;
	(pc) =	sbr.rel .LBB2_93-.Ltmp78, $2  }
0x80e: {  	_ =	sdelay $0x2  }
0x80f: {  	s3 =	simm.s32 $0x1DB20;
	v19 =	vmov v23  }
.LBB2_88:
.Ltmp79:
0x810: {  	(pc) =	sbr.rel .LBB2_93-.Ltmp79, $3  }
0x811: {  	_ =	sdelay $0x1  }
0x812: {  	v32 =	vmov v24;
	v29 =	vmov v22  }
0x813: {  	v28 =	vmovc v18;
	s3 =	simm.s32 $0x1DB20;
	v24 =	vmovc v20;
	v22 =	vmov v16;
	v18 =	vmov v17;
	v19 =	vmov v21  }
.LBB2_90:
.Ltmp80:
0x814: {  	(pc) =	sbr.rel .LBB2_93-.Ltmp80, $3  }
0x815: {  	_ =	sdelay $0x1  }
0x816: {  	v32 =	vmov v20;
	v24 =	vmov v29  }
0x817: {  	v29 =	vmovc v16;
	v22 =	vmovc v28;
	v28 =	vmov v17;
	v18 =	vmov v30;
	v23 =	vmov v21  }
.LBB2_81:
0x818: {  	_ =	sfence.sel $0x180000  }
0x819: {  	[bflag:$0x0] =	sbarrier.arrive $0xFFFF  }
0x81a: {  	_ =	strace $0x90000047  }
0x81b: {  	s0 =	stileid.u32;
	[bflag:$0x2] =	sbarrier.arrive $0xFFFF  }
0x81c: {  	p0 =	sne.s32 s0, $0x0;
	s0 =	rddreg [dreg:$0x5]  }
0x81d: {  	s0 =	sadd.s32 @!p0 $0x100000, s0  }
0x81e: {  	[sflag:s0] =	ssyncadd.tile.s32 @!p0 $0x1;
	_ =	shalt  }
.Lfunc_end2:
_tile_overlayer_lowered:
.L_overlay_start_2:
0x81f: {  	(tag) =	ssettag $0x2  }
0x820: {  	s0 =	rddreg [dreg:$0x0];
	s2 =	stileid.u32  }
0x821: {  	s1 =	rddreg [dreg:$0x1];
	p0 =	sne.s32 s2, $0x0  }
0x822: {  	s3 =	rddreg [dreg:$0x2];
	[bflag:$0x3] =	sbarrier.arrive $0xFFFF;
	s2 =	simm.s32 @!p0 $0x1C06  }
0x823: {  	[timem:s3], [sflag:s2] =	dma.local @!p0 [hbm:s0], s1  }
0x824: {  	s0 =	simm.s32 @!p0 $0x6  }
0x825: {  	_ =	swait.ge @!p0 [sflag:s0], s1  }
0x826: {  	s1 =	ssub.s32 @!p0 $0x0, s1;
	[sflag:s0] =	ssyncset.done @!p0 $0x0  }
0x827: {  	[sflag:s0] =	ssyncadd.s32 @!p0 s1  }
0x828: {  	[bflag:$0x3] =	sbarrier.arrive $0xFFFF  }
0x829: {  	_ =	shalt  }

</sc_bundles>
